<compile_context>
chip_gen: v7x
topology: tpu7x:2x2x1
jax: 0.10.2.dev20260603
libtpu: 0.0.44.dev20260713+nightly
codegen_flags: <defaults>
</compile_context>

<pallas_src>
import functools

import jax
import jax.numpy as jnp
from jax import lax
from jax.experimental import pallas as pl
from jax.experimental.pallas import tpu as pltpu
from jax.experimental.pallas import tpu_sc as plsc

_VEC = 16
_CS = 8
_NBUF = 3


def kernel(x, pe):
    B, S, D = x.shape
    info = plsc.get_sparse_core_info()
    nw = info.num_cores * info.num_subcores
    s_per_w = S // nw
    n_chunks = s_per_w // _CS
    assert D & (D - 1) == 0
    d_shift = D.bit_length() - 1
    mesh = plsc.VectorSubcoreMesh(core_axis_name="c", subcore_axis_name="s")

    @functools.partial(
        pl.kernel,
        mesh=mesh,
        out_type=jax.ShapeDtypeStruct((B, S, D), jnp.float32),
        scratch_types=(
            [pltpu.VMEM((_CS, D), jnp.float32) for _ in range(_NBUF)]
            + [pltpu.VMEM((B, _CS, D), jnp.float32) for _ in range(_NBUF)]
            + [pltpu.SemaphoreType.DMA for _ in range(2 * _NBUF)]
        ),
    )
    def sc_add(x_hbm, pe_hbm, out_hbm, *scratch):
        pe_bufs = scratch[:_NBUF]
        x_bufs = scratch[_NBUF : 2 * _NBUF]
        in_sems = scratch[2 * _NBUF : 3 * _NBUF]
        out_sems = scratch[3 * _NBUF : 4 * _NBUF]
        wid = lax.axis_index("s") * info.num_cores + lax.axis_index("c")
        s_base = wid * s_per_w

        def start_in(c, buf):
            s0 = s_base + c * _CS
            return [
                pltpu.async_copy(pe_hbm.at[pl.ds(s0, _CS), :], pe_bufs[buf], in_sems[buf]),
                pltpu.async_copy(x_hbm.at[:, pl.ds(s0, _CS), :], x_bufs[buf], in_sems[buf]),
            ]

        def start_out(c, buf):
            s0 = s_base + c * _CS
            return [
                pltpu.async_copy(x_bufs[buf], out_hbm.at[:, pl.ds(s0, _CS), :], out_sems[buf])
            ]

        handles_in = {0: start_in(0, 0)}
        handles_out = {}
        for c in range(n_chunks):
            buf = c % _NBUF
            for h in handles_in.pop(c):
                h.wait()
            if c + 1 < n_chunks:
                if c - (_NBUF - 1) in handles_out:
                    for h in handles_out.pop(c - (_NBUF - 1)):
                        h.wait()
                handles_in[c + 1] = start_in(c + 1, (c + 1) % _NBUF)

            pe_b = pe_bufs[buf]
            x_b = x_bufs[buf]

            @plsc.parallel_loop(0, _CS * D, step=_VEC, unroll=8)
            def _(i):
                r = lax.shift_right_logical(i, d_shift)
                col = pl.multiple_of(lax.bitwise_and(i, D - 1), _VEC)
                sl = pl.ds(col, _VEC)
                pv = pe_b[r, sl]
                for b in range(B):
                    x_b[b, r, sl] += pv

            handles_out[c] = start_out(c, buf)
        for c in sorted(handles_out):
            for h in handles_out[c]:
                h.wait()

    return sc_add(x, pe)

# --- scband reference (transcript-rebuilt; emitter-appended) ---
"""Pipeline reference for scband-learned-pe-29721173688563 (READ-ONLY COPY).

The authoritative reference and input builder live on the scoring server;
editing this copy changes nothing except your own understanding.
"""

import jax, jax.numpy as jnp
import numpy as np

D_MODEL = 1024
MAX_LEN = 4096

def setup_inputs(seed: int = 0) -> dict:
    key = jax.random.key(seed)
    k1, k2 = jax.random.split(key)
    x = jax.random.normal(k1, (4, 4096, D_MODEL), dtype=jnp.float32)
    # nn.Embedding default init: N(0, 1)
    pe = jax.random.normal(k2, (MAX_LEN, D_MODEL), dtype=jnp.float32)
    return {"x": x, "pe": pe}

def reference(x, pe):
    positions = jnp.arange(x.shape[1])
    pos_emb = jnp.take(pe, positions, axis=0)  # [S, d_model]
    return x + pos_emb[None, :, :]

if __name__ == "__main__":
    import jax
    _d = setup_inputs()
    print(jax.jit(kernel)(*tuple(_d.values())))

</pallas_src>

<mosaic_0001>
#map = affine_map<(d0, d1) -> (0, 0, 0)>
#map1 = affine_map<(d0, d1) -> (0, 0)>
module attributes {stable_mosaic.version = 14 : i64} {
  func.func @sc_add(%arg0: i32, %arg1: i32, %arg2: memref<4x4096x1024xf32, #tpu.memory_space<hbm>>, %arg3: memref<4096x1024xf32, #tpu.memory_space<hbm>>, %arg4: memref<4x4096x1024xf32, #tpu.memory_space<hbm>>, %arg5: memref<8x1024xf32, #tpu.memory_space<vmem>>, %arg6: memref<8x1024xf32, #tpu.memory_space<vmem>>, %arg7: memref<8x1024xf32, #tpu.memory_space<vmem>>, %arg8: memref<4x8x1024xf32, #tpu.memory_space<vmem>>, %arg9: memref<4x8x1024xf32, #tpu.memory_space<vmem>>, %arg10: memref<4x8x1024xf32, #tpu.memory_space<vmem>>, %arg11: memref<!tpu.dma_semaphore, #tpu.memory_space<semaphore_mem>>, %arg12: memref<!tpu.dma_semaphore, #tpu.memory_space<semaphore_mem>>, %arg13: memref<!tpu.dma_semaphore, #tpu.memory_space<semaphore_mem>>, %arg14: memref<!tpu.dma_semaphore, #tpu.memory_space<semaphore_mem>>, %arg15: memref<!tpu.dma_semaphore, #tpu.memory_space<semaphore_mem>>, %arg16: memref<!tpu.dma_semaphore, #tpu.memory_space<semaphore_mem>>) attributes {dimension_semantics = [#tpu.dimension_semantics<core_parallel>, #tpu.dimension_semantics<subcore_parallel>], iteration_bounds = array<i64: 2, 16>, scalar_prefetch = 0 : i64, scratch_operands = 12 : i64, tpu.core_type = #tpu.core_type<sc_vector_subcore>, window_params = [{transform_indices = #map}, {transform_indices = #map1}, {transform_indices = #map}]} {
    %mul3A = arith.constant 2 : i32
    %mul3A_0 = arith.muli %arg1, %mul3A : i32
    %add3A = arith.addi %mul3A_0, %arg0 : i32
    %mul3A_1 = arith.constant 128 : i32
    %mul3A_2 = arith.muli %add3A, %mul3A_1 : i32
    %add3A_3 = arith.constant 0 : i32
    %add3A_4 = arith.addi %mul3A_2, %add3A_3 : i32
    %dma_start3A = arith.constant 0 : i32
    %dma_start3A_5 = tpu.memref_slice %arg3[%add3A_4, %dma_start3A] : memref<4096x1024xf32, #tpu.memory_space<hbm>> -> memref<8x1024xf32, #tpu.memory_space<hbm>>
    %dma_start3A_6 = arith.constant 0 : i32
    %dma_start3A_7 = tpu.memref_slice %arg3[%add3A_4, %dma_start3A_6] : memref<4096x1024xf32, #tpu.memory_space<hbm>> -> memref<8x1024xf32, #tpu.memory_space<hbm>>
    tpu.enqueue_dma source(%dma_start3A_7 : memref<8x1024xf32, #tpu.memory_space<hbm>>) target(%arg5 : memref<8x1024xf32, #tpu.memory_space<vmem>>) target_semaphore(%arg11 : memref<!tpu.dma_semaphore, #tpu.memory_space<semaphore_mem>>)
    %dma_start3A_8 = arith.constant 0 : i32
    %dma_start3A_9 = arith.constant 0 : i32
    %dma_start3A_10 = tpu.memref_slice %arg2[%dma_start3A_8, %add3A_4, %dma_start3A_9] : memref<4x4096x1024xf32, #tpu.memory_space<hbm>> -> memref<4x8x1024xf32, #tpu.memory_space<hbm>>
    %dma_start3A_11 = arith.constant 0 : i32
    %dma_start3A_12 = arith.constant 0 : i32
    %dma_start3A_13 = tpu.memref_slice %arg2[%dma_start3A_11, %add3A_4, %dma_start3A_12] : memref<4x4096x1024xf32, #tpu.memory_space<hbm>> -> memref<4x8x1024xf32, #tpu.memory_space<hbm>>
    tpu.enqueue_dma source(%dma_start3A_13 : memref<4x8x1024xf32, #tpu.memory_space<hbm>>) target(%arg8 : memref<4x8x1024xf32, #tpu.memory_space<vmem>>) target_semaphore(%arg11 : memref<!tpu.dma_semaphore, #tpu.memory_space<semaphore_mem>>)
    %dma_wait3A = arith.constant 0 : i32
    %dma_wait3A_14 = tpu.memref_slice %arg3[%add3A_4, %dma_wait3A] : memref<4096x1024xf32, #tpu.memory_space<hbm>> -> memref<8x1024xf32, #tpu.memory_space<hbm>>
    %dma_wait3A_15 = arith.constant 0 : i32
    %dma_wait3A_16 = tpu.memref_slice %arg3[%add3A_4, %dma_wait3A_15] : memref<4096x1024xf32, #tpu.memory_space<hbm>> -> memref<8x1024xf32, #tpu.memory_space<hbm>>
    tpu.wait_dma2 semaphore(%arg11 : memref<!tpu.dma_semaphore, #tpu.memory_space<semaphore_mem>>) src(%dma_wait3A_16 : memref<8x1024xf32, #tpu.memory_space<hbm>>) dst(%arg5 : memref<8x1024xf32, #tpu.memory_space<vmem>>)
    %dma_wait3A_17 = arith.constant 0 : i32
    %dma_wait3A_18 = arith.constant 0 : i32
    %dma_wait3A_19 = tpu.memref_slice %arg2[%dma_wait3A_17, %add3A_4, %dma_wait3A_18] : memref<4x4096x1024xf32, #tpu.memory_space<hbm>> -> memref<4x8x1024xf32, #tpu.memory_space<hbm>>
    %dma_wait3A_20 = arith.constant 0 : i32
    %dma_wait3A_21 = arith.constant 0 : i32
    %dma_wait3A_22 = tpu.memref_slice %arg2[%dma_wait3A_20, %add3A_4, %dma_wait3A_21] : memref<4x4096x1024xf32, #tpu.memory_space<hbm>> -> memref<4x8x1024xf32, #tpu.memory_space<hbm>>
    tpu.wait_dma2 semaphore(%arg11 : memref<!tpu.dma_semaphore, #tpu.memory_space<semaphore_mem>>) src(%dma_wait3A_22 : memref<4x8x1024xf32, #tpu.memory_space<hbm>>) dst(%arg8 : memref<4x8x1024xf32, #tpu.memory_space<vmem>>)
    %add3A_23 = arith.constant 8 : i32
    %add3A_24 = arith.addi %mul3A_2, %add3A_23 : i32
    %dma_start3A_25 = arith.constant 0 : i32
    %dma_start3A_26 = tpu.memref_slice %arg3[%add3A_24, %dma_start3A_25] : memref<4096x1024xf32, #tpu.memory_space<hbm>> -> memref<8x1024xf32, #tpu.memory_space<hbm>>
    %dma_start3A_27 = arith.constant 0 : i32
    %dma_start3A_28 = tpu.memref_slice %arg3[%add3A_24, %dma_start3A_27] : memref<4096x1024xf32, #tpu.memory_space<hbm>> -> memref<8x1024xf32, #tpu.memory_space<hbm>>
    tpu.enqueue_dma source(%dma_start3A_28 : memref<8x1024xf32, #tpu.memory_space<hbm>>) target(%arg6 : memref<8x1024xf32, #tpu.memory_space<vmem>>) target_semaphore(%arg12 : memref<!tpu.dma_semaphore, #tpu.memory_space<semaphore_mem>>)
    %dma_start3A_29 = arith.constant 0 : i32
    %dma_start3A_30 = arith.constant 0 : i32
    %dma_start3A_31 = tpu.memref_slice %arg2[%dma_start3A_29, %add3A_24, %dma_start3A_30] : memref<4x4096x1024xf32, #tpu.memory_space<hbm>> -> memref<4x8x1024xf32, #tpu.memory_space<hbm>>
    %dma_start3A_32 = arith.constant 0 : i32
    %dma_start3A_33 = arith.constant 0 : i32
    %dma_start3A_34 = tpu.memref_slice %arg2[%dma_start3A_32, %add3A_24, %dma_start3A_33] : memref<4x4096x1024xf32, #tpu.memory_space<hbm>> -> memref<4x8x1024xf32, #tpu.memory_space<hbm>>
    tpu.enqueue_dma source(%dma_start3A_34 : memref<4x8x1024xf32, #tpu.memory_space<hbm>>) target(%arg9 : memref<4x8x1024xf32, #tpu.memory_space<vmem>>) target_semaphore(%arg12 : memref<!tpu.dma_semaphore, #tpu.memory_space<semaphore_mem>>)
    %parallel_loop3A = arith.constant 0 : i32
    %parallel_loop3A_35 = arith.constant 8192 : i32
    %parallel_loop3A_36 = arith.constant 16 : i32
    scf.for %parallel_loop3A_624 = %parallel_loop3A to %parallel_loop3A_35 step %parallel_loop3A_36  : i32 {
      %parallel_loop3A_625 = arith.constant 10 : i32
      %parallel_loop3A_626 = arith.shrui %parallel_loop3A_624, %parallel_loop3A_625 : i32
      %parallel_loop3A_627 = arith.constant 1023 : i32
      %parallel_loop3A_628 = arith.andi %parallel_loop3A_624, %parallel_loop3A_627 : i32
      %parallel_loop3A_629 = tpu.assume_multiple %parallel_loop3A_628, 16 : i32
      %parallel_loop3A_630 = arith.index_cast %parallel_loop3A_626 : i32 to index
      %parallel_loop3A_631 = arith.index_cast %parallel_loop3A_629 : i32 to index
      %parallel_loop3A_632 = tpu.vector_load %arg5[%parallel_loop3A_630, %parallel_loop3A_631] {strides = array<i32>} : memref<8x1024xf32, #tpu.memory_space<vmem>>, vector<1x16xf32>,
      %parallel_loop3A_633 = vector.shape_cast %parallel_loop3A_632 : vector<1x16xf32> to vector<16xf32>
      %parallel_loop3A_634 = arith.constant 0 : i32
      %parallel_loop3A_635 = arith.index_cast %parallel_loop3A_634 : i32 to index
      %parallel_loop3A_636 = arith.index_cast %parallel_loop3A_626 : i32 to index
      %parallel_loop3A_637 = arith.index_cast %parallel_loop3A_629 : i32 to index
      %parallel_loop3A_638 = tpu.vector_load %arg8[%parallel_loop3A_635, %parallel_loop3A_636, %parallel_loop3A_637] {strides = array<i32>} : memref<4x8x1024xf32, #tpu.memory_space<vmem>>, vector<1x1x16xf32>,
      %parallel_loop3A_639 = vector.shape_cast %parallel_loop3A_638 : vector<1x1x16xf32> to vector<16xf32>
      %parallel_loop3A_640 = arith.addf %parallel_loop3A_639, %parallel_loop3A_633 : vector<16xf32>
      %parallel_loop3A_641 = arith.constant 0 : i32
      %parallel_loop3A_642 = arith.index_cast %parallel_loop3A_641 : i32 to index
      %parallel_loop3A_643 = arith.index_cast %parallel_loop3A_626 : i32 to index
      %parallel_loop3A_644 = arith.index_cast %parallel_loop3A_629 : i32 to index
      %parallel_loop3A_645 = tpu.vector_load %arg8[%parallel_loop3A_642, %parallel_loop3A_643, %parallel_loop3A_644] {strides = array<i32>} : memref<4x8x1024xf32, #tpu.memory_space<vmem>>, vector<1x1x16xf32>,
      %parallel_loop3A_646 = vector.shape_cast %parallel_loop3A_645 : vector<1x1x16xf32> to vector<16xf32>
      %parallel_loop3A_647 = vector.shape_cast %parallel_loop3A_640 : vector<16xf32> to vector<1x1x16xf32>
      tpu.vector_store %arg8[%parallel_loop3A_642, %parallel_loop3A_643, %parallel_loop3A_644], %parallel_loop3A_647 {strides = array<i32>} : memref<4x8x1024xf32, #tpu.memory_space<vmem>>, vector<1x1x16xf32>,
      %parallel_loop3A_648 = arith.constant 1 : i32
      %parallel_loop3A_649 = arith.index_cast %parallel_loop3A_648 : i32 to index
      %parallel_loop3A_650 = arith.index_cast %parallel_loop3A_626 : i32 to index
      %parallel_loop3A_651 = arith.index_cast %parallel_loop3A_629 : i32 to index
      %parallel_loop3A_652 = tpu.vector_load %arg8[%parallel_loop3A_649, %parallel_loop3A_650, %parallel_loop3A_651] {strides = array<i32>} : memref<4x8x1024xf32, #tpu.memory_space<vmem>>, vector<1x1x16xf32>,
      %parallel_loop3A_653 = vector.shape_cast %parallel_loop3A_652 : vector<1x1x16xf32> to vector<16xf32>
      %parallel_loop3A_654 = arith.addf %parallel_loop3A_653, %parallel_loop3A_633 : vector<16xf32>
      %parallel_loop3A_655 = arith.constant 1 : i32
      %parallel_loop3A_656 = arith.index_cast %parallel_loop3A_655 : i32 to index
      %parallel_loop3A_657 = arith.index_cast %parallel_loop3A_626 : i32 to index
      %parallel_loop3A_658 = arith.index_cast %parallel_loop3A_629 : i32 to index
      %parallel_loop3A_659 = tpu.vector_load %arg8[%parallel_loop3A_656, %parallel_loop3A_657, %parallel_loop3A_658] {strides = array<i32>} : memref<4x8x1024xf32, #tpu.memory_space<vmem>>, vector<1x1x16xf32>,
      %parallel_loop3A_660 = vector.shape_cast %parallel_loop3A_659 : vector<1x1x16xf32> to vector<16xf32>
      %parallel_loop3A_661 = vector.shape_cast %parallel_loop3A_654 : vector<16xf32> to vector<1x1x16xf32>
      tpu.vector_store %arg8[%parallel_loop3A_656, %parallel_loop3A_657, %parallel_loop3A_658], %parallel_loop3A_661 {strides = array<i32>} : memref<4x8x1024xf32, #tpu.memory_space<vmem>>, vector<1x1x16xf32>,
      %parallel_loop3A_662 = arith.constant 2 : i32
      %parallel_loop3A_663 = arith.index_cast %parallel_loop3A_662 : i32 to index
      %parallel_loop3A_664 = arith.index_cast %parallel_loop3A_626 : i32 to index
      %parallel_loop3A_665 = arith.index_cast %parallel_loop3A_629 : i32 to index
      %parallel_loop3A_666 = tpu.vector_load %arg8[%parallel_loop3A_663, %parallel_loop3A_664, %parallel_loop3A_665] {strides = array<i32>} : memref<4x8x1024xf32, #tpu.memory_space<vmem>>, vector<1x1x16xf32>,
      %parallel_loop3A_667 = vector.shape_cast %parallel_loop3A_666 : vector<1x1x16xf32> to vector<16xf32>
      %parallel_loop3A_668 = arith.addf %parallel_loop3A_667, %parallel_loop3A_633 : vector<16xf32>
      %parallel_loop3A_669 = arith.constant 2 : i32
      %parallel_loop3A_670 = arith.index_cast %parallel_loop3A_669 : i32 to index
      %parallel_loop3A_671 = arith.index_cast %parallel_loop3A_626 : i32 to index
      %parallel_loop3A_672 = arith.index_cast %parallel_loop3A_629 : i32 to index
      %parallel_loop3A_673 = tpu.vector_load %arg8[%parallel_loop3A_670, %parallel_loop3A_671, %parallel_loop3A_672] {strides = array<i32>} : memref<4x8x1024xf32, #tpu.memory_space<vmem>>, vector<1x1x16xf32>,
      %parallel_loop3A_674 = vector.shape_cast %parallel_loop3A_673 : vector<1x1x16xf32> to vector<16xf32>
      %parallel_loop3A_675 = vector.shape_cast %parallel_loop3A_668 : vector<16xf32> to vector<1x1x16xf32>
      tpu.vector_store %arg8[%parallel_loop3A_670, %parallel_loop3A_671, %parallel_loop3A_672], %parallel_loop3A_675 {strides = array<i32>} : memref<4x8x1024xf32, #tpu.memory_space<vmem>>, vector<1x1x16xf32>,
      %parallel_loop3A_676 = arith.constant 3 : i32
      %parallel_loop3A_677 = arith.index_cast %parallel_loop3A_676 : i32 to index
      %parallel_loop3A_678 = arith.index_cast %parallel_loop3A_626 : i32 to index
      %parallel_loop3A_679 = arith.index_cast %parallel_loop3A_629 : i32 to index
      %parallel_loop3A_680 = tpu.vector_load %arg8[%parallel_loop3A_677, %parallel_loop3A_678, %parallel_loop3A_679] {strides = array<i32>} : memref<4x8x1024xf32, #tpu.memory_space<vmem>>, vector<1x1x16xf32>,
      %parallel_loop3A_681 = vector.shape_cast %parallel_loop3A_680 : vector<1x1x16xf32> to vector<16xf32>
      %parallel_loop3A_682 = arith.addf %parallel_loop3A_681, %parallel_loop3A_633 : vector<16xf32>
      %parallel_loop3A_683 = arith.constant 3 : i32
      %parallel_loop3A_684 = arith.index_cast %parallel_loop3A_683 : i32 to index
      %parallel_loop3A_685 = arith.index_cast %parallel_loop3A_626 : i32 to index
      %parallel_loop3A_686 = arith.index_cast %parallel_loop3A_629 : i32 to index
      %parallel_loop3A_687 = tpu.vector_load %arg8[%parallel_loop3A_684, %parallel_loop3A_685, %parallel_loop3A_686] {strides = array<i32>} : memref<4x8x1024xf32, #tpu.memory_space<vmem>>, vector<1x1x16xf32>,
      %parallel_loop3A_688 = vector.shape_cast %parallel_loop3A_687 : vector<1x1x16xf32> to vector<16xf32>
      %parallel_loop3A_689 = vector.shape_cast %parallel_loop3A_682 : vector<16xf32> to vector<1x1x16xf32>
      tpu.vector_store %arg8[%parallel_loop3A_684, %parallel_loop3A_685, %parallel_loop3A_686], %parallel_loop3A_689 {strides = array<i32>} : memref<4x8x1024xf32, #tpu.memory_space<vmem>>, vector<1x1x16xf32>,
    } {sc.loop_unroll_factor = 8 : i64, sc.parallel_access}
    %add3A_37 = arith.constant 0 : i32
    %add3A_38 = arith.addi %mul3A_2, %add3A_37 : i32
    %dma_start3A_39 = arith.constant 0 : i32
    %dma_start3A_40 = arith.constant 0 : i32
    %dma_start3A_41 = tpu.memref_slice %arg4[%dma_start3A_39, %add3A_38, %dma_start3A_40] : memref<4x4096x1024xf32, #tpu.memory_space<hbm>> -> memref<4x8x1024xf32, #tpu.memory_space<hbm>>
    %dma_start3A_42 = arith.constant 0 : i32
    %dma_start3A_43 = arith.constant 0 : i32
    %dma_start3A_44 = tpu.memref_slice %arg4[%dma_start3A_42, %add3A_38, %dma_start3A_43] : memref<4x4096x1024xf32, #tpu.memory_space<hbm>> -> memref<4x8x1024xf32, #tpu.memory_space<hbm>>
    tpu.enqueue_dma source(%arg8 : memref<4x8x1024xf32, #tpu.memory_space<vmem>>) target(%dma_start3A_44 : memref<4x8x1024xf32, #tpu.memory_space<hbm>>) target_semaphore(%arg14 : memref<!tpu.dma_semaphore, #tpu.memory_space<semaphore_mem>>)
    %dma_wait3A_45 = arith.constant 0 : i32
    %dma_wait3A_46 = tpu.memref_slice %arg3[%add3A_24, %dma_wait3A_45] : memref<4096x1024xf32, #tpu.memory_space<hbm>> -> memref<8x1024xf32, #tpu.memory_space<hbm>>
    %dma_wait3A_47 = arith.constant 0 : i32
    %dma_wait3A_48 = tpu.memref_slice %arg3[%add3A_24, %dma_wait3A_47] : memref<4096x1024xf32, #tpu.memory_space<hbm>> -> memref<8x1024xf32, #tpu.memory_space<hbm>>
    tpu.wait_dma2 semaphore(%arg12 : memref<!tpu.dma_semaphore, #tpu.memory_space<semaphore_mem>>) src(%dma_wait3A_48 : memref<8x1024xf32, #tpu.memory_space<hbm>>) dst(%arg6 : memref<8x1024xf32, #tpu.memory_space<vmem>>)
    %dma_wait3A_49 = arith.constant 0 : i32
    %dma_wait3A_50 = arith.constant 0 : i32
    %dma_wait3A_51 = tpu.memref_slice %arg2[%dma_wait3A_49, %add3A_24, %dma_wait3A_50] : memref<4x4096x1024xf32, #tpu.memory_space<hbm>> -> memref<4x8x1024xf32, #tpu.memory_space<hbm>>
    %dma_wait3A_52 = arith.constant 0 : i32
    %dma_wait3A_53 = arith.constant 0 : i32
    %dma_wait3A_54 = tpu.memref_slice %arg2[%dma_wait3A_52, %add3A_24, %dma_wait3A_53] : memref<4x4096x1024xf32, #tpu.memory_space<hbm>> -> memref<4x8x1024xf32, #tpu.memory_space<hbm>>
    tpu.wait_dma2 semaphore(%arg12 : memref<!tpu.dma_semaphore, #tpu.memory_space<semaphore_mem>>) src(%dma_wait3A_54 : memref<4x8x1024xf32, #tpu.memory_space<hbm>>) dst(%arg9 : memref<4x8x1024xf32, #tpu.memory_space<vmem>>)
    %add3A_55 = arith.constant 16 : i32
    %add3A_56 = arith.addi %mul3A_2, %add3A_55 : i32
    %dma_start3A_57 = arith.constant 0 : i32
    %dma_start3A_58 = tpu.memref_slice %arg3[%add3A_56, %dma_start3A_57] : memref<4096x1024xf32, #tpu.memory_space<hbm>> -> memref<8x1024xf32, #tpu.memory_space<hbm>>
    %dma_start3A_59 = arith.constant 0 : i32
    %dma_start3A_60 = tpu.memref_slice %arg3[%add3A_56, %dma_start3A_59] : memref<4096x1024xf32, #tpu.memory_space<hbm>> -> memref<8x1024xf32, #tpu.memory_space<hbm>>
    tpu.enqueue_dma source(%dma_start3A_60 : memref<8x1024xf32, #tpu.memory_space<hbm>>) target(%arg7 : memref<8x1024xf32, #tpu.memory_space<vmem>>) target_semaphore(%arg13 : memref<!tpu.dma_semaphore, #tpu.memory_space<semaphore_mem>>)
    %dma_start3A_61 = arith.constant 0 : i32
    %dma_start3A_62 = arith.constant 0 : i32
    %dma_start3A_63 = tpu.memref_slice %arg2[%dma_start3A_61, %add3A_56, %dma_start3A_62] : memref<4x4096x1024xf32, #tpu.memory_space<hbm>> -> memref<4x8x1024xf32, #tpu.memory_space<hbm>>
    %dma_start3A_64 = arith.constant 0 : i32
    %dma_start3A_65 = arith.constant 0 : i32
    %dma_start3A_66 = tpu.memref_slice %arg2[%dma_start3A_64, %add3A_56, %dma_start3A_65] : memref<4x4096x1024xf32, #tpu.memory_space<hbm>> -> memref<4x8x1024xf32, #tpu.memory_space<hbm>>
    tpu.enqueue_dma source(%dma_start3A_66 : memref<4x8x1024xf32, #tpu.memory_space<hbm>>) target(%arg10 : memref<4x8x1024xf32, #tpu.memory_space<vmem>>) target_semaphore(%arg13 : memref<!tpu.dma_semaphore, #tpu.memory_space<semaphore_mem>>)
    %parallel_loop3A_67 = arith.constant 0 : i32
    %parallel_loop3A_68 = arith.constant 8192 : i32
    %parallel_loop3A_69 = arith.constant 16 : i32
    scf.for %parallel_loop3A_624 = %parallel_loop3A_67 to %parallel_loop3A_68 step %parallel_loop3A_69  : i32 {
      %parallel_loop3A_625 = arith.constant 10 : i32
      %parallel_loop3A_626 = arith.shrui %parallel_loop3A_624, %parallel_loop3A_625 : i32
      %parallel_loop3A_627 = arith.constant 1023 : i32
      %parallel_loop3A_628 = arith.andi %parallel_loop3A_624, %parallel_loop3A_627 : i32
      %parallel_loop3A_629 = tpu.assume_multiple %parallel_loop3A_628, 16 : i32
      %parallel_loop3A_630 = arith.index_cast %parallel_loop3A_626 : i32 to index
      %parallel_loop3A_631 = arith.index_cast %parallel_loop3A_629 : i32 to index
      %parallel_loop3A_632 = tpu.vector_load %arg6[%parallel_loop3A_630, %parallel_loop3A_631] {strides = array<i32>} : memref<8x1024xf32, #tpu.memory_space<vmem>>, vector<1x16xf32>,
      %parallel_loop3A_633 = vector.shape_cast %parallel_loop3A_632 : vector<1x16xf32> to vector<16xf32>
      %parallel_loop3A_634 = arith.constant 0 : i32
      %parallel_loop3A_635 = arith.index_cast %parallel_loop3A_634 : i32 to index
      %parallel_loop3A_636 = arith.index_cast %parallel_loop3A_626 : i32 to index
      %parallel_loop3A_637 = arith.index_cast %parallel_loop3A_629 : i32 to index
      %parallel_loop3A_638 = tpu.vector_load %arg9[%parallel_loop3A_635, %parallel_loop3A_636, %parallel_loop3A_637] {strides = array<i32>} : memref<4x8x1024xf32, #tpu.memory_space<vmem>>, vector<1x1x16xf32>,
      %parallel_loop3A_639 = vector.shape_cast %parallel_loop3A_638 : vector<1x1x16xf32> to vector<16xf32>
      %parallel_loop3A_640 = arith.addf %parallel_loop3A_639, %parallel_loop3A_633 : vector<16xf32>
      %parallel_loop3A_641 = arith.constant 0 : i32
      %parallel_loop3A_642 = arith.index_cast %parallel_loop3A_641 : i32 to index
      %parallel_loop3A_643 = arith.index_cast %parallel_loop3A_626 : i32 to index
      %parallel_loop3A_644 = arith.index_cast %parallel_loop3A_629 : i32 to index
      %parallel_loop3A_645 = tpu.vector_load %arg9[%parallel_loop3A_642, %parallel_loop3A_643, %parallel_loop3A_644] {strides = array<i32>} : memref<4x8x1024xf32, #tpu.memory_space<vmem>>, vector<1x1x16xf32>,
      %parallel_loop3A_646 = vector.shape_cast %parallel_loop3A_645 : vector<1x1x16xf32> to vector<16xf32>
      %parallel_loop3A_647 = vector.shape_cast %parallel_loop3A_640 : vector<16xf32> to vector<1x1x16xf32>
      tpu.vector_store %arg9[%parallel_loop3A_642, %parallel_loop3A_643, %parallel_loop3A_644], %parallel_loop3A_647 {strides = array<i32>} : memref<4x8x1024xf32, #tpu.memory_space<vmem>>, vector<1x1x16xf32>,
      %parallel_loop3A_648 = arith.constant 1 : i32
      %parallel_loop3A_649 = arith.index_cast %parallel_loop3A_648 : i32 to index
      %parallel_loop3A_650 = arith.index_cast %parallel_loop3A_626 : i32 to index
      %parallel_loop3A_651 = arith.index_cast %parallel_loop3A_629 : i32 to index
      %parallel_loop3A_652 = tpu.vector_load %arg9[%parallel_loop3A_649, %parallel_loop3A_650, %parallel_loop3A_651] {strides = array<i32>} : memref<4x8x1024xf32, #tpu.memory_space<vmem>>, vector<1x1x16xf32>,
      %parallel_loop3A_653 = vector.shape_cast %parallel_loop3A_652 : vector<1x1x16xf32> to vector<16xf32>
      %parallel_loop3A_654 = arith.addf %parallel_loop3A_653, %parallel_loop3A_633 : vector<16xf32>
      %parallel_loop3A_655 = arith.constant 1 : i32
      %parallel_loop3A_656 = arith.index_cast %parallel_loop3A_655 : i32 to index
      %parallel_loop3A_657 = arith.index_cast %parallel_loop3A_626 : i32 to index
      %parallel_loop3A_658 = arith.index_cast %parallel_loop3A_629 : i32 to index
      %parallel_loop3A_659 = tpu.vector_load %arg9[%parallel_loop3A_656, %parallel_loop3A_657, %parallel_loop3A_658] {strides = array<i32>} : memref<4x8x1024xf32, #tpu.memory_space<vmem>>, vector<1x1x16xf32>,
      %parallel_loop3A_660 = vector.shape_cast %parallel_loop3A_659 : vector<1x1x16xf32> to vector<16xf32>
      %parallel_loop3A_661 = vector.shape_cast %parallel_loop3A_654 : vector<16xf32> to vector<1x1x16xf32>
      tpu.vector_store %arg9[%parallel_loop3A_656, %parallel_loop3A_657, %parallel_loop3A_658], %parallel_loop3A_661 {strides = array<i32>} : memref<4x8x1024xf32, #tpu.memory_space<vmem>>, vector<1x1x16xf32>,
      %parallel_loop3A_662 = arith.constant 2 : i32
      %parallel_loop3A_663 = arith.index_cast %parallel_loop3A_662 : i32 to index
      %parallel_loop3A_664 = arith.index_cast %parallel_loop3A_626 : i32 to index
      %parallel_loop3A_665 = arith.index_cast %parallel_loop3A_629 : i32 to index
      %parallel_loop3A_666 = tpu.vector_load %arg9[%parallel_loop3A_663, %parallel_loop3A_664, %parallel_loop3A_665] {strides = array<i32>} : memref<4x8x1024xf32, #tpu.memory_space<vmem>>, vector<1x1x16xf32>,
      %parallel_loop3A_667 = vector.shape_cast %parallel_loop3A_666 : vector<1x1x16xf32> to vector<16xf32>
      %parallel_loop3A_668 = arith.addf %parallel_loop3A_667, %parallel_loop3A_633 : vector<16xf32>
      %parallel_loop3A_669 = arith.constant 2 : i32
      %parallel_loop3A_670 = arith.index_cast %parallel_loop3A_669 : i32 to index
      %parallel_loop3A_671 = arith.index_cast %parallel_loop3A_626 : i32 to index
      %parallel_loop3A_672 = arith.index_cast %parallel_loop3A_629 : i32 to index
      %parallel_loop3A_673 = tpu.vector_load %arg9[%parallel_loop3A_670, %parallel_loop3A_671, %parallel_loop3A_672] {strides = array<i32>} : memref<4x8x1024xf32, #tpu.memory_space<vmem>>, vector<1x1x16xf32>,
      %parallel_loop3A_674 = vector.shape_cast %parallel_loop3A_673 : vector<1x1x16xf32> to vector<16xf32>
      %parallel_loop3A_675 = vector.shape_cast %parallel_loop3A_668 : vector<16xf32> to vector<1x1x16xf32>
      tpu.vector_store %arg9[%parallel_loop3A_670, %parallel_loop3A_671, %parallel_loop3A_672], %parallel_loop3A_675 {strides = array<i32>} : memref<4x8x1024xf32, #tpu.memory_space<vmem>>, vector<1x1x16xf32>,
      %parallel_loop3A_676 = arith.constant 3 : i32
      %parallel_loop3A_677 = arith.index_cast %parallel_loop3A_676 : i32 to index
      %parallel_loop3A_678 = arith.index_cast %parallel_loop3A_626 : i32 to index
      %parallel_loop3A_679 = arith.index_cast %parallel_loop3A_629 : i32 to index
      %parallel_loop3A_680 = tpu.vector_load %arg9[%parallel_loop3A_677, %parallel_loop3A_678, %parallel_loop3A_679] {strides = array<i32>} : memref<4x8x1024xf32, #tpu.memory_space<vmem>>, vector<1x1x16xf32>,
      %parallel_loop3A_681 = vector.shape_cast %parallel_loop3A_680 : vector<1x1x16xf32> to vector<16xf32>
      %parallel_loop3A_682 = arith.addf %parallel_loop3A_681, %parallel_loop3A_633 : vector<16xf32>
      %parallel_loop3A_683 = arith.constant 3 : i32
      %parallel_loop3A_684 = arith.index_cast %parallel_loop3A_683 : i32 to index
      %parallel_loop3A_685 = arith.index_cast %parallel_loop3A_626 : i32 to index
      %parallel_loop3A_686 = arith.index_cast %parallel_loop3A_629 : i32 to index
      %parallel_loop3A_687 = tpu.vector_load %arg9[%parallel_loop3A_684, %parallel_loop3A_685, %parallel_loop3A_686] {strides = array<i32>} : memref<4x8x1024xf32, #tpu.memory_space<vmem>>, vector<1x1x16xf32>,
      %parallel_loop3A_688 = vector.shape_cast %parallel_loop3A_687 : vector<1x1x16xf32> to vector<16xf32>
      %parallel_loop3A_689 = vector.shape_cast %parallel_loop3A_682 : vector<16xf32> to vector<1x1x16xf32>
      tpu.vector_store %arg9[%parallel_loop3A_684, %parallel_loop3A_685, %parallel_loop3A_686], %parallel_loop3A_689 {strides = array<i32>} : memref<4x8x1024xf32, #tpu.memory_space<vmem>>, vector<1x1x16xf32>,
    } {sc.loop_unroll_factor = 8 : i64, sc.parallel_access}
    %add3A_70 = arith.constant 8 : i32
    %add3A_71 = arith.addi %mul3A_2, %add3A_70 : i32
    %dma_start3A_72 = arith.constant 0 : i32
    %dma_start3A_73 = arith.constant 0 : i32
    %dma_start3A_74 = tpu.memref_slice %arg4[%dma_start3A_72, %add3A_71, %dma_start3A_73] : memref<4x4096x1024xf32, #tpu.memory_space<hbm>> -> memref<4x8x1024xf32, #tpu.memory_space<hbm>>
    %dma_start3A_75 = arith.constant 0 : i32
    %dma_start3A_76 = arith.constant 0 : i32
    %dma_start3A_77 = tpu.memref_slice %arg4[%dma_start3A_75, %add3A_71, %dma_start3A_76] : memref<4x4096x1024xf32, #tpu.memory_space<hbm>> -> memref<4x8x1024xf32, #tpu.memory_space<hbm>>
    tpu.enqueue_dma source(%arg9 : memref<4x8x1024xf32, #tpu.memory_space<vmem>>) target(%dma_start3A_77 : memref<4x8x1024xf32, #tpu.memory_space<hbm>>) target_semaphore(%arg15 : memref<!tpu.dma_semaphore, #tpu.memory_space<semaphore_mem>>)
    %dma_wait3A_78 = arith.constant 0 : i32
    %dma_wait3A_79 = tpu.memref_slice %arg3[%add3A_56, %dma_wait3A_78] : memref<4096x1024xf32, #tpu.memory_space<hbm>> -> memref<8x1024xf32, #tpu.memory_space<hbm>>
    %dma_wait3A_80 = arith.constant 0 : i32
    %dma_wait3A_81 = tpu.memref_slice %arg3[%add3A_56, %dma_wait3A_80] : memref<4096x1024xf32, #tpu.memory_space<hbm>> -> memref<8x1024xf32, #tpu.memory_space<hbm>>
    tpu.wait_dma2 semaphore(%arg13 : memref<!tpu.dma_semaphore, #tpu.memory_space<semaphore_mem>>) src(%dma_wait3A_81 : memref<8x1024xf32, #tpu.memory_space<hbm>>) dst(%arg7 : memref<8x1024xf32, #tpu.memory_space<vmem>>)
    %dma_wait3A_82 = arith.constant 0 : i32
    %dma_wait3A_83 = arith.constant 0 : i32
    %dma_wait3A_84 = tpu.memref_slice %arg2[%dma_wait3A_82, %add3A_56, %dma_wait3A_83] : memref<4x4096x1024xf32, #tpu.memory_space<hbm>> -> memref<4x8x1024xf32, #tpu.memory_space<hbm>>
    %dma_wait3A_85 = arith.constant 0 : i32
    %dma_wait3A_86 = arith.constant 0 : i32
    %dma_wait3A_87 = tpu.memref_slice %arg2[%dma_wait3A_85, %add3A_56, %dma_wait3A_86] : memref<4x4096x1024xf32, #tpu.memory_space<hbm>> -> memref<4x8x1024xf32, #tpu.memory_space<hbm>>
    tpu.wait_dma2 semaphore(%arg13 : memref<!tpu.dma_semaphore, #tpu.memory_space<semaphore_mem>>) src(%dma_wait3A_87 : memref<4x8x1024xf32, #tpu.memory_space<hbm>>) dst(%arg10 : memref<4x8x1024xf32, #tpu.memory_space<vmem>>)
    %dma_wait3A_88 = arith.constant 0 : i32
    %dma_wait3A_89 = arith.constant 0 : i32
    %dma_wait3A_90 = tpu.memref_slice %arg4[%dma_wait3A_88, %add3A_38, %dma_wait3A_89] : memref<4x4096x1024xf32, #tpu.memory_space<hbm>> -> memref<4x8x1024xf32, #tpu.memory_space<hbm>>
    %dma_wait3A_91 = arith.constant 0 : i32
    %dma_wait3A_92 = arith.constant 0 : i32
    %dma_wait3A_93 = tpu.memref_slice %arg4[%dma_wait3A_91, %add3A_38, %dma_wait3A_92] : memref<4x4096x1024xf32, #tpu.memory_space<hbm>> -> memref<4x8x1024xf32, #tpu.memory_space<hbm>>
    tpu.wait_dma2 semaphore(%arg14 : memref<!tpu.dma_semaphore, #tpu.memory_space<semaphore_mem>>) src(%arg8 : memref<4x8x1024xf32, #tpu.memory_space<vmem>>) dst(%dma_wait3A_93 : memref<4x8x1024xf32, #tpu.memory_space<hbm>>)
    %add3A_94 = arith.constant 24 : i32
    %add3A_95 = arith.addi %mul3A_2, %add3A_94 : i32
    %dma_start3A_96 = arith.constant 0 : i32
    %dma_start3A_97 = tpu.memref_slice %arg3[%add3A_95, %dma_start3A_96] : memref<4096x1024xf32, #tpu.memory_space<hbm>> -> memref<8x1024xf32, #tpu.memory_space<hbm>>
    %dma_start3A_98 = arith.constant 0 : i32
    %dma_start3A_99 = tpu.memref_slice %arg3[%add3A_95, %dma_start3A_98] : memref<4096x1024xf32, #tpu.memory_space<hbm>> -> memref<8x1024xf32, #tpu.memory_space<hbm>>
    tpu.enqueue_dma source(%dma_start3A_99 : memref<8x1024xf32, #tpu.memory_space<hbm>>) target(%arg5 : memref<8x1024xf32, #tpu.memory_space<vmem>>) target_semaphore(%arg11 : memref<!tpu.dma_semaphore, #tpu.memory_space<semaphore_mem>>)
    %dma_start3A_100 = arith.constant 0 : i32
    %dma_start3A_101 = arith.constant 0 : i32
    %dma_start3A_102 = tpu.memref_slice %arg2[%dma_start3A_100, %add3A_95, %dma_start3A_101] : memref<4x4096x1024xf32, #tpu.memory_space<hbm>> -> memref<4x8x1024xf32, #tpu.memory_space<hbm>>
    %dma_start3A_103 = arith.constant 0 : i32
    %dma_start3A_104 = arith.constant 0 : i32
    %dma_start3A_105 = tpu.memref_slice %arg2[%dma_start3A_103, %add3A_95, %dma_start3A_104] : memref<4x4096x1024xf32, #tpu.memory_space<hbm>> -> memref<4x8x1024xf32, #tpu.memory_space<hbm>>
    tpu.enqueue_dma source(%dma_start3A_105 : memref<4x8x1024xf32, #tpu.memory_space<hbm>>) target(%arg8 : memref<4x8x1024xf32, #tpu.memory_space<vmem>>) target_semaphore(%arg11 : memref<!tpu.dma_semaphore, #tpu.memory_space<semaphore_mem>>)
    %parallel_loop3A_106 = arith.constant 0 : i32
    %parallel_loop3A_107 = arith.constant 8192 : i32
    %parallel_loop3A_108 = arith.constant 16 : i32
    scf.for %parallel_loop3A_624 = %parallel_loop3A_106 to %parallel_loop3A_107 step %parallel_loop3A_108  : i32 {
      %parallel_loop3A_625 = arith.constant 10 : i32
      %parallel_loop3A_626 = arith.shrui %parallel_loop3A_624, %parallel_loop3A_625 : i32
      %parallel_loop3A_627 = arith.constant 1023 : i32
      %parallel_loop3A_628 = arith.andi %parallel_loop3A_624, %parallel_loop3A_627 : i32
      %parallel_loop3A_629 = tpu.assume_multiple %parallel_loop3A_628, 16 : i32
      %parallel_loop3A_630 = arith.index_cast %parallel_loop3A_626 : i32 to index
      %parallel_loop3A_631 = arith.index_cast %parallel_loop3A_629 : i32 to index
      %parallel_loop3A_632 = tpu.vector_load %arg7[%parallel_loop3A_630, %parallel_loop3A_631] {strides = array<i32>} : memref<8x1024xf32, #tpu.memory_space<vmem>>, vector<1x16xf32>,
      %parallel_loop3A_633 = vector.shape_cast %parallel_loop3A_632 : vector<1x16xf32> to vector<16xf32>
      %parallel_loop3A_634 = arith.constant 0 : i32
      %parallel_loop3A_635 = arith.index_cast %parallel_loop3A_634 : i32 to index
      %parallel_loop3A_636 = arith.index_cast %parallel_loop3A_626 : i32 to index
      %parallel_loop3A_637 = arith.index_cast %parallel_loop3A_629 : i32 to index
      %parallel_loop3A_638 = tpu.vector_load %arg10[%parallel_loop3A_635, %parallel_loop3A_636, %parallel_loop3A_637] {strides = array<i32>} : memref<4x8x1024xf32, #tpu.memory_space<vmem>>, vector<1x1x16xf32>,
      %parallel_loop3A_639 = vector.shape_cast %parallel_loop3A_638 : vector<1x1x16xf32> to vector<16xf32>
      %parallel_loop3A_640 = arith.addf %parallel_loop3A_639, %parallel_loop3A_633 : vector<16xf32>
      %parallel_loop3A_641 = arith.constant 0 : i32
      %parallel_loop3A_642 = arith.index_cast %parallel_loop3A_641 : i32 to index
      %parallel_loop3A_643 = arith.index_cast %parallel_loop3A_626 : i32 to index
      %parallel_loop3A_644 = arith.index_cast %parallel_loop3A_629 : i32 to index
      %parallel_loop3A_645 = tpu.vector_load %arg10[%parallel_loop3A_642, %parallel_loop3A_643, %parallel_loop3A_644] {strides = array<i32>} : memref<4x8x1024xf32, #tpu.memory_space<vmem>>, vector<1x1x16xf32>,
      %parallel_loop3A_646 = vector.shape_cast %parallel_loop3A_645 : vector<1x1x16xf32> to vector<16xf32>
      %parallel_loop3A_647 = vector.shape_cast %parallel_loop3A_640 : vector<16xf32> to vector<1x1x16xf32>
      tpu.vector_store %arg10[%parallel_loop3A_642, %parallel_loop3A_643, %parallel_loop3A_644], %parallel_loop3A_647 {strides = array<i32>} : memref<4x8x1024xf32, #tpu.memory_space<vmem>>, vector<1x1x16xf32>,
      %parallel_loop3A_648 = arith.constant 1 : i32
      %parallel_loop3A_649 = arith.index_cast %parallel_loop3A_648 : i32 to index
      %parallel_loop3A_650 = arith.index_cast %parallel_loop3A_626 : i32 to index
      %parallel_loop3A_651 = arith.index_cast %parallel_loop3A_629 : i32 to index
      %parallel_loop3A_652 = tpu.vector_load %arg10[%parallel_loop3A_649, %parallel_loop3A_650, %parallel_loop3A_651] {strides = array<i32>} : memref<4x8x1024xf32, #tpu.memory_space<vmem>>, vector<1x1x16xf32>,
      %parallel_loop3A_653 = vector.shape_cast %parallel_loop3A_652 : vector<1x1x16xf32> to vector<16xf32>
      %parallel_loop3A_654 = arith.addf %parallel_loop3A_653, %parallel_loop3A_633 : vector<16xf32>
      %parallel_loop3A_655 = arith.constant 1 : i32
      %parallel_loop3A_656 = arith.index_cast %parallel_loop3A_655 : i32 to index
      %parallel_loop3A_657 = arith.index_cast %parallel_loop3A_626 : i32 to index
      %parallel_loop3A_658 = arith.index_cast %parallel_loop3A_629 : i32 to index
      %parallel_loop3A_659 = tpu.vector_load %arg10[%parallel_loop3A_656, %parallel_loop3A_657, %parallel_loop3A_658] {strides = array<i32>} : memref<4x8x1024xf32, #tpu.memory_space<vmem>>, vector<1x1x16xf32>,
      %parallel_loop3A_660 = vector.shape_cast %parallel_loop3A_659 : vector<1x1x16xf32> to vector<16xf32>
      %parallel_loop3A_661 = vector.shape_cast %parallel_loop3A_654 : vector<16xf32> to vector<1x1x16xf32>
      tpu.vector_store %arg10[%parallel_loop3A_656, %parallel_loop3A_657, %parallel_loop3A_658], %parallel_loop3A_661 {strides = array<i32>} : memref<4x8x1024xf32, #tpu.memory_space<vmem>>, vector<1x1x16xf32>,
      %parallel_loop3A_662 = arith.constant 2 : i32
      %parallel_loop3A_663 = arith.index_cast %parallel_loop3A_662 : i32 to index
      %parallel_loop3A_664 = arith.index_cast %parallel_loop3A_626 : i32 to index
      %parallel_loop3A_665 = arith.index_cast %parallel_loop3A_629 : i32 to index
      %parallel_loop3A_666 = tpu.vector_load %arg10[%parallel_loop3A_663, %parallel_loop3A_664, %parallel_loop3A_665] {strides = array<i32>} : memref<4x8x1024xf32, #tpu.memory_space<vmem>>, vector<1x1x16xf32>,
      %parallel_loop3A_667 = vector.shape_cast %parallel_loop3A_666 : vector<1x1x16xf32> to vector<16xf32>
      %parallel_loop3A_668 = arith.addf %parallel_loop3A_667, %parallel_loop3A_633 : vector<16xf32>
      %parallel_loop3A_669 = arith.constant 2 : i32
      %parallel_loop3A_670 = arith.index_cast %parallel_loop3A_669 : i32 to index
      %parallel_loop3A_671 = arith.index_cast %parallel_loop3A_626 : i32 to index
      %parallel_loop3A_672 = arith.index_cast %parallel_loop3A_629 : i32 to index
      %parallel_loop3A_673 = tpu.vector_load %arg10[%parallel_loop3A_670, %parallel_loop3A_671, %parallel_loop3A_672] {strides = array<i32>} : memref<4x8x1024xf32, #tpu.memory_space<vmem>>, vector<1x1x16xf32>,
      %parallel_loop3A_674 = vector.shape_cast %parallel_loop3A_673 : vector<1x1x16xf32> to vector<16xf32>
      %parallel_loop3A_675 = vector.shape_cast %parallel_loop3A_668 : vector<16xf32> to vector<1x1x16xf32>
      tpu.vector_store %arg10[%parallel_loop3A_670, %parallel_loop3A_671, %parallel_loop3A_672], %parallel_loop3A_675 {strides = array<i32>} : memref<4x8x1024xf32, #tpu.memory_space<vmem>>, vector<1x1x16xf32>,
      %parallel_loop3A_676 = arith.constant 3 : i32
      %parallel_loop3A_677 = arith.index_cast %parallel_loop3A_676 : i32 to index
      %parallel_loop3A_678 = arith.index_cast %parallel_loop3A_626 : i32 to index
      %parallel_loop3A_679 = arith.index_cast %parallel_loop3A_629 : i32 to index
      %parallel_loop3A_680 = tpu.vector_load %arg10[%parallel_loop3A_677, %parallel_loop3A_678, %parallel_loop3A_679] {strides = array<i32>} : memref<4x8x1024xf32, #tpu.memory_space<vmem>>, vector<1x1x16xf32>,
      %parallel_loop3A_681 = vector.shape_cast %parallel_loop3A_680 : vector<1x1x16xf32> to vector<16xf32>
      %parallel_loop3A_682 = arith.addf %parallel_loop3A_681, %parallel_loop3A_633 : vector<16xf32>
      %parallel_loop3A_683 = arith.constant 3 : i32
      %parallel_loop3A_684 = arith.index_cast %parallel_loop3A_683 : i32 to index
      %parallel_loop3A_685 = arith.index_cast %parallel_loop3A_626 : i32 to index
      %parallel_loop3A_686 = arith.index_cast %parallel_loop3A_629 : i32 to index
      %parallel_loop3A_687 = tpu.vector_load %arg10[%parallel_loop3A_684, %parallel_loop3A_685, %parallel_loop3A_686] {strides = array<i32>} : memref<4x8x1024xf32, #tpu.memory_space<vmem>>, vector<1x1x16xf32>,
      %parallel_loop3A_688 = vector.shape_cast %parallel_loop3A_687 : vector<1x1x16xf32> to vector<16xf32>
      %parallel_loop3A_689 = vector.shape_cast %parallel_loop3A_682 : vector<16xf32> to vector<1x1x16xf32>
      tpu.vector_store %arg10[%parallel_loop3A_684, %parallel_loop3A_685, %parallel_loop3A_686], %parallel_loop3A_689 {strides = array<i32>} : memref<4x8x1024xf32, #tpu.memory_space<vmem>>, vector<1x1x16xf32>,
    } {sc.loop_unroll_factor = 8 : i64, sc.parallel_access}
    %add3A_109 = arith.constant 16 : i32
    %add3A_110 = arith.addi %mul3A_2, %add3A_109 : i32
    %dma_start3A_111 = arith.constant 0 : i32
    %dma_start3A_112 = arith.constant 0 : i32
    %dma_start3A_113 = tpu.memref_slice %arg4[%dma_start3A_111, %add3A_110, %dma_start3A_112] : memref<4x4096x1024xf32, #tpu.memory_space<hbm>> -> memref<4x8x1024xf32, #tpu.memory_space<hbm>>
    %dma_start3A_114 = arith.constant 0 : i32
    %dma_start3A_115 = arith.constant 0 : i32
    %dma_start3A_116 = tpu.memref_slice %arg4[%dma_start3A_114, %add3A_110, %dma_start3A_115] : memref<4x4096x1024xf32, #tpu.memory_space<hbm>> -> memref<4x8x1024xf32, #tpu.memory_space<hbm>>
    tpu.enqueue_dma source(%arg10 : memref<4x8x1024xf32, #tpu.memory_space<vmem>>) target(%dma_start3A_116 : memref<4x8x1024xf32, #tpu.memory_space<hbm>>) target_semaphore(%arg16 : memref<!tpu.dma_semaphore, #tpu.memory_space<semaphore_mem>>)
    %dma_wait3A_117 = arith.constant 0 : i32
    %dma_wait3A_118 = tpu.memref_slice %arg3[%add3A_95, %dma_wait3A_117] : memref<4096x1024xf32, #tpu.memory_space<hbm>> -> memref<8x1024xf32, #tpu.memory_space<hbm>>
    %dma_wait3A_119 = arith.constant 0 : i32
    %dma_wait3A_120 = tpu.memref_slice %arg3[%add3A_95, %dma_wait3A_119] : memref<4096x1024xf32, #tpu.memory_space<hbm>> -> memref<8x1024xf32, #tpu.memory_space<hbm>>
    tpu.wait_dma2 semaphore(%arg11 : memref<!tpu.dma_semaphore, #tpu.memory_space<semaphore_mem>>) src(%dma_wait3A_120 : memref<8x1024xf32, #tpu.memory_space<hbm>>) dst(%arg5 : memref<8x1024xf32, #tpu.memory_space<vmem>>)
    %dma_wait3A_121 = arith.constant 0 : i32
    %dma_wait3A_122 = arith.constant 0 : i32
    %dma_wait3A_123 = tpu.memref_slice %arg2[%dma_wait3A_121, %add3A_95, %dma_wait3A_122] : memref<4x4096x1024xf32, #tpu.memory_space<hbm>> -> memref<4x8x1024xf32, #tpu.memory_space<hbm>>
    %dma_wait3A_124 = arith.constant 0 : i32
    %dma_wait3A_125 = arith.constant 0 : i32
    %dma_wait3A_126 = tpu.memref_slice %arg2[%dma_wait3A_124, %add3A_95, %dma_wait3A_125] : memref<4x4096x1024xf32, #tpu.memory_space<hbm>> -> memref<4x8x1024xf32, #tpu.memory_space<hbm>>
    tpu.wait_dma2 semaphore(%arg11 : memref<!tpu.dma_semaphore, #tpu.memory_space<semaphore_mem>>) src(%dma_wait3A_126 : memref<4x8x1024xf32, #tpu.memory_space<hbm>>) dst(%arg8 : memref<4x8x1024xf32, #tpu.memory_space<vmem>>)
    %dma_wait3A_127 = arith.constant 0 : i32
    %dma_wait3A_128 = arith.constant 0 : i32
    %dma_wait3A_129 = tpu.memref_slice %arg4[%dma_wait3A_127, %add3A_71, %dma_wait3A_128] : memref<4x4096x1024xf32, #tpu.memory_space<hbm>> -> memref<4x8x1024xf32, #tpu.memory_space<hbm>>
    %dma_wait3A_130 = arith.constant 0 : i32
    %dma_wait3A_131 = arith.constant 0 : i32
    %dma_wait3A_132 = tpu.memref_slice %arg4[%dma_wait3A_130, %add3A_71, %dma_wait3A_131] : memref<4x4096x1024xf32, #tpu.memory_space<hbm>> -> memref<4x8x1024xf32, #tpu.memory_space<hbm>>
    tpu.wait_dma2 semaphore(%arg15 : memref<!tpu.dma_semaphore, #tpu.memory_space<semaphore_mem>>) src(%arg9 : memref<4x8x1024xf32, #tpu.memory_space<vmem>>) dst(%dma_wait3A_132 : memref<4x8x1024xf32, #tpu.memory_space<hbm>>)
    %add3A_133 = arith.constant 32 : i32
    %add3A_134 = arith.addi %mul3A_2, %add3A_133 : i32
    %dma_start3A_135 = arith.constant 0 : i32
    %dma_start3A_136 = tpu.memref_slice %arg3[%add3A_134, %dma_start3A_135] : memref<4096x1024xf32, #tpu.memory_space<hbm>> -> memref<8x1024xf32, #tpu.memory_space<hbm>>
    %dma_start3A_137 = arith.constant 0 : i32
    %dma_start3A_138 = tpu.memref_slice %arg3[%add3A_134, %dma_start3A_137] : memref<4096x1024xf32, #tpu.memory_space<hbm>> -> memref<8x1024xf32, #tpu.memory_space<hbm>>
    tpu.enqueue_dma source(%dma_start3A_138 : memref<8x1024xf32, #tpu.memory_space<hbm>>) target(%arg6 : memref<8x1024xf32, #tpu.memory_space<vmem>>) target_semaphore(%arg12 : memref<!tpu.dma_semaphore, #tpu.memory_space<semaphore_mem>>)
    %dma_start3A_139 = arith.constant 0 : i32
    %dma_start3A_140 = arith.constant 0 : i32
    %dma_start3A_141 = tpu.memref_slice %arg2[%dma_start3A_139, %add3A_134, %dma_start3A_140] : memref<4x4096x1024xf32, #tpu.memory_space<hbm>> -> memref<4x8x1024xf32, #tpu.memory_space<hbm>>
    %dma_start3A_142 = arith.constant 0 : i32
    %dma_start3A_143 = arith.constant 0 : i32
    %dma_start3A_144 = tpu.memref_slice %arg2[%dma_start3A_142, %add3A_134, %dma_start3A_143] : memref<4x4096x1024xf32, #tpu.memory_space<hbm>> -> memref<4x8x1024xf32, #tpu.memory_space<hbm>>
    tpu.enqueue_dma source(%dma_start3A_144 : memref<4x8x1024xf32, #tpu.memory_space<hbm>>) target(%arg9 : memref<4x8x1024xf32, #tpu.memory_space<vmem>>) target_semaphore(%arg12 : memref<!tpu.dma_semaphore, #tpu.memory_space<semaphore_mem>>)
    %parallel_loop3A_145 = arith.constant 0 : i32
    %parallel_loop3A_146 = arith.constant 8192 : i32
    %parallel_loop3A_147 = arith.constant 16 : i32
    scf.for %parallel_loop3A_624 = %parallel_loop3A_145 to %parallel_loop3A_146 step %parallel_loop3A_147  : i32 {
      %parallel_loop3A_625 = arith.constant 10 : i32
      %parallel_loop3A_626 = arith.shrui %parallel_loop3A_624, %parallel_loop3A_625 : i32
      %parallel_loop3A_627 = arith.constant 1023 : i32
      %parallel_loop3A_628 = arith.andi %parallel_loop3A_624, %parallel_loop3A_627 : i32
      %parallel_loop3A_629 = tpu.assume_multiple %parallel_loop3A_628, 16 : i32
      %parallel_loop3A_630 = arith.index_cast %parallel_loop3A_626 : i32 to index
      %parallel_loop3A_631 = arith.index_cast %parallel_loop3A_629 : i32 to index
      %parallel_loop3A_632 = tpu.vector_load %arg5[%parallel_loop3A_630, %parallel_loop3A_631] {strides = array<i32>} : memref<8x1024xf32, #tpu.memory_space<vmem>>, vector<1x16xf32>,
      %parallel_loop3A_633 = vector.shape_cast %parallel_loop3A_632 : vector<1x16xf32> to vector<16xf32>
      %parallel_loop3A_634 = arith.constant 0 : i32
      %parallel_loop3A_635 = arith.index_cast %parallel_loop3A_634 : i32 to index
      %parallel_loop3A_636 = arith.index_cast %parallel_loop3A_626 : i32 to index
      %parallel_loop3A_637 = arith.index_cast %parallel_loop3A_629 : i32 to index
      %parallel_loop3A_638 = tpu.vector_load %arg8[%parallel_loop3A_635, %parallel_loop3A_636, %parallel_loop3A_637] {strides = array<i32>} : memref<4x8x1024xf32, #tpu.memory_space<vmem>>, vector<1x1x16xf32>,
      %parallel_loop3A_639 = vector.shape_cast %parallel_loop3A_638 : vector<1x1x16xf32> to vector<16xf32>
      %parallel_loop3A_640 = arith.addf %parallel_loop3A_639, %parallel_loop3A_633 : vector<16xf32>
      %parallel_loop3A_641 = arith.constant 0 : i32
      %parallel_loop3A_642 = arith.index_cast %parallel_loop3A_641 : i32 to index
      %parallel_loop3A_643 = arith.index_cast %parallel_loop3A_626 : i32 to index
      %parallel_loop3A_644 = arith.index_cast %parallel_loop3A_629 : i32 to index
      %parallel_loop3A_645 = tpu.vector_load %arg8[%parallel_loop3A_642, %parallel_loop3A_643, %parallel_loop3A_644] {strides = array<i32>} : memref<4x8x1024xf32, #tpu.memory_space<vmem>>, vector<1x1x16xf32>,
      %parallel_loop3A_646 = vector.shape_cast %parallel_loop3A_645 : vector<1x1x16xf32> to vector<16xf32>
      %parallel_loop3A_647 = vector.shape_cast %parallel_loop3A_640 : vector<16xf32> to vector<1x1x16xf32>
      tpu.vector_store %arg8[%parallel_loop3A_642, %parallel_loop3A_643, %parallel_loop3A_644], %parallel_loop3A_647 {strides = array<i32>} : memref<4x8x1024xf32, #tpu.memory_space<vmem>>, vector<1x1x16xf32>,
      %parallel_loop3A_648 = arith.constant 1 : i32
      %parallel_loop3A_649 = arith.index_cast %parallel_loop3A_648 : i32 to index
      %parallel_loop3A_650 = arith.index_cast %parallel_loop3A_626 : i32 to index
      %parallel_loop3A_651 = arith.index_cast %parallel_loop3A_629 : i32 to index
      %parallel_loop3A_652 = tpu.vector_load %arg8[%parallel_loop3A_649, %parallel_loop3A_650, %parallel_loop3A_651] {strides = array<i32>} : memref<4x8x1024xf32, #tpu.memory_space<vmem>>, vector<1x1x16xf32>,
      %parallel_loop3A_653 = vector.shape_cast %parallel_loop3A_652 : vector<1x1x16xf32> to vector<16xf32>
      %parallel_loop3A_654 = arith.addf %parallel_loop3A_653, %parallel_loop3A_633 : vector<16xf32>
      %parallel_loop3A_655 = arith.constant 1 : i32
      %parallel_loop3A_656 = arith.index_cast %parallel_loop3A_655 : i32 to index
      %parallel_loop3A_657 = arith.index_cast %parallel_loop3A_626 : i32 to index
      %parallel_loop3A_658 = arith.index_cast %parallel_loop3A_629 : i32 to index
      %parallel_loop3A_659 = tpu.vector_load %arg8[%parallel_loop3A_656, %parallel_loop3A_657, %parallel_loop3A_658] {strides = array<i32>} : memref<4x8x1024xf32, #tpu.memory_space<vmem>>, vector<1x1x16xf32>,
      %parallel_loop3A_660 = vector.shape_cast %parallel_loop3A_659 : vector<1x1x16xf32> to vector<16xf32>
      %parallel_loop3A_661 = vector.shape_cast %parallel_loop3A_654 : vector<16xf32> to vector<1x1x16xf32>
      tpu.vector_store %arg8[%parallel_loop3A_656, %parallel_loop3A_657, %parallel_loop3A_658], %parallel_loop3A_661 {strides = array<i32>} : memref<4x8x1024xf32, #tpu.memory_space<vmem>>, vector<1x1x16xf32>,
      %parallel_loop3A_662 = arith.constant 2 : i32
      %parallel_loop3A_663 = arith.index_cast %parallel_loop3A_662 : i32 to index
      %parallel_loop3A_664 = arith.index_cast %parallel_loop3A_626 : i32 to index
      %parallel_loop3A_665 = arith.index_cast %parallel_loop3A_629 : i32 to index
      %parallel_loop3A_666 = tpu.vector_load %arg8[%parallel_loop3A_663, %parallel_loop3A_664, %parallel_loop3A_665] {strides = array<i32>} : memref<4x8x1024xf32, #tpu.memory_space<vmem>>, vector<1x1x16xf32>,
      %parallel_loop3A_667 = vector.shape_cast %parallel_loop3A_666 : vector<1x1x16xf32> to vector<16xf32>
      %parallel_loop3A_668 = arith.addf %parallel_loop3A_667, %parallel_loop3A_633 : vector<16xf32>
      %parallel_loop3A_669 = arith.constant 2 : i32
      %parallel_loop3A_670 = arith.index_cast %parallel_loop3A_669 : i32 to index
      %parallel_loop3A_671 = arith.index_cast %parallel_loop3A_626 : i32 to index
      %parallel_loop3A_672 = arith.index_cast %parallel_loop3A_629 : i32 to index
      %parallel_loop3A_673 = tpu.vector_load %arg8[%parallel_loop3A_670, %parallel_loop3A_671, %parallel_loop3A_672] {strides = array<i32>} : memref<4x8x1024xf32, #tpu.memory_space<vmem>>, vector<1x1x16xf32>,
      %parallel_loop3A_674 = vector.shape_cast %parallel_loop3A_673 : vector<1x1x16xf32> to vector<16xf32>
      %parallel_loop3A_675 = vector.shape_cast %parallel_loop3A_668 : vector<16xf32> to vector<1x1x16xf32>
      tpu.vector_store %arg8[%parallel_loop3A_670, %parallel_loop3A_671, %parallel_loop3A_672], %parallel_loop3A_675 {strides = array<i32>} : memref<4x8x1024xf32, #tpu.memory_space<vmem>>, vector<1x1x16xf32>,
      %parallel_loop3A_676 = arith.constant 3 : i32
      %parallel_loop3A_677 = arith.index_cast %parallel_loop3A_676 : i32 to index
      %parallel_loop3A_678 = arith.index_cast %parallel_loop3A_626 : i32 to index
      %parallel_loop3A_679 = arith.index_cast %parallel_loop3A_629 : i32 to index
      %parallel_loop3A_680 = tpu.vector_load %arg8[%parallel_loop3A_677, %parallel_loop3A_678, %parallel_loop3A_679] {strides = array<i32>} : memref<4x8x1024xf32, #tpu.memory_space<vmem>>, vector<1x1x16xf32>,
      %parallel_loop3A_681 = vector.shape_cast %parallel_loop3A_680 : vector<1x1x16xf32> to vector<16xf32>
      %parallel_loop3A_682 = arith.addf %parallel_loop3A_681, %parallel_loop3A_633 : vector<16xf32>
      %parallel_loop3A_683 = arith.constant 3 : i32
      %parallel_loop3A_684 = arith.index_cast %parallel_loop3A_683 : i32 to index
      %parallel_loop3A_685 = arith.index_cast %parallel_loop3A_626 : i32 to index
      %parallel_loop3A_686 = arith.index_cast %parallel_loop3A_629 : i32 to index
      %parallel_loop3A_687 = tpu.vector_load %arg8[%parallel_loop3A_684, %parallel_loop3A_685, %parallel_loop3A_686] {strides = array<i32>} : memref<4x8x1024xf32, #tpu.memory_space<vmem>>, vector<1x1x16xf32>,
      %parallel_loop3A_688 = vector.shape_cast %parallel_loop3A_687 : vector<1x1x16xf32> to vector<16xf32>
      %parallel_loop3A_689 = vector.shape_cast %parallel_loop3A_682 : vector<16xf32> to vector<1x1x16xf32>
      tpu.vector_store %arg8[%parallel_loop3A_684, %parallel_loop3A_685, %parallel_loop3A_686], %parallel_loop3A_689 {strides = array<i32>} : memref<4x8x1024xf32, #tpu.memory_space<vmem>>, vector<1x1x16xf32>,
    } {sc.loop_unroll_factor = 8 : i64, sc.parallel_access}
    %add3A_148 = arith.constant 24 : i32
    %add3A_149 = arith.addi %mul3A_2, %add3A_148 : i32
    %dma_start3A_150 = arith.constant 0 : i32
    %dma_start3A_151 = arith.constant 0 : i32
    %dma_start3A_152 = tpu.memref_slice %arg4[%dma_start3A_150, %add3A_149, %dma_start3A_151] : memref<4x4096x1024xf32, #tpu.memory_space<hbm>> -> memref<4x8x1024xf32, #tpu.memory_space<hbm>>
    %dma_start3A_153 = arith.constant 0 : i32
    %dma_start3A_154 = arith.constant 0 : i32
    %dma_start3A_155 = tpu.memref_slice %arg4[%dma_start3A_153, %add3A_149, %dma_start3A_154] : memref<4x4096x1024xf32, #tpu.memory_space<hbm>> -> memref<4x8x1024xf32, #tpu.memory_space<hbm>>
    tpu.enqueue_dma source(%arg8 : memref<4x8x1024xf32, #tpu.memory_space<vmem>>) target(%dma_start3A_155 : memref<4x8x1024xf32, #tpu.memory_space<hbm>>) target_semaphore(%arg14 : memref<!tpu.dma_semaphore, #tpu.memory_space<semaphore_mem>>)
    %dma_wait3A_156 = arith.constant 0 : i32
    %dma_wait3A_157 = tpu.memref_slice %arg3[%add3A_134, %dma_wait3A_156] : memref<4096x1024xf32, #tpu.memory_space<hbm>> -> memref<8x1024xf32, #tpu.memory_space<hbm>>
    %dma_wait3A_158 = arith.constant 0 : i32
    %dma_wait3A_159 = tpu.memref_slice %arg3[%add3A_134, %dma_wait3A_158] : memref<4096x1024xf32, #tpu.memory_space<hbm>> -> memref<8x1024xf32, #tpu.memory_space<hbm>>
    tpu.wait_dma2 semaphore(%arg12 : memref<!tpu.dma_semaphore, #tpu.memory_space<semaphore_mem>>) src(%dma_wait3A_159 : memref<8x1024xf32, #tpu.memory_space<hbm>>) dst(%arg6 : memref<8x1024xf32, #tpu.memory_space<vmem>>)
    %dma_wait3A_160 = arith.constant 0 : i32
    %dma_wait3A_161 = arith.constant 0 : i32
    %dma_wait3A_162 = tpu.memref_slice %arg2[%dma_wait3A_160, %add3A_134, %dma_wait3A_161] : memref<4x4096x1024xf32, #tpu.memory_space<hbm>> -> memref<4x8x1024xf32, #tpu.memory_space<hbm>>
    %dma_wait3A_163 = arith.constant 0 : i32
    %dma_wait3A_164 = arith.constant 0 : i32
    %dma_wait3A_165 = tpu.memref_slice %arg2[%dma_wait3A_163, %add3A_134, %dma_wait3A_164] : memref<4x4096x1024xf32, #tpu.memory_space<hbm>> -> memref<4x8x1024xf32, #tpu.memory_space<hbm>>
    tpu.wait_dma2 semaphore(%arg12 : memref<!tpu.dma_semaphore, #tpu.memory_space<semaphore_mem>>) src(%dma_wait3A_165 : memref<4x8x1024xf32, #tpu.memory_space<hbm>>) dst(%arg9 : memref<4x8x1024xf32, #tpu.memory_space<vmem>>)
    %dma_wait3A_166 = arith.constant 0 : i32
    %dma_wait3A_167 = arith.constant 0 : i32
    %dma_wait3A_168 = tpu.memref_slice %arg4[%dma_wait3A_166, %add3A_110, %dma_wait3A_167] : memref<4x4096x1024xf32, #tpu.memory_space<hbm>> -> memref<4x8x1024xf32, #tpu.memory_space<hbm>>
    %dma_wait3A_169 = arith.constant 0 : i32
    %dma_wait3A_170 = arith.constant 0 : i32
    %dma_wait3A_171 = tpu.memref_slice %arg4[%dma_wait3A_169, %add3A_110, %dma_wait3A_170] : memref<4x4096x1024xf32, #tpu.memory_space<hbm>> -> memref<4x8x1024xf32, #tpu.memory_space<hbm>>
    tpu.wait_dma2 semaphore(%arg16 : memref<!tpu.dma_semaphore, #tpu.memory_space<semaphore_mem>>) src(%arg10 : memref<4x8x1024xf32, #tpu.memory_space<vmem>>) dst(%dma_wait3A_171 : memref<4x8x1024xf32, #tpu.memory_space<hbm>>)
    %add3A_172 = arith.constant 40 : i32
    %add3A_173 = arith.addi %mul3A_2, %add3A_172 : i32
    %dma_start3A_174 = arith.constant 0 : i32
    %dma_start3A_175 = tpu.memref_slice %arg3[%add3A_173, %dma_start3A_174] : memref<4096x1024xf32, #tpu.memory_space<hbm>> -> memref<8x1024xf32, #tpu.memory_space<hbm>>
    %dma_start3A_176 = arith.constant 0 : i32
    %dma_start3A_177 = tpu.memref_slice %arg3[%add3A_173, %dma_start3A_176] : memref<4096x1024xf32, #tpu.memory_space<hbm>> -> memref<8x1024xf32, #tpu.memory_space<hbm>>
    tpu.enqueue_dma source(%dma_start3A_177 : memref<8x1024xf32, #tpu.memory_space<hbm>>) target(%arg7 : memref<8x1024xf32, #tpu.memory_space<vmem>>) target_semaphore(%arg13 : memref<!tpu.dma_semaphore, #tpu.memory_space<semaphore_mem>>)
    %dma_start3A_178 = arith.constant 0 : i32
    %dma_start3A_179 = arith.constant 0 : i32
    %dma_start3A_180 = tpu.memref_slice %arg2[%dma_start3A_178, %add3A_173, %dma_start3A_179] : memref<4x4096x1024xf32, #tpu.memory_space<hbm>> -> memref<4x8x1024xf32, #tpu.memory_space<hbm>>
    %dma_start3A_181 = arith.constant 0 : i32
    %dma_start3A_182 = arith.constant 0 : i32
    %dma_start3A_183 = tpu.memref_slice %arg2[%dma_start3A_181, %add3A_173, %dma_start3A_182] : memref<4x4096x1024xf32, #tpu.memory_space<hbm>> -> memref<4x8x1024xf32, #tpu.memory_space<hbm>>
    tpu.enqueue_dma source(%dma_start3A_183 : memref<4x8x1024xf32, #tpu.memory_space<hbm>>) target(%arg10 : memref<4x8x1024xf32, #tpu.memory_space<vmem>>) target_semaphore(%arg13 : memref<!tpu.dma_semaphore, #tpu.memory_space<semaphore_mem>>)
    %parallel_loop3A_184 = arith.constant 0 : i32
    %parallel_loop3A_185 = arith.constant 8192 : i32
    %parallel_loop3A_186 = arith.constant 16 : i32
    scf.for %parallel_loop3A_624 = %parallel_loop3A_184 to %parallel_loop3A_185 step %parallel_loop3A_186  : i32 {
      %parallel_loop3A_625 = arith.constant 10 : i32
      %parallel_loop3A_626 = arith.shrui %parallel_loop3A_624, %parallel_loop3A_625 : i32
      %parallel_loop3A_627 = arith.constant 1023 : i32
      %parallel_loop3A_628 = arith.andi %parallel_loop3A_624, %parallel_loop3A_627 : i32
      %parallel_loop3A_629 = tpu.assume_multiple %parallel_loop3A_628, 16 : i32
      %parallel_loop3A_630 = arith.index_cast %parallel_loop3A_626 : i32 to index
      %parallel_loop3A_631 = arith.index_cast %parallel_loop3A_629 : i32 to index
      %parallel_loop3A_632 = tpu.vector_load %arg6[%parallel_loop3A_630, %parallel_loop3A_631] {strides = array<i32>} : memref<8x1024xf32, #tpu.memory_space<vmem>>, vector<1x16xf32>,
      %parallel_loop3A_633 = vector.shape_cast %parallel_loop3A_632 : vector<1x16xf32> to vector<16xf32>
      %parallel_loop3A_634 = arith.constant 0 : i32
      %parallel_loop3A_635 = arith.index_cast %parallel_loop3A_634 : i32 to index
      %parallel_loop3A_636 = arith.index_cast %parallel_loop3A_626 : i32 to index
      %parallel_loop3A_637 = arith.index_cast %parallel_loop3A_629 : i32 to index
      %parallel_loop3A_638 = tpu.vector_load %arg9[%parallel_loop3A_635, %parallel_loop3A_636, %parallel_loop3A_637] {strides = array<i32>} : memref<4x8x1024xf32, #tpu.memory_space<vmem>>, vector<1x1x16xf32>,
      %parallel_loop3A_639 = vector.shape_cast %parallel_loop3A_638 : vector<1x1x16xf32> to vector<16xf32>
      %parallel_loop3A_640 = arith.addf %parallel_loop3A_639, %parallel_loop3A_633 : vector<16xf32>
      %parallel_loop3A_641 = arith.constant 0 : i32
      %parallel_loop3A_642 = arith.index_cast %parallel_loop3A_641 : i32 to index
      %parallel_loop3A_643 = arith.index_cast %parallel_loop3A_626 : i32 to index
      %parallel_loop3A_644 = arith.index_cast %parallel_loop3A_629 : i32 to index
      %parallel_loop3A_645 = tpu.vector_load %arg9[%parallel_loop3A_642, %parallel_loop3A_643, %parallel_loop3A_644] {strides = array<i32>} : memref<4x8x1024xf32, #tpu.memory_space<vmem>>, vector<1x1x16xf32>,
      %parallel_loop3A_646 = vector.shape_cast %parallel_loop3A_645 : vector<1x1x16xf32> to vector<16xf32>
      %parallel_loop3A_647 = vector.shape_cast %parallel_loop3A_640 : vector<16xf32> to vector<1x1x16xf32>
      tpu.vector_store %arg9[%parallel_loop3A_642, %parallel_loop3A_643, %parallel_loop3A_644], %parallel_loop3A_647 {strides = array<i32>} : memref<4x8x1024xf32, #tpu.memory_space<vmem>>, vector<1x1x16xf32>,
      %parallel_loop3A_648 = arith.constant 1 : i32
      %parallel_loop3A_649 = arith.index_cast %parallel_loop3A_648 : i32 to index
      %parallel_loop3A_650 = arith.index_cast %parallel_loop3A_626 : i32 to index
      %parallel_loop3A_651 = arith.index_cast %parallel_loop3A_629 : i32 to index
      %parallel_loop3A_652 = tpu.vector_load %arg9[%parallel_loop3A_649, %parallel_loop3A_650, %parallel_loop3A_651] {strides = array<i32>} : memref<4x8x1024xf32, #tpu.memory_space<vmem>>, vector<1x1x16xf32>,
      %parallel_loop3A_653 = vector.shape_cast %parallel_loop3A_652 : vector<1x1x16xf32> to vector<16xf32>
      %parallel_loop3A_654 = arith.addf %parallel_loop3A_653, %parallel_loop3A_633 : vector<16xf32>
      %parallel_loop3A_655 = arith.constant 1 : i32
      %parallel_loop3A_656 = arith.index_cast %parallel_loop3A_655 : i32 to index
      %parallel_loop3A_657 = arith.index_cast %parallel_loop3A_626 : i32 to index
      %parallel_loop3A_658 = arith.index_cast %parallel_loop3A_629 : i32 to index
      %parallel_loop3A_659 = tpu.vector_load %arg9[%parallel_loop3A_656, %parallel_loop3A_657, %parallel_loop3A_658] {strides = array<i32>} : memref<4x8x1024xf32, #tpu.memory_space<vmem>>, vector<1x1x16xf32>,
      %parallel_loop3A_660 = vector.shape_cast %parallel_loop3A_659 : vector<1x1x16xf32> to vector<16xf32>
      %parallel_loop3A_661 = vector.shape_cast %parallel_loop3A_654 : vector<16xf32> to vector<1x1x16xf32>
      tpu.vector_store %arg9[%parallel_loop3A_656, %parallel_loop3A_657, %parallel_loop3A_658], %parallel_loop3A_661 {strides = array<i32>} : memref<4x8x1024xf32, #tpu.memory_space<vmem>>, vector<1x1x16xf32>,
      %parallel_loop3A_662 = arith.constant 2 : i32
      %parallel_loop3A_663 = arith.index_cast %parallel_loop3A_662 : i32 to index
      %parallel_loop3A_664 = arith.index_cast %parallel_loop3A_626 : i32 to index
      %parallel_loop3A_665 = arith.index_cast %parallel_loop3A_629 : i32 to index
      %parallel_loop3A_666 = tpu.vector_load %arg9[%parallel_loop3A_663, %parallel_loop3A_664, %parallel_loop3A_665] {strides = array<i32>} : memref<4x8x1024xf32, #tpu.memory_space<vmem>>, vector<1x1x16xf32>,
      %parallel_loop3A_667 = vector.shape_cast %parallel_loop3A_666 : vector<1x1x16xf32> to vector<16xf32>
      %parallel_loop3A_668 = arith.addf %parallel_loop3A_667, %parallel_loop3A_633 : vector<16xf32>
      %parallel_loop3A_669 = arith.constant 2 : i32
      %parallel_loop3A_670 = arith.index_cast %parallel_loop3A_669 : i32 to index
      %parallel_loop3A_671 = arith.index_cast %parallel_loop3A_626 : i32 to index
      %parallel_loop3A_672 = arith.index_cast %parallel_loop3A_629 : i32 to index
      %parallel_loop3A_673 = tpu.vector_load %arg9[%parallel_loop3A_670, %parallel_loop3A_671, %parallel_loop3A_672] {strides = array<i32>} : memref<4x8x1024xf32, #tpu.memory_space<vmem>>, vector<1x1x16xf32>,
      %parallel_loop3A_674 = vector.shape_cast %parallel_loop3A_673 : vector<1x1x16xf32> to vector<16xf32>
      %parallel_loop3A_675 = vector.shape_cast %parallel_loop3A_668 : vector<16xf32> to vector<1x1x16xf32>
      tpu.vector_store %arg9[%parallel_loop3A_670, %parallel_loop3A_671, %parallel_loop3A_672], %parallel_loop3A_675 {strides = array<i32>} : memref<4x8x1024xf32, #tpu.memory_space<vmem>>, vector<1x1x16xf32>,
      %parallel_loop3A_676 = arith.constant 3 : i32
      %parallel_loop3A_677 = arith.index_cast %parallel_loop3A_676 : i32 to index
      %parallel_loop3A_678 = arith.index_cast %parallel_loop3A_626 : i32 to index
      %parallel_loop3A_679 = arith.index_cast %parallel_loop3A_629 : i32 to index
      %parallel_loop3A_680 = tpu.vector_load %arg9[%parallel_loop3A_677, %parallel_loop3A_678, %parallel_loop3A_679] {strides = array<i32>} : memref<4x8x1024xf32, #tpu.memory_space<vmem>>, vector<1x1x16xf32>,
      %parallel_loop3A_681 = vector.shape_cast %parallel_loop3A_680 : vector<1x1x16xf32> to vector<16xf32>
      %parallel_loop3A_682 = arith.addf %parallel_loop3A_681, %parallel_loop3A_633 : vector<16xf32>
      %parallel_loop3A_683 = arith.constant 3 : i32
      %parallel_loop3A_684 = arith.index_cast %parallel_loop3A_683 : i32 to index
      %parallel_loop3A_685 = arith.index_cast %parallel_loop3A_626 : i32 to index
      %parallel_loop3A_686 = arith.index_cast %parallel_loop3A_629 : i32 to index
      %parallel_loop3A_687 = tpu.vector_load %arg9[%parallel_loop3A_684, %parallel_loop3A_685, %parallel_loop3A_686] {strides = array<i32>} : memref<4x8x1024xf32, #tpu.memory_space<vmem>>, vector<1x1x16xf32>,
      %parallel_loop3A_688 = vector.shape_cast %parallel_loop3A_687 : vector<1x1x16xf32> to vector<16xf32>
      %parallel_loop3A_689 = vector.shape_cast %parallel_loop3A_682 : vector<16xf32> to vector<1x1x16xf32>
      tpu.vector_store %arg9[%parallel_loop3A_684, %parallel_loop3A_685, %parallel_loop3A_686], %parallel_loop3A_689 {strides = array<i32>} : memref<4x8x1024xf32, #tpu.memory_space<vmem>>, vector<1x1x16xf32>,
    } {sc.loop_unroll_factor = 8 : i64, sc.parallel_access}
    %add3A_187 = arith.constant 32 : i32
    %add3A_188 = arith.addi %mul3A_2, %add3A_187 : i32
    %dma_start3A_189 = arith.constant 0 : i32
    %dma_start3A_190 = arith.constant 0 : i32
    %dma_start3A_191 = tpu.memref_slice %arg4[%dma_start3A_189, %add3A_188, %dma_start3A_190] : memref<4x4096x1024xf32, #tpu.memory_space<hbm>> -> memref<4x8x1024xf32, #tpu.memory_space<hbm>>
    %dma_start3A_192 = arith.constant 0 : i32
    %dma_start3A_193 = arith.constant 0 : i32
    %dma_start3A_194 = tpu.memref_slice %arg4[%dma_start3A_192, %add3A_188, %dma_start3A_193] : memref<4x4096x1024xf32, #tpu.memory_space<hbm>> -> memref<4x8x1024xf32, #tpu.memory_space<hbm>>
    tpu.enqueue_dma source(%arg9 : memref<4x8x1024xf32, #tpu.memory_space<vmem>>) target(%dma_start3A_194 : memref<4x8x1024xf32, #tpu.memory_space<hbm>>) target_semaphore(%arg15 : memref<!tpu.dma_semaphore, #tpu.memory_space<semaphore_mem>>)
    %dma_wait3A_195 = arith.constant 0 : i32
    %dma_wait3A_196 = tpu.memref_slice %arg3[%add3A_173, %dma_wait3A_195] : memref<4096x1024xf32, #tpu.memory_space<hbm>> -> memref<8x1024xf32, #tpu.memory_space<hbm>>
    %dma_wait3A_197 = arith.constant 0 : i32
    %dma_wait3A_198 = tpu.memref_slice %arg3[%add3A_173, %dma_wait3A_197] : memref<4096x1024xf32, #tpu.memory_space<hbm>> -> memref<8x1024xf32, #tpu.memory_space<hbm>>
    tpu.wait_dma2 semaphore(%arg13 : memref<!tpu.dma_semaphore, #tpu.memory_space<semaphore_mem>>) src(%dma_wait3A_198 : memref<8x1024xf32, #tpu.memory_space<hbm>>) dst(%arg7 : memref<8x1024xf32, #tpu.memory_space<vmem>>)
    %dma_wait3A_199 = arith.constant 0 : i32
    %dma_wait3A_200 = arith.constant 0 : i32
    %dma_wait3A_201 = tpu.memref_slice %arg2[%dma_wait3A_199, %add3A_173, %dma_wait3A_200] : memref<4x4096x1024xf32, #tpu.memory_space<hbm>> -> memref<4x8x1024xf32, #tpu.memory_space<hbm>>
    %dma_wait3A_202 = arith.constant 0 : i32
    %dma_wait3A_203 = arith.constant 0 : i32
    %dma_wait3A_204 = tpu.memref_slice %arg2[%dma_wait3A_202, %add3A_173, %dma_wait3A_203] : memref<4x4096x1024xf32, #tpu.memory_space<hbm>> -> memref<4x8x1024xf32, #tpu.memory_space<hbm>>
    tpu.wait_dma2 semaphore(%arg13 : memref<!tpu.dma_semaphore, #tpu.memory_space<semaphore_mem>>) src(%dma_wait3A_204 : memref<4x8x1024xf32, #tpu.memory_space<hbm>>) dst(%arg10 : memref<4x8x1024xf32, #tpu.memory_space<vmem>>)
    %dma_wait3A_205 = arith.constant 0 : i32
    %dma_wait3A_206 = arith.constant 0 : i32
    %dma_wait3A_207 = tpu.memref_slice %arg4[%dma_wait3A_205, %add3A_149, %dma_wait3A_206] : memref<4x4096x1024xf32, #tpu.memory_space<hbm>> -> memref<4x8x1024xf32, #tpu.memory_space<hbm>>
    %dma_wait3A_208 = arith.constant 0 : i32
    %dma_wait3A_209 = arith.constant 0 : i32
    %dma_wait3A_210 = tpu.memref_slice %arg4[%dma_wait3A_208, %add3A_149, %dma_wait3A_209] : memref<4x4096x1024xf32, #tpu.memory_space<hbm>> -> memref<4x8x1024xf32, #tpu.memory_space<hbm>>
    tpu.wait_dma2 semaphore(%arg14 : memref<!tpu.dma_semaphore, #tpu.memory_space<semaphore_mem>>) src(%arg8 : memref<4x8x1024xf32, #tpu.memory_space<vmem>>) dst(%dma_wait3A_210 : memref<4x8x1024xf32, #tpu.memory_space<hbm>>)
    %add3A_211 = arith.constant 48 : i32
    %add3A_212 = arith.addi %mul3A_2, %add3A_211 : i32
    %dma_start3A_213 = arith.constant 0 : i32
    %dma_start3A_214 = tpu.memref_slice %arg3[%add3A_212, %dma_start3A_213] : memref<4096x1024xf32, #tpu.memory_space<hbm>> -> memref<8x1024xf32, #tpu.memory_space<hbm>>
    %dma_start3A_215 = arith.constant 0 : i32
    %dma_start3A_216 = tpu.memref_slice %arg3[%add3A_212, %dma_start3A_215] : memref<4096x1024xf32, #tpu.memory_space<hbm>> -> memref<8x1024xf32, #tpu.memory_space<hbm>>
    tpu.enqueue_dma source(%dma_start3A_216 : memref<8x1024xf32, #tpu.memory_space<hbm>>) target(%arg5 : memref<8x1024xf32, #tpu.memory_space<vmem>>) target_semaphore(%arg11 : memref<!tpu.dma_semaphore, #tpu.memory_space<semaphore_mem>>)
    %dma_start3A_217 = arith.constant 0 : i32
    %dma_start3A_218 = arith.constant 0 : i32
    %dma_start3A_219 = tpu.memref_slice %arg2[%dma_start3A_217, %add3A_212, %dma_start3A_218] : memref<4x4096x1024xf32, #tpu.memory_space<hbm>> -> memref<4x8x1024xf32, #tpu.memory_space<hbm>>
    %dma_start3A_220 = arith.constant 0 : i32
    %dma_start3A_221 = arith.constant 0 : i32
    %dma_start3A_222 = tpu.memref_slice %arg2[%dma_start3A_220, %add3A_212, %dma_start3A_221] : memref<4x4096x1024xf32, #tpu.memory_space<hbm>> -> memref<4x8x1024xf32, #tpu.memory_space<hbm>>
    tpu.enqueue_dma source(%dma_start3A_222 : memref<4x8x1024xf32, #tpu.memory_space<hbm>>) target(%arg8 : memref<4x8x1024xf32, #tpu.memory_space<vmem>>) target_semaphore(%arg11 : memref<!tpu.dma_semaphore, #tpu.memory_space<semaphore_mem>>)
    %parallel_loop3A_223 = arith.constant 0 : i32
    %parallel_loop3A_224 = arith.constant 8192 : i32
    %parallel_loop3A_225 = arith.constant 16 : i32
    scf.for %parallel_loop3A_624 = %parallel_loop3A_223 to %parallel_loop3A_224 step %parallel_loop3A_225  : i32 {
      %parallel_loop3A_625 = arith.constant 10 : i32
      %parallel_loop3A_626 = arith.shrui %parallel_loop3A_624, %parallel_loop3A_625 : i32
      %parallel_loop3A_627 = arith.constant 1023 : i32
      %parallel_loop3A_628 = arith.andi %parallel_loop3A_624, %parallel_loop3A_627 : i32
      %parallel_loop3A_629 = tpu.assume_multiple %parallel_loop3A_628, 16 : i32
      %parallel_loop3A_630 = arith.index_cast %parallel_loop3A_626 : i32 to index
      %parallel_loop3A_631 = arith.index_cast %parallel_loop3A_629 : i32 to index
      %parallel_loop3A_632 = tpu.vector_load %arg7[%parallel_loop3A_630, %parallel_loop3A_631] {strides = array<i32>} : memref<8x1024xf32, #tpu.memory_space<vmem>>, vector<1x16xf32>,
      %parallel_loop3A_633 = vector.shape_cast %parallel_loop3A_632 : vector<1x16xf32> to vector<16xf32>
      %parallel_loop3A_634 = arith.constant 0 : i32
      %parallel_loop3A_635 = arith.index_cast %parallel_loop3A_634 : i32 to index
      %parallel_loop3A_636 = arith.index_cast %parallel_loop3A_626 : i32 to index
      %parallel_loop3A_637 = arith.index_cast %parallel_loop3A_629 : i32 to index
      %parallel_loop3A_638 = tpu.vector_load %arg10[%parallel_loop3A_635, %parallel_loop3A_636, %parallel_loop3A_637] {strides = array<i32>} : memref<4x8x1024xf32, #tpu.memory_space<vmem>>, vector<1x1x16xf32>,
      %parallel_loop3A_639 = vector.shape_cast %parallel_loop3A_638 : vector<1x1x16xf32> to vector<16xf32>
      %parallel_loop3A_640 = arith.addf %parallel_loop3A_639, %parallel_loop3A_633 : vector<16xf32>
      %parallel_loop3A_641 = arith.constant 0 : i32
      %parallel_loop3A_642 = arith.index_cast %parallel_loop3A_641 : i32 to index
      %parallel_loop3A_643 = arith.index_cast %parallel_loop3A_626 : i32 to index
      %parallel_loop3A_644 = arith.index_cast %parallel_loop3A_629 : i32 to index
      %parallel_loop3A_645 = tpu.vector_load %arg10[%parallel_loop3A_642, %parallel_loop3A_643, %parallel_loop3A_644] {strides = array<i32>} : memref<4x8x1024xf32, #tpu.memory_space<vmem>>, vector<1x1x16xf32>,
      %parallel_loop3A_646 = vector.shape_cast %parallel_loop3A_645 : vector<1x1x16xf32> to vector<16xf32>
      %parallel_loop3A_647 = vector.shape_cast %parallel_loop3A_640 : vector<16xf32> to vector<1x1x16xf32>
      tpu.vector_store %arg10[%parallel_loop3A_642, %parallel_loop3A_643, %parallel_loop3A_644], %parallel_loop3A_647 {strides = array<i32>} : memref<4x8x1024xf32, #tpu.memory_space<vmem>>, vector<1x1x16xf32>,
      %parallel_loop3A_648 = arith.constant 1 : i32
      %parallel_loop3A_649 = arith.index_cast %parallel_loop3A_648 : i32 to index
      %parallel_loop3A_650 = arith.index_cast %parallel_loop3A_626 : i32 to index
      %parallel_loop3A_651 = arith.index_cast %parallel_loop3A_629 : i32 to index
      %parallel_loop3A_652 = tpu.vector_load %arg10[%parallel_loop3A_649, %parallel_loop3A_650, %parallel_loop3A_651] {strides = array<i32>} : memref<4x8x1024xf32, #tpu.memory_space<vmem>>, vector<1x1x16xf32>,
      %parallel_loop3A_653 = vector.shape_cast %parallel_loop3A_652 : vector<1x1x16xf32> to vector<16xf32>
      %parallel_loop3A_654 = arith.addf %parallel_loop3A_653, %parallel_loop3A_633 : vector<16xf32>
      %parallel_loop3A_655 = arith.constant 1 : i32
      %parallel_loop3A_656 = arith.index_cast %parallel_loop3A_655 : i32 to index
      %parallel_loop3A_657 = arith.index_cast %parallel_loop3A_626 : i32 to index
      %parallel_loop3A_658 = arith.index_cast %parallel_loop3A_629 : i32 to index
      %parallel_loop3A_659 = tpu.vector_load %arg10[%parallel_loop3A_656, %parallel_loop3A_657, %parallel_loop3A_658] {strides = array<i32>} : memref<4x8x1024xf32, #tpu.memory_space<vmem>>, vector<1x1x16xf32>,
      %parallel_loop3A_660 = vector.shape_cast %parallel_loop3A_659 : vector<1x1x16xf32> to vector<16xf32>
      %parallel_loop3A_661 = vector.shape_cast %parallel_loop3A_654 : vector<16xf32> to vector<1x1x16xf32>
      tpu.vector_store %arg10[%parallel_loop3A_656, %parallel_loop3A_657, %parallel_loop3A_658], %parallel_loop3A_661 {strides = array<i32>} : memref<4x8x1024xf32, #tpu.memory_space<vmem>>, vector<1x1x16xf32>,
      %parallel_loop3A_662 = arith.constant 2 : i32
      %parallel_loop3A_663 = arith.index_cast %parallel_loop3A_662 : i32 to index
      %parallel_loop3A_664 = arith.index_cast %parallel_loop3A_626 : i32 to index
      %parallel_loop3A_665 = arith.index_cast %parallel_loop3A_629 : i32 to index
      %parallel_loop3A_666 = tpu.vector_load %arg10[%parallel_loop3A_663, %parallel_loop3A_664, %parallel_loop3A_665] {strides = array<i32>} : memref<4x8x1024xf32, #tpu.memory_space<vmem>>, vector<1x1x16xf32>,
      %parallel_loop3A_667 = vector.shape_cast %parallel_loop3A_666 : vector<1x1x16xf32> to vector<16xf32>
      %parallel_loop3A_668 = arith.addf %parallel_loop3A_667, %parallel_loop3A_633 : vector<16xf32>
      %parallel_loop3A_669 = arith.constant 2 : i32
      %parallel_loop3A_670 = arith.index_cast %parallel_loop3A_669 : i32 to index
      %parallel_loop3A_671 = arith.index_cast %parallel_loop3A_626 : i32 to index
      %parallel_loop3A_672 = arith.index_cast %parallel_loop3A_629 : i32 to index
      %parallel_loop3A_673 = tpu.vector_load %arg10[%parallel_loop3A_670, %parallel_loop3A_671, %parallel_loop3A_672] {strides = array<i32>} : memref<4x8x1024xf32, #tpu.memory_space<vmem>>, vector<1x1x16xf32>,
      %parallel_loop3A_674 = vector.shape_cast %parallel_loop3A_673 : vector<1x1x16xf32> to vector<16xf32>
      %parallel_loop3A_675 = vector.shape_cast %parallel_loop3A_668 : vector<16xf32> to vector<1x1x16xf32>
      tpu.vector_store %arg10[%parallel_loop3A_670, %parallel_loop3A_671, %parallel_loop3A_672], %parallel_loop3A_675 {strides = array<i32>} : memref<4x8x1024xf32, #tpu.memory_space<vmem>>, vector<1x1x16xf32>,
      %parallel_loop3A_676 = arith.constant 3 : i32
      %parallel_loop3A_677 = arith.index_cast %parallel_loop3A_676 : i32 to index
      %parallel_loop3A_678 = arith.index_cast %parallel_loop3A_626 : i32 to index
      %parallel_loop3A_679 = arith.index_cast %parallel_loop3A_629 : i32 to index
      %parallel_loop3A_680 = tpu.vector_load %arg10[%parallel_loop3A_677, %parallel_loop3A_678, %parallel_loop3A_679] {strides = array<i32>} : memref<4x8x1024xf32, #tpu.memory_space<vmem>>, vector<1x1x16xf32>,
      %parallel_loop3A_681 = vector.shape_cast %parallel_loop3A_680 : vector<1x1x16xf32> to vector<16xf32>
      %parallel_loop3A_682 = arith.addf %parallel_loop3A_681, %parallel_loop3A_633 : vector<16xf32>
      %parallel_loop3A_683 = arith.constant 3 : i32
      %parallel_loop3A_684 = arith.index_cast %parallel_loop3A_683 : i32 to index
      %parallel_loop3A_685 = arith.index_cast %parallel_loop3A_626 : i32 to index
      %parallel_loop3A_686 = arith.index_cast %parallel_loop3A_629 : i32 to index
      %parallel_loop3A_687 = tpu.vector_load %arg10[%parallel_loop3A_684, %parallel_loop3A_685, %parallel_loop3A_686] {strides = array<i32>} : memref<4x8x1024xf32, #tpu.memory_space<vmem>>, vector<1x1x16xf32>,
      %parallel_loop3A_688 = vector.shape_cast %parallel_loop3A_687 : vector<1x1x16xf32> to vector<16xf32>
      %parallel_loop3A_689 = vector.shape_cast %parallel_loop3A_682 : vector<16xf32> to vector<1x1x16xf32>
      tpu.vector_store %arg10[%parallel_loop3A_684, %parallel_loop3A_685, %parallel_loop3A_686], %parallel_loop3A_689 {strides = array<i32>} : memref<4x8x1024xf32, #tpu.memory_space<vmem>>, vector<1x1x16xf32>,
    } {sc.loop_unroll_factor = 8 : i64, sc.parallel_access}
    %add3A_226 = arith.constant 40 : i32
    %add3A_227 = arith.addi %mul3A_2, %add3A_226 : i32
    %dma_start3A_228 = arith.constant 0 : i32
    %dma_start3A_229 = arith.constant 0 : i32
    %dma_start3A_230 = tpu.memref_slice %arg4[%dma_start3A_228, %add3A_227, %dma_start3A_229] : memref<4x4096x1024xf32, #tpu.memory_space<hbm>> -> memref<4x8x1024xf32, #tpu.memory_space<hbm>>
    %dma_start3A_231 = arith.constant 0 : i32
    %dma_start3A_232 = arith.constant 0 : i32
    %dma_start3A_233 = tpu.memref_slice %arg4[%dma_start3A_231, %add3A_227, %dma_start3A_232] : memref<4x4096x1024xf32, #tpu.memory_space<hbm>> -> memref<4x8x1024xf32, #tpu.memory_space<hbm>>
    tpu.enqueue_dma source(%arg10 : memref<4x8x1024xf32, #tpu.memory_space<vmem>>) target(%dma_start3A_233 : memref<4x8x1024xf32, #tpu.memory_space<hbm>>) target_semaphore(%arg16 : memref<!tpu.dma_semaphore, #tpu.memory_space<semaphore_mem>>)
    %dma_wait3A_234 = arith.constant 0 : i32
    %dma_wait3A_235 = tpu.memref_slice %arg3[%add3A_212, %dma_wait3A_234] : memref<4096x1024xf32, #tpu.memory_space<hbm>> -> memref<8x1024xf32, #tpu.memory_space<hbm>>
    %dma_wait3A_236 = arith.constant 0 : i32
    %dma_wait3A_237 = tpu.memref_slice %arg3[%add3A_212, %dma_wait3A_236] : memref<4096x1024xf32, #tpu.memory_space<hbm>> -> memref<8x1024xf32, #tpu.memory_space<hbm>>
    tpu.wait_dma2 semaphore(%arg11 : memref<!tpu.dma_semaphore, #tpu.memory_space<semaphore_mem>>) src(%dma_wait3A_237 : memref<8x1024xf32, #tpu.memory_space<hbm>>) dst(%arg5 : memref<8x1024xf32, #tpu.memory_space<vmem>>)
    %dma_wait3A_238 = arith.constant 0 : i32
    %dma_wait3A_239 = arith.constant 0 : i32
    %dma_wait3A_240 = tpu.memref_slice %arg2[%dma_wait3A_238, %add3A_212, %dma_wait3A_239] : memref<4x4096x1024xf32, #tpu.memory_space<hbm>> -> memref<4x8x1024xf32, #tpu.memory_space<hbm>>
    %dma_wait3A_241 = arith.constant 0 : i32
    %dma_wait3A_242 = arith.constant 0 : i32
    %dma_wait3A_243 = tpu.memref_slice %arg2[%dma_wait3A_241, %add3A_212, %dma_wait3A_242] : memref<4x4096x1024xf32, #tpu.memory_space<hbm>> -> memref<4x8x1024xf32, #tpu.memory_space<hbm>>
    tpu.wait_dma2 semaphore(%arg11 : memref<!tpu.dma_semaphore, #tpu.memory_space<semaphore_mem>>) src(%dma_wait3A_243 : memref<4x8x1024xf32, #tpu.memory_space<hbm>>) dst(%arg8 : memref<4x8x1024xf32, #tpu.memory_space<vmem>>)
    %dma_wait3A_244 = arith.constant 0 : i32
    %dma_wait3A_245 = arith.constant 0 : i32
    %dma_wait3A_246 = tpu.memref_slice %arg4[%dma_wait3A_244, %add3A_188, %dma_wait3A_245] : memref<4x4096x1024xf32, #tpu.memory_space<hbm>> -> memref<4x8x1024xf32, #tpu.memory_space<hbm>>
    %dma_wait3A_247 = arith.constant 0 : i32
    %dma_wait3A_248 = arith.constant 0 : i32
    %dma_wait3A_249 = tpu.memref_slice %arg4[%dma_wait3A_247, %add3A_188, %dma_wait3A_248] : memref<4x4096x1024xf32, #tpu.memory_space<hbm>> -> memref<4x8x1024xf32, #tpu.memory_space<hbm>>
    tpu.wait_dma2 semaphore(%arg15 : memref<!tpu.dma_semaphore, #tpu.memory_space<semaphore_mem>>) src(%arg9 : memref<4x8x1024xf32, #tpu.memory_space<vmem>>) dst(%dma_wait3A_249 : memref<4x8x1024xf32, #tpu.memory_space<hbm>>)
    %add3A_250 = arith.constant 56 : i32
    %add3A_251 = arith.addi %mul3A_2, %add3A_250 : i32
    %dma_start3A_252 = arith.constant 0 : i32
    %dma_start3A_253 = tpu.memref_slice %arg3[%add3A_251, %dma_start3A_252] : memref<4096x1024xf32, #tpu.memory_space<hbm>> -> memref<8x1024xf32, #tpu.memory_space<hbm>>
    %dma_start3A_254 = arith.constant 0 : i32
    %dma_start3A_255 = tpu.memref_slice %arg3[%add3A_251, %dma_start3A_254] : memref<4096x1024xf32, #tpu.memory_space<hbm>> -> memref<8x1024xf32, #tpu.memory_space<hbm>>
    tpu.enqueue_dma source(%dma_start3A_255 : memref<8x1024xf32, #tpu.memory_space<hbm>>) target(%arg6 : memref<8x1024xf32, #tpu.memory_space<vmem>>) target_semaphore(%arg12 : memref<!tpu.dma_semaphore, #tpu.memory_space<semaphore_mem>>)
    %dma_start3A_256 = arith.constant 0 : i32
    %dma_start3A_257 = arith.constant 0 : i32
    %dma_start3A_258 = tpu.memref_slice %arg2[%dma_start3A_256, %add3A_251, %dma_start3A_257] : memref<4x4096x1024xf32, #tpu.memory_space<hbm>> -> memref<4x8x1024xf32, #tpu.memory_space<hbm>>
    %dma_start3A_259 = arith.constant 0 : i32
    %dma_start3A_260 = arith.constant 0 : i32
    %dma_start3A_261 = tpu.memref_slice %arg2[%dma_start3A_259, %add3A_251, %dma_start3A_260] : memref<4x4096x1024xf32, #tpu.memory_space<hbm>> -> memref<4x8x1024xf32, #tpu.memory_space<hbm>>
    tpu.enqueue_dma source(%dma_start3A_261 : memref<4x8x1024xf32, #tpu.memory_space<hbm>>) target(%arg9 : memref<4x8x1024xf32, #tpu.memory_space<vmem>>) target_semaphore(%arg12 : memref<!tpu.dma_semaphore, #tpu.memory_space<semaphore_mem>>)
    %parallel_loop3A_262 = arith.constant 0 : i32
    %parallel_loop3A_263 = arith.constant 8192 : i32
    %parallel_loop3A_264 = arith.constant 16 : i32
    scf.for %parallel_loop3A_624 = %parallel_loop3A_262 to %parallel_loop3A_263 step %parallel_loop3A_264  : i32 {
      %parallel_loop3A_625 = arith.constant 10 : i32
      %parallel_loop3A_626 = arith.shrui %parallel_loop3A_624, %parallel_loop3A_625 : i32
      %parallel_loop3A_627 = arith.constant 1023 : i32
      %parallel_loop3A_628 = arith.andi %parallel_loop3A_624, %parallel_loop3A_627 : i32
      %parallel_loop3A_629 = tpu.assume_multiple %parallel_loop3A_628, 16 : i32
      %parallel_loop3A_630 = arith.index_cast %parallel_loop3A_626 : i32 to index
      %parallel_loop3A_631 = arith.index_cast %parallel_loop3A_629 : i32 to index
      %parallel_loop3A_632 = tpu.vector_load %arg5[%parallel_loop3A_630, %parallel_loop3A_631] {strides = array<i32>} : memref<8x1024xf32, #tpu.memory_space<vmem>>, vector<1x16xf32>,
      %parallel_loop3A_633 = vector.shape_cast %parallel_loop3A_632 : vector<1x16xf32> to vector<16xf32>
      %parallel_loop3A_634 = arith.constant 0 : i32
      %parallel_loop3A_635 = arith.index_cast %parallel_loop3A_634 : i32 to index
      %parallel_loop3A_636 = arith.index_cast %parallel_loop3A_626 : i32 to index
      %parallel_loop3A_637 = arith.index_cast %parallel_loop3A_629 : i32 to index
      %parallel_loop3A_638 = tpu.vector_load %arg8[%parallel_loop3A_635, %parallel_loop3A_636, %parallel_loop3A_637] {strides = array<i32>} : memref<4x8x1024xf32, #tpu.memory_space<vmem>>, vector<1x1x16xf32>,
      %parallel_loop3A_639 = vector.shape_cast %parallel_loop3A_638 : vector<1x1x16xf32> to vector<16xf32>
      %parallel_loop3A_640 = arith.addf %parallel_loop3A_639, %parallel_loop3A_633 : vector<16xf32>
      %parallel_loop3A_641 = arith.constant 0 : i32
      %parallel_loop3A_642 = arith.index_cast %parallel_loop3A_641 : i32 to index
      %parallel_loop3A_643 = arith.index_cast %parallel_loop3A_626 : i32 to index
      %parallel_loop3A_644 = arith.index_cast %parallel_loop3A_629 : i32 to index
      %parallel_loop3A_645 = tpu.vector_load %arg8[%parallel_loop3A_642, %parallel_loop3A_643, %parallel_loop3A_644] {strides = array<i32>} : memref<4x8x1024xf32, #tpu.memory_space<vmem>>, vector<1x1x16xf32>,
      %parallel_loop3A_646 = vector.shape_cast %parallel_loop3A_645 : vector<1x1x16xf32> to vector<16xf32>
      %parallel_loop3A_647 = vector.shape_cast %parallel_loop3A_640 : vector<16xf32> to vector<1x1x16xf32>
      tpu.vector_store %arg8[%parallel_loop3A_642, %parallel_loop3A_643, %parallel_loop3A_644], %parallel_loop3A_647 {strides = array<i32>} : memref<4x8x1024xf32, #tpu.memory_space<vmem>>, vector<1x1x16xf32>,
      %parallel_loop3A_648 = arith.constant 1 : i32
      %parallel_loop3A_649 = arith.index_cast %parallel_loop3A_648 : i32 to index
      %parallel_loop3A_650 = arith.index_cast %parallel_loop3A_626 : i32 to index
      %parallel_loop3A_651 = arith.index_cast %parallel_loop3A_629 : i32 to index
      %parallel_loop3A_652 = tpu.vector_load %arg8[%parallel_loop3A_649, %parallel_loop3A_650, %parallel_loop3A_651] {strides = array<i32>} : memref<4x8x1024xf32, #tpu.memory_space<vmem>>, vector<1x1x16xf32>,
      %parallel_loop3A_653 = vector.shape_cast %parallel_loop3A_652 : vector<1x1x16xf32> to vector<16xf32>
      %parallel_loop3A_654 = arith.addf %parallel_loop3A_653, %parallel_loop3A_633 : vector<16xf32>
      %parallel_loop3A_655 = arith.constant 1 : i32
      %parallel_loop3A_656 = arith.index_cast %parallel_loop3A_655 : i32 to index
      %parallel_loop3A_657 = arith.index_cast %parallel_loop3A_626 : i32 to index
      %parallel_loop3A_658 = arith.index_cast %parallel_loop3A_629 : i32 to index
      %parallel_loop3A_659 = tpu.vector_load %arg8[%parallel_loop3A_656, %parallel_loop3A_657, %parallel_loop3A_658] {strides = array<i32>} : memref<4x8x1024xf32, #tpu.memory_space<vmem>>, vector<1x1x16xf32>,
      %parallel_loop3A_660 = vector.shape_cast %parallel_loop3A_659 : vector<1x1x16xf32> to vector<16xf32>
      %parallel_loop3A_661 = vector.shape_cast %parallel_loop3A_654 : vector<16xf32> to vector<1x1x16xf32>
      tpu.vector_store %arg8[%parallel_loop3A_656, %parallel_loop3A_657, %parallel_loop3A_658], %parallel_loop3A_661 {strides = array<i32>} : memref<4x8x1024xf32, #tpu.memory_space<vmem>>, vector<1x1x16xf32>,
      %parallel_loop3A_662 = arith.constant 2 : i32
      %parallel_loop3A_663 = arith.index_cast %parallel_loop3A_662 : i32 to index
      %parallel_loop3A_664 = arith.index_cast %parallel_loop3A_626 : i32 to index
      %parallel_loop3A_665 = arith.index_cast %parallel_loop3A_629 : i32 to index
      %parallel_loop3A_666 = tpu.vector_load %arg8[%parallel_loop3A_663, %parallel_loop3A_664, %parallel_loop3A_665] {strides = array<i32>} : memref<4x8x1024xf32, #tpu.memory_space<vmem>>, vector<1x1x16xf32>,
      %parallel_loop3A_667 = vector.shape_cast %parallel_loop3A_666 : vector<1x1x16xf32> to vector<16xf32>
      %parallel_loop3A_668 = arith.addf %parallel_loop3A_667, %parallel_loop3A_633 : vector<16xf32>
      %parallel_loop3A_669 = arith.constant 2 : i32
      %parallel_loop3A_670 = arith.index_cast %parallel_loop3A_669 : i32 to index
      %parallel_loop3A_671 = arith.index_cast %parallel_loop3A_626 : i32 to index
      %parallel_loop3A_672 = arith.index_cast %parallel_loop3A_629 : i32 to index
      %parallel_loop3A_673 = tpu.vector_load %arg8[%parallel_loop3A_670, %parallel_loop3A_671, %parallel_loop3A_672] {strides = array<i32>} : memref<4x8x1024xf32, #tpu.memory_space<vmem>>, vector<1x1x16xf32>,
      %parallel_loop3A_674 = vector.shape_cast %parallel_loop3A_673 : vector<1x1x16xf32> to vector<16xf32>
      %parallel_loop3A_675 = vector.shape_cast %parallel_loop3A_668 : vector<16xf32> to vector<1x1x16xf32>
      tpu.vector_store %arg8[%parallel_loop3A_670, %parallel_loop3A_671, %parallel_loop3A_672], %parallel_loop3A_675 {strides = array<i32>} : memref<4x8x1024xf32, #tpu.memory_space<vmem>>, vector<1x1x16xf32>,
      %parallel_loop3A_676 = arith.constant 3 : i32
      %parallel_loop3A_677 = arith.index_cast %parallel_loop3A_676 : i32 to index
      %parallel_loop3A_678 = arith.index_cast %parallel_loop3A_626 : i32 to index
      %parallel_loop3A_679 = arith.index_cast %parallel_loop3A_629 : i32 to index
      %parallel_loop3A_680 = tpu.vector_load %arg8[%parallel_loop3A_677, %parallel_loop3A_678, %parallel_loop3A_679] {strides = array<i32>} : memref<4x8x1024xf32, #tpu.memory_space<vmem>>, vector<1x1x16xf32>,
      %parallel_loop3A_681 = vector.shape_cast %parallel_loop3A_680 : vector<1x1x16xf32> to vector<16xf32>
      %parallel_loop3A_682 = arith.addf %parallel_loop3A_681, %parallel_loop3A_633 : vector<16xf32>
      %parallel_loop3A_683 = arith.constant 3 : i32
      %parallel_loop3A_684 = arith.index_cast %parallel_loop3A_683 : i32 to index
      %parallel_loop3A_685 = arith.index_cast %parallel_loop3A_626 : i32 to index
      %parallel_loop3A_686 = arith.index_cast %parallel_loop3A_629 : i32 to index
      %parallel_loop3A_687 = tpu.vector_load %arg8[%parallel_loop3A_684, %parallel_loop3A_685, %parallel_loop3A_686] {strides = array<i32>} : memref<4x8x1024xf32, #tpu.memory_space<vmem>>, vector<1x1x16xf32>,
      %parallel_loop3A_688 = vector.shape_cast %parallel_loop3A_687 : vector<1x1x16xf32> to vector<16xf32>
      %parallel_loop3A_689 = vector.shape_cast %parallel_loop3A_682 : vector<16xf32> to vector<1x1x16xf32>
      tpu.vector_store %arg8[%parallel_loop3A_684, %parallel_loop3A_685, %parallel_loop3A_686], %parallel_loop3A_689 {strides = array<i32>} : memref<4x8x1024xf32, #tpu.memory_space<vmem>>, vector<1x1x16xf32>,
    } {sc.loop_unroll_factor = 8 : i64, sc.parallel_access}
    %add3A_265 = arith.constant 48 : i32
    %add3A_266 = arith.addi %mul3A_2, %add3A_265 : i32
    %dma_start3A_267 = arith.constant 0 : i32
    %dma_start3A_268 = arith.constant 0 : i32
    %dma_start3A_269 = tpu.memref_slice %arg4[%dma_start3A_267, %add3A_266, %dma_start3A_268] : memref<4x4096x1024xf32, #tpu.memory_space<hbm>> -> memref<4x8x1024xf32, #tpu.memory_space<hbm>>
    %dma_start3A_270 = arith.constant 0 : i32
    %dma_start3A_271 = arith.constant 0 : i32
    %dma_start3A_272 = tpu.memref_slice %arg4[%dma_start3A_270, %add3A_266, %dma_start3A_271] : memref<4x4096x1024xf32, #tpu.memory_space<hbm>> -> memref<4x8x1024xf32, #tpu.memory_space<hbm>>
    tpu.enqueue_dma source(%arg8 : memref<4x8x1024xf32, #tpu.memory_space<vmem>>) target(%dma_start3A_272 : memref<4x8x1024xf32, #tpu.memory_space<hbm>>) target_semaphore(%arg14 : memref<!tpu.dma_semaphore, #tpu.memory_space<semaphore_mem>>)
    %dma_wait3A_273 = arith.constant 0 : i32
    %dma_wait3A_274 = tpu.memref_slice %arg3[%add3A_251, %dma_wait3A_273] : memref<4096x1024xf32, #tpu.memory_space<hbm>> -> memref<8x1024xf32, #tpu.memory_space<hbm>>
    %dma_wait3A_275 = arith.constant 0 : i32
    %dma_wait3A_276 = tpu.memref_slice %arg3[%add3A_251, %dma_wait3A_275] : memref<4096x1024xf32, #tpu.memory_space<hbm>> -> memref<8x1024xf32, #tpu.memory_space<hbm>>
    tpu.wait_dma2 semaphore(%arg12 : memref<!tpu.dma_semaphore, #tpu.memory_space<semaphore_mem>>) src(%dma_wait3A_276 : memref<8x1024xf32, #tpu.memory_space<hbm>>) dst(%arg6 : memref<8x1024xf32, #tpu.memory_space<vmem>>)
    %dma_wait3A_277 = arith.constant 0 : i32
    %dma_wait3A_278 = arith.constant 0 : i32
    %dma_wait3A_279 = tpu.memref_slice %arg2[%dma_wait3A_277, %add3A_251, %dma_wait3A_278] : memref<4x4096x1024xf32, #tpu.memory_space<hbm>> -> memref<4x8x1024xf32, #tpu.memory_space<hbm>>
    %dma_wait3A_280 = arith.constant 0 : i32
    %dma_wait3A_281 = arith.constant 0 : i32
    %dma_wait3A_282 = tpu.memref_slice %arg2[%dma_wait3A_280, %add3A_251, %dma_wait3A_281] : memref<4x4096x1024xf32, #tpu.memory_space<hbm>> -> memref<4x8x1024xf32, #tpu.memory_space<hbm>>
    tpu.wait_dma2 semaphore(%arg12 : memref<!tpu.dma_semaphore, #tpu.memory_space<semaphore_mem>>) src(%dma_wait3A_282 : memref<4x8x1024xf32, #tpu.memory_space<hbm>>) dst(%arg9 : memref<4x8x1024xf32, #tpu.memory_space<vmem>>)
    %dma_wait3A_283 = arith.constant 0 : i32
    %dma_wait3A_284 = arith.constant 0 : i32
    %dma_wait3A_285 = tpu.memref_slice %arg4[%dma_wait3A_283, %add3A_227, %dma_wait3A_284] : memref<4x4096x1024xf32, #tpu.memory_space<hbm>> -> memref<4x8x1024xf32, #tpu.memory_space<hbm>>
    %dma_wait3A_286 = arith.constant 0 : i32
    %dma_wait3A_287 = arith.constant 0 : i32
    %dma_wait3A_288 = tpu.memref_slice %arg4[%dma_wait3A_286, %add3A_227, %dma_wait3A_287] : memref<4x4096x1024xf32, #tpu.memory_space<hbm>> -> memref<4x8x1024xf32, #tpu.memory_space<hbm>>
    tpu.wait_dma2 semaphore(%arg16 : memref<!tpu.dma_semaphore, #tpu.memory_space<semaphore_mem>>) src(%arg10 : memref<4x8x1024xf32, #tpu.memory_space<vmem>>) dst(%dma_wait3A_288 : memref<4x8x1024xf32, #tpu.memory_space<hbm>>)
    %add3A_289 = arith.constant 64 : i32
    %add3A_290 = arith.addi %mul3A_2, %add3A_289 : i32
    %dma_start3A_291 = arith.constant 0 : i32
    %dma_start3A_292 = tpu.memref_slice %arg3[%add3A_290, %dma_start3A_291] : memref<4096x1024xf32, #tpu.memory_space<hbm>> -> memref<8x1024xf32, #tpu.memory_space<hbm>>
    %dma_start3A_293 = arith.constant 0 : i32
    %dma_start3A_294 = tpu.memref_slice %arg3[%add3A_290, %dma_start3A_293] : memref<4096x1024xf32, #tpu.memory_space<hbm>> -> memref<8x1024xf32, #tpu.memory_space<hbm>>
    tpu.enqueue_dma source(%dma_start3A_294 : memref<8x1024xf32, #tpu.memory_space<hbm>>) target(%arg7 : memref<8x1024xf32, #tpu.memory_space<vmem>>) target_semaphore(%arg13 : memref<!tpu.dma_semaphore, #tpu.memory_space<semaphore_mem>>)
    %dma_start3A_295 = arith.constant 0 : i32
    %dma_start3A_296 = arith.constant 0 : i32
    %dma_start3A_297 = tpu.memref_slice %arg2[%dma_start3A_295, %add3A_290, %dma_start3A_296] : memref<4x4096x1024xf32, #tpu.memory_space<hbm>> -> memref<4x8x1024xf32, #tpu.memory_space<hbm>>
    %dma_start3A_298 = arith.constant 0 : i32
    %dma_start3A_299 = arith.constant 0 : i32
    %dma_start3A_300 = tpu.memref_slice %arg2[%dma_start3A_298, %add3A_290, %dma_start3A_299] : memref<4x4096x1024xf32, #tpu.memory_space<hbm>> -> memref<4x8x1024xf32, #tpu.memory_space<hbm>>
    tpu.enqueue_dma source(%dma_start3A_300 : memref<4x8x1024xf32, #tpu.memory_space<hbm>>) target(%arg10 : memref<4x8x1024xf32, #tpu.memory_space<vmem>>) target_semaphore(%arg13 : memref<!tpu.dma_semaphore, #tpu.memory_space<semaphore_mem>>)
    %parallel_loop3A_301 = arith.constant 0 : i32
    %parallel_loop3A_302 = arith.constant 8192 : i32
    %parallel_loop3A_303 = arith.constant 16 : i32
    scf.for %parallel_loop3A_624 = %parallel_loop3A_301 to %parallel_loop3A_302 step %parallel_loop3A_303  : i32 {
      %parallel_loop3A_625 = arith.constant 10 : i32
      %parallel_loop3A_626 = arith.shrui %parallel_loop3A_624, %parallel_loop3A_625 : i32
      %parallel_loop3A_627 = arith.constant 1023 : i32
      %parallel_loop3A_628 = arith.andi %parallel_loop3A_624, %parallel_loop3A_627 : i32
      %parallel_loop3A_629 = tpu.assume_multiple %parallel_loop3A_628, 16 : i32
      %parallel_loop3A_630 = arith.index_cast %parallel_loop3A_626 : i32 to index
      %parallel_loop3A_631 = arith.index_cast %parallel_loop3A_629 : i32 to index
      %parallel_loop3A_632 = tpu.vector_load %arg6[%parallel_loop3A_630, %parallel_loop3A_631] {strides = array<i32>} : memref<8x1024xf32, #tpu.memory_space<vmem>>, vector<1x16xf32>,
      %parallel_loop3A_633 = vector.shape_cast %parallel_loop3A_632 : vector<1x16xf32> to vector<16xf32>
      %parallel_loop3A_634 = arith.constant 0 : i32
      %parallel_loop3A_635 = arith.index_cast %parallel_loop3A_634 : i32 to index
      %parallel_loop3A_636 = arith.index_cast %parallel_loop3A_626 : i32 to index
      %parallel_loop3A_637 = arith.index_cast %parallel_loop3A_629 : i32 to index
      %parallel_loop3A_638 = tpu.vector_load %arg9[%parallel_loop3A_635, %parallel_loop3A_636, %parallel_loop3A_637] {strides = array<i32>} : memref<4x8x1024xf32, #tpu.memory_space<vmem>>, vector<1x1x16xf32>,
      %parallel_loop3A_639 = vector.shape_cast %parallel_loop3A_638 : vector<1x1x16xf32> to vector<16xf32>
      %parallel_loop3A_640 = arith.addf %parallel_loop3A_639, %parallel_loop3A_633 : vector<16xf32>
      %parallel_loop3A_641 = arith.constant 0 : i32
      %parallel_loop3A_642 = arith.index_cast %parallel_loop3A_641 : i32 to index
      %parallel_loop3A_643 = arith.index_cast %parallel_loop3A_626 : i32 to index
      %parallel_loop3A_644 = arith.index_cast %parallel_loop3A_629 : i32 to index
      %parallel_loop3A_645 = tpu.vector_load %arg9[%parallel_loop3A_642, %parallel_loop3A_643, %parallel_loop3A_644] {strides = array<i32>} : memref<4x8x1024xf32, #tpu.memory_space<vmem>>, vector<1x1x16xf32>,
      %parallel_loop3A_646 = vector.shape_cast %parallel_loop3A_645 : vector<1x1x16xf32> to vector<16xf32>
      %parallel_loop3A_647 = vector.shape_cast %parallel_loop3A_640 : vector<16xf32> to vector<1x1x16xf32>
      tpu.vector_store %arg9[%parallel_loop3A_642, %parallel_loop3A_643, %parallel_loop3A_644], %parallel_loop3A_647 {strides = array<i32>} : memref<4x8x1024xf32, #tpu.memory_space<vmem>>, vector<1x1x16xf32>,
      %parallel_loop3A_648 = arith.constant 1 : i32
      %parallel_loop3A_649 = arith.index_cast %parallel_loop3A_648 : i32 to index
      %parallel_loop3A_650 = arith.index_cast %parallel_loop3A_626 : i32 to index
      %parallel_loop3A_651 = arith.index_cast %parallel_loop3A_629 : i32 to index
      %parallel_loop3A_652 = tpu.vector_load %arg9[%parallel_loop3A_649, %parallel_loop3A_650, %parallel_loop3A_651] {strides = array<i32>} : memref<4x8x1024xf32, #tpu.memory_space<vmem>>, vector<1x1x16xf32>,
      %parallel_loop3A_653 = vector.shape_cast %parallel_loop3A_652 : vector<1x1x16xf32> to vector<16xf32>
      %parallel_loop3A_654 = arith.addf %parallel_loop3A_653, %parallel_loop3A_633 : vector<16xf32>
      %parallel_loop3A_655 = arith.constant 1 : i32
      %parallel_loop3A_656 = arith.index_cast %parallel_loop3A_655 : i32 to index
      %parallel_loop3A_657 = arith.index_cast %parallel_loop3A_626 : i32 to index
      %parallel_loop3A_658 = arith.index_cast %parallel_loop3A_629 : i32 to index
      %parallel_loop3A_659 = tpu.vector_load %arg9[%parallel_loop3A_656, %parallel_loop3A_657, %parallel_loop3A_658] {strides = array<i32>} : memref<4x8x1024xf32, #tpu.memory_space<vmem>>, vector<1x1x16xf32>,
      %parallel_loop3A_660 = vector.shape_cast %parallel_loop3A_659 : vector<1x1x16xf32> to vector<16xf32>
      %parallel_loop3A_661 = vector.shape_cast %parallel_loop3A_654 : vector<16xf32> to vector<1x1x16xf32>
      tpu.vector_store %arg9[%parallel_loop3A_656, %parallel_loop3A_657, %parallel_loop3A_658], %parallel_loop3A_661 {strides = array<i32>} : memref<4x8x1024xf32, #tpu.memory_space<vmem>>, vector<1x1x16xf32>,
      %parallel_loop3A_662 = arith.constant 2 : i32
      %parallel_loop3A_663 = arith.index_cast %parallel_loop3A_662 : i32 to index
      %parallel_loop3A_664 = arith.index_cast %parallel_loop3A_626 : i32 to index
      %parallel_loop3A_665 = arith.index_cast %parallel_loop3A_629 : i32 to index
      %parallel_loop3A_666 = tpu.vector_load %arg9[%parallel_loop3A_663, %parallel_loop3A_664, %parallel_loop3A_665] {strides = array<i32>} : memref<4x8x1024xf32, #tpu.memory_space<vmem>>, vector<1x1x16xf32>,
      %parallel_loop3A_667 = vector.shape_cast %parallel_loop3A_666 : vector<1x1x16xf32> to vector<16xf32>
      %parallel_loop3A_668 = arith.addf %parallel_loop3A_667, %parallel_loop3A_633 : vector<16xf32>
      %parallel_loop3A_669 = arith.constant 2 : i32
      %parallel_loop3A_670 = arith.index_cast %parallel_loop3A_669 : i32 to index
      %parallel_loop3A_671 = arith.index_cast %parallel_loop3A_626 : i32 to index
      %parallel_loop3A_672 = arith.index_cast %parallel_loop3A_629 : i32 to index
      %parallel_loop3A_673 = tpu.vector_load %arg9[%parallel_loop3A_670, %parallel_loop3A_671, %parallel_loop3A_672] {strides = array<i32>} : memref<4x8x1024xf32, #tpu.memory_space<vmem>>, vector<1x1x16xf32>,
      %parallel_loop3A_674 = vector.shape_cast %parallel_loop3A_673 : vector<1x1x16xf32> to vector<16xf32>
      %parallel_loop3A_675 = vector.shape_cast %parallel_loop3A_668 : vector<16xf32> to vector<1x1x16xf32>
      tpu.vector_store %arg9[%parallel_loop3A_670, %parallel_loop3A_671, %parallel_loop3A_672], %parallel_loop3A_675 {strides = array<i32>} : memref<4x8x1024xf32, #tpu.memory_space<vmem>>, vector<1x1x16xf32>,
      %parallel_loop3A_676 = arith.constant 3 : i32
      %parallel_loop3A_677 = arith.index_cast %parallel_loop3A_676 : i32 to index
      %parallel_loop3A_678 = arith.index_cast %parallel_loop3A_626 : i32 to index
      %parallel_loop3A_679 = arith.index_cast %parallel_loop3A_629 : i32 to index
      %parallel_loop3A_680 = tpu.vector_load %arg9[%parallel_loop3A_677, %parallel_loop3A_678, %parallel_loop3A_679] {strides = array<i32>} : memref<4x8x1024xf32, #tpu.memory_space<vmem>>, vector<1x1x16xf32>,
      %parallel_loop3A_681 = vector.shape_cast %parallel_loop3A_680 : vector<1x1x16xf32> to vector<16xf32>
      %parallel_loop3A_682 = arith.addf %parallel_loop3A_681, %parallel_loop3A_633 : vector<16xf32>
      %parallel_loop3A_683 = arith.constant 3 : i32
      %parallel_loop3A_684 = arith.index_cast %parallel_loop3A_683 : i32 to index
      %parallel_loop3A_685 = arith.index_cast %parallel_loop3A_626 : i32 to index
      %parallel_loop3A_686 = arith.index_cast %parallel_loop3A_629 : i32 to index
      %parallel_loop3A_687 = tpu.vector_load %arg9[%parallel_loop3A_684, %parallel_loop3A_685, %parallel_loop3A_686] {strides = array<i32>} : memref<4x8x1024xf32, #tpu.memory_space<vmem>>, vector<1x1x16xf32>,
      %parallel_loop3A_688 = vector.shape_cast %parallel_loop3A_687 : vector<1x1x16xf32> to vector<16xf32>
      %parallel_loop3A_689 = vector.shape_cast %parallel_loop3A_682 : vector<16xf32> to vector<1x1x16xf32>
      tpu.vector_store %arg9[%parallel_loop3A_684, %parallel_loop3A_685, %parallel_loop3A_686], %parallel_loop3A_689 {strides = array<i32>} : memref<4x8x1024xf32, #tpu.memory_space<vmem>>, vector<1x1x16xf32>,
    } {sc.loop_unroll_factor = 8 : i64, sc.parallel_access}
    %add3A_304 = arith.constant 56 : i32
    %add3A_305 = arith.addi %mul3A_2, %add3A_304 : i32
    %dma_start3A_306 = arith.constant 0 : i32
    %dma_start3A_307 = arith.constant 0 : i32
    %dma_start3A_308 = tpu.memref_slice %arg4[%dma_start3A_306, %add3A_305, %dma_start3A_307] : memref<4x4096x1024xf32, #tpu.memory_space<hbm>> -> memref<4x8x1024xf32, #tpu.memory_space<hbm>>
    %dma_start3A_309 = arith.constant 0 : i32
    %dma_start3A_310 = arith.constant 0 : i32
    %dma_start3A_311 = tpu.memref_slice %arg4[%dma_start3A_309, %add3A_305, %dma_start3A_310] : memref<4x4096x1024xf32, #tpu.memory_space<hbm>> -> memref<4x8x1024xf32, #tpu.memory_space<hbm>>
    tpu.enqueue_dma source(%arg9 : memref<4x8x1024xf32, #tpu.memory_space<vmem>>) target(%dma_start3A_311 : memref<4x8x1024xf32, #tpu.memory_space<hbm>>) target_semaphore(%arg15 : memref<!tpu.dma_semaphore, #tpu.memory_space<semaphore_mem>>)
    %dma_wait3A_312 = arith.constant 0 : i32
    %dma_wait3A_313 = tpu.memref_slice %arg3[%add3A_290, %dma_wait3A_312] : memref<4096x1024xf32, #tpu.memory_space<hbm>> -> memref<8x1024xf32, #tpu.memory_space<hbm>>
    %dma_wait3A_314 = arith.constant 0 : i32
    %dma_wait3A_315 = tpu.memref_slice %arg3[%add3A_290, %dma_wait3A_314] : memref<4096x1024xf32, #tpu.memory_space<hbm>> -> memref<8x1024xf32, #tpu.memory_space<hbm>>
    tpu.wait_dma2 semaphore(%arg13 : memref<!tpu.dma_semaphore, #tpu.memory_space<semaphore_mem>>) src(%dma_wait3A_315 : memref<8x1024xf32, #tpu.memory_space<hbm>>) dst(%arg7 : memref<8x1024xf32, #tpu.memory_space<vmem>>)
    %dma_wait3A_316 = arith.constant 0 : i32
    %dma_wait3A_317 = arith.constant 0 : i32
    %dma_wait3A_318 = tpu.memref_slice %arg2[%dma_wait3A_316, %add3A_290, %dma_wait3A_317] : memref<4x4096x1024xf32, #tpu.memory_space<hbm>> -> memref<4x8x1024xf32, #tpu.memory_space<hbm>>
    %dma_wait3A_319 = arith.constant 0 : i32
    %dma_wait3A_320 = arith.constant 0 : i32
    %dma_wait3A_321 = tpu.memref_slice %arg2[%dma_wait3A_319, %add3A_290, %dma_wait3A_320] : memref<4x4096x1024xf32, #tpu.memory_space<hbm>> -> memref<4x8x1024xf32, #tpu.memory_space<hbm>>
    tpu.wait_dma2 semaphore(%arg13 : memref<!tpu.dma_semaphore, #tpu.memory_space<semaphore_mem>>) src(%dma_wait3A_321 : memref<4x8x1024xf32, #tpu.memory_space<hbm>>) dst(%arg10 : memref<4x8x1024xf32, #tpu.memory_space<vmem>>)
    %dma_wait3A_322 = arith.constant 0 : i32
    %dma_wait3A_323 = arith.constant 0 : i32
    %dma_wait3A_324 = tpu.memref_slice %arg4[%dma_wait3A_322, %add3A_266, %dma_wait3A_323] : memref<4x4096x1024xf32, #tpu.memory_space<hbm>> -> memref<4x8x1024xf32, #tpu.memory_space<hbm>>
    %dma_wait3A_325 = arith.constant 0 : i32
    %dma_wait3A_326 = arith.constant 0 : i32
    %dma_wait3A_327 = tpu.memref_slice %arg4[%dma_wait3A_325, %add3A_266, %dma_wait3A_326] : memref<4x4096x1024xf32, #tpu.memory_space<hbm>> -> memref<4x8x1024xf32, #tpu.memory_space<hbm>>
    tpu.wait_dma2 semaphore(%arg14 : memref<!tpu.dma_semaphore, #tpu.memory_space<semaphore_mem>>) src(%arg8 : memref<4x8x1024xf32, #tpu.memory_space<vmem>>) dst(%dma_wait3A_327 : memref<4x8x1024xf32, #tpu.memory_space<hbm>>)
    %add3A_328 = arith.constant 72 : i32
    %add3A_329 = arith.addi %mul3A_2, %add3A_328 : i32
    %dma_start3A_330 = arith.constant 0 : i32
    %dma_start3A_331 = tpu.memref_slice %arg3[%add3A_329, %dma_start3A_330] : memref<4096x1024xf32, #tpu.memory_space<hbm>> -> memref<8x1024xf32, #tpu.memory_space<hbm>>
    %dma_start3A_332 = arith.constant 0 : i32
    %dma_start3A_333 = tpu.memref_slice %arg3[%add3A_329, %dma_start3A_332] : memref<4096x1024xf32, #tpu.memory_space<hbm>> -> memref<8x1024xf32, #tpu.memory_space<hbm>>
    tpu.enqueue_dma source(%dma_start3A_333 : memref<8x1024xf32, #tpu.memory_space<hbm>>) target(%arg5 : memref<8x1024xf32, #tpu.memory_space<vmem>>) target_semaphore(%arg11 : memref<!tpu.dma_semaphore, #tpu.memory_space<semaphore_mem>>)
    %dma_start3A_334 = arith.constant 0 : i32
    %dma_start3A_335 = arith.constant 0 : i32
    %dma_start3A_336 = tpu.memref_slice %arg2[%dma_start3A_334, %add3A_329, %dma_start3A_335] : memref<4x4096x1024xf32, #tpu.memory_space<hbm>> -> memref<4x8x1024xf32, #tpu.memory_space<hbm>>
    %dma_start3A_337 = arith.constant 0 : i32
    %dma_start3A_338 = arith.constant 0 : i32
    %dma_start3A_339 = tpu.memref_slice %arg2[%dma_start3A_337, %add3A_329, %dma_start3A_338] : memref<4x4096x1024xf32, #tpu.memory_space<hbm>> -> memref<4x8x1024xf32, #tpu.memory_space<hbm>>
    tpu.enqueue_dma source(%dma_start3A_339 : memref<4x8x1024xf32, #tpu.memory_space<hbm>>) target(%arg8 : memref<4x8x1024xf32, #tpu.memory_space<vmem>>) target_semaphore(%arg11 : memref<!tpu.dma_semaphore, #tpu.memory_space<semaphore_mem>>)
    %parallel_loop3A_340 = arith.constant 0 : i32
    %parallel_loop3A_341 = arith.constant 8192 : i32
    %parallel_loop3A_342 = arith.constant 16 : i32
    scf.for %parallel_loop3A_624 = %parallel_loop3A_340 to %parallel_loop3A_341 step %parallel_loop3A_342  : i32 {
      %parallel_loop3A_625 = arith.constant 10 : i32
      %parallel_loop3A_626 = arith.shrui %parallel_loop3A_624, %parallel_loop3A_625 : i32
      %parallel_loop3A_627 = arith.constant 1023 : i32
      %parallel_loop3A_628 = arith.andi %parallel_loop3A_624, %parallel_loop3A_627 : i32
      %parallel_loop3A_629 = tpu.assume_multiple %parallel_loop3A_628, 16 : i32
      %parallel_loop3A_630 = arith.index_cast %parallel_loop3A_626 : i32 to index
      %parallel_loop3A_631 = arith.index_cast %parallel_loop3A_629 : i32 to index
      %parallel_loop3A_632 = tpu.vector_load %arg7[%parallel_loop3A_630, %parallel_loop3A_631] {strides = array<i32>} : memref<8x1024xf32, #tpu.memory_space<vmem>>, vector<1x16xf32>,
      %parallel_loop3A_633 = vector.shape_cast %parallel_loop3A_632 : vector<1x16xf32> to vector<16xf32>
      %parallel_loop3A_634 = arith.constant 0 : i32
      %parallel_loop3A_635 = arith.index_cast %parallel_loop3A_634 : i32 to index
      %parallel_loop3A_636 = arith.index_cast %parallel_loop3A_626 : i32 to index
      %parallel_loop3A_637 = arith.index_cast %parallel_loop3A_629 : i32 to index
      %parallel_loop3A_638 = tpu.vector_load %arg10[%parallel_loop3A_635, %parallel_loop3A_636, %parallel_loop3A_637] {strides = array<i32>} : memref<4x8x1024xf32, #tpu.memory_space<vmem>>, vector<1x1x16xf32>,
      %parallel_loop3A_639 = vector.shape_cast %parallel_loop3A_638 : vector<1x1x16xf32> to vector<16xf32>
      %parallel_loop3A_640 = arith.addf %parallel_loop3A_639, %parallel_loop3A_633 : vector<16xf32>
      %parallel_loop3A_641 = arith.constant 0 : i32
      %parallel_loop3A_642 = arith.index_cast %parallel_loop3A_641 : i32 to index
      %parallel_loop3A_643 = arith.index_cast %parallel_loop3A_626 : i32 to index
      %parallel_loop3A_644 = arith.index_cast %parallel_loop3A_629 : i32 to index
      %parallel_loop3A_645 = tpu.vector_load %arg10[%parallel_loop3A_642, %parallel_loop3A_643, %parallel_loop3A_644] {strides = array<i32>} : memref<4x8x1024xf32, #tpu.memory_space<vmem>>, vector<1x1x16xf32>,
      %parallel_loop3A_646 = vector.shape_cast %parallel_loop3A_645 : vector<1x1x16xf32> to vector<16xf32>
      %parallel_loop3A_647 = vector.shape_cast %parallel_loop3A_640 : vector<16xf32> to vector<1x1x16xf32>
      tpu.vector_store %arg10[%parallel_loop3A_642, %parallel_loop3A_643, %parallel_loop3A_644], %parallel_loop3A_647 {strides = array<i32>} : memref<4x8x1024xf32, #tpu.memory_space<vmem>>, vector<1x1x16xf32>,
      %parallel_loop3A_648 = arith.constant 1 : i32
      %parallel_loop3A_649 = arith.index_cast %parallel_loop3A_648 : i32 to index
      %parallel_loop3A_650 = arith.index_cast %parallel_loop3A_626 : i32 to index
      %parallel_loop3A_651 = arith.index_cast %parallel_loop3A_629 : i32 to index
      %parallel_loop3A_652 = tpu.vector_load %arg10[%parallel_loop3A_649, %parallel_loop3A_650, %parallel_loop3A_651] {strides = array<i32>} : memref<4x8x1024xf32, #tpu.memory_space<vmem>>, vector<1x1x16xf32>,
      %parallel_loop3A_653 = vector.shape_cast %parallel_loop3A_652 : vector<1x1x16xf32> to vector<16xf32>
      %parallel_loop3A_654 = arith.addf %parallel_loop3A_653, %parallel_loop3A_633 : vector<16xf32>
      %parallel_loop3A_655 = arith.constant 1 : i32
      %parallel_loop3A_656 = arith.index_cast %parallel_loop3A_655 : i32 to index
      %parallel_loop3A_657 = arith.index_cast %parallel_loop3A_626 : i32 to index
      %parallel_loop3A_658 = arith.index_cast %parallel_loop3A_629 : i32 to index
      %parallel_loop3A_659 = tpu.vector_load %arg10[%parallel_loop3A_656, %parallel_loop3A_657, %parallel_loop3A_658] {strides = array<i32>} : memref<4x8x1024xf32, #tpu.memory_space<vmem>>, vector<1x1x16xf32>,
      %parallel_loop3A_660 = vector.shape_cast %parallel_loop3A_659 : vector<1x1x16xf32> to vector<16xf32>
      %parallel_loop3A_661 = vector.shape_cast %parallel_loop3A_654 : vector<16xf32> to vector<1x1x16xf32>
      tpu.vector_store %arg10[%parallel_loop3A_656, %parallel_loop3A_657, %parallel_loop3A_658], %parallel_loop3A_661 {strides = array<i32>} : memref<4x8x1024xf32, #tpu.memory_space<vmem>>, vector<1x1x16xf32>,
      %parallel_loop3A_662 = arith.constant 2 : i32
      %parallel_loop3A_663 = arith.index_cast %parallel_loop3A_662 : i32 to index
      %parallel_loop3A_664 = arith.index_cast %parallel_loop3A_626 : i32 to index
      %parallel_loop3A_665 = arith.index_cast %parallel_loop3A_629 : i32 to index
      %parallel_loop3A_666 = tpu.vector_load %arg10[%parallel_loop3A_663, %parallel_loop3A_664, %parallel_loop3A_665] {strides = array<i32>} : memref<4x8x1024xf32, #tpu.memory_space<vmem>>, vector<1x1x16xf32>,
      %parallel_loop3A_667 = vector.shape_cast %parallel_loop3A_666 : vector<1x1x16xf32> to vector<16xf32>
      %parallel_loop3A_668 = arith.addf %parallel_loop3A_667, %parallel_loop3A_633 : vector<16xf32>
      %parallel_loop3A_669 = arith.constant 2 : i32
      %parallel_loop3A_670 = arith.index_cast %parallel_loop3A_669 : i32 to index
      %parallel_loop3A_671 = arith.index_cast %parallel_loop3A_626 : i32 to index
      %parallel_loop3A_672 = arith.index_cast %parallel_loop3A_629 : i32 to index
      %parallel_loop3A_673 = tpu.vector_load %arg10[%parallel_loop3A_670, %parallel_loop3A_671, %parallel_loop3A_672] {strides = array<i32>} : memref<4x8x1024xf32, #tpu.memory_space<vmem>>, vector<1x1x16xf32>,
      %parallel_loop3A_674 = vector.shape_cast %parallel_loop3A_673 : vector<1x1x16xf32> to vector<16xf32>
      %parallel_loop3A_675 = vector.shape_cast %parallel_loop3A_668 : vector<16xf32> to vector<1x1x16xf32>
      tpu.vector_store %arg10[%parallel_loop3A_670, %parallel_loop3A_671, %parallel_loop3A_672], %parallel_loop3A_675 {strides = array<i32>} : memref<4x8x1024xf32, #tpu.memory_space<vmem>>, vector<1x1x16xf32>,
      %parallel_loop3A_676 = arith.constant 3 : i32
      %parallel_loop3A_677 = arith.index_cast %parallel_loop3A_676 : i32 to index
      %parallel_loop3A_678 = arith.index_cast %parallel_loop3A_626 : i32 to index
      %parallel_loop3A_679 = arith.index_cast %parallel_loop3A_629 : i32 to index
      %parallel_loop3A_680 = tpu.vector_load %arg10[%parallel_loop3A_677, %parallel_loop3A_678, %parallel_loop3A_679] {strides = array<i32>} : memref<4x8x1024xf32, #tpu.memory_space<vmem>>, vector<1x1x16xf32>,
      %parallel_loop3A_681 = vector.shape_cast %parallel_loop3A_680 : vector<1x1x16xf32> to vector<16xf32>
      %parallel_loop3A_682 = arith.addf %parallel_loop3A_681, %parallel_loop3A_633 : vector<16xf32>
      %parallel_loop3A_683 = arith.constant 3 : i32
      %parallel_loop3A_684 = arith.index_cast %parallel_loop3A_683 : i32 to index
      %parallel_loop3A_685 = arith.index_cast %parallel_loop3A_626 : i32 to index
      %parallel_loop3A_686 = arith.index_cast %parallel_loop3A_629 : i32 to index
      %parallel_loop3A_687 = tpu.vector_load %arg10[%parallel_loop3A_684, %parallel_loop3A_685, %parallel_loop3A_686] {strides = array<i32>} : memref<4x8x1024xf32, #tpu.memory_space<vmem>>, vector<1x1x16xf32>,
      %parallel_loop3A_688 = vector.shape_cast %parallel_loop3A_687 : vector<1x1x16xf32> to vector<16xf32>
      %parallel_loop3A_689 = vector.shape_cast %parallel_loop3A_682 : vector<16xf32> to vector<1x1x16xf32>
      tpu.vector_store %arg10[%parallel_loop3A_684, %parallel_loop3A_685, %parallel_loop3A_686], %parallel_loop3A_689 {strides = array<i32>} : memref<4x8x1024xf32, #tpu.memory_space<vmem>>, vector<1x1x16xf32>,
    } {sc.loop_unroll_factor = 8 : i64, sc.parallel_access}
    %add3A_343 = arith.constant 64 : i32
    %add3A_344 = arith.addi %mul3A_2, %add3A_343 : i32
    %dma_start3A_345 = arith.constant 0 : i32
    %dma_start3A_346 = arith.constant 0 : i32
    %dma_start3A_347 = tpu.memref_slice %arg4[%dma_start3A_345, %add3A_344, %dma_start3A_346] : memref<4x4096x1024xf32, #tpu.memory_space<hbm>> -> memref<4x8x1024xf32, #tpu.memory_space<hbm>>
    %dma_start3A_348 = arith.constant 0 : i32
    %dma_start3A_349 = arith.constant 0 : i32
    %dma_start3A_350 = tpu.memref_slice %arg4[%dma_start3A_348, %add3A_344, %dma_start3A_349] : memref<4x4096x1024xf32, #tpu.memory_space<hbm>> -> memref<4x8x1024xf32, #tpu.memory_space<hbm>>
    tpu.enqueue_dma source(%arg10 : memref<4x8x1024xf32, #tpu.memory_space<vmem>>) target(%dma_start3A_350 : memref<4x8x1024xf32, #tpu.memory_space<hbm>>) target_semaphore(%arg16 : memref<!tpu.dma_semaphore, #tpu.memory_space<semaphore_mem>>)
    %dma_wait3A_351 = arith.constant 0 : i32
    %dma_wait3A_352 = tpu.memref_slice %arg3[%add3A_329, %dma_wait3A_351] : memref<4096x1024xf32, #tpu.memory_space<hbm>> -> memref<8x1024xf32, #tpu.memory_space<hbm>>
    %dma_wait3A_353 = arith.constant 0 : i32
    %dma_wait3A_354 = tpu.memref_slice %arg3[%add3A_329, %dma_wait3A_353] : memref<4096x1024xf32, #tpu.memory_space<hbm>> -> memref<8x1024xf32, #tpu.memory_space<hbm>>
    tpu.wait_dma2 semaphore(%arg11 : memref<!tpu.dma_semaphore, #tpu.memory_space<semaphore_mem>>) src(%dma_wait3A_354 : memref<8x1024xf32, #tpu.memory_space<hbm>>) dst(%arg5 : memref<8x1024xf32, #tpu.memory_space<vmem>>)
    %dma_wait3A_355 = arith.constant 0 : i32
    %dma_wait3A_356 = arith.constant 0 : i32
    %dma_wait3A_357 = tpu.memref_slice %arg2[%dma_wait3A_355, %add3A_329, %dma_wait3A_356] : memref<4x4096x1024xf32, #tpu.memory_space<hbm>> -> memref<4x8x1024xf32, #tpu.memory_space<hbm>>
    %dma_wait3A_358 = arith.constant 0 : i32
    %dma_wait3A_359 = arith.constant 0 : i32
    %dma_wait3A_360 = tpu.memref_slice %arg2[%dma_wait3A_358, %add3A_329, %dma_wait3A_359] : memref<4x4096x1024xf32, #tpu.memory_space<hbm>> -> memref<4x8x1024xf32, #tpu.memory_space<hbm>>
    tpu.wait_dma2 semaphore(%arg11 : memref<!tpu.dma_semaphore, #tpu.memory_space<semaphore_mem>>) src(%dma_wait3A_360 : memref<4x8x1024xf32, #tpu.memory_space<hbm>>) dst(%arg8 : memref<4x8x1024xf32, #tpu.memory_space<vmem>>)
    %dma_wait3A_361 = arith.constant 0 : i32
    %dma_wait3A_362 = arith.constant 0 : i32
    %dma_wait3A_363 = tpu.memref_slice %arg4[%dma_wait3A_361, %add3A_305, %dma_wait3A_362] : memref<4x4096x1024xf32, #tpu.memory_space<hbm>> -> memref<4x8x1024xf32, #tpu.memory_space<hbm>>
    %dma_wait3A_364 = arith.constant 0 : i32
    %dma_wait3A_365 = arith.constant 0 : i32
    %dma_wait3A_366 = tpu.memref_slice %arg4[%dma_wait3A_364, %add3A_305, %dma_wait3A_365] : memref<4x4096x1024xf32, #tpu.memory_space<hbm>> -> memref<4x8x1024xf32, #tpu.memory_space<hbm>>
    tpu.wait_dma2 semaphore(%arg15 : memref<!tpu.dma_semaphore, #tpu.memory_space<semaphore_mem>>) src(%arg9 : memref<4x8x1024xf32, #tpu.memory_space<vmem>>) dst(%dma_wait3A_366 : memref<4x8x1024xf32, #tpu.memory_space<hbm>>)
    %add3A_367 = arith.constant 80 : i32
    %add3A_368 = arith.addi %mul3A_2, %add3A_367 : i32
    %dma_start3A_369 = arith.constant 0 : i32
    %dma_start3A_370 = tpu.memref_slice %arg3[%add3A_368, %dma_start3A_369] : memref<4096x1024xf32, #tpu.memory_space<hbm>> -> memref<8x1024xf32, #tpu.memory_space<hbm>>
    %dma_start3A_371 = arith.constant 0 : i32
    %dma_start3A_372 = tpu.memref_slice %arg3[%add3A_368, %dma_start3A_371] : memref<4096x1024xf32, #tpu.memory_space<hbm>> -> memref<8x1024xf32, #tpu.memory_space<hbm>>
    tpu.enqueue_dma source(%dma_start3A_372 : memref<8x1024xf32, #tpu.memory_space<hbm>>) target(%arg6 : memref<8x1024xf32, #tpu.memory_space<vmem>>) target_semaphore(%arg12 : memref<!tpu.dma_semaphore, #tpu.memory_space<semaphore_mem>>)
    %dma_start3A_373 = arith.constant 0 : i32
    %dma_start3A_374 = arith.constant 0 : i32
    %dma_start3A_375 = tpu.memref_slice %arg2[%dma_start3A_373, %add3A_368, %dma_start3A_374] : memref<4x4096x1024xf32, #tpu.memory_space<hbm>> -> memref<4x8x1024xf32, #tpu.memory_space<hbm>>
    %dma_start3A_376 = arith.constant 0 : i32
    %dma_start3A_377 = arith.constant 0 : i32
    %dma_start3A_378 = tpu.memref_slice %arg2[%dma_start3A_376, %add3A_368, %dma_start3A_377] : memref<4x4096x1024xf32, #tpu.memory_space<hbm>> -> memref<4x8x1024xf32, #tpu.memory_space<hbm>>
    tpu.enqueue_dma source(%dma_start3A_378 : memref<4x8x1024xf32, #tpu.memory_space<hbm>>) target(%arg9 : memref<4x8x1024xf32, #tpu.memory_space<vmem>>) target_semaphore(%arg12 : memref<!tpu.dma_semaphore, #tpu.memory_space<semaphore_mem>>)
    %parallel_loop3A_379 = arith.constant 0 : i32
    %parallel_loop3A_380 = arith.constant 8192 : i32
    %parallel_loop3A_381 = arith.constant 16 : i32
    scf.for %parallel_loop3A_624 = %parallel_loop3A_379 to %parallel_loop3A_380 step %parallel_loop3A_381  : i32 {
      %parallel_loop3A_625 = arith.constant 10 : i32
      %parallel_loop3A_626 = arith.shrui %parallel_loop3A_624, %parallel_loop3A_625 : i32
      %parallel_loop3A_627 = arith.constant 1023 : i32
      %parallel_loop3A_628 = arith.andi %parallel_loop3A_624, %parallel_loop3A_627 : i32
      %parallel_loop3A_629 = tpu.assume_multiple %parallel_loop3A_628, 16 : i32
      %parallel_loop3A_630 = arith.index_cast %parallel_loop3A_626 : i32 to index
      %parallel_loop3A_631 = arith.index_cast %parallel_loop3A_629 : i32 to index
      %parallel_loop3A_632 = tpu.vector_load %arg5[%parallel_loop3A_630, %parallel_loop3A_631] {strides = array<i32>} : memref<8x1024xf32, #tpu.memory_space<vmem>>, vector<1x16xf32>,
      %parallel_loop3A_633 = vector.shape_cast %parallel_loop3A_632 : vector<1x16xf32> to vector<16xf32>
      %parallel_loop3A_634 = arith.constant 0 : i32
      %parallel_loop3A_635 = arith.index_cast %parallel_loop3A_634 : i32 to index
      %parallel_loop3A_636 = arith.index_cast %parallel_loop3A_626 : i32 to index
      %parallel_loop3A_637 = arith.index_cast %parallel_loop3A_629 : i32 to index
      %parallel_loop3A_638 = tpu.vector_load %arg8[%parallel_loop3A_635, %parallel_loop3A_636, %parallel_loop3A_637] {strides = array<i32>} : memref<4x8x1024xf32, #tpu.memory_space<vmem>>, vector<1x1x16xf32>,
      %parallel_loop3A_639 = vector.shape_cast %parallel_loop3A_638 : vector<1x1x16xf32> to vector<16xf32>
      %parallel_loop3A_640 = arith.addf %parallel_loop3A_639, %parallel_loop3A_633 : vector<16xf32>
      %parallel_loop3A_641 = arith.constant 0 : i32
      %parallel_loop3A_642 = arith.index_cast %parallel_loop3A_641 : i32 to index
      %parallel_loop3A_643 = arith.index_cast %parallel_loop3A_626 : i32 to index
      %parallel_loop3A_644 = arith.index_cast %parallel_loop3A_629 : i32 to index
      %parallel_loop3A_645 = tpu.vector_load %arg8[%parallel_loop3A_642, %parallel_loop3A_643, %parallel_loop3A_644] {strides = array<i32>} : memref<4x8x1024xf32, #tpu.memory_space<vmem>>, vector<1x1x16xf32>,
      %parallel_loop3A_646 = vector.shape_cast %parallel_loop3A_645 : vector<1x1x16xf32> to vector<16xf32>
      %parallel_loop3A_647 = vector.shape_cast %parallel_loop3A_640 : vector<16xf32> to vector<1x1x16xf32>
      tpu.vector_store %arg8[%parallel_loop3A_642, %parallel_loop3A_643, %parallel_loop3A_644], %parallel_loop3A_647 {strides = array<i32>} : memref<4x8x1024xf32, #tpu.memory_space<vmem>>, vector<1x1x16xf32>,
      %parallel_loop3A_648 = arith.constant 1 : i32
      %parallel_loop3A_649 = arith.index_cast %parallel_loop3A_648 : i32 to index
      %parallel_loop3A_650 = arith.index_cast %parallel_loop3A_626 : i32 to index
      %parallel_loop3A_651 = arith.index_cast %parallel_loop3A_629 : i32 to index
      %parallel_loop3A_652 = tpu.vector_load %arg8[%parallel_loop3A_649, %parallel_loop3A_650, %parallel_loop3A_651] {strides = array<i32>} : memref<4x8x1024xf32, #tpu.memory_space<vmem>>, vector<1x1x16xf32>,
      %parallel_loop3A_653 = vector.shape_cast %parallel_loop3A_652 : vector<1x1x16xf32> to vector<16xf32>
      %parallel_loop3A_654 = arith.addf %parallel_loop3A_653, %parallel_loop3A_633 : vector<16xf32>
      %parallel_loop3A_655 = arith.constant 1 : i32
      %parallel_loop3A_656 = arith.index_cast %parallel_loop3A_655 : i32 to index
      %parallel_loop3A_657 = arith.index_cast %parallel_loop3A_626 : i32 to index
      %parallel_loop3A_658 = arith.index_cast %parallel_loop3A_629 : i32 to index
      %parallel_loop3A_659 = tpu.vector_load %arg8[%parallel_loop3A_656, %parallel_loop3A_657, %parallel_loop3A_658] {strides = array<i32>} : memref<4x8x1024xf32, #tpu.memory_space<vmem>>, vector<1x1x16xf32>,
      %parallel_loop3A_660 = vector.shape_cast %parallel_loop3A_659 : vector<1x1x16xf32> to vector<16xf32>
      %parallel_loop3A_661 = vector.shape_cast %parallel_loop3A_654 : vector<16xf32> to vector<1x1x16xf32>
      tpu.vector_store %arg8[%parallel_loop3A_656, %parallel_loop3A_657, %parallel_loop3A_658], %parallel_loop3A_661 {strides = array<i32>} : memref<4x8x1024xf32, #tpu.memory_space<vmem>>, vector<1x1x16xf32>,
      %parallel_loop3A_662 = arith.constant 2 : i32
      %parallel_loop3A_663 = arith.index_cast %parallel_loop3A_662 : i32 to index
      %parallel_loop3A_664 = arith.index_cast %parallel_loop3A_626 : i32 to index
      %parallel_loop3A_665 = arith.index_cast %parallel_loop3A_629 : i32 to index
      %parallel_loop3A_666 = tpu.vector_load %arg8[%parallel_loop3A_663, %parallel_loop3A_664, %parallel_loop3A_665] {strides = array<i32>} : memref<4x8x1024xf32, #tpu.memory_space<vmem>>, vector<1x1x16xf32>,
      %parallel_loop3A_667 = vector.shape_cast %parallel_loop3A_666 : vector<1x1x16xf32> to vector<16xf32>
      %parallel_loop3A_668 = arith.addf %parallel_loop3A_667, %parallel_loop3A_633 : vector<16xf32>
      %parallel_loop3A_669 = arith.constant 2 : i32
      %parallel_loop3A_670 = arith.index_cast %parallel_loop3A_669 : i32 to index
      %parallel_loop3A_671 = arith.index_cast %parallel_loop3A_626 : i32 to index
      %parallel_loop3A_672 = arith.index_cast %parallel_loop3A_629 : i32 to index
      %parallel_loop3A_673 = tpu.vector_load %arg8[%parallel_loop3A_670, %parallel_loop3A_671, %parallel_loop3A_672] {strides = array<i32>} : memref<4x8x1024xf32, #tpu.memory_space<vmem>>, vector<1x1x16xf32>,
      %parallel_loop3A_674 = vector.shape_cast %parallel_loop3A_673 : vector<1x1x16xf32> to vector<16xf32>
      %parallel_loop3A_675 = vector.shape_cast %parallel_loop3A_668 : vector<16xf32> to vector<1x1x16xf32>
      tpu.vector_store %arg8[%parallel_loop3A_670, %parallel_loop3A_671, %parallel_loop3A_672], %parallel_loop3A_675 {strides = array<i32>} : memref<4x8x1024xf32, #tpu.memory_space<vmem>>, vector<1x1x16xf32>,
      %parallel_loop3A_676 = arith.constant 3 : i32
      %parallel_loop3A_677 = arith.index_cast %parallel_loop3A_676 : i32 to index
      %parallel_loop3A_678 = arith.index_cast %parallel_loop3A_626 : i32 to index
      %parallel_loop3A_679 = arith.index_cast %parallel_loop3A_629 : i32 to index
      %parallel_loop3A_680 = tpu.vector_load %arg8[%parallel_loop3A_677, %parallel_loop3A_678, %parallel_loop3A_679] {strides = array<i32>} : memref<4x8x1024xf32, #tpu.memory_space<vmem>>, vector<1x1x16xf32>,
      %parallel_loop3A_681 = vector.shape_cast %parallel_loop3A_680 : vector<1x1x16xf32> to vector<16xf32>
      %parallel_loop3A_682 = arith.addf %parallel_loop3A_681, %parallel_loop3A_633 : vector<16xf32>
      %parallel_loop3A_683 = arith.constant 3 : i32
      %parallel_loop3A_684 = arith.index_cast %parallel_loop3A_683 : i32 to index
      %parallel_loop3A_685 = arith.index_cast %parallel_loop3A_626 : i32 to index
      %parallel_loop3A_686 = arith.index_cast %parallel_loop3A_629 : i32 to index
      %parallel_loop3A_687 = tpu.vector_load %arg8[%parallel_loop3A_684, %parallel_loop3A_685, %parallel_loop3A_686] {strides = array<i32>} : memref<4x8x1024xf32, #tpu.memory_space<vmem>>, vector<1x1x16xf32>,
      %parallel_loop3A_688 = vector.shape_cast %parallel_loop3A_687 : vector<1x1x16xf32> to vector<16xf32>
      %parallel_loop3A_689 = vector.shape_cast %parallel_loop3A_682 : vector<16xf32> to vector<1x1x16xf32>
      tpu.vector_store %arg8[%parallel_loop3A_684, %parallel_loop3A_685, %parallel_loop3A_686], %parallel_loop3A_689 {strides = array<i32>} : memref<4x8x1024xf32, #tpu.memory_space<vmem>>, vector<1x1x16xf32>,
    } {sc.loop_unroll_factor = 8 : i64, sc.parallel_access}
    %add3A_382 = arith.constant 72 : i32
    %add3A_383 = arith.addi %mul3A_2, %add3A_382 : i32
    %dma_start3A_384 = arith.constant 0 : i32
    %dma_start3A_385 = arith.constant 0 : i32
    %dma_start3A_386 = tpu.memref_slice %arg4[%dma_start3A_384, %add3A_383, %dma_start3A_385] : memref<4x4096x1024xf32, #tpu.memory_space<hbm>> -> memref<4x8x1024xf32, #tpu.memory_space<hbm>>
    %dma_start3A_387 = arith.constant 0 : i32
    %dma_start3A_388 = arith.constant 0 : i32
    %dma_start3A_389 = tpu.memref_slice %arg4[%dma_start3A_387, %add3A_383, %dma_start3A_388] : memref<4x4096x1024xf32, #tpu.memory_space<hbm>> -> memref<4x8x1024xf32, #tpu.memory_space<hbm>>
    tpu.enqueue_dma source(%arg8 : memref<4x8x1024xf32, #tpu.memory_space<vmem>>) target(%dma_start3A_389 : memref<4x8x1024xf32, #tpu.memory_space<hbm>>) target_semaphore(%arg14 : memref<!tpu.dma_semaphore, #tpu.memory_space<semaphore_mem>>)
    %dma_wait3A_390 = arith.constant 0 : i32
    %dma_wait3A_391 = tpu.memref_slice %arg3[%add3A_368, %dma_wait3A_390] : memref<4096x1024xf32, #tpu.memory_space<hbm>> -> memref<8x1024xf32, #tpu.memory_space<hbm>>
    %dma_wait3A_392 = arith.constant 0 : i32
    %dma_wait3A_393 = tpu.memref_slice %arg3[%add3A_368, %dma_wait3A_392] : memref<4096x1024xf32, #tpu.memory_space<hbm>> -> memref<8x1024xf32, #tpu.memory_space<hbm>>
    tpu.wait_dma2 semaphore(%arg12 : memref<!tpu.dma_semaphore, #tpu.memory_space<semaphore_mem>>) src(%dma_wait3A_393 : memref<8x1024xf32, #tpu.memory_space<hbm>>) dst(%arg6 : memref<8x1024xf32, #tpu.memory_space<vmem>>)
    %dma_wait3A_394 = arith.constant 0 : i32
    %dma_wait3A_395 = arith.constant 0 : i32
    %dma_wait3A_396 = tpu.memref_slice %arg2[%dma_wait3A_394, %add3A_368, %dma_wait3A_395] : memref<4x4096x1024xf32, #tpu.memory_space<hbm>> -> memref<4x8x1024xf32, #tpu.memory_space<hbm>>
    %dma_wait3A_397 = arith.constant 0 : i32
    %dma_wait3A_398 = arith.constant 0 : i32
    %dma_wait3A_399 = tpu.memref_slice %arg2[%dma_wait3A_397, %add3A_368, %dma_wait3A_398] : memref<4x4096x1024xf32, #tpu.memory_space<hbm>> -> memref<4x8x1024xf32, #tpu.memory_space<hbm>>
    tpu.wait_dma2 semaphore(%arg12 : memref<!tpu.dma_semaphore, #tpu.memory_space<semaphore_mem>>) src(%dma_wait3A_399 : memref<4x8x1024xf32, #tpu.memory_space<hbm>>) dst(%arg9 : memref<4x8x1024xf32, #tpu.memory_space<vmem>>)
    %dma_wait3A_400 = arith.constant 0 : i32
    %dma_wait3A_401 = arith.constant 0 : i32
    %dma_wait3A_402 = tpu.memref_slice %arg4[%dma_wait3A_400, %add3A_344, %dma_wait3A_401] : memref<4x4096x1024xf32, #tpu.memory_space<hbm>> -> memref<4x8x1024xf32, #tpu.memory_space<hbm>>
    %dma_wait3A_403 = arith.constant 0 : i32
    %dma_wait3A_404 = arith.constant 0 : i32
    %dma_wait3A_405 = tpu.memref_slice %arg4[%dma_wait3A_403, %add3A_344, %dma_wait3A_404] : memref<4x4096x1024xf32, #tpu.memory_space<hbm>> -> memref<4x8x1024xf32, #tpu.memory_space<hbm>>
    tpu.wait_dma2 semaphore(%arg16 : memref<!tpu.dma_semaphore, #tpu.memory_space<semaphore_mem>>) src(%arg10 : memref<4x8x1024xf32, #tpu.memory_space<vmem>>) dst(%dma_wait3A_405 : memref<4x8x1024xf32, #tpu.memory_space<hbm>>)
    %add3A_406 = arith.constant 88 : i32
    %add3A_407 = arith.addi %mul3A_2, %add3A_406 : i32
    %dma_start3A_408 = arith.constant 0 : i32
    %dma_start3A_409 = tpu.memref_slice %arg3[%add3A_407, %dma_start3A_408] : memref<4096x1024xf32, #tpu.memory_space<hbm>> -> memref<8x1024xf32, #tpu.memory_space<hbm>>
    %dma_start3A_410 = arith.constant 0 : i32
    %dma_start3A_411 = tpu.memref_slice %arg3[%add3A_407, %dma_start3A_410] : memref<4096x1024xf32, #tpu.memory_space<hbm>> -> memref<8x1024xf32, #tpu.memory_space<hbm>>
    tpu.enqueue_dma source(%dma_start3A_411 : memref<8x1024xf32, #tpu.memory_space<hbm>>) target(%arg7 : memref<8x1024xf32, #tpu.memory_space<vmem>>) target_semaphore(%arg13 : memref<!tpu.dma_semaphore, #tpu.memory_space<semaphore_mem>>)
    %dma_start3A_412 = arith.constant 0 : i32
    %dma_start3A_413 = arith.constant 0 : i32
    %dma_start3A_414 = tpu.memref_slice %arg2[%dma_start3A_412, %add3A_407, %dma_start3A_413] : memref<4x4096x1024xf32, #tpu.memory_space<hbm>> -> memref<4x8x1024xf32, #tpu.memory_space<hbm>>
    %dma_start3A_415 = arith.constant 0 : i32
    %dma_start3A_416 = arith.constant 0 : i32
    %dma_start3A_417 = tpu.memref_slice %arg2[%dma_start3A_415, %add3A_407, %dma_start3A_416] : memref<4x4096x1024xf32, #tpu.memory_space<hbm>> -> memref<4x8x1024xf32, #tpu.memory_space<hbm>>
    tpu.enqueue_dma source(%dma_start3A_417 : memref<4x8x1024xf32, #tpu.memory_space<hbm>>) target(%arg10 : memref<4x8x1024xf32, #tpu.memory_space<vmem>>) target_semaphore(%arg13 : memref<!tpu.dma_semaphore, #tpu.memory_space<semaphore_mem>>)
    %parallel_loop3A_418 = arith.constant 0 : i32
    %parallel_loop3A_419 = arith.constant 8192 : i32
    %parallel_loop3A_420 = arith.constant 16 : i32
    scf.for %parallel_loop3A_624 = %parallel_loop3A_418 to %parallel_loop3A_419 step %parallel_loop3A_420  : i32 {
      %parallel_loop3A_625 = arith.constant 10 : i32
      %parallel_loop3A_626 = arith.shrui %parallel_loop3A_624, %parallel_loop3A_625 : i32
      %parallel_loop3A_627 = arith.constant 1023 : i32
      %parallel_loop3A_628 = arith.andi %parallel_loop3A_624, %parallel_loop3A_627 : i32
      %parallel_loop3A_629 = tpu.assume_multiple %parallel_loop3A_628, 16 : i32
      %parallel_loop3A_630 = arith.index_cast %parallel_loop3A_626 : i32 to index
      %parallel_loop3A_631 = arith.index_cast %parallel_loop3A_629 : i32 to index
      %parallel_loop3A_632 = tpu.vector_load %arg6[%parallel_loop3A_630, %parallel_loop3A_631] {strides = array<i32>} : memref<8x1024xf32, #tpu.memory_space<vmem>>, vector<1x16xf32>,
      %parallel_loop3A_633 = vector.shape_cast %parallel_loop3A_632 : vector<1x16xf32> to vector<16xf32>
      %parallel_loop3A_634 = arith.constant 0 : i32
      %parallel_loop3A_635 = arith.index_cast %parallel_loop3A_634 : i32 to index
      %parallel_loop3A_636 = arith.index_cast %parallel_loop3A_626 : i32 to index
      %parallel_loop3A_637 = arith.index_cast %parallel_loop3A_629 : i32 to index
      %parallel_loop3A_638 = tpu.vector_load %arg9[%parallel_loop3A_635, %parallel_loop3A_636, %parallel_loop3A_637] {strides = array<i32>} : memref<4x8x1024xf32, #tpu.memory_space<vmem>>, vector<1x1x16xf32>,
      %parallel_loop3A_639 = vector.shape_cast %parallel_loop3A_638 : vector<1x1x16xf32> to vector<16xf32>
      %parallel_loop3A_640 = arith.addf %parallel_loop3A_639, %parallel_loop3A_633 : vector<16xf32>
      %parallel_loop3A_641 = arith.constant 0 : i32
      %parallel_loop3A_642 = arith.index_cast %parallel_loop3A_641 : i32 to index
      %parallel_loop3A_643 = arith.index_cast %parallel_loop3A_626 : i32 to index
      %parallel_loop3A_644 = arith.index_cast %parallel_loop3A_629 : i32 to index
      %parallel_loop3A_645 = tpu.vector_load %arg9[%parallel_loop3A_642, %parallel_loop3A_643, %parallel_loop3A_644] {strides = array<i32>} : memref<4x8x1024xf32, #tpu.memory_space<vmem>>, vector<1x1x16xf32>,
      %parallel_loop3A_646 = vector.shape_cast %parallel_loop3A_645 : vector<1x1x16xf32> to vector<16xf32>
      %parallel_loop3A_647 = vector.shape_cast %parallel_loop3A_640 : vector<16xf32> to vector<1x1x16xf32>
      tpu.vector_store %arg9[%parallel_loop3A_642, %parallel_loop3A_643, %parallel_loop3A_644], %parallel_loop3A_647 {strides = array<i32>} : memref<4x8x1024xf32, #tpu.memory_space<vmem>>, vector<1x1x16xf32>,
      %parallel_loop3A_648 = arith.constant 1 : i32
      %parallel_loop3A_649 = arith.index_cast %parallel_loop3A_648 : i32 to index
      %parallel_loop3A_650 = arith.index_cast %parallel_loop3A_626 : i32 to index
      %parallel_loop3A_651 = arith.index_cast %parallel_loop3A_629 : i32 to index
      %parallel_loop3A_652 = tpu.vector_load %arg9[%parallel_loop3A_649, %parallel_loop3A_650, %parallel_loop3A_651] {strides = array<i32>} : memref<4x8x1024xf32, #tpu.memory_space<vmem>>, vector<1x1x16xf32>,
      %parallel_loop3A_653 = vector.shape_cast %parallel_loop3A_652 : vector<1x1x16xf32> to vector<16xf32>
      %parallel_loop3A_654 = arith.addf %parallel_loop3A_653, %parallel_loop3A_633 : vector<16xf32>
      %parallel_loop3A_655 = arith.constant 1 : i32
      %parallel_loop3A_656 = arith.index_cast %parallel_loop3A_655 : i32 to index
      %parallel_loop3A_657 = arith.index_cast %parallel_loop3A_626 : i32 to index
      %parallel_loop3A_658 = arith.index_cast %parallel_loop3A_629 : i32 to index
      %parallel_loop3A_659 = tpu.vector_load %arg9[%parallel_loop3A_656, %parallel_loop3A_657, %parallel_loop3A_658] {strides = array<i32>} : memref<4x8x1024xf32, #tpu.memory_space<vmem>>, vector<1x1x16xf32>,
      %parallel_loop3A_660 = vector.shape_cast %parallel_loop3A_659 : vector<1x1x16xf32> to vector<16xf32>
      %parallel_loop3A_661 = vector.shape_cast %parallel_loop3A_654 : vector<16xf32> to vector<1x1x16xf32>
      tpu.vector_store %arg9[%parallel_loop3A_656, %parallel_loop3A_657, %parallel_loop3A_658], %parallel_loop3A_661 {strides = array<i32>} : memref<4x8x1024xf32, #tpu.memory_space<vmem>>, vector<1x1x16xf32>,
      %parallel_loop3A_662 = arith.constant 2 : i32
      %parallel_loop3A_663 = arith.index_cast %parallel_loop3A_662 : i32 to index
      %parallel_loop3A_664 = arith.index_cast %parallel_loop3A_626 : i32 to index
      %parallel_loop3A_665 = arith.index_cast %parallel_loop3A_629 : i32 to index
      %parallel_loop3A_666 = tpu.vector_load %arg9[%parallel_loop3A_663, %parallel_loop3A_664, %parallel_loop3A_665] {strides = array<i32>} : memref<4x8x1024xf32, #tpu.memory_space<vmem>>, vector<1x1x16xf32>,
      %parallel_loop3A_667 = vector.shape_cast %parallel_loop3A_666 : vector<1x1x16xf32> to vector<16xf32>
      %parallel_loop3A_668 = arith.addf %parallel_loop3A_667, %parallel_loop3A_633 : vector<16xf32>
      %parallel_loop3A_669 = arith.constant 2 : i32
      %parallel_loop3A_670 = arith.index_cast %parallel_loop3A_669 : i32 to index
      %parallel_loop3A_671 = arith.index_cast %parallel_loop3A_626 : i32 to index
      %parallel_loop3A_672 = arith.index_cast %parallel_loop3A_629 : i32 to index
      %parallel_loop3A_673 = tpu.vector_load %arg9[%parallel_loop3A_670, %parallel_loop3A_671, %parallel_loop3A_672] {strides = array<i32>} : memref<4x8x1024xf32, #tpu.memory_space<vmem>>, vector<1x1x16xf32>,
      %parallel_loop3A_674 = vector.shape_cast %parallel_loop3A_673 : vector<1x1x16xf32> to vector<16xf32>
      %parallel_loop3A_675 = vector.shape_cast %parallel_loop3A_668 : vector<16xf32> to vector<1x1x16xf32>
      tpu.vector_store %arg9[%parallel_loop3A_670, %parallel_loop3A_671, %parallel_loop3A_672], %parallel_loop3A_675 {strides = array<i32>} : memref<4x8x1024xf32, #tpu.memory_space<vmem>>, vector<1x1x16xf32>,
      %parallel_loop3A_676 = arith.constant 3 : i32
      %parallel_loop3A_677 = arith.index_cast %parallel_loop3A_676 : i32 to index
      %parallel_loop3A_678 = arith.index_cast %parallel_loop3A_626 : i32 to index
      %parallel_loop3A_679 = arith.index_cast %parallel_loop3A_629 : i32 to index
      %parallel_loop3A_680 = tpu.vector_load %arg9[%parallel_loop3A_677, %parallel_loop3A_678, %parallel_loop3A_679] {strides = array<i32>} : memref<4x8x1024xf32, #tpu.memory_space<vmem>>, vector<1x1x16xf32>,
      %parallel_loop3A_681 = vector.shape_cast %parallel_loop3A_680 : vector<1x1x16xf32> to vector<16xf32>
      %parallel_loop3A_682 = arith.addf %parallel_loop3A_681, %parallel_loop3A_633 : vector<16xf32>
      %parallel_loop3A_683 = arith.constant 3 : i32
      %parallel_loop3A_684 = arith.index_cast %parallel_loop3A_683 : i32 to index
      %parallel_loop3A_685 = arith.index_cast %parallel_loop3A_626 : i32 to index
      %parallel_loop3A_686 = arith.index_cast %parallel_loop3A_629 : i32 to index
      %parallel_loop3A_687 = tpu.vector_load %arg9[%parallel_loop3A_684, %parallel_loop3A_685, %parallel_loop3A_686] {strides = array<i32>} : memref<4x8x1024xf32, #tpu.memory_space<vmem>>, vector<1x1x16xf32>,
      %parallel_loop3A_688 = vector.shape_cast %parallel_loop3A_687 : vector<1x1x16xf32> to vector<16xf32>
      %parallel_loop3A_689 = vector.shape_cast %parallel_loop3A_682 : vector<16xf32> to vector<1x1x16xf32>
      tpu.vector_store %arg9[%parallel_loop3A_684, %parallel_loop3A_685, %parallel_loop3A_686], %parallel_loop3A_689 {strides = array<i32>} : memref<4x8x1024xf32, #tpu.memory_space<vmem>>, vector<1x1x16xf32>,
    } {sc.loop_unroll_factor = 8 : i64, sc.parallel_access}
    %add3A_421 = arith.constant 80 : i32
    %add3A_422 = arith.addi %mul3A_2, %add3A_421 : i32
    %dma_start3A_423 = arith.constant 0 : i32
    %dma_start3A_424 = arith.constant 0 : i32
    %dma_start3A_425 = tpu.memref_slice %arg4[%dma_start3A_423, %add3A_422, %dma_start3A_424] : memref<4x4096x1024xf32, #tpu.memory_space<hbm>> -> memref<4x8x1024xf32, #tpu.memory_space<hbm>>
    %dma_start3A_426 = arith.constant 0 : i32
    %dma_start3A_427 = arith.constant 0 : i32
    %dma_start3A_428 = tpu.memref_slice %arg4[%dma_start3A_426, %add3A_422, %dma_start3A_427] : memref<4x4096x1024xf32, #tpu.memory_space<hbm>> -> memref<4x8x1024xf32, #tpu.memory_space<hbm>>
    tpu.enqueue_dma source(%arg9 : memref<4x8x1024xf32, #tpu.memory_space<vmem>>) target(%dma_start3A_428 : memref<4x8x1024xf32, #tpu.memory_space<hbm>>) target_semaphore(%arg15 : memref<!tpu.dma_semaphore, #tpu.memory_space<semaphore_mem>>)
    %dma_wait3A_429 = arith.constant 0 : i32
    %dma_wait3A_430 = tpu.memref_slice %arg3[%add3A_407, %dma_wait3A_429] : memref<4096x1024xf32, #tpu.memory_space<hbm>> -> memref<8x1024xf32, #tpu.memory_space<hbm>>
    %dma_wait3A_431 = arith.constant 0 : i32
    %dma_wait3A_432 = tpu.memref_slice %arg3[%add3A_407, %dma_wait3A_431] : memref<4096x1024xf32, #tpu.memory_space<hbm>> -> memref<8x1024xf32, #tpu.memory_space<hbm>>
    tpu.wait_dma2 semaphore(%arg13 : memref<!tpu.dma_semaphore, #tpu.memory_space<semaphore_mem>>) src(%dma_wait3A_432 : memref<8x1024xf32, #tpu.memory_space<hbm>>) dst(%arg7 : memref<8x1024xf32, #tpu.memory_space<vmem>>)
    %dma_wait3A_433 = arith.constant 0 : i32
    %dma_wait3A_434 = arith.constant 0 : i32
    %dma_wait3A_435 = tpu.memref_slice %arg2[%dma_wait3A_433, %add3A_407, %dma_wait3A_434] : memref<4x4096x1024xf32, #tpu.memory_space<hbm>> -> memref<4x8x1024xf32, #tpu.memory_space<hbm>>
    %dma_wait3A_436 = arith.constant 0 : i32
    %dma_wait3A_437 = arith.constant 0 : i32
    %dma_wait3A_438 = tpu.memref_slice %arg2[%dma_wait3A_436, %add3A_407, %dma_wait3A_437] : memref<4x4096x1024xf32, #tpu.memory_space<hbm>> -> memref<4x8x1024xf32, #tpu.memory_space<hbm>>
    tpu.wait_dma2 semaphore(%arg13 : memref<!tpu.dma_semaphore, #tpu.memory_space<semaphore_mem>>) src(%dma_wait3A_438 : memref<4x8x1024xf32, #tpu.memory_space<hbm>>) dst(%arg10 : memref<4x8x1024xf32, #tpu.memory_space<vmem>>)
    %dma_wait3A_439 = arith.constant 0 : i32
    %dma_wait3A_440 = arith.constant 0 : i32
    %dma_wait3A_441 = tpu.memref_slice %arg4[%dma_wait3A_439, %add3A_383, %dma_wait3A_440] : memref<4x4096x1024xf32, #tpu.memory_space<hbm>> -> memref<4x8x1024xf32, #tpu.memory_space<hbm>>
    %dma_wait3A_442 = arith.constant 0 : i32
    %dma_wait3A_443 = arith.constant 0 : i32
    %dma_wait3A_444 = tpu.memref_slice %arg4[%dma_wait3A_442, %add3A_383, %dma_wait3A_443] : memref<4x4096x1024xf32, #tpu.memory_space<hbm>> -> memref<4x8x1024xf32, #tpu.memory_space<hbm>>
    tpu.wait_dma2 semaphore(%arg14 : memref<!tpu.dma_semaphore, #tpu.memory_space<semaphore_mem>>) src(%arg8 : memref<4x8x1024xf32, #tpu.memory_space<vmem>>) dst(%dma_wait3A_444 : memref<4x8x1024xf32, #tpu.memory_space<hbm>>)
    %add3A_445 = arith.constant 96 : i32
    %add3A_446 = arith.addi %mul3A_2, %add3A_445 : i32
    %dma_start3A_447 = arith.constant 0 : i32
    %dma_start3A_448 = tpu.memref_slice %arg3[%add3A_446, %dma_start3A_447] : memref<4096x1024xf32, #tpu.memory_space<hbm>> -> memref<8x1024xf32, #tpu.memory_space<hbm>>
    %dma_start3A_449 = arith.constant 0 : i32
    %dma_start3A_450 = tpu.memref_slice %arg3[%add3A_446, %dma_start3A_449] : memref<4096x1024xf32, #tpu.memory_space<hbm>> -> memref<8x1024xf32, #tpu.memory_space<hbm>>
    tpu.enqueue_dma source(%dma_start3A_450 : memref<8x1024xf32, #tpu.memory_space<hbm>>) target(%arg5 : memref<8x1024xf32, #tpu.memory_space<vmem>>) target_semaphore(%arg11 : memref<!tpu.dma_semaphore, #tpu.memory_space<semaphore_mem>>)
    %dma_start3A_451 = arith.constant 0 : i32
    %dma_start3A_452 = arith.constant 0 : i32
    %dma_start3A_453 = tpu.memref_slice %arg2[%dma_start3A_451, %add3A_446, %dma_start3A_452] : memref<4x4096x1024xf32, #tpu.memory_space<hbm>> -> memref<4x8x1024xf32, #tpu.memory_space<hbm>>
    %dma_start3A_454 = arith.constant 0 : i32
    %dma_start3A_455 = arith.constant 0 : i32
    %dma_start3A_456 = tpu.memref_slice %arg2[%dma_start3A_454, %add3A_446, %dma_start3A_455] : memref<4x4096x1024xf32, #tpu.memory_space<hbm>> -> memref<4x8x1024xf32, #tpu.memory_space<hbm>>
    tpu.enqueue_dma source(%dma_start3A_456 : memref<4x8x1024xf32, #tpu.memory_space<hbm>>) target(%arg8 : memref<4x8x1024xf32, #tpu.memory_space<vmem>>) target_semaphore(%arg11 : memref<!tpu.dma_semaphore, #tpu.memory_space<semaphore_mem>>)
    %parallel_loop3A_457 = arith.constant 0 : i32
    %parallel_loop3A_458 = arith.constant 8192 : i32
    %parallel_loop3A_459 = arith.constant 16 : i32
    scf.for %parallel_loop3A_624 = %parallel_loop3A_457 to %parallel_loop3A_458 step %parallel_loop3A_459  : i32 {
      %parallel_loop3A_625 = arith.constant 10 : i32
      %parallel_loop3A_626 = arith.shrui %parallel_loop3A_624, %parallel_loop3A_625 : i32
      %parallel_loop3A_627 = arith.constant 1023 : i32
      %parallel_loop3A_628 = arith.andi %parallel_loop3A_624, %parallel_loop3A_627 : i32
      %parallel_loop3A_629 = tpu.assume_multiple %parallel_loop3A_628, 16 : i32
      %parallel_loop3A_630 = arith.index_cast %parallel_loop3A_626 : i32 to index
      %parallel_loop3A_631 = arith.index_cast %parallel_loop3A_629 : i32 to index
      %parallel_loop3A_632 = tpu.vector_load %arg7[%parallel_loop3A_630, %parallel_loop3A_631] {strides = array<i32>} : memref<8x1024xf32, #tpu.memory_space<vmem>>, vector<1x16xf32>,
      %parallel_loop3A_633 = vector.shape_cast %parallel_loop3A_632 : vector<1x16xf32> to vector<16xf32>
      %parallel_loop3A_634 = arith.constant 0 : i32
      %parallel_loop3A_635 = arith.index_cast %parallel_loop3A_634 : i32 to index
      %parallel_loop3A_636 = arith.index_cast %parallel_loop3A_626 : i32 to index
      %parallel_loop3A_637 = arith.index_cast %parallel_loop3A_629 : i32 to index
      %parallel_loop3A_638 = tpu.vector_load %arg10[%parallel_loop3A_635, %parallel_loop3A_636, %parallel_loop3A_637] {strides = array<i32>} : memref<4x8x1024xf32, #tpu.memory_space<vmem>>, vector<1x1x16xf32>,
      %parallel_loop3A_639 = vector.shape_cast %parallel_loop3A_638 : vector<1x1x16xf32> to vector<16xf32>
      %parallel_loop3A_640 = arith.addf %parallel_loop3A_639, %parallel_loop3A_633 : vector<16xf32>
      %parallel_loop3A_641 = arith.constant 0 : i32
      %parallel_loop3A_642 = arith.index_cast %parallel_loop3A_641 : i32 to index
      %parallel_loop3A_643 = arith.index_cast %parallel_loop3A_626 : i32 to index
      %parallel_loop3A_644 = arith.index_cast %parallel_loop3A_629 : i32 to index
      %parallel_loop3A_645 = tpu.vector_load %arg10[%parallel_loop3A_642, %parallel_loop3A_643, %parallel_loop3A_644] {strides = array<i32>} : memref<4x8x1024xf32, #tpu.memory_space<vmem>>, vector<1x1x16xf32>,
      %parallel_loop3A_646 = vector.shape_cast %parallel_loop3A_645 : vector<1x1x16xf32> to vector<16xf32>
      %parallel_loop3A_647 = vector.shape_cast %parallel_loop3A_640 : vector<16xf32> to vector<1x1x16xf32>
      tpu.vector_store %arg10[%parallel_loop3A_642, %parallel_loop3A_643, %parallel_loop3A_644], %parallel_loop3A_647 {strides = array<i32>} : memref<4x8x1024xf32, #tpu.memory_space<vmem>>, vector<1x1x16xf32>,
      %parallel_loop3A_648 = arith.constant 1 : i32
      %parallel_loop3A_649 = arith.index_cast %parallel_loop3A_648 : i32 to index
      %parallel_loop3A_650 = arith.index_cast %parallel_loop3A_626 : i32 to index
      %parallel_loop3A_651 = arith.index_cast %parallel_loop3A_629 : i32 to index
      %parallel_loop3A_652 = tpu.vector_load %arg10[%parallel_loop3A_649, %parallel_loop3A_650, %parallel_loop3A_651] {strides = array<i32>} : memref<4x8x1024xf32, #tpu.memory_space<vmem>>, vector<1x1x16xf32>,
      %parallel_loop3A_653 = vector.shape_cast %parallel_loop3A_652 : vector<1x1x16xf32> to vector<16xf32>
      %parallel_loop3A_654 = arith.addf %parallel_loop3A_653, %parallel_loop3A_633 : vector<16xf32>
      %parallel_loop3A_655 = arith.constant 1 : i32
      %parallel_loop3A_656 = arith.index_cast %parallel_loop3A_655 : i32 to index
      %parallel_loop3A_657 = arith.index_cast %parallel_loop3A_626 : i32 to index
      %parallel_loop3A_658 = arith.index_cast %parallel_loop3A_629 : i32 to index
      %parallel_loop3A_659 = tpu.vector_load %arg10[%parallel_loop3A_656, %parallel_loop3A_657, %parallel_loop3A_658] {strides = array<i32>} : memref<4x8x1024xf32, #tpu.memory_space<vmem>>, vector<1x1x16xf32>,
      %parallel_loop3A_660 = vector.shape_cast %parallel_loop3A_659 : vector<1x1x16xf32> to vector<16xf32>
      %parallel_loop3A_661 = vector.shape_cast %parallel_loop3A_654 : vector<16xf32> to vector<1x1x16xf32>
      tpu.vector_store %arg10[%parallel_loop3A_656, %parallel_loop3A_657, %parallel_loop3A_658], %parallel_loop3A_661 {strides = array<i32>} : memref<4x8x1024xf32, #tpu.memory_space<vmem>>, vector<1x1x16xf32>,
      %parallel_loop3A_662 = arith.constant 2 : i32
      %parallel_loop3A_663 = arith.index_cast %parallel_loop3A_662 : i32 to index
      %parallel_loop3A_664 = arith.index_cast %parallel_loop3A_626 : i32 to index
      %parallel_loop3A_665 = arith.index_cast %parallel_loop3A_629 : i32 to index
      %parallel_loop3A_666 = tpu.vector_load %arg10[%parallel_loop3A_663, %parallel_loop3A_664, %parallel_loop3A_665] {strides = array<i32>} : memref<4x8x1024xf32, #tpu.memory_space<vmem>>, vector<1x1x16xf32>,
      %parallel_loop3A_667 = vector.shape_cast %parallel_loop3A_666 : vector<1x1x16xf32> to vector<16xf32>
      %parallel_loop3A_668 = arith.addf %parallel_loop3A_667, %parallel_loop3A_633 : vector<16xf32>
      %parallel_loop3A_669 = arith.constant 2 : i32
      %parallel_loop3A_670 = arith.index_cast %parallel_loop3A_669 : i32 to index
      %parallel_loop3A_671 = arith.index_cast %parallel_loop3A_626 : i32 to index
      %parallel_loop3A_672 = arith.index_cast %parallel_loop3A_629 : i32 to index
      %parallel_loop3A_673 = tpu.vector_load %arg10[%parallel_loop3A_670, %parallel_loop3A_671, %parallel_loop3A_672] {strides = array<i32>} : memref<4x8x1024xf32, #tpu.memory_space<vmem>>, vector<1x1x16xf32>,
      %parallel_loop3A_674 = vector.shape_cast %parallel_loop3A_673 : vector<1x1x16xf32> to vector<16xf32>
      %parallel_loop3A_675 = vector.shape_cast %parallel_loop3A_668 : vector<16xf32> to vector<1x1x16xf32>
      tpu.vector_store %arg10[%parallel_loop3A_670, %parallel_loop3A_671, %parallel_loop3A_672], %parallel_loop3A_675 {strides = array<i32>} : memref<4x8x1024xf32, #tpu.memory_space<vmem>>, vector<1x1x16xf32>,
      %parallel_loop3A_676 = arith.constant 3 : i32
      %parallel_loop3A_677 = arith.index_cast %parallel_loop3A_676 : i32 to index
      %parallel_loop3A_678 = arith.index_cast %parallel_loop3A_626 : i32 to index
      %parallel_loop3A_679 = arith.index_cast %parallel_loop3A_629 : i32 to index
      %parallel_loop3A_680 = tpu.vector_load %arg10[%parallel_loop3A_677, %parallel_loop3A_678, %parallel_loop3A_679] {strides = array<i32>} : memref<4x8x1024xf32, #tpu.memory_space<vmem>>, vector<1x1x16xf32>,
      %parallel_loop3A_681 = vector.shape_cast %parallel_loop3A_680 : vector<1x1x16xf32> to vector<16xf32>
      %parallel_loop3A_682 = arith.addf %parallel_loop3A_681, %parallel_loop3A_633 : vector<16xf32>
      %parallel_loop3A_683 = arith.constant 3 : i32
      %parallel_loop3A_684 = arith.index_cast %parallel_loop3A_683 : i32 to index
      %parallel_loop3A_685 = arith.index_cast %parallel_loop3A_626 : i32 to index
      %parallel_loop3A_686 = arith.index_cast %parallel_loop3A_629 : i32 to index
      %parallel_loop3A_687 = tpu.vector_load %arg10[%parallel_loop3A_684, %parallel_loop3A_685, %parallel_loop3A_686] {strides = array<i32>} : memref<4x8x1024xf32, #tpu.memory_space<vmem>>, vector<1x1x16xf32>,
      %parallel_loop3A_688 = vector.shape_cast %parallel_loop3A_687 : vector<1x1x16xf32> to vector<16xf32>
      %parallel_loop3A_689 = vector.shape_cast %parallel_loop3A_682 : vector<16xf32> to vector<1x1x16xf32>
      tpu.vector_store %arg10[%parallel_loop3A_684, %parallel_loop3A_685, %parallel_loop3A_686], %parallel_loop3A_689 {strides = array<i32>} : memref<4x8x1024xf32, #tpu.memory_space<vmem>>, vector<1x1x16xf32>,
    } {sc.loop_unroll_factor = 8 : i64, sc.parallel_access}
    %add3A_460 = arith.constant 88 : i32
    %add3A_461 = arith.addi %mul3A_2, %add3A_460 : i32
    %dma_start3A_462 = arith.constant 0 : i32
    %dma_start3A_463 = arith.constant 0 : i32
    %dma_start3A_464 = tpu.memref_slice %arg4[%dma_start3A_462, %add3A_461, %dma_start3A_463] : memref<4x4096x1024xf32, #tpu.memory_space<hbm>> -> memref<4x8x1024xf32, #tpu.memory_space<hbm>>
    %dma_start3A_465 = arith.constant 0 : i32
    %dma_start3A_466 = arith.constant 0 : i32
    %dma_start3A_467 = tpu.memref_slice %arg4[%dma_start3A_465, %add3A_461, %dma_start3A_466] : memref<4x4096x1024xf32, #tpu.memory_space<hbm>> -> memref<4x8x1024xf32, #tpu.memory_space<hbm>>
    tpu.enqueue_dma source(%arg10 : memref<4x8x1024xf32, #tpu.memory_space<vmem>>) target(%dma_start3A_467 : memref<4x8x1024xf32, #tpu.memory_space<hbm>>) target_semaphore(%arg16 : memref<!tpu.dma_semaphore, #tpu.memory_space<semaphore_mem>>)
    %dma_wait3A_468 = arith.constant 0 : i32
    %dma_wait3A_469 = tpu.memref_slice %arg3[%add3A_446, %dma_wait3A_468] : memref<4096x1024xf32, #tpu.memory_space<hbm>> -> memref<8x1024xf32, #tpu.memory_space<hbm>>
    %dma_wait3A_470 = arith.constant 0 : i32
    %dma_wait3A_471 = tpu.memref_slice %arg3[%add3A_446, %dma_wait3A_470] : memref<4096x1024xf32, #tpu.memory_space<hbm>> -> memref<8x1024xf32, #tpu.memory_space<hbm>>
    tpu.wait_dma2 semaphore(%arg11 : memref<!tpu.dma_semaphore, #tpu.memory_space<semaphore_mem>>) src(%dma_wait3A_471 : memref<8x1024xf32, #tpu.memory_space<hbm>>) dst(%arg5 : memref<8x1024xf32, #tpu.memory_space<vmem>>)
    %dma_wait3A_472 = arith.constant 0 : i32
    %dma_wait3A_473 = arith.constant 0 : i32
    %dma_wait3A_474 = tpu.memref_slice %arg2[%dma_wait3A_472, %add3A_446, %dma_wait3A_473] : memref<4x4096x1024xf32, #tpu.memory_space<hbm>> -> memref<4x8x1024xf32, #tpu.memory_space<hbm>>
    %dma_wait3A_475 = arith.constant 0 : i32
    %dma_wait3A_476 = arith.constant 0 : i32
    %dma_wait3A_477 = tpu.memref_slice %arg2[%dma_wait3A_475, %add3A_446, %dma_wait3A_476] : memref<4x4096x1024xf32, #tpu.memory_space<hbm>> -> memref<4x8x1024xf32, #tpu.memory_space<hbm>>
    tpu.wait_dma2 semaphore(%arg11 : memref<!tpu.dma_semaphore, #tpu.memory_space<semaphore_mem>>) src(%dma_wait3A_477 : memref<4x8x1024xf32, #tpu.memory_space<hbm>>) dst(%arg8 : memref<4x8x1024xf32, #tpu.memory_space<vmem>>)
    %dma_wait3A_478 = arith.constant 0 : i32
    %dma_wait3A_479 = arith.constant 0 : i32
    %dma_wait3A_480 = tpu.memref_slice %arg4[%dma_wait3A_478, %add3A_422, %dma_wait3A_479] : memref<4x4096x1024xf32, #tpu.memory_space<hbm>> -> memref<4x8x1024xf32, #tpu.memory_space<hbm>>
    %dma_wait3A_481 = arith.constant 0 : i32
    %dma_wait3A_482 = arith.constant 0 : i32
    %dma_wait3A_483 = tpu.memref_slice %arg4[%dma_wait3A_481, %add3A_422, %dma_wait3A_482] : memref<4x4096x1024xf32, #tpu.memory_space<hbm>> -> memref<4x8x1024xf32, #tpu.memory_space<hbm>>
    tpu.wait_dma2 semaphore(%arg15 : memref<!tpu.dma_semaphore, #tpu.memory_space<semaphore_mem>>) src(%arg9 : memref<4x8x1024xf32, #tpu.memory_space<vmem>>) dst(%dma_wait3A_483 : memref<4x8x1024xf32, #tpu.memory_space<hbm>>)
    %add3A_484 = arith.constant 104 : i32
    %add3A_485 = arith.addi %mul3A_2, %add3A_484 : i32
    %dma_start3A_486 = arith.constant 0 : i32
    %dma_start3A_487 = tpu.memref_slice %arg3[%add3A_485, %dma_start3A_486] : memref<4096x1024xf32, #tpu.memory_space<hbm>> -> memref<8x1024xf32, #tpu.memory_space<hbm>>
    %dma_start3A_488 = arith.constant 0 : i32
    %dma_start3A_489 = tpu.memref_slice %arg3[%add3A_485, %dma_start3A_488] : memref<4096x1024xf32, #tpu.memory_space<hbm>> -> memref<8x1024xf32, #tpu.memory_space<hbm>>
    tpu.enqueue_dma source(%dma_start3A_489 : memref<8x1024xf32, #tpu.memory_space<hbm>>) target(%arg6 : memref<8x1024xf32, #tpu.memory_space<vmem>>) target_semaphore(%arg12 : memref<!tpu.dma_semaphore, #tpu.memory_space<semaphore_mem>>)
    %dma_start3A_490 = arith.constant 0 : i32
    %dma_start3A_491 = arith.constant 0 : i32
    %dma_start3A_492 = tpu.memref_slice %arg2[%dma_start3A_490, %add3A_485, %dma_start3A_491] : memref<4x4096x1024xf32, #tpu.memory_space<hbm>> -> memref<4x8x1024xf32, #tpu.memory_space<hbm>>
    %dma_start3A_493 = arith.constant 0 : i32
    %dma_start3A_494 = arith.constant 0 : i32
    %dma_start3A_495 = tpu.memref_slice %arg2[%dma_start3A_493, %add3A_485, %dma_start3A_494] : memref<4x4096x1024xf32, #tpu.memory_space<hbm>> -> memref<4x8x1024xf32, #tpu.memory_space<hbm>>
    tpu.enqueue_dma source(%dma_start3A_495 : memref<4x8x1024xf32, #tpu.memory_space<hbm>>) target(%arg9 : memref<4x8x1024xf32, #tpu.memory_space<vmem>>) target_semaphore(%arg12 : memref<!tpu.dma_semaphore, #tpu.memory_space<semaphore_mem>>)
    %parallel_loop3A_496 = arith.constant 0 : i32
    %parallel_loop3A_497 = arith.constant 8192 : i32
    %parallel_loop3A_498 = arith.constant 16 : i32
    scf.for %parallel_loop3A_624 = %parallel_loop3A_496 to %parallel_loop3A_497 step %parallel_loop3A_498  : i32 {
      %parallel_loop3A_625 = arith.constant 10 : i32
      %parallel_loop3A_626 = arith.shrui %parallel_loop3A_624, %parallel_loop3A_625 : i32
      %parallel_loop3A_627 = arith.constant 1023 : i32
      %parallel_loop3A_628 = arith.andi %parallel_loop3A_624, %parallel_loop3A_627 : i32
      %parallel_loop3A_629 = tpu.assume_multiple %parallel_loop3A_628, 16 : i32
      %parallel_loop3A_630 = arith.index_cast %parallel_loop3A_626 : i32 to index
      %parallel_loop3A_631 = arith.index_cast %parallel_loop3A_629 : i32 to index
      %parallel_loop3A_632 = tpu.vector_load %arg5[%parallel_loop3A_630, %parallel_loop3A_631] {strides = array<i32>} : memref<8x1024xf32, #tpu.memory_space<vmem>>, vector<1x16xf32>,
      %parallel_loop3A_633 = vector.shape_cast %parallel_loop3A_632 : vector<1x16xf32> to vector<16xf32>
      %parallel_loop3A_634 = arith.constant 0 : i32
      %parallel_loop3A_635 = arith.index_cast %parallel_loop3A_634 : i32 to index
      %parallel_loop3A_636 = arith.index_cast %parallel_loop3A_626 : i32 to index
      %parallel_loop3A_637 = arith.index_cast %parallel_loop3A_629 : i32 to index
      %parallel_loop3A_638 = tpu.vector_load %arg8[%parallel_loop3A_635, %parallel_loop3A_636, %parallel_loop3A_637] {strides = array<i32>} : memref<4x8x1024xf32, #tpu.memory_space<vmem>>, vector<1x1x16xf32>,
      %parallel_loop3A_639 = vector.shape_cast %parallel_loop3A_638 : vector<1x1x16xf32> to vector<16xf32>
      %parallel_loop3A_640 = arith.addf %parallel_loop3A_639, %parallel_loop3A_633 : vector<16xf32>
      %parallel_loop3A_641 = arith.constant 0 : i32
      %parallel_loop3A_642 = arith.index_cast %parallel_loop3A_641 : i32 to index
      %parallel_loop3A_643 = arith.index_cast %parallel_loop3A_626 : i32 to index
      %parallel_loop3A_644 = arith.index_cast %parallel_loop3A_629 : i32 to index
      %parallel_loop3A_645 = tpu.vector_load %arg8[%parallel_loop3A_642, %parallel_loop3A_643, %parallel_loop3A_644] {strides = array<i32>} : memref<4x8x1024xf32, #tpu.memory_space<vmem>>, vector<1x1x16xf32>,
      %parallel_loop3A_646 = vector.shape_cast %parallel_loop3A_645 : vector<1x1x16xf32> to vector<16xf32>
      %parallel_loop3A_647 = vector.shape_cast %parallel_loop3A_640 : vector<16xf32> to vector<1x1x16xf32>
      tpu.vector_store %arg8[%parallel_loop3A_642, %parallel_loop3A_643, %parallel_loop3A_644], %parallel_loop3A_647 {strides = array<i32>} : memref<4x8x1024xf32, #tpu.memory_space<vmem>>, vector<1x1x16xf32>,
      %parallel_loop3A_648 = arith.constant 1 : i32
      %parallel_loop3A_649 = arith.index_cast %parallel_loop3A_648 : i32 to index
      %parallel_loop3A_650 = arith.index_cast %parallel_loop3A_626 : i32 to index
      %parallel_loop3A_651 = arith.index_cast %parallel_loop3A_629 : i32 to index
      %parallel_loop3A_652 = tpu.vector_load %arg8[%parallel_loop3A_649, %parallel_loop3A_650, %parallel_loop3A_651] {strides = array<i32>} : memref<4x8x1024xf32, #tpu.memory_space<vmem>>, vector<1x1x16xf32>,
      %parallel_loop3A_653 = vector.shape_cast %parallel_loop3A_652 : vector<1x1x16xf32> to vector<16xf32>
      %parallel_loop3A_654 = arith.addf %parallel_loop3A_653, %parallel_loop3A_633 : vector<16xf32>
      %parallel_loop3A_655 = arith.constant 1 : i32
      %parallel_loop3A_656 = arith.index_cast %parallel_loop3A_655 : i32 to index
      %parallel_loop3A_657 = arith.index_cast %parallel_loop3A_626 : i32 to index
      %parallel_loop3A_658 = arith.index_cast %parallel_loop3A_629 : i32 to index
      %parallel_loop3A_659 = tpu.vector_load %arg8[%parallel_loop3A_656, %parallel_loop3A_657, %parallel_loop3A_658] {strides = array<i32>} : memref<4x8x1024xf32, #tpu.memory_space<vmem>>, vector<1x1x16xf32>,
      %parallel_loop3A_660 = vector.shape_cast %parallel_loop3A_659 : vector<1x1x16xf32> to vector<16xf32>
      %parallel_loop3A_661 = vector.shape_cast %parallel_loop3A_654 : vector<16xf32> to vector<1x1x16xf32>
      tpu.vector_store %arg8[%parallel_loop3A_656, %parallel_loop3A_657, %parallel_loop3A_658], %parallel_loop3A_661 {strides = array<i32>} : memref<4x8x1024xf32, #tpu.memory_space<vmem>>, vector<1x1x16xf32>,
      %parallel_loop3A_662 = arith.constant 2 : i32
      %parallel_loop3A_663 = arith.index_cast %parallel_loop3A_662 : i32 to index
      %parallel_loop3A_664 = arith.index_cast %parallel_loop3A_626 : i32 to index
      %parallel_loop3A_665 = arith.index_cast %parallel_loop3A_629 : i32 to index
      %parallel_loop3A_666 = tpu.vector_load %arg8[%parallel_loop3A_663, %parallel_loop3A_664, %parallel_loop3A_665] {strides = array<i32>} : memref<4x8x1024xf32, #tpu.memory_space<vmem>>, vector<1x1x16xf32>,
      %parallel_loop3A_667 = vector.shape_cast %parallel_loop3A_666 : vector<1x1x16xf32> to vector<16xf32>
      %parallel_loop3A_668 = arith.addf %parallel_loop3A_667, %parallel_loop3A_633 : vector<16xf32>
      %parallel_loop3A_669 = arith.constant 2 : i32
      %parallel_loop3A_670 = arith.index_cast %parallel_loop3A_669 : i32 to index
      %parallel_loop3A_671 = arith.index_cast %parallel_loop3A_626 : i32 to index
      %parallel_loop3A_672 = arith.index_cast %parallel_loop3A_629 : i32 to index
      %parallel_loop3A_673 = tpu.vector_load %arg8[%parallel_loop3A_670, %parallel_loop3A_671, %parallel_loop3A_672] {strides = array<i32>} : memref<4x8x1024xf32, #tpu.memory_space<vmem>>, vector<1x1x16xf32>,
      %parallel_loop3A_674 = vector.shape_cast %parallel_loop3A_673 : vector<1x1x16xf32> to vector<16xf32>
      %parallel_loop3A_675 = vector.shape_cast %parallel_loop3A_668 : vector<16xf32> to vector<1x1x16xf32>
      tpu.vector_store %arg8[%parallel_loop3A_670, %parallel_loop3A_671, %parallel_loop3A_672], %parallel_loop3A_675 {strides = array<i32>} : memref<4x8x1024xf32, #tpu.memory_space<vmem>>, vector<1x1x16xf32>,
      %parallel_loop3A_676 = arith.constant 3 : i32
      %parallel_loop3A_677 = arith.index_cast %parallel_loop3A_676 : i32 to index
      %parallel_loop3A_678 = arith.index_cast %parallel_loop3A_626 : i32 to index
      %parallel_loop3A_679 = arith.index_cast %parallel_loop3A_629 : i32 to index
      %parallel_loop3A_680 = tpu.vector_load %arg8[%parallel_loop3A_677, %parallel_loop3A_678, %parallel_loop3A_679] {strides = array<i32>} : memref<4x8x1024xf32, #tpu.memory_space<vmem>>, vector<1x1x16xf32>,
      %parallel_loop3A_681 = vector.shape_cast %parallel_loop3A_680 : vector<1x1x16xf32> to vector<16xf32>
      %parallel_loop3A_682 = arith.addf %parallel_loop3A_681, %parallel_loop3A_633 : vector<16xf32>
      %parallel_loop3A_683 = arith.constant 3 : i32
      %parallel_loop3A_684 = arith.index_cast %parallel_loop3A_683 : i32 to index
      %parallel_loop3A_685 = arith.index_cast %parallel_loop3A_626 : i32 to index
      %parallel_loop3A_686 = arith.index_cast %parallel_loop3A_629 : i32 to index
      %parallel_loop3A_687 = tpu.vector_load %arg8[%parallel_loop3A_684, %parallel_loop3A_685, %parallel_loop3A_686] {strides = array<i32>} : memref<4x8x1024xf32, #tpu.memory_space<vmem>>, vector<1x1x16xf32>,
      %parallel_loop3A_688 = vector.shape_cast %parallel_loop3A_687 : vector<1x1x16xf32> to vector<16xf32>
      %parallel_loop3A_689 = vector.shape_cast %parallel_loop3A_682 : vector<16xf32> to vector<1x1x16xf32>
      tpu.vector_store %arg8[%parallel_loop3A_684, %parallel_loop3A_685, %parallel_loop3A_686], %parallel_loop3A_689 {strides = array<i32>} : memref<4x8x1024xf32, #tpu.memory_space<vmem>>, vector<1x1x16xf32>,
    } {sc.loop_unroll_factor = 8 : i64, sc.parallel_access}
    %add3A_499 = arith.constant 96 : i32
    %add3A_500 = arith.addi %mul3A_2, %add3A_499 : i32
    %dma_start3A_501 = arith.constant 0 : i32
    %dma_start3A_502 = arith.constant 0 : i32
    %dma_start3A_503 = tpu.memref_slice %arg4[%dma_start3A_501, %add3A_500, %dma_start3A_502] : memref<4x4096x1024xf32, #tpu.memory_space<hbm>> -> memref<4x8x1024xf32, #tpu.memory_space<hbm>>
    %dma_start3A_504 = arith.constant 0 : i32
    %dma_start3A_505 = arith.constant 0 : i32
    %dma_start3A_506 = tpu.memref_slice %arg4[%dma_start3A_504, %add3A_500, %dma_start3A_505] : memref<4x4096x1024xf32, #tpu.memory_space<hbm>> -> memref<4x8x1024xf32, #tpu.memory_space<hbm>>
    tpu.enqueue_dma source(%arg8 : memref<4x8x1024xf32, #tpu.memory_space<vmem>>) target(%dma_start3A_506 : memref<4x8x1024xf32, #tpu.memory_space<hbm>>) target_semaphore(%arg14 : memref<!tpu.dma_semaphore, #tpu.memory_space<semaphore_mem>>)
    %dma_wait3A_507 = arith.constant 0 : i32
    %dma_wait3A_508 = tpu.memref_slice %arg3[%add3A_485, %dma_wait3A_507] : memref<4096x1024xf32, #tpu.memory_space<hbm>> -> memref<8x1024xf32, #tpu.memory_space<hbm>>
    %dma_wait3A_509 = arith.constant 0 : i32
    %dma_wait3A_510 = tpu.memref_slice %arg3[%add3A_485, %dma_wait3A_509] : memref<4096x1024xf32, #tpu.memory_space<hbm>> -> memref<8x1024xf32, #tpu.memory_space<hbm>>
    tpu.wait_dma2 semaphore(%arg12 : memref<!tpu.dma_semaphore, #tpu.memory_space<semaphore_mem>>) src(%dma_wait3A_510 : memref<8x1024xf32, #tpu.memory_space<hbm>>) dst(%arg6 : memref<8x1024xf32, #tpu.memory_space<vmem>>)
    %dma_wait3A_511 = arith.constant 0 : i32
    %dma_wait3A_512 = arith.constant 0 : i32
    %dma_wait3A_513 = tpu.memref_slice %arg2[%dma_wait3A_511, %add3A_485, %dma_wait3A_512] : memref<4x4096x1024xf32, #tpu.memory_space<hbm>> -> memref<4x8x1024xf32, #tpu.memory_space<hbm>>
    %dma_wait3A_514 = arith.constant 0 : i32
    %dma_wait3A_515 = arith.constant 0 : i32
    %dma_wait3A_516 = tpu.memref_slice %arg2[%dma_wait3A_514, %add3A_485, %dma_wait3A_515] : memref<4x4096x1024xf32, #tpu.memory_space<hbm>> -> memref<4x8x1024xf32, #tpu.memory_space<hbm>>
    tpu.wait_dma2 semaphore(%arg12 : memref<!tpu.dma_semaphore, #tpu.memory_space<semaphore_mem>>) src(%dma_wait3A_516 : memref<4x8x1024xf32, #tpu.memory_space<hbm>>) dst(%arg9 : memref<4x8x1024xf32, #tpu.memory_space<vmem>>)
    %dma_wait3A_517 = arith.constant 0 : i32
    %dma_wait3A_518 = arith.constant 0 : i32
    %dma_wait3A_519 = tpu.memref_slice %arg4[%dma_wait3A_517, %add3A_461, %dma_wait3A_518] : memref<4x4096x1024xf32, #tpu.memory_space<hbm>> -> memref<4x8x1024xf32, #tpu.memory_space<hbm>>
    %dma_wait3A_520 = arith.constant 0 : i32
    %dma_wait3A_521 = arith.constant 0 : i32
    %dma_wait3A_522 = tpu.memref_slice %arg4[%dma_wait3A_520, %add3A_461, %dma_wait3A_521] : memref<4x4096x1024xf32, #tpu.memory_space<hbm>> -> memref<4x8x1024xf32, #tpu.memory_space<hbm>>
    tpu.wait_dma2 semaphore(%arg16 : memref<!tpu.dma_semaphore, #tpu.memory_space<semaphore_mem>>) src(%arg10 : memref<4x8x1024xf32, #tpu.memory_space<vmem>>) dst(%dma_wait3A_522 : memref<4x8x1024xf32, #tpu.memory_space<hbm>>)
    %add3A_523 = arith.constant 112 : i32
    %add3A_524 = arith.addi %mul3A_2, %add3A_523 : i32
    %dma_start3A_525 = arith.constant 0 : i32
    %dma_start3A_526 = tpu.memref_slice %arg3[%add3A_524, %dma_start3A_525] : memref<4096x1024xf32, #tpu.memory_space<hbm>> -> memref<8x1024xf32, #tpu.memory_space<hbm>>
    %dma_start3A_527 = arith.constant 0 : i32
    %dma_start3A_528 = tpu.memref_slice %arg3[%add3A_524, %dma_start3A_527] : memref<4096x1024xf32, #tpu.memory_space<hbm>> -> memref<8x1024xf32, #tpu.memory_space<hbm>>
    tpu.enqueue_dma source(%dma_start3A_528 : memref<8x1024xf32, #tpu.memory_space<hbm>>) target(%arg7 : memref<8x1024xf32, #tpu.memory_space<vmem>>) target_semaphore(%arg13 : memref<!tpu.dma_semaphore, #tpu.memory_space<semaphore_mem>>)
    %dma_start3A_529 = arith.constant 0 : i32
    %dma_start3A_530 = arith.constant 0 : i32
    %dma_start3A_531 = tpu.memref_slice %arg2[%dma_start3A_529, %add3A_524, %dma_start3A_530] : memref<4x4096x1024xf32, #tpu.memory_space<hbm>> -> memref<4x8x1024xf32, #tpu.memory_space<hbm>>
    %dma_start3A_532 = arith.constant 0 : i32
    %dma_start3A_533 = arith.constant 0 : i32
    %dma_start3A_534 = tpu.memref_slice %arg2[%dma_start3A_532, %add3A_524, %dma_start3A_533] : memref<4x4096x1024xf32, #tpu.memory_space<hbm>> -> memref<4x8x1024xf32, #tpu.memory_space<hbm>>
    tpu.enqueue_dma source(%dma_start3A_534 : memref<4x8x1024xf32, #tpu.memory_space<hbm>>) target(%arg10 : memref<4x8x1024xf32, #tpu.memory_space<vmem>>) target_semaphore(%arg13 : memref<!tpu.dma_semaphore, #tpu.memory_space<semaphore_mem>>)
    %parallel_loop3A_535 = arith.constant 0 : i32
    %parallel_loop3A_536 = arith.constant 8192 : i32
    %parallel_loop3A_537 = arith.constant 16 : i32
    scf.for %parallel_loop3A_624 = %parallel_loop3A_535 to %parallel_loop3A_536 step %parallel_loop3A_537  : i32 {
      %parallel_loop3A_625 = arith.constant 10 : i32
      %parallel_loop3A_626 = arith.shrui %parallel_loop3A_624, %parallel_loop3A_625 : i32
      %parallel_loop3A_627 = arith.constant 1023 : i32
      %parallel_loop3A_628 = arith.andi %parallel_loop3A_624, %parallel_loop3A_627 : i32
      %parallel_loop3A_629 = tpu.assume_multiple %parallel_loop3A_628, 16 : i32
      %parallel_loop3A_630 = arith.index_cast %parallel_loop3A_626 : i32 to index
      %parallel_loop3A_631 = arith.index_cast %parallel_loop3A_629 : i32 to index
      %parallel_loop3A_632 = tpu.vector_load %arg6[%parallel_loop3A_630, %parallel_loop3A_631] {strides = array<i32>} : memref<8x1024xf32, #tpu.memory_space<vmem>>, vector<1x16xf32>,
      %parallel_loop3A_633 = vector.shape_cast %parallel_loop3A_632 : vector<1x16xf32> to vector<16xf32>
      %parallel_loop3A_634 = arith.constant 0 : i32
      %parallel_loop3A_635 = arith.index_cast %parallel_loop3A_634 : i32 to index
      %parallel_loop3A_636 = arith.index_cast %parallel_loop3A_626 : i32 to index
      %parallel_loop3A_637 = arith.index_cast %parallel_loop3A_629 : i32 to index
      %parallel_loop3A_638 = tpu.vector_load %arg9[%parallel_loop3A_635, %parallel_loop3A_636, %parallel_loop3A_637] {strides = array<i32>} : memref<4x8x1024xf32, #tpu.memory_space<vmem>>, vector<1x1x16xf32>,
      %parallel_loop3A_639 = vector.shape_cast %parallel_loop3A_638 : vector<1x1x16xf32> to vector<16xf32>
      %parallel_loop3A_640 = arith.addf %parallel_loop3A_639, %parallel_loop3A_633 : vector<16xf32>
      %parallel_loop3A_641 = arith.constant 0 : i32
      %parallel_loop3A_642 = arith.index_cast %parallel_loop3A_641 : i32 to index
      %parallel_loop3A_643 = arith.index_cast %parallel_loop3A_626 : i32 to index
      %parallel_loop3A_644 = arith.index_cast %parallel_loop3A_629 : i32 to index
      %parallel_loop3A_645 = tpu.vector_load %arg9[%parallel_loop3A_642, %parallel_loop3A_643, %parallel_loop3A_644] {strides = array<i32>} : memref<4x8x1024xf32, #tpu.memory_space<vmem>>, vector<1x1x16xf32>,
      %parallel_loop3A_646 = vector.shape_cast %parallel_loop3A_645 : vector<1x1x16xf32> to vector<16xf32>
      %parallel_loop3A_647 = vector.shape_cast %parallel_loop3A_640 : vector<16xf32> to vector<1x1x16xf32>
      tpu.vector_store %arg9[%parallel_loop3A_642, %parallel_loop3A_643, %parallel_loop3A_644], %parallel_loop3A_647 {strides = array<i32>} : memref<4x8x1024xf32, #tpu.memory_space<vmem>>, vector<1x1x16xf32>,
      %parallel_loop3A_648 = arith.constant 1 : i32
      %parallel_loop3A_649 = arith.index_cast %parallel_loop3A_648 : i32 to index
      %parallel_loop3A_650 = arith.index_cast %parallel_loop3A_626 : i32 to index
      %parallel_loop3A_651 = arith.index_cast %parallel_loop3A_629 : i32 to index
      %parallel_loop3A_652 = tpu.vector_load %arg9[%parallel_loop3A_649, %parallel_loop3A_650, %parallel_loop3A_651] {strides = array<i32>} : memref<4x8x1024xf32, #tpu.memory_space<vmem>>, vector<1x1x16xf32>,
      %parallel_loop3A_653 = vector.shape_cast %parallel_loop3A_652 : vector<1x1x16xf32> to vector<16xf32>
      %parallel_loop3A_654 = arith.addf %parallel_loop3A_653, %parallel_loop3A_633 : vector<16xf32>
      %parallel_loop3A_655 = arith.constant 1 : i32
      %parallel_loop3A_656 = arith.index_cast %parallel_loop3A_655 : i32 to index
      %parallel_loop3A_657 = arith.index_cast %parallel_loop3A_626 : i32 to index
      %parallel_loop3A_658 = arith.index_cast %parallel_loop3A_629 : i32 to index
      %parallel_loop3A_659 = tpu.vector_load %arg9[%parallel_loop3A_656, %parallel_loop3A_657, %parallel_loop3A_658] {strides = array<i32>} : memref<4x8x1024xf32, #tpu.memory_space<vmem>>, vector<1x1x16xf32>,
      %parallel_loop3A_660 = vector.shape_cast %parallel_loop3A_659 : vector<1x1x16xf32> to vector<16xf32>
      %parallel_loop3A_661 = vector.shape_cast %parallel_loop3A_654 : vector<16xf32> to vector<1x1x16xf32>
      tpu.vector_store %arg9[%parallel_loop3A_656, %parallel_loop3A_657, %parallel_loop3A_658], %parallel_loop3A_661 {strides = array<i32>} : memref<4x8x1024xf32, #tpu.memory_space<vmem>>, vector<1x1x16xf32>,
      %parallel_loop3A_662 = arith.constant 2 : i32
      %parallel_loop3A_663 = arith.index_cast %parallel_loop3A_662 : i32 to index
      %parallel_loop3A_664 = arith.index_cast %parallel_loop3A_626 : i32 to index
      %parallel_loop3A_665 = arith.index_cast %parallel_loop3A_629 : i32 to index
      %parallel_loop3A_666 = tpu.vector_load %arg9[%parallel_loop3A_663, %parallel_loop3A_664, %parallel_loop3A_665] {strides = array<i32>} : memref<4x8x1024xf32, #tpu.memory_space<vmem>>, vector<1x1x16xf32>,
      %parallel_loop3A_667 = vector.shape_cast %parallel_loop3A_666 : vector<1x1x16xf32> to vector<16xf32>
      %parallel_loop3A_668 = arith.addf %parallel_loop3A_667, %parallel_loop3A_633 : vector<16xf32>
      %parallel_loop3A_669 = arith.constant 2 : i32
      %parallel_loop3A_670 = arith.index_cast %parallel_loop3A_669 : i32 to index
      %parallel_loop3A_671 = arith.index_cast %parallel_loop3A_626 : i32 to index
      %parallel_loop3A_672 = arith.index_cast %parallel_loop3A_629 : i32 to index
      %parallel_loop3A_673 = tpu.vector_load %arg9[%parallel_loop3A_670, %parallel_loop3A_671, %parallel_loop3A_672] {strides = array<i32>} : memref<4x8x1024xf32, #tpu.memory_space<vmem>>, vector<1x1x16xf32>,
      %parallel_loop3A_674 = vector.shape_cast %parallel_loop3A_673 : vector<1x1x16xf32> to vector<16xf32>
      %parallel_loop3A_675 = vector.shape_cast %parallel_loop3A_668 : vector<16xf32> to vector<1x1x16xf32>
      tpu.vector_store %arg9[%parallel_loop3A_670, %parallel_loop3A_671, %parallel_loop3A_672], %parallel_loop3A_675 {strides = array<i32>} : memref<4x8x1024xf32, #tpu.memory_space<vmem>>, vector<1x1x16xf32>,
      %parallel_loop3A_676 = arith.constant 3 : i32
      %parallel_loop3A_677 = arith.index_cast %parallel_loop3A_676 : i32 to index
      %parallel_loop3A_678 = arith.index_cast %parallel_loop3A_626 : i32 to index
      %parallel_loop3A_679 = arith.index_cast %parallel_loop3A_629 : i32 to index
      %parallel_loop3A_680 = tpu.vector_load %arg9[%parallel_loop3A_677, %parallel_loop3A_678, %parallel_loop3A_679] {strides = array<i32>} : memref<4x8x1024xf32, #tpu.memory_space<vmem>>, vector<1x1x16xf32>,
      %parallel_loop3A_681 = vector.shape_cast %parallel_loop3A_680 : vector<1x1x16xf32> to vector<16xf32>
      %parallel_loop3A_682 = arith.addf %parallel_loop3A_681, %parallel_loop3A_633 : vector<16xf32>
      %parallel_loop3A_683 = arith.constant 3 : i32
      %parallel_loop3A_684 = arith.index_cast %parallel_loop3A_683 : i32 to index
      %parallel_loop3A_685 = arith.index_cast %parallel_loop3A_626 : i32 to index
      %parallel_loop3A_686 = arith.index_cast %parallel_loop3A_629 : i32 to index
      %parallel_loop3A_687 = tpu.vector_load %arg9[%parallel_loop3A_684, %parallel_loop3A_685, %parallel_loop3A_686] {strides = array<i32>} : memref<4x8x1024xf32, #tpu.memory_space<vmem>>, vector<1x1x16xf32>,
      %parallel_loop3A_688 = vector.shape_cast %parallel_loop3A_687 : vector<1x1x16xf32> to vector<16xf32>
      %parallel_loop3A_689 = vector.shape_cast %parallel_loop3A_682 : vector<16xf32> to vector<1x1x16xf32>
      tpu.vector_store %arg9[%parallel_loop3A_684, %parallel_loop3A_685, %parallel_loop3A_686], %parallel_loop3A_689 {strides = array<i32>} : memref<4x8x1024xf32, #tpu.memory_space<vmem>>, vector<1x1x16xf32>,
    } {sc.loop_unroll_factor = 8 : i64, sc.parallel_access}
    %add3A_538 = arith.constant 104 : i32
    %add3A_539 = arith.addi %mul3A_2, %add3A_538 : i32
    %dma_start3A_540 = arith.constant 0 : i32
    %dma_start3A_541 = arith.constant 0 : i32
    %dma_start3A_542 = tpu.memref_slice %arg4[%dma_start3A_540, %add3A_539, %dma_start3A_541] : memref<4x4096x1024xf32, #tpu.memory_space<hbm>> -> memref<4x8x1024xf32, #tpu.memory_space<hbm>>
    %dma_start3A_543 = arith.constant 0 : i32
    %dma_start3A_544 = arith.constant 0 : i32
    %dma_start3A_545 = tpu.memref_slice %arg4[%dma_start3A_543, %add3A_539, %dma_start3A_544] : memref<4x4096x1024xf32, #tpu.memory_space<hbm>> -> memref<4x8x1024xf32, #tpu.memory_space<hbm>>
    tpu.enqueue_dma source(%arg9 : memref<4x8x1024xf32, #tpu.memory_space<vmem>>) target(%dma_start3A_545 : memref<4x8x1024xf32, #tpu.memory_space<hbm>>) target_semaphore(%arg15 : memref<!tpu.dma_semaphore, #tpu.memory_space<semaphore_mem>>)
    %dma_wait3A_546 = arith.constant 0 : i32
    %dma_wait3A_547 = tpu.memref_slice %arg3[%add3A_524, %dma_wait3A_546] : memref<4096x1024xf32, #tpu.memory_space<hbm>> -> memref<8x1024xf32, #tpu.memory_space<hbm>>
    %dma_wait3A_548 = arith.constant 0 : i32
    %dma_wait3A_549 = tpu.memref_slice %arg3[%add3A_524, %dma_wait3A_548] : memref<4096x1024xf32, #tpu.memory_space<hbm>> -> memref<8x1024xf32, #tpu.memory_space<hbm>>
    tpu.wait_dma2 semaphore(%arg13 : memref<!tpu.dma_semaphore, #tpu.memory_space<semaphore_mem>>) src(%dma_wait3A_549 : memref<8x1024xf32, #tpu.memory_space<hbm>>) dst(%arg7 : memref<8x1024xf32, #tpu.memory_space<vmem>>)
    %dma_wait3A_550 = arith.constant 0 : i32
    %dma_wait3A_551 = arith.constant 0 : i32
    %dma_wait3A_552 = tpu.memref_slice %arg2[%dma_wait3A_550, %add3A_524, %dma_wait3A_551] : memref<4x4096x1024xf32, #tpu.memory_space<hbm>> -> memref<4x8x1024xf32, #tpu.memory_space<hbm>>
    %dma_wait3A_553 = arith.constant 0 : i32
    %dma_wait3A_554 = arith.constant 0 : i32
    %dma_wait3A_555 = tpu.memref_slice %arg2[%dma_wait3A_553, %add3A_524, %dma_wait3A_554] : memref<4x4096x1024xf32, #tpu.memory_space<hbm>> -> memref<4x8x1024xf32, #tpu.memory_space<hbm>>
    tpu.wait_dma2 semaphore(%arg13 : memref<!tpu.dma_semaphore, #tpu.memory_space<semaphore_mem>>) src(%dma_wait3A_555 : memref<4x8x1024xf32, #tpu.memory_space<hbm>>) dst(%arg10 : memref<4x8x1024xf32, #tpu.memory_space<vmem>>)
    %dma_wait3A_556 = arith.constant 0 : i32
    %dma_wait3A_557 = arith.constant 0 : i32
    %dma_wait3A_558 = tpu.memref_slice %arg4[%dma_wait3A_556, %add3A_500, %dma_wait3A_557] : memref<4x4096x1024xf32, #tpu.memory_space<hbm>> -> memref<4x8x1024xf32, #tpu.memory_space<hbm>>
    %dma_wait3A_559 = arith.constant 0 : i32
    %dma_wait3A_560 = arith.constant 0 : i32
    %dma_wait3A_561 = tpu.memref_slice %arg4[%dma_wait3A_559, %add3A_500, %dma_wait3A_560] : memref<4x4096x1024xf32, #tpu.memory_space<hbm>> -> memref<4x8x1024xf32, #tpu.memory_space<hbm>>
    tpu.wait_dma2 semaphore(%arg14 : memref<!tpu.dma_semaphore, #tpu.memory_space<semaphore_mem>>) src(%arg8 : memref<4x8x1024xf32, #tpu.memory_space<vmem>>) dst(%dma_wait3A_561 : memref<4x8x1024xf32, #tpu.memory_space<hbm>>)
    %add3A_562 = arith.constant 120 : i32
    %add3A_563 = arith.addi %mul3A_2, %add3A_562 : i32
    %dma_start3A_564 = arith.constant 0 : i32
    %dma_start3A_565 = tpu.memref_slice %arg3[%add3A_563, %dma_start3A_564] : memref<4096x1024xf32, #tpu.memory_space<hbm>> -> memref<8x1024xf32, #tpu.memory_space<hbm>>
    %dma_start3A_566 = arith.constant 0 : i32
    %dma_start3A_567 = tpu.memref_slice %arg3[%add3A_563, %dma_start3A_566] : memref<4096x1024xf32, #tpu.memory_space<hbm>> -> memref<8x1024xf32, #tpu.memory_space<hbm>>
    tpu.enqueue_dma source(%dma_start3A_567 : memref<8x1024xf32, #tpu.memory_space<hbm>>) target(%arg5 : memref<8x1024xf32, #tpu.memory_space<vmem>>) target_semaphore(%arg11 : memref<!tpu.dma_semaphore, #tpu.memory_space<semaphore_mem>>)
    %dma_start3A_568 = arith.constant 0 : i32
    %dma_start3A_569 = arith.constant 0 : i32
    %dma_start3A_570 = tpu.memref_slice %arg2[%dma_start3A_568, %add3A_563, %dma_start3A_569] : memref<4x4096x1024xf32, #tpu.memory_space<hbm>> -> memref<4x8x1024xf32, #tpu.memory_space<hbm>>
    %dma_start3A_571 = arith.constant 0 : i32
    %dma_start3A_572 = arith.constant 0 : i32
    %dma_start3A_573 = tpu.memref_slice %arg2[%dma_start3A_571, %add3A_563, %dma_start3A_572] : memref<4x4096x1024xf32, #tpu.memory_space<hbm>> -> memref<4x8x1024xf32, #tpu.memory_space<hbm>>
    tpu.enqueue_dma source(%dma_start3A_573 : memref<4x8x1024xf32, #tpu.memory_space<hbm>>) target(%arg8 : memref<4x8x1024xf32, #tpu.memory_space<vmem>>) target_semaphore(%arg11 : memref<!tpu.dma_semaphore, #tpu.memory_space<semaphore_mem>>)
    %parallel_loop3A_574 = arith.constant 0 : i32
    %parallel_loop3A_575 = arith.constant 8192 : i32
    %parallel_loop3A_576 = arith.constant 16 : i32
    scf.for %parallel_loop3A_624 = %parallel_loop3A_574 to %parallel_loop3A_575 step %parallel_loop3A_576  : i32 {
      %parallel_loop3A_625 = arith.constant 10 : i32
      %parallel_loop3A_626 = arith.shrui %parallel_loop3A_624, %parallel_loop3A_625 : i32
      %parallel_loop3A_627 = arith.constant 1023 : i32
      %parallel_loop3A_628 = arith.andi %parallel_loop3A_624, %parallel_loop3A_627 : i32
      %parallel_loop3A_629 = tpu.assume_multiple %parallel_loop3A_628, 16 : i32
      %parallel_loop3A_630 = arith.index_cast %parallel_loop3A_626 : i32 to index
      %parallel_loop3A_631 = arith.index_cast %parallel_loop3A_629 : i32 to index
      %parallel_loop3A_632 = tpu.vector_load %arg7[%parallel_loop3A_630, %parallel_loop3A_631] {strides = array<i32>} : memref<8x1024xf32, #tpu.memory_space<vmem>>, vector<1x16xf32>,
      %parallel_loop3A_633 = vector.shape_cast %parallel_loop3A_632 : vector<1x16xf32> to vector<16xf32>
      %parallel_loop3A_634 = arith.constant 0 : i32
      %parallel_loop3A_635 = arith.index_cast %parallel_loop3A_634 : i32 to index
      %parallel_loop3A_636 = arith.index_cast %parallel_loop3A_626 : i32 to index
      %parallel_loop3A_637 = arith.index_cast %parallel_loop3A_629 : i32 to index
      %parallel_loop3A_638 = tpu.vector_load %arg10[%parallel_loop3A_635, %parallel_loop3A_636, %parallel_loop3A_637] {strides = array<i32>} : memref<4x8x1024xf32, #tpu.memory_space<vmem>>, vector<1x1x16xf32>,
      %parallel_loop3A_639 = vector.shape_cast %parallel_loop3A_638 : vector<1x1x16xf32> to vector<16xf32>
      %parallel_loop3A_640 = arith.addf %parallel_loop3A_639, %parallel_loop3A_633 : vector<16xf32>
      %parallel_loop3A_641 = arith.constant 0 : i32
      %parallel_loop3A_642 = arith.index_cast %parallel_loop3A_641 : i32 to index
      %parallel_loop3A_643 = arith.index_cast %parallel_loop3A_626 : i32 to index
      %parallel_loop3A_644 = arith.index_cast %parallel_loop3A_629 : i32 to index
      %parallel_loop3A_645 = tpu.vector_load %arg10[%parallel_loop3A_642, %parallel_loop3A_643, %parallel_loop3A_644] {strides = array<i32>} : memref<4x8x1024xf32, #tpu.memory_space<vmem>>, vector<1x1x16xf32>,
      %parallel_loop3A_646 = vector.shape_cast %parallel_loop3A_645 : vector<1x1x16xf32> to vector<16xf32>
      %parallel_loop3A_647 = vector.shape_cast %parallel_loop3A_640 : vector<16xf32> to vector<1x1x16xf32>
      tpu.vector_store %arg10[%parallel_loop3A_642, %parallel_loop3A_643, %parallel_loop3A_644], %parallel_loop3A_647 {strides = array<i32>} : memref<4x8x1024xf32, #tpu.memory_space<vmem>>, vector<1x1x16xf32>,
      %parallel_loop3A_648 = arith.constant 1 : i32
      %parallel_loop3A_649 = arith.index_cast %parallel_loop3A_648 : i32 to index
      %parallel_loop3A_650 = arith.index_cast %parallel_loop3A_626 : i32 to index
      %parallel_loop3A_651 = arith.index_cast %parallel_loop3A_629 : i32 to index
      %parallel_loop3A_652 = tpu.vector_load %arg10[%parallel_loop3A_649, %parallel_loop3A_650, %parallel_loop3A_651] {strides = array<i32>} : memref<4x8x1024xf32, #tpu.memory_space<vmem>>, vector<1x1x16xf32>,
      %parallel_loop3A_653 = vector.shape_cast %parallel_loop3A_652 : vector<1x1x16xf32> to vector<16xf32>
      %parallel_loop3A_654 = arith.addf %parallel_loop3A_653, %parallel_loop3A_633 : vector<16xf32>
      %parallel_loop3A_655 = arith.constant 1 : i32
      %parallel_loop3A_656 = arith.index_cast %parallel_loop3A_655 : i32 to index
      %parallel_loop3A_657 = arith.index_cast %parallel_loop3A_626 : i32 to index
      %parallel_loop3A_658 = arith.index_cast %parallel_loop3A_629 : i32 to index
      %parallel_loop3A_659 = tpu.vector_load %arg10[%parallel_loop3A_656, %parallel_loop3A_657, %parallel_loop3A_658] {strides = array<i32>} : memref<4x8x1024xf32, #tpu.memory_space<vmem>>, vector<1x1x16xf32>,
      %parallel_loop3A_660 = vector.shape_cast %parallel_loop3A_659 : vector<1x1x16xf32> to vector<16xf32>
      %parallel_loop3A_661 = vector.shape_cast %parallel_loop3A_654 : vector<16xf32> to vector<1x1x16xf32>
      tpu.vector_store %arg10[%parallel_loop3A_656, %parallel_loop3A_657, %parallel_loop3A_658], %parallel_loop3A_661 {strides = array<i32>} : memref<4x8x1024xf32, #tpu.memory_space<vmem>>, vector<1x1x16xf32>,
      %parallel_loop3A_662 = arith.constant 2 : i32
      %parallel_loop3A_663 = arith.index_cast %parallel_loop3A_662 : i32 to index
      %parallel_loop3A_664 = arith.index_cast %parallel_loop3A_626 : i32 to index
      %parallel_loop3A_665 = arith.index_cast %parallel_loop3A_629 : i32 to index
      %parallel_loop3A_666 = tpu.vector_load %arg10[%parallel_loop3A_663, %parallel_loop3A_664, %parallel_loop3A_665] {strides = array<i32>} : memref<4x8x1024xf32, #tpu.memory_space<vmem>>, vector<1x1x16xf32>,
      %parallel_loop3A_667 = vector.shape_cast %parallel_loop3A_666 : vector<1x1x16xf32> to vector<16xf32>
      %parallel_loop3A_668 = arith.addf %parallel_loop3A_667, %parallel_loop3A_633 : vector<16xf32>
      %parallel_loop3A_669 = arith.constant 2 : i32
      %parallel_loop3A_670 = arith.index_cast %parallel_loop3A_669 : i32 to index
      %parallel_loop3A_671 = arith.index_cast %parallel_loop3A_626 : i32 to index
      %parallel_loop3A_672 = arith.index_cast %parallel_loop3A_629 : i32 to index
      %parallel_loop3A_673 = tpu.vector_load %arg10[%parallel_loop3A_670, %parallel_loop3A_671, %parallel_loop3A_672] {strides = array<i32>} : memref<4x8x1024xf32, #tpu.memory_space<vmem>>, vector<1x1x16xf32>,
      %parallel_loop3A_674 = vector.shape_cast %parallel_loop3A_673 : vector<1x1x16xf32> to vector<16xf32>
      %parallel_loop3A_675 = vector.shape_cast %parallel_loop3A_668 : vector<16xf32> to vector<1x1x16xf32>
      tpu.vector_store %arg10[%parallel_loop3A_670, %parallel_loop3A_671, %parallel_loop3A_672], %parallel_loop3A_675 {strides = array<i32>} : memref<4x8x1024xf32, #tpu.memory_space<vmem>>, vector<1x1x16xf32>,
      %parallel_loop3A_676 = arith.constant 3 : i32
      %parallel_loop3A_677 = arith.index_cast %parallel_loop3A_676 : i32 to index
      %parallel_loop3A_678 = arith.index_cast %parallel_loop3A_626 : i32 to index
      %parallel_loop3A_679 = arith.index_cast %parallel_loop3A_629 : i32 to index
      %parallel_loop3A_680 = tpu.vector_load %arg10[%parallel_loop3A_677, %parallel_loop3A_678, %parallel_loop3A_679] {strides = array<i32>} : memref<4x8x1024xf32, #tpu.memory_space<vmem>>, vector<1x1x16xf32>,
      %parallel_loop3A_681 = vector.shape_cast %parallel_loop3A_680 : vector<1x1x16xf32> to vector<16xf32>
      %parallel_loop3A_682 = arith.addf %parallel_loop3A_681, %parallel_loop3A_633 : vector<16xf32>
      %parallel_loop3A_683 = arith.constant 3 : i32
      %parallel_loop3A_684 = arith.index_cast %parallel_loop3A_683 : i32 to index
      %parallel_loop3A_685 = arith.index_cast %parallel_loop3A_626 : i32 to index
      %parallel_loop3A_686 = arith.index_cast %parallel_loop3A_629 : i32 to index
      %parallel_loop3A_687 = tpu.vector_load %arg10[%parallel_loop3A_684, %parallel_loop3A_685, %parallel_loop3A_686] {strides = array<i32>} : memref<4x8x1024xf32, #tpu.memory_space<vmem>>, vector<1x1x16xf32>,
      %parallel_loop3A_688 = vector.shape_cast %parallel_loop3A_687 : vector<1x1x16xf32> to vector<16xf32>
      %parallel_loop3A_689 = vector.shape_cast %parallel_loop3A_682 : vector<16xf32> to vector<1x1x16xf32>
      tpu.vector_store %arg10[%parallel_loop3A_684, %parallel_loop3A_685, %parallel_loop3A_686], %parallel_loop3A_689 {strides = array<i32>} : memref<4x8x1024xf32, #tpu.memory_space<vmem>>, vector<1x1x16xf32>,
    } {sc.loop_unroll_factor = 8 : i64, sc.parallel_access}
    %add3A_577 = arith.constant 112 : i32
    %add3A_578 = arith.addi %mul3A_2, %add3A_577 : i32
    %dma_start3A_579 = arith.constant 0 : i32
    %dma_start3A_580 = arith.constant 0 : i32
    %dma_start3A_581 = tpu.memref_slice %arg4[%dma_start3A_579, %add3A_578, %dma_start3A_580] : memref<4x4096x1024xf32, #tpu.memory_space<hbm>> -> memref<4x8x1024xf32, #tpu.memory_space<hbm>>
    %dma_start3A_582 = arith.constant 0 : i32
    %dma_start3A_583 = arith.constant 0 : i32
    %dma_start3A_584 = tpu.memref_slice %arg4[%dma_start3A_582, %add3A_578, %dma_start3A_583] : memref<4x4096x1024xf32, #tpu.memory_space<hbm>> -> memref<4x8x1024xf32, #tpu.memory_space<hbm>>
    tpu.enqueue_dma source(%arg10 : memref<4x8x1024xf32, #tpu.memory_space<vmem>>) target(%dma_start3A_584 : memref<4x8x1024xf32, #tpu.memory_space<hbm>>) target_semaphore(%arg16 : memref<!tpu.dma_semaphore, #tpu.memory_space<semaphore_mem>>)
    %dma_wait3A_585 = arith.constant 0 : i32
    %dma_wait3A_586 = tpu.memref_slice %arg3[%add3A_563, %dma_wait3A_585] : memref<4096x1024xf32, #tpu.memory_space<hbm>> -> memref<8x1024xf32, #tpu.memory_space<hbm>>
    %dma_wait3A_587 = arith.constant 0 : i32
    %dma_wait3A_588 = tpu.memref_slice %arg3[%add3A_563, %dma_wait3A_587] : memref<4096x1024xf32, #tpu.memory_space<hbm>> -> memref<8x1024xf32, #tpu.memory_space<hbm>>
    tpu.wait_dma2 semaphore(%arg11 : memref<!tpu.dma_semaphore, #tpu.memory_space<semaphore_mem>>) src(%dma_wait3A_588 : memref<8x1024xf32, #tpu.memory_space<hbm>>) dst(%arg5 : memref<8x1024xf32, #tpu.memory_space<vmem>>)
    %dma_wait3A_589 = arith.constant 0 : i32
    %dma_wait3A_590 = arith.constant 0 : i32
    %dma_wait3A_591 = tpu.memref_slice %arg2[%dma_wait3A_589, %add3A_563, %dma_wait3A_590] : memref<4x4096x1024xf32, #tpu.memory_space<hbm>> -> memref<4x8x1024xf32, #tpu.memory_space<hbm>>
    %dma_wait3A_592 = arith.constant 0 : i32
    %dma_wait3A_593 = arith.constant 0 : i32
    %dma_wait3A_594 = tpu.memref_slice %arg2[%dma_wait3A_592, %add3A_563, %dma_wait3A_593] : memref<4x4096x1024xf32, #tpu.memory_space<hbm>> -> memref<4x8x1024xf32, #tpu.memory_space<hbm>>
    tpu.wait_dma2 semaphore(%arg11 : memref<!tpu.dma_semaphore, #tpu.memory_space<semaphore_mem>>) src(%dma_wait3A_594 : memref<4x8x1024xf32, #tpu.memory_space<hbm>>) dst(%arg8 : memref<4x8x1024xf32, #tpu.memory_space<vmem>>)
    %parallel_loop3A_595 = arith.constant 0 : i32
    %parallel_loop3A_596 = arith.constant 8192 : i32
    %parallel_loop3A_597 = arith.constant 16 : i32
    scf.for %parallel_loop3A_624 = %parallel_loop3A_595 to %parallel_loop3A_596 step %parallel_loop3A_597  : i32 {
      %parallel_loop3A_625 = arith.constant 10 : i32
      %parallel_loop3A_626 = arith.shrui %parallel_loop3A_624, %parallel_loop3A_625 : i32
      %parallel_loop3A_627 = arith.constant 1023 : i32
      %parallel_loop3A_628 = arith.andi %parallel_loop3A_624, %parallel_loop3A_627 : i32
      %parallel_loop3A_629 = tpu.assume_multiple %parallel_loop3A_628, 16 : i32
      %parallel_loop3A_630 = arith.index_cast %parallel_loop3A_626 : i32 to index
      %parallel_loop3A_631 = arith.index_cast %parallel_loop3A_629 : i32 to index
      %parallel_loop3A_632 = tpu.vector_load %arg5[%parallel_loop3A_630, %parallel_loop3A_631] {strides = array<i32>} : memref<8x1024xf32, #tpu.memory_space<vmem>>, vector<1x16xf32>,
      %parallel_loop3A_633 = vector.shape_cast %parallel_loop3A_632 : vector<1x16xf32> to vector<16xf32>
      %parallel_loop3A_634 = arith.constant 0 : i32
      %parallel_loop3A_635 = arith.index_cast %parallel_loop3A_634 : i32 to index
      %parallel_loop3A_636 = arith.index_cast %parallel_loop3A_626 : i32 to index
      %parallel_loop3A_637 = arith.index_cast %parallel_loop3A_629 : i32 to index
      %parallel_loop3A_638 = tpu.vector_load %arg8[%parallel_loop3A_635, %parallel_loop3A_636, %parallel_loop3A_637] {strides = array<i32>} : memref<4x8x1024xf32, #tpu.memory_space<vmem>>, vector<1x1x16xf32>,
      %parallel_loop3A_639 = vector.shape_cast %parallel_loop3A_638 : vector<1x1x16xf32> to vector<16xf32>
      %parallel_loop3A_640 = arith.addf %parallel_loop3A_639, %parallel_loop3A_633 : vector<16xf32>
      %parallel_loop3A_641 = arith.constant 0 : i32
      %parallel_loop3A_642 = arith.index_cast %parallel_loop3A_641 : i32 to index
      %parallel_loop3A_643 = arith.index_cast %parallel_loop3A_626 : i32 to index
      %parallel_loop3A_644 = arith.index_cast %parallel_loop3A_629 : i32 to index
      %parallel_loop3A_645 = tpu.vector_load %arg8[%parallel_loop3A_642, %parallel_loop3A_643, %parallel_loop3A_644] {strides = array<i32>} : memref<4x8x1024xf32, #tpu.memory_space<vmem>>, vector<1x1x16xf32>,
      %parallel_loop3A_646 = vector.shape_cast %parallel_loop3A_645 : vector<1x1x16xf32> to vector<16xf32>
      %parallel_loop3A_647 = vector.shape_cast %parallel_loop3A_640 : vector<16xf32> to vector<1x1x16xf32>
      tpu.vector_store %arg8[%parallel_loop3A_642, %parallel_loop3A_643, %parallel_loop3A_644], %parallel_loop3A_647 {strides = array<i32>} : memref<4x8x1024xf32, #tpu.memory_space<vmem>>, vector<1x1x16xf32>,
      %parallel_loop3A_648 = arith.constant 1 : i32
      %parallel_loop3A_649 = arith.index_cast %parallel_loop3A_648 : i32 to index
      %parallel_loop3A_650 = arith.index_cast %parallel_loop3A_626 : i32 to index
      %parallel_loop3A_651 = arith.index_cast %parallel_loop3A_629 : i32 to index
      %parallel_loop3A_652 = tpu.vector_load %arg8[%parallel_loop3A_649, %parallel_loop3A_650, %parallel_loop3A_651] {strides = array<i32>} : memref<4x8x1024xf32, #tpu.memory_space<vmem>>, vector<1x1x16xf32>,
      %parallel_loop3A_653 = vector.shape_cast %parallel_loop3A_652 : vector<1x1x16xf32> to vector<16xf32>
      %parallel_loop3A_654 = arith.addf %parallel_loop3A_653, %parallel_loop3A_633 : vector<16xf32>
      %parallel_loop3A_655 = arith.constant 1 : i32
      %parallel_loop3A_656 = arith.index_cast %parallel_loop3A_655 : i32 to index
      %parallel_loop3A_657 = arith.index_cast %parallel_loop3A_626 : i32 to index
      %parallel_loop3A_658 = arith.index_cast %parallel_loop3A_629 : i32 to index
      %parallel_loop3A_659 = tpu.vector_load %arg8[%parallel_loop3A_656, %parallel_loop3A_657, %parallel_loop3A_658] {strides = array<i32>} : memref<4x8x1024xf32, #tpu.memory_space<vmem>>, vector<1x1x16xf32>,
      %parallel_loop3A_660 = vector.shape_cast %parallel_loop3A_659 : vector<1x1x16xf32> to vector<16xf32>
      %parallel_loop3A_661 = vector.shape_cast %parallel_loop3A_654 : vector<16xf32> to vector<1x1x16xf32>
      tpu.vector_store %arg8[%parallel_loop3A_656, %parallel_loop3A_657, %parallel_loop3A_658], %parallel_loop3A_661 {strides = array<i32>} : memref<4x8x1024xf32, #tpu.memory_space<vmem>>, vector<1x1x16xf32>,
      %parallel_loop3A_662 = arith.constant 2 : i32
      %parallel_loop3A_663 = arith.index_cast %parallel_loop3A_662 : i32 to index
      %parallel_loop3A_664 = arith.index_cast %parallel_loop3A_626 : i32 to index
      %parallel_loop3A_665 = arith.index_cast %parallel_loop3A_629 : i32 to index
      %parallel_loop3A_666 = tpu.vector_load %arg8[%parallel_loop3A_663, %parallel_loop3A_664, %parallel_loop3A_665] {strides = array<i32>} : memref<4x8x1024xf32, #tpu.memory_space<vmem>>, vector<1x1x16xf32>,
      %parallel_loop3A_667 = vector.shape_cast %parallel_loop3A_666 : vector<1x1x16xf32> to vector<16xf32>
      %parallel_loop3A_668 = arith.addf %parallel_loop3A_667, %parallel_loop3A_633 : vector<16xf32>
      %parallel_loop3A_669 = arith.constant 2 : i32
      %parallel_loop3A_670 = arith.index_cast %parallel_loop3A_669 : i32 to index
      %parallel_loop3A_671 = arith.index_cast %parallel_loop3A_626 : i32 to index
      %parallel_loop3A_672 = arith.index_cast %parallel_loop3A_629 : i32 to index
      %parallel_loop3A_673 = tpu.vector_load %arg8[%parallel_loop3A_670, %parallel_loop3A_671, %parallel_loop3A_672] {strides = array<i32>} : memref<4x8x1024xf32, #tpu.memory_space<vmem>>, vector<1x1x16xf32>,
      %parallel_loop3A_674 = vector.shape_cast %parallel_loop3A_673 : vector<1x1x16xf32> to vector<16xf32>
      %parallel_loop3A_675 = vector.shape_cast %parallel_loop3A_668 : vector<16xf32> to vector<1x1x16xf32>
      tpu.vector_store %arg8[%parallel_loop3A_670, %parallel_loop3A_671, %parallel_loop3A_672], %parallel_loop3A_675 {strides = array<i32>} : memref<4x8x1024xf32, #tpu.memory_space<vmem>>, vector<1x1x16xf32>,
      %parallel_loop3A_676 = arith.constant 3 : i32
      %parallel_loop3A_677 = arith.index_cast %parallel_loop3A_676 : i32 to index
      %parallel_loop3A_678 = arith.index_cast %parallel_loop3A_626 : i32 to index
      %parallel_loop3A_679 = arith.index_cast %parallel_loop3A_629 : i32 to index
      %parallel_loop3A_680 = tpu.vector_load %arg8[%parallel_loop3A_677, %parallel_loop3A_678, %parallel_loop3A_679] {strides = array<i32>} : memref<4x8x1024xf32, #tpu.memory_space<vmem>>, vector<1x1x16xf32>,
      %parallel_loop3A_681 = vector.shape_cast %parallel_loop3A_680 : vector<1x1x16xf32> to vector<16xf32>
      %parallel_loop3A_682 = arith.addf %parallel_loop3A_681, %parallel_loop3A_633 : vector<16xf32>
      %parallel_loop3A_683 = arith.constant 3 : i32
      %parallel_loop3A_684 = arith.index_cast %parallel_loop3A_683 : i32 to index
      %parallel_loop3A_685 = arith.index_cast %parallel_loop3A_626 : i32 to index
      %parallel_loop3A_686 = arith.index_cast %parallel_loop3A_629 : i32 to index
      %parallel_loop3A_687 = tpu.vector_load %arg8[%parallel_loop3A_684, %parallel_loop3A_685, %parallel_loop3A_686] {strides = array<i32>} : memref<4x8x1024xf32, #tpu.memory_space<vmem>>, vector<1x1x16xf32>,
      %parallel_loop3A_688 = vector.shape_cast %parallel_loop3A_687 : vector<1x1x16xf32> to vector<16xf32>
      %parallel_loop3A_689 = vector.shape_cast %parallel_loop3A_682 : vector<16xf32> to vector<1x1x16xf32>
      tpu.vector_store %arg8[%parallel_loop3A_684, %parallel_loop3A_685, %parallel_loop3A_686], %parallel_loop3A_689 {strides = array<i32>} : memref<4x8x1024xf32, #tpu.memory_space<vmem>>, vector<1x1x16xf32>,
    } {sc.loop_unroll_factor = 8 : i64, sc.parallel_access}
    %add3A_598 = arith.constant 120 : i32
    %add3A_599 = arith.addi %mul3A_2, %add3A_598 : i32
    %dma_start3A_600 = arith.constant 0 : i32
    %dma_start3A_601 = arith.constant 0 : i32
    %dma_start3A_602 = tpu.memref_slice %arg4[%dma_start3A_600, %add3A_599, %dma_start3A_601] : memref<4x4096x1024xf32, #tpu.memory_space<hbm>> -> memref<4x8x1024xf32, #tpu.memory_space<hbm>>
    %dma_start3A_603 = arith.constant 0 : i32
    %dma_start3A_604 = arith.constant 0 : i32
    %dma_start3A_605 = tpu.memref_slice %arg4[%dma_start3A_603, %add3A_599, %dma_start3A_604] : memref<4x4096x1024xf32, #tpu.memory_space<hbm>> -> memref<4x8x1024xf32, #tpu.memory_space<hbm>>
    tpu.enqueue_dma source(%arg8 : memref<4x8x1024xf32, #tpu.memory_space<vmem>>) target(%dma_start3A_605 : memref<4x8x1024xf32, #tpu.memory_space<hbm>>) target_semaphore(%arg14 : memref<!tpu.dma_semaphore, #tpu.memory_space<semaphore_mem>>)
    %dma_wait3A_606 = arith.constant 0 : i32
    %dma_wait3A_607 = arith.constant 0 : i32
    %dma_wait3A_608 = tpu.memref_slice %arg4[%dma_wait3A_606, %add3A_539, %dma_wait3A_607] : memref<4x4096x1024xf32, #tpu.memory_space<hbm>> -> memref<4x8x1024xf32, #tpu.memory_space<hbm>>
    %dma_wait3A_609 = arith.constant 0 : i32
    %dma_wait3A_610 = arith.constant 0 : i32
    %dma_wait3A_611 = tpu.memref_slice %arg4[%dma_wait3A_609, %add3A_539, %dma_wait3A_610] : memref<4x4096x1024xf32, #tpu.memory_space<hbm>> -> memref<4x8x1024xf32, #tpu.memory_space<hbm>>
    tpu.wait_dma2 semaphore(%arg15 : memref<!tpu.dma_semaphore, #tpu.memory_space<semaphore_mem>>) src(%arg9 : memref<4x8x1024xf32, #tpu.memory_space<vmem>>) dst(%dma_wait3A_611 : memref<4x8x1024xf32, #tpu.memory_space<hbm>>)
    %dma_wait3A_612 = arith.constant 0 : i32
    %dma_wait3A_613 = arith.constant 0 : i32
    %dma_wait3A_614 = tpu.memref_slice %arg4[%dma_wait3A_612, %add3A_578, %dma_wait3A_613] : memref<4x4096x1024xf32, #tpu.memory_space<hbm>> -> memref<4x8x1024xf32, #tpu.memory_space<hbm>>
    %dma_wait3A_615 = arith.constant 0 : i32
    %dma_wait3A_616 = arith.constant 0 : i32
    %dma_wait3A_617 = tpu.memref_slice %arg4[%dma_wait3A_615, %add3A_578, %dma_wait3A_616] : memref<4x4096x1024xf32, #tpu.memory_space<hbm>> -> memref<4x8x1024xf32, #tpu.memory_space<hbm>>
    tpu.wait_dma2 semaphore(%arg16 : memref<!tpu.dma_semaphore, #tpu.memory_space<semaphore_mem>>) src(%arg10 : memref<4x8x1024xf32, #tpu.memory_space<vmem>>) dst(%dma_wait3A_617 : memref<4x8x1024xf32, #tpu.memory_space<hbm>>)
    %dma_wait3A_618 = arith.constant 0 : i32
    %dma_wait3A_619 = arith.constant 0 : i32
    %dma_wait3A_620 = tpu.memref_slice %arg4[%dma_wait3A_618, %add3A_599, %dma_wait3A_619] : memref<4x4096x1024xf32, #tpu.memory_space<hbm>> -> memref<4x8x1024xf32, #tpu.memory_space<hbm>>
    %dma_wait3A_621 = arith.constant 0 : i32
    %dma_wait3A_622 = arith.constant 0 : i32
    %dma_wait3A_623 = tpu.memref_slice %arg4[%dma_wait3A_621, %add3A_599, %dma_wait3A_622] : memref<4x4096x1024xf32, #tpu.memory_space<hbm>> -> memref<4x8x1024xf32, #tpu.memory_space<hbm>>
    tpu.wait_dma2 semaphore(%arg14 : memref<!tpu.dma_semaphore, #tpu.memory_space<semaphore_mem>>) src(%arg8 : memref<4x8x1024xf32, #tpu.memory_space<vmem>>) dst(%dma_wait3A_623 : memref<4x8x1024xf32, #tpu.memory_space<hbm>>)
    return
  }
}

</mosaic_0001>

<sc_bundles>
// kernel: kernel.3.cloned.1.call-start
scs
__scs_entry_jumppad:
0x0: {  	(pc) =	sbr.rel $0x88, $3  }
0x1: {  	(tag) =	ssettag $0x0;
	lr =	simm.s32 $0x1  }
0x2: {  	[smem:$0x3F9F] =	sst lr;
	_ =	strace $0xD0000000  }
0x3: {  	_ = 	snop  }
0x4: {  	_ = 	snop  }
0x5: {  	_ = 	snop  }
0x6: {  	_ = 	snop  }
0x7: {  	_ = 	snop  }
__scs_overlays_trampoline_lowered:
0x8: {  	[smem:$0x3FAE] =	sst s0  }
0x9: {  	[smem:$0x3FAF] =	sst s1  }
0xa: {  	[smem:$0x3FB0] =	sst s2  }
0xb: {  	[smem:$0x3FB1] =	sst s3  }
0xc: {  	[smem:$0x3FB2] =	sst s4  }
0xd: {  	[smem:$0x3FB3] =	sst s5  }
0xe: {  	[smem:$0x3FB4] =	sst s6  }
0xf: {  	[smem:$0x3FB5] =	sst s7  }
0x10: {  	[smem:$0x3FB6] =	sst s8  }
0x11: {  	[smem:$0x3FB7] =	sst s9;
	s0 =	simm.s32 @!p0 $0x0  }
0x12: {  	s1 =	sld [smem:$0x3F9D];
	s0 =	simm.s32 @p0 $0x1  }
0x13: {  	[smem:$0x3FB8] =	sst s0;
	s0 =	simm.s32 @!p1 $0x0  }
0x14: {  	s2 =	sld [smem:$0x3F9C];
	s0 =	simm.s32 @p1 $0x1  }
0x15: {  	[smem:$0x3FB9] =	sst s0;
	s0 =	simm.s32 @!p2 $0x0  }
0x16: {  	s3 =	sld [smem:$0x3FDB];
	s0 =	simm.s32 @p2 $0x1  }
0x17: {  	s4 =	simm.s32 $0x1BF5;
	[smem:$0x3FBB] =	sst s0  }
0x18: {  	s0 =	sld [smem:$0x3F9E];
	_ =	swait.ge [sflag:s4], $0x0  }
0x19: {  	s7 =	sld [smem:$0x3F9F]  }
0x1a: {  	s8 =	sadd.s32 $0xFFFFE003, lr  }
0x1b: {  	s9 =	sadd.s32 $0xFFFFFEF7, lr;
	s5 =	simm.s32 $0xFFFFFFFF;
	p2 =	slt.u32 s8, $0xFFFFF086  }
0x1c: {  	p1 =	slt.u32 s9, $0xF7A;
	s5 =	simm.s32 @!p2 $0x0  }
0x1d: {  	s5 =	simm.s32 @p1 $0x1;
	p0 =	seq.s32 s7, s2  }
0x1e: {  	s7 =	smul.u32 @!p0 $0xF7A, s2;
	p2 =	seq.s32 @!p0 s5, $0x0  }
0x1f: {  	s9 =	smul.u32 $0xF7A, s1;
	s8 =	simm.s32 @!p0 $0x1BF5;
	p2 =	por !p2, p0  }
0x20: {  	[sflag:s8] =	ssyncset.s32 @!p0 $0xFFFFF086;
	s6 =	sadd.s32 @!p0 s3, s7;
	s7 =	simm.s32 @!p0 $0x108  }
0x21: {  	s3 =	sadd.s32 s3, s9;
	s6 =	sadd.s32 @!p0 $0x88, s6;
	s7 =	simm.s32 @p2 $0x1082  }
0x22: {  	[simem:s7], [sflag:s8] =	dma.local @!p0 [hbm:s6], $0xF7A  }
0x23: {  	s9 =	sor.u32 $0xD0000000, s2;
	s6 =	simm.s32 $0x108;
	_ =	swait.ge @!p0 [sflag:s8], $0x0  }
0x24: {  	s3 =	sadd.s32 $0x88, s3;
	s6 =	simm.s32 @!p1 $0x1082;
	[sflag:s4] =	ssyncset.s32 $0xFFFFF086  }
0x25: {  	[simem:s6], [sflag:s4] =	dma.local [hbm:s3], $0xF7A  }
0x26: {  	[smem:$0x3F9F] =	sst s1;
	(tag) =	ssettag s2;
	_ =	strace s9  }
0x27: {  	s1 =	sld [smem:$0x3FAF]  }
0x28: {  	s2 =	sld [smem:$0x3FB0]  }
0x29: {  	s4 =	sld [smem:$0x3FB2]  }
0x2a: {  	p0 =	seq.s32 s5, $0x0;
	s5 =	sld [smem:$0x3FB3]  }
0x2b: {  	s6 =	sld [smem:$0x3FB4]  }
0x2c: {  	s7 =	sld [smem:$0x3FB5]  }
0x2d: {  	s3 =	simm.s32 $0x108;
	s8 =	sld [smem:$0x3FB6]  }
0x2e: {  	s3 =	simm.s32 @!p0 $0x1082;
	s9 =	sld [smem:$0x3FB7]  }
0x2f: {  	lr =	sadd.s32 s0, s3;
	s0 =	sld [smem:$0x3FAE]  }
0x30: {  	s3 =	sld [smem:$0x3FB1]  }
0x31: {  	[smem:$0x3FBA] =	sst s10  }
0x32: {  	s10 =	sld [smem:$0x3FB8];
	_ =	sdelay $0x3  }
0x33: {  	p0 =	seq.s32 s10, $0x1;
	s10 =	sld [smem:$0x3FBA];
	_ =	sdelay $0x3  }
0x34: {  	[smem:$0x3FBA] =	sst s10  }
0x35: {  	s10 =	sld [smem:$0x3FB9];
	_ =	sdelay $0x3  }
0x36: {  	p1 =	seq.s32 s10, $0x1;
	s10 =	sld [smem:$0x3FBA];
	_ =	sdelay $0x3  }
0x37: {  	[smem:$0x3FBA] =	sst s10  }
0x38: {  	s10 =	sld [smem:$0x3FBB]  }
0x39: {  	_ = 	snop;
	(pc) =	sbr.ind lr, $3  }
0x3a: {  	_ = 	snop  }
0x3b: {  	_ = 	snop  }
0x3c: {  	p2 =	seq.s32 s10, $0x1;
	s10 =	sld [smem:$0x3FBA]  }
0x3d: {  	_ =	shalt  }
0x3e: {  	_ =	shalt  }
0x3f: {  	_ =	shalt  }
0x40: {  	_ =	shalt  }
0x41: {  	_ =	shalt  }
0x42: {  	_ =	shalt  }
0x43: {  	_ =	shalt  }
0x44: {  	_ =	shalt  }
0x45: {  	_ =	shalt  }
0x46: {  	_ =	shalt  }
0x47: {  	_ =	shalt  }
0x48: {  	_ =	shalt  }
0x49: {  	_ =	shalt  }
0x4a: {  	_ =	shalt  }
0x4b: {  	_ =	shalt  }
0x4c: {  	_ =	shalt  }
0x4d: {  	_ =	shalt  }
0x4e: {  	_ =	shalt  }
0x4f: {  	_ =	shalt  }
0x50: {  	_ =	shalt  }
0x51: {  	_ =	shalt  }
0x52: {  	_ =	shalt  }
0x53: {  	_ =	shalt  }
0x54: {  	_ =	shalt  }
0x55: {  	_ =	shalt  }
0x56: {  	_ =	shalt  }
0x57: {  	_ =	shalt  }
0x58: {  	_ =	shalt  }
0x59: {  	_ =	shalt  }
0x5a: {  	_ =	shalt  }
0x5b: {  	_ =	shalt  }
0x5c: {  	_ =	shalt  }
0x5d: {  	_ =	shalt  }
0x5e: {  	_ =	shalt  }
0x5f: {  	_ =	shalt  }
0x60: {  	_ =	shalt  }
0x61: {  	_ =	shalt  }
0x62: {  	_ =	shalt  }
0x63: {  	_ =	shalt  }
0x64: {  	_ =	shalt  }
0x65: {  	_ =	shalt  }
0x66: {  	_ =	shalt  }
0x67: {  	_ =	shalt  }
0x68: {  	_ =	shalt  }
0x69: {  	_ =	shalt  }
0x6a: {  	_ =	shalt  }
0x6b: {  	_ =	shalt  }
0x6c: {  	_ =	shalt  }
0x6d: {  	_ =	shalt  }
0x6e: {  	_ =	shalt  }
0x6f: {  	_ =	shalt  }
0x70: {  	_ =	shalt  }
0x71: {  	_ =	shalt  }
0x72: {  	_ =	shalt  }
0x73: {  	_ =	shalt  }
0x74: {  	_ =	shalt  }
0x75: {  	_ =	shalt  }
0x76: {  	_ =	shalt  }
0x77: {  	_ =	shalt  }
0x78: {  	_ =	shalt  }
0x79: {  	_ =	shalt  }
0x7a: {  	_ =	shalt  }
0x7b: {  	_ =	shalt  }
0x7c: {  	_ =	shalt  }
0x7d: {  	_ =	shalt  }
0x7e: {  	_ =	shalt  }
0x7f: {  	_ =	shalt  }
0x80: {  	_ =	shalt  }
0x81: {  	_ =	shalt  }
0x82: {  	_ =	shalt  }
0x83: {  	_ =	shalt  }
0x84: {  	_ =	shalt  }
0x85: {  	_ =	shalt  }
0x86: {  	_ =	shalt  }
0x87: {  	_ =	shalt  }
.Lfunc_end0:
.L_simem_size_0:
called_computation_lowered:
.L_overlay_start_0:
0x88: {  	s2 =	sld [smem:$0x3FD9]  }
0x89: {  	s3 =	sld [smem:$0x3FFE];
	_ =	sdelay $0x1  }
0x8a: {  	s1 =	srdreg.scid  }
0x8b: {  	s0 =	sand.u32 $0x1, s1  }
0x8c: {  	s18 =	sshll.u32 s0, $0xA;
	s2 =	sadd.s32 s3, s2  }
0x8d: {  	s2 =	sadd.s32 s2, s18  }
0x8e: {  	[smem:$0x3FC6] =	sst s2  }
0x8f: {  	_ = 	snop  }
0x90: {  	s2 =	sld [smem:$0x3FC9]  }
0x91: {  	s19 =	sld [smem:$0x3FC8]  }
0x92: {  	s4 =	sld [smem:$0x3FD0];
	(tm) =	ssettm $0x1  }
0x93: {  	s5 =	sld [smem:$0x3FFB];
	_ =	sdelay $0x3  }
0x94: {  	_ =	strace s5  }
0x95: {  	s5 =	sld [smem:$0x3FFC];
	_ =	sdelay $0x3  }
0x96: {  	_ =	strace s5  }
0x97: {  	s5 =	sld [smem:$0x3FFD];
	_ =	sdelay $0x3  }
0x98: {  	_ =	strace s5  }
0x99: {  	_ =	strace $0x8FFFFFFF  }
0x9a: {  	s20 =	sld [smem:$0x3FDB];
	_ =	sdelay $0x1  }
0x9b: {  	s6 =	simm.s32 $_scs_section_size  }
0x9c: {  	s7 =	simm.s32 $_size__tile_overlayer_lowered;
	s8 =	simm.s32 $_tile_overlayer_lowered  }
0x9d: {  	s23 =	simm.s32 $0x1BFF;
	s22 =	sshll.u32 s8, $0x1;
	s5 =	sadd.s32 s6, s20  }
0x9e: {  	s9 =	simm.s32 $0x0;
	s21 =	sshll.u32 s7, $0x1;
	s7 =	sadd.s32 s22, s5  }
0x9f: {  	[timem:s9], [sflag:s23] =	dma.local [hbm:s7], s21  }
0xa0: {  	_ =	swait.ge [sflag:s23], s21  }
0xa1: {  	s6 =	ssub.s32 $0x0, s21;
	[sflag:s23] =	ssyncset.done $0x0  }
0xa2: {  	[sflag:s23] =	ssyncadd.s32 s6;
	_ =	sdelay $0x1  }
0xa3: {  	s24 =	simm.s32 $0x1B8B  }
0xa4: {  	_ =	swait.ge [sflag:s24], $0x1  }
0xa5: {  	[sflag:s24] =	ssyncset.done $0x0  }
0xa6: {  	s25 =	simm.s32 $0x1B8E;
	[sflag:s24] =	ssyncadd.s32 $0xFFFFFFFF  }
0xa7: {  	s26 =	simm.s32 $execute0_lowered;
	[smem:$0x3FD2] =	sst s25  }
0xa8: {  	s6 =	sshll.u32 s26, $0x1;
	_ =	strace $0x80000046;
	[dreg:$0x1] =	wrdreg $0xFFFFFFFF  }
0xa9: {  	s28 =	simm.s32 $_size_execute0_lowered;
	s5 =	sadd.s32 s5, s6;
	[dreg:$0x0] =	wrdreg $0x0  }
0xaa: {  	s6 =	sshll.u32 s28, $0x1;
	[dreg:$0x2] =	wrdreg s5  }
0xab: {  	[dreg:$0x3] =	wrdreg s6  }
0xac: {  	[dreg:$0x4] =	wrdreg $0xC0  }
0xad: {  	_ =	task [dreg:s9], $0x5FFFF  }
0xae: {  	[dreg:$0x1] =	wrdreg $0xFFFFFFFF  }
0xaf: {  	[dreg:$0x0] =	wrdreg $0x60  }
0xb0: {  	[dreg:$0x2] =	wrdreg s2  }
0xb1: {  	[dreg:$0x3] =	wrdreg s19  }
0xb2: {  	[dreg:$0x4] =	wrdreg s4  }
0xb3: {  	[dreg:$0x5] =	wrdreg $0x9  }
0xb4: {  	_ =	task.clear_ibuf [dreg:s9], $0x6FFFF;
	_ =	strace $0x90000046  }
0xb5: {  	s29 =	simm.s32 $0x9;
	_ =	strace $0x80000048  }
0xb6: {  	_ =	swait.ge [sflag:s29], $0x1  }
0xb7: {  	[sflag:s29] =	ssyncadd.s32 $0xFFFFFFFF  }
0xb8: {  	_ =	strace $0x90000048  }
0xb9: {  	_ =	sfence  }
0xba: {  	s30 =	sld [smem:$0x0];
	_ =	sdelay $0x2  }
0xbb: {  	s31 =	sshll.u32 s1, $0xD;
	s1 =	sshrl.u32 s1, $0x2  }
0xbc: {  	s3 =	sand.u32 $0x4000, s31;
	s1 =	sadd.s32 s1, s30  }
0xbd: {  	s0 =	sor.u32 s3, s0;
	s1 =	sshll.u32 s1, $0x11  }
0xbe: {  	s0 =	sor.u32 s1, s0  }
0xbf: {  	s0 =	sadd.s32 $0x8F2B, s0  }
0xc0: {  	[sflag:s0] =	ssyncadd.remote.s32 $0x1  }
0xc1: {  	_ =	sfence.sel $0xFFFF  }
0xc2: {  	[dreg:$0x0] =	wrdreg $0xFFFFFFFF;
	(pc) =	sbr.abs _section_cstart, $3  }
0xc3: {  	[dreg:$0x1] =	wrdreg $0xFFFFFFFF  }
0xc4: {  	_ =	task.clear_ibuf [dreg:s9], $0x2FFFF;
	_ =	strace $0x9FFFFFFF  }
0xc5: {  	(tm) =	ssettm $0x7FFFFFFF  }
tec
execute0_lowered:
.L_overlay_start_1:
0x0: {  	(tag) =	ssettag $0x1  }
0x1: {  	s1 =	srdreg.scid  }
0x2: {  	s0 =	rddreg [dreg:$0x0];
	s5 =	stileid.u32;
	s1 =	sand.u32 $0x1, s1  }
0x3: {  	s3 =	rddreg [dreg:$0x1];
	s5 =	sshll.u32 s5, $0xF;
	s6 =	sshll.u32 s1, $0xE  }
0x4: {  	s2 =	rddreg [dreg:$0x2];
	s5 =	sor.u32 s6, s5  }
0x5: {  	s4 =	ssub.s32 $0x2, s1;
	s1 =	simm.s32 $0x0;
	s6 =	sor.u32 $0x400, s5  }
0x6: {  	[smem:$0x7FF] =	sst s1;
	s22 =	sadd.s32 s3, s6  }
0x7: {  	s24 =	sor.u32 $0x800, s5;
	s23 =	sadd.s32 s0, s6;
	[dreg:$0x4] =	wrdreg s22  }
0x8: {  	s8 =	sadd.s32 s3, s24;
	[dreg:$0x5] =	wrdreg s23  }
0x9: {  	s25 =	sadd.s32 s0, s24;
	[dreg:$0x6] =	wrdreg s8  }
0xa: {  	s26 =	sor.u32 $0xC00, s5;
	s6 =	sadd.s32 s2, s6;
	[dreg:$0x7] =	wrdreg s25  }
0xb: {  	s7 =	sshrl.u32 s4, $0x1;
	s10 =	sadd.s32 s3, s26;
	[dreg:$0x8] =	wrdreg s6  }
0xc: {  	s4 =	ssub.s32 s4, s7;
	s9 =	sadd.s32 s0, s26;
	[dreg:$0x9] =	wrdreg s10  }
0xd: {  	s11 =	sor.u32 $0x1000, s5;
	s7 =	sadd.s32 s2, s24;
	[dreg:$0xa] =	wrdreg s9  }
0xe: {  	s12 =	sadd.s32 s3, s11;
	[dreg:$0xb] =	wrdreg s7  }
0xf: {  	s13 =	sadd.s32 s0, s11;
	[dreg:$0xc] =	wrdreg s12  }
0x10: {  	s15 =	sor.u32 $0x1400, s5;
	s14 =	sadd.s32 s2, s26;
	[dreg:$0xd] =	wrdreg s13  }
0x11: {  	s16 =	sadd.s32 s3, s15;
	[dreg:$0xe] =	wrdreg s14  }
0x12: {  	s18 =	sor.u32 $0x1800, s5;
	s17 =	sadd.s32 s0, s15;
	[dreg:$0xf] =	wrdreg s16  }
0x13: {  	s19 =	sadd.s32 s3, s18;
	[dreg:$0x10] =	wrdreg s17  }
0x14: {  	s20 =	sadd.s32 s0, s18;
	[dreg:$0x12] =	wrdreg s19  }
0x15: {  	s21 =	sadd.s32 s2, s15;
	[dreg:$0x13] =	wrdreg s20  }
0x16: {  	s6 =	sadd.s32 s2, s11;
	[dreg:$0x14] =	wrdreg s21  }
0x17: {  	s26 =	sor.u32 $0x2000, s5;
	s23 =	sadd.s32 s2, s18;
	[dreg:$0x11] =	wrdreg s6  }
0x18: {  	s9 =	sadd.s32 s3, s26;
	[dreg:$0x15] =	wrdreg s23  }
0x19: {  	s11 =	sadd.s32 s0, s26;
	[dreg:$0x19] =	wrdreg s9  }
0x1a: {  	s22 =	sor.u32 $0x1C00, s5;
	s7 =	sadd.s32 s2, s26;
	[dreg:$0x1a] =	wrdreg s11  }
0x1b: {  	s24 =	sadd.s32 s3, s22;
	[dreg:$0x1b] =	wrdreg s7  }
0x1c: {  	s28 =	simm.s32 $0x4000;
	s25 =	sadd.s32 s0, s22;
	[dreg:$0x16] =	wrdreg s24  }
0x1d: {  	s10 =	sor.u32 $0x2400, s5;
	s6 =	sadd.s32 s2, s22;
	[dreg:$0x17] =	wrdreg s25  }
0x1e: {  	s29 =	simm.s32 $0x16000;
	s12 =	sadd.s32 s3, s10;
	[dreg:$0x18] =	wrdreg s6  }
0x1f: {  	s14 =	sor.u32 $0x2800, s5;
	s13 =	sadd.s32 s0, s10;
	[dreg:$0x1c] =	wrdreg s12  }
0x20: {  	s30 =	simm.s32 $0x3;
	s15 =	sadd.s32 s3, s14;
	[dreg:$0x1d] =	wrdreg s13  }
0x21: {  	s17 =	sor.u32 $0x2C00, s5;
	s16 =	sadd.s32 s0, s14;
	[dreg:$0x1f] =	wrdreg s15  }
0x22: {  	s31 =	simm.s32 $0x4;
	s18 =	sadd.s32 s3, s17;
	[smem:$0x7F3] =	sst s16  }
0x23: {  	s19 =	sor.u32 $0x3000, s5;
	s20 =	sadd.s32 s0, s17;
	[smem:$0x7F5] =	sst s18  }
0x24: {  	s26 =	sor.u32 $0x3800, s5;
	s7 =	sadd.s32 s2, s17;
	[smem:$0x7F6] =	sst s20  }
0x25: {  	s21 =	sadd.s32 s3, s19;
	s22 =	sadd.s32 s0, s19;
	[smem:$0x7F7] =	sst s7  }
0x26: {  	s23 =	sor.u32 $0x3400, s5;
	s11 =	sadd.s32 s3, s5;
	[smem:$0x7F8] =	sst s21  }
0x27: {  	s6 =	sadd.s32 s2, s10;
	[smem:$0x7F9] =	sst s22;
	s24 =	sadd.s32 s3, s23  }
0x28: {  	s25 =	sadd.s32 s0, s23;
	s12 =	sadd.s32 s0, s5;
	s13 =	sadd.s32 s2, s5  }
0x29: {  	s5 =	sor.u32 $0x3C00, s5;
	s16 =	sadd.s32 s0, s26;
	s18 =	sadd.s32 s2, s26  }
0x2a: {  	s20 =	smax.u32 s4, $0x1;
	s21 =	simm.s32 $0x2000;
	[dreg:$0x1e] =	wrdreg s6  }
0x2b: {  	s22 =	simm.s32 $0x400000;
	s6 =	sadd.s32 s2, s14;
	[smem:$0x7FB] =	sst s24  }
0x2c: {  	[smem:$0x7FC] =	sst s25;
	s14 =	sadd.s32 s3, s26;
	s15 =	sadd.s32 s3, s5  }
0x2d: {  	s17 =	sadd.s32 s0, s5;
	s24 =	simm.s32 $0x1;
	s25 =	simm.s32 $0xE000  }
0x2e: {  	s26 =	simm.s32 $0x2;
	[smem:$0x7F4] =	sst s6;
	s6 =	sadd.s32 s2, s19  }
0x2f: {  	s0 =	simm.s32 $0x5;
	[smem:$0x7FA] =	sst s6;
	s6 =	sadd.s32 s2, s23  }
0x30: {  	s3 =	simm.s32 $0x0;
	s19 =	sadd.s32 s2, s5;
	[smem:$0x7FD] =	sst s6  }
0x31: {  	s23 =	simm.s32 $0x6000;
	s2 =	simm.s32 $0x6;
	_ =	strace $0x80000047  }
.LBB2_1:
0x32: {  	[tilespmem:s1], [sflag:$0x1] =	stream.linear.gather [hbm4b:s11+s1], $0x2000, $0x38;
	[tilespmem:$0x1E000] =	vst v63  }
0x33: {  	_ = 	snop  }
0x34: {  	[tilespmem:s23], [sflag:$0x1] =	stream.strided.gather [hbm4b:s12+s21], $0x8000, s22, s21, $0x38;
	[tilespmem:$0x1E000] =	vst v63  }
0x35: {  	_ =	swait.ge [sflag:s24], $0x2000  }
0x36: {  	[sflag:s24] =	ssyncset.done $0x0  }
0x37: {  	[sflag:s24] =	ssyncadd.s32 $0xFFFFE000  }
0x38: {  	_ =	swait.ge [sflag:s24], $0x8000  }
0x39: {  	s10 =	sand.u32 $0x1C00, s1;
	[sflag:s24] =	ssyncset.done $0x0  }
0x3a: {  	s5 =	sor.u32 s10, s1;
	s4 =	rddreg [dreg:$0x4];
	[sflag:s24] =	ssyncadd.s32 $0xFFFF8000  }
0x3b: {  	[tilespmem:s21], [sflag:$0x2] =	stream.linear.gather [hbm4b:s4+s1], $0x2000, $0x38;
	[tilespmem:$0x1E000] =	vst v63  }
0x3c: {  	s5 =	sor.u32 $0x70, s5;
	s9 =	rddreg [dreg:$0x5]  }
0x3d: {  	[tilespmem:s25], [sflag:$0x2] =	stream.strided.gather [hbm4b:s9+s21], $0x8000, s22, s21, $0x38;
	[tilespmem:$0x1E000] =	vst v63  }
0x3e: {  	v0 =	vld [tilespmem:s5+$0x0]  }
0x3f: {  	v1 =	vld [tilespmem:s5+$0x6000];
	_ =	sdelay $0x1  }
0x40: {  	s6 =	sand.u32 $0x380, s1  }
0x41: {  	s4 =	sor.u32 s6, s10  }
0x42: {  	v4 =	vld [tilespmem:s4+$0x0]  }
0x43: {  	v5 =	vld [tilespmem:s4+$0x6000];
	v1 =	vadd.f32 v1, v0  }
0x44: {  	v6 =	vld [tilespmem:s4+$0x8000]  }
0x45: {  	v7 =	vld [tilespmem:s4+$0xA000];
	[tilespmem:s5+$0x6000] =	vst v1  }
0x46: {  	v1 =	vld [tilespmem:s4+$0xC070]  }
0x47: {  	v2 =	vld [tilespmem:s4+$0x8070]  }
0x48: {  	v3 =	vld [tilespmem:s4+$0xA070]  }
0x49: {  	v8 =	vld [tilespmem:s4+$0xC000]  }
0x4a: {  	v9 =	vld [tilespmem:s4+$0x10]  }
0x4b: {  	v10 =	vld [tilespmem:s4+$0x6010];
	v1 =	vadd.f32 v1, v0  }
0x4c: {  	v11 =	vld [tilespmem:s4+$0x8010];
	v2 =	vadd.f32 v2, v0  }
0x4d: {  	v63 =	vld [tilespmem:s4+$0x30];
	v0 =	vadd.f32 v3, v0;
	[tilespmem:s4+$0xC070] =	vst v1  }
0x4e: {  	v3 =	vld [tilespmem:s4+$0xC010];
	[tilespmem:s4+$0x8070] =	vst v2;
	v2 =	vadd.f32 v5, v4  }
0x4f: {  	v1 =	vld [tilespmem:s4+$0xA010];
	[tilespmem:s4+$0xA070] =	vst v0;
	v0 =	vadd.f32 v6, v4  }
0x50: {  	v5 =	vld [tilespmem:s4+$0x20];
	[tilespmem:s4+$0x6000] =	vst v2;
	v2 =	vadd.f32 v7, v4  }
0x51: {  	v6 =	vld [tilespmem:s4+$0x6020];
	[tilespmem:s4+$0x8000] =	vst v0;
	v0 =	vadd.f32 v8, v4  }
0x52: {  	v4 =	vld [tilespmem:s4+$0x8020];
	[tilespmem:s4+$0xA000] =	vst v2;
	v2 =	vadd.f32 v10, v9  }
0x53: {  	v7 =	vld [tilespmem:s4+$0xA020];
	[tilespmem:s4+$0xC000] =	vst v0;
	v0 =	vadd.f32 v11, v9  }
0x54: {  	v8 =	vld [tilespmem:s4+$0xC020];
	v1 =	vadd.f32 v1, v9;
	[tilespmem:s4+$0x6010] =	vst v2  }
0x55: {  	[tilespmem:s4+$0x8010] =	vst v0;
	v0 =	vadd.f32 v3, v9;
	v2 =	vld [tilespmem:s4+$0x6030]  }
0x56: {  	v3 =	vld [tilespmem:s4+$0x8030];
	[tilespmem:s4+$0xA010] =	vst v1;
	v1 =	vadd.f32 v6, v5  }
0x57: {  	v6 =	vld [tilespmem:s4+$0xA030];
	[tilespmem:s4+$0xC010] =	vst v0;
	v0 =	vadd.f32 v4, v5  }
0x58: {  	[tilespmem:s4+$0x6020] =	vst v1;
	v1 =	vadd.f32 v7, v5;
	v7 =	vld [tilespmem:s4+$0xC030]  }
0x59: {  	v4 =	vld [tilespmem:s4+$0x6040];
	v5 =	vadd.f32 v8, v5;
	[tilespmem:s4+$0x8020] =	vst v0  }
0x5a: {  	v0 =	vld [tilespmem:s4+$0x40];
	[tilespmem:s4+$0xA020] =	vst v1;
	v1 =	vadd.f32 v2, v63  }
0x5b: {  	[tilespmem:s4+$0xC020] =	vst v5;
	v3 =	vadd.f32 v3, v63;
	v2 =	vld [tilespmem:s4+$0x8040]  }
0x5c: {  	v6 =	vadd.f32 v6, v63;
	[tilespmem:s4+$0x6030] =	vst v1;
	v1 =	vld [tilespmem:s4+$0xA040]  }
0x5d: {  	s7 =	simm.s32 $0x0;
	s6 =	simm.s32 $0x400;
	s5 =	simm.s32 $0x0;
	[tilespmem:s4+$0x8030] =	vst v3;
	v3 =	vld [tilespmem:s4+$0xC040];
	v5 =	vadd.f32 v7, v63  }
.LBB2_2:
0x5e: {  	s8 =	sand.u32 $0x1C00, s6;
	[tilespmem:s4+$0xA030] =	vst v6;
	v6 =	vld [tilespmem:s4+$0x50];
	s7 =	sadd.s32 $0x10, s7  }
0x5f: {  	s5 =	sadd.s32 $0x80, s5;
	s9 =	sor.u32 s8, s7;
	[tilespmem:s4+$0xC030] =	vst v5;
	v4 =	vadd.f32 v4, v0;
	v5 =	vld [tilespmem:s4+$0x6050]  }
0x60: {  	p0 =	slt.u32 s5, $0x1F80;
	s9 =	sor.u32 $0x70, s9;
	v2 =	vadd.f32 v2, v0;
	v7 =	vld [tilespmem:s4+$0x8050]  }
0x61: {  	v8 =	vld [tilespmem:s9+$0x0];
	[tilespmem:s4+$0x6040] =	vst v4;
	v1 =	vadd.f32 v1, v0  }
0x62: {  	v4 =	vld [tilespmem:s9+$0x6000];
	[tilespmem:s4+$0x8040] =	vst v2;
	v0 =	vadd.f32 v3, v0  }
0x63: {  	[tilespmem:s4+$0xA040] =	vst v1;
	v1 =	vld [tilespmem:s4+$0xA050]  }
0x64: {  	[tilespmem:s4+$0xC040] =	vst v0;
	v0 =	vadd.f32 v5, v6;
	v2 =	vld [tilespmem:s4+$0xC050]  }
0x65: {  	v3 =	vadd.f32 v7, v6;
	v5 =	vld [tilespmem:s4+$0x60]  }
0x66: {  	[tilespmem:s4+$0x6050] =	vst v0;
	v0 =	vld [tilespmem:s4+$0x6060]  }
0x67: {  	v4 =	vadd.f32 v4, v8;
	[tilespmem:s4+$0x8050] =	vst v3;
	v3 =	vld [tilespmem:s4+$0x8060]  }
0x68: {  	s10 =	sand.u32 $0x380, s7;
	v1 =	vadd.f32 v1, v6;
	v7 =	vld [tilespmem:s4+$0xA060]  }
0x69: {  	s8 =	sor.u32 s10, s8;
	[tilespmem:s9+$0x6000] =	vst v4;
	v2 =	vadd.f32 v2, v6;
	v4 =	vld [tilespmem:s4+$0xC060]  }
0x6a: {  	v6 =	vld [tilespmem:s8+$0xC070];
	[tilespmem:s4+$0xA050] =	vst v1  }
0x6b: {  	v1 =	vld [tilespmem:s8+$0x8070];
	[tilespmem:s4+$0xC050] =	vst v2;
	v0 =	vadd.f32 v0, v5  }
0x6c: {  	v2 =	vld [tilespmem:s8+$0xA070];
	v3 =	vadd.f32 v3, v5  }
0x6d: {  	v9 =	vld [tilespmem:s8+$0x0];
	[tilespmem:s4+$0x6060] =	vst v0;
	v0 =	vadd.f32 v7, v5  }
0x6e: {  	v7 =	vld [tilespmem:s8+$0x6000];
	[tilespmem:s4+$0x8060] =	vst v3;
	v3 =	vadd.f32 v4, v5  }
0x6f: {  	v4 =	vld [tilespmem:s8+$0x8000];
	v5 =	vadd.f32 v6, v8;
	[tilespmem:s4+$0xA060] =	vst v0  }
0x70: {  	v0 =	vld [tilespmem:s8+$0xA000];
	v1 =	vadd.f32 v1, v8;
	[tilespmem:s4+$0xC060] =	vst v3;
	s4 =	smov.u32 s8  }
0x71: {  	v3 =	vld [tilespmem:s4+$0xC000];
	v2 =	vadd.f32 v2, v8;
	[tilespmem:s4+$0xC070] =	vst v5  }
0x72: {  	v5 =	vld [tilespmem:s4+$0x10];
	[tilespmem:s4+$0x8070] =	vst v1  }
0x73: {  	v1 =	vadd.f32 v7, v9;
	v6 =	vld [tilespmem:s4+$0x6010];
	[tilespmem:s4+$0xA070] =	vst v2  }
0x74: {  	v2 =	vadd.f32 v4, v9;
	v4 =	vld [tilespmem:s4+$0x8010]  }
0x75: {  	[tilespmem:s4+$0x6000] =	vst v1;
	v0 =	vadd.f32 v0, v9;
	v1 =	vld [tilespmem:s4+$0xA010]  }
0x76: {  	[tilespmem:s4+$0x8000] =	vst v2;
	v2 =	vadd.f32 v3, v9;
	v3 =	vld [tilespmem:s4+$0xC010]  }
0x77: {  	[tilespmem:s4+$0xA000] =	vst v0;
	v0 =	vld [tilespmem:s4+$0x20]  }
0x78: {  	[tilespmem:s4+$0xC000] =	vst v2;
	v2 =	vadd.f32 v6, v5;
	v6 =	vld [tilespmem:s4+$0x6020]  }
0x79: {  	v4 =	vadd.f32 v4, v5;
	v7 =	vld [tilespmem:s4+$0x8020]  }
0x7a: {  	[tilespmem:s4+$0x6010] =	vst v2;
	v1 =	vadd.f32 v1, v5;
	v2 =	vld [tilespmem:s4+$0xA020]  }
0x7b: {  	[tilespmem:s4+$0x8010] =	vst v4;
	v3 =	vadd.f32 v3, v5;
	v4 =	vld [tilespmem:s4+$0xC020]  }
0x7c: {  	[tilespmem:s4+$0xA010] =	vst v1;
	v5 =	vld [tilespmem:s4+$0x30]  }
0x7d: {  	[tilespmem:s4+$0xC010] =	vst v3;
	v1 =	vadd.f32 v6, v0;
	v3 =	vld [tilespmem:s4+$0x6030]  }
0x7e: {  	v6 =	vadd.f32 v7, v0;
	v7 =	vld [tilespmem:s4+$0x8030]  }
0x7f: {  	[tilespmem:s4+$0x6020] =	vst v1;
	v1 =	vadd.f32 v2, v0;
	v8 =	vld [tilespmem:s4+$0xA030]  }
0x80: {  	[tilespmem:s4+$0x8020] =	vst v6;
	v2 =	vadd.f32 v4, v0;
	v9 =	vld [tilespmem:s4+$0xC030]  }
.Ltmp0:
0x81: {  	[tilespmem:s4+$0xA020] =	vst v1;
	v0 =	vld [tilespmem:s4+$0x40];
	(pc) =	sbr.rel @p0 .LBB2_2-.Ltmp0, $4  }
0x82: {  	[tilespmem:s4+$0xC020] =	vst v2;
	v1 =	vadd.f32 v3, v5;
	v4 =	vld [tilespmem:s4+$0x6040]  }
0x83: {  	v3 =	vadd.f32 v7, v5;
	v2 =	vld [tilespmem:s4+$0x8040]  }
0x84: {  	[tilespmem:s4+$0x6030] =	vst v1;
	v6 =	vadd.f32 v8, v5;
	v1 =	vld [tilespmem:s4+$0xA040]  }
0x85: {  	s6 =	sadd.s32 $0x400, s6;
	[tilespmem:s4+$0x8030] =	vst v3;
	v5 =	vadd.f32 v9, v5;
	v3 =	vld [tilespmem:s4+$0xC040]  }
0x86: {  	v7 =	vld [tilespmem:s4+$0x50]  }
0x87: {  	v8 =	vld [tilespmem:s4+$0x6050]  }
0x88: {  	v9 =	vld [tilespmem:s4+$0x8050]  }
0x89: {  	[tilespmem:s4+$0xA030] =	vst v6;
	v6 =	vld [tilespmem:s4+$0xA050];
	v4 =	vadd.f32 v4, v0  }
0x8a: {  	[tilespmem:s4+$0xC030] =	vst v5;
	v5 =	vld [tilespmem:s4+$0xC050];
	v2 =	vadd.f32 v2, v0  }
0x8b: {  	[tilespmem:s4+$0x6040] =	vst v4;
	v1 =	vadd.f32 v1, v0;
	v4 =	vld [tilespmem:s4+$0x60]  }
0x8c: {  	[tilespmem:s4+$0x8040] =	vst v2;
	v0 =	vadd.f32 v3, v0;
	v2 =	vld [tilespmem:s4+$0x6060]  }
0x8d: {  	v3 =	vld [tilespmem:s4+$0x8060];
	[tilespmem:s4+$0xA040] =	vst v1;
	v1 =	vadd.f32 v8, v7  }
0x8e: {  	v8 =	vld [tilespmem:s4+$0xA060];
	[tilespmem:s4+$0xC040] =	vst v0;
	v0 =	vadd.f32 v9, v7  }
0x8f: {  	[tilespmem:s4+$0x6050] =	vst v1;
	v1 =	vadd.f32 v6, v7;
	v6 =	vld [tilespmem:s4+$0xC060]  }
0x90: {  	[tilespmem:s4+$0x8050] =	vst v0;
	v0 =	vadd.f32 v5, v7  }
0x91: {  	[tilespmem:s4+$0xA050] =	vst v1;
	v1 =	vadd.f32 v2, v4  }
0x92: {  	[tilespmem:s4+$0xC050] =	vst v0;
	v0 =	vadd.f32 v3, v4  }
0x93: {  	[tilespmem:s4+$0x6060] =	vst v1;
	v1 =	vadd.f32 v8, v4  }
0x94: {  	[tilespmem:s4+$0x8060] =	vst v0;
	v0 =	vadd.f32 v6, v4  }
0x95: {  	[tilespmem:s4+$0xA060] =	vst v1  }
0x96: {  	[tilespmem:s4+$0xC060] =	vst v0  }
0x97: {  	[hbm4b:s13+s21] =	stream.strided.scatter [tilespmem:s23], [sflag:$0x4], $0x8000, s22, s21, $0x38;
	[tilespmem:$0x1E000] =	vst v63  }
0x98: {  	_ =	swait.ge [sflag:s26], $0x2000  }
0x99: {  	[sflag:s26] =	ssyncset.done $0x0  }
0x9a: {  	[sflag:s26] =	ssyncadd.s32 $0xFFFFE000  }
0x9b: {  	s5 =	simm.s32 $0x0;
	_ =	swait.ge [sflag:s26], $0x8000  }
0x9c: {  	s10 =	sand.u32 $0x1C00, s5;
	[sflag:s26] =	ssyncset.done $0x0  }
0x9d: {  	s6 =	sor.u32 s10, s5;
	s8 =	rddreg [dreg:$0x6];
	[sflag:s26] =	ssyncadd.s32 $0xFFFF8000  }
0x9e: {  	[tilespmem:s28], [sflag:$0x3] =	stream.linear.gather [hbm4b:s8+s5], $0x2000, $0x38;
	[tilespmem:$0x1E000] =	vst v63  }
0x9f: {  	s6 =	sor.u32 $0x70, s6;
	s9 =	rddreg [dreg:$0x7]  }
0xa0: {  	[tilespmem:s29], [sflag:$0x3] =	stream.strided.gather [hbm4b:s9+s21], $0x8000, s22, s21, $0x38;
	[tilespmem:$0x1E000] =	vst v63  }
0xa1: {  	v0 =	vld [tilespmem:s6+$0x2000]  }
0xa2: {  	v1 =	vld [tilespmem:s6+$0xE000];
	_ =	sdelay $0x1  }
0xa3: {  	s7 =	sand.u32 $0x380, s5  }
0xa4: {  	s4 =	sor.u32 s7, s10  }
0xa5: {  	v4 =	vld [tilespmem:s4+$0x2000]  }
0xa6: {  	v5 =	vld [tilespmem:s4+$0xE000];
	v1 =	vadd.f32 v1, v0  }
0xa7: {  	v6 =	vld [tilespmem:s4+$0x10000]  }
0xa8: {  	v7 =	vld [tilespmem:s4+$0x12000];
	[tilespmem:s6+$0xE000] =	vst v1  }
0xa9: {  	v1 =	vld [tilespmem:s4+$0x14070]  }
0xaa: {  	v2 =	vld [tilespmem:s4+$0x10070]  }
0xab: {  	v3 =	vld [tilespmem:s4+$0x12070]  }
0xac: {  	v8 =	vld [tilespmem:s4+$0x14000]  }
0xad: {  	v62 =	vld [tilespmem:s4+$0x2010]  }
0xae: {  	v10 =	vld [tilespmem:s4+$0xE010];
	v1 =	vadd.f32 v1, v0  }
0xaf: {  	v11 =	vld [tilespmem:s4+$0x10010];
	v2 =	vadd.f32 v2, v0  }
0xb0: {  	v63 =	vld [tilespmem:s4+$0x2030];
	v0 =	vadd.f32 v3, v0;
	[tilespmem:s4+$0x14070] =	vst v1  }
0xb1: {  	v3 =	vld [tilespmem:s4+$0x14010];
	[tilespmem:s4+$0x10070] =	vst v2;
	v2 =	vadd.f32 v5, v4  }
0xb2: {  	v1 =	vld [tilespmem:s4+$0x12010];
	[tilespmem:s4+$0x12070] =	vst v0;
	v0 =	vadd.f32 v6, v4  }
0xb3: {  	v5 =	vld [tilespmem:s4+$0x2020];
	[tilespmem:s4+$0xE000] =	vst v2;
	v2 =	vadd.f32 v7, v4  }
0xb4: {  	v6 =	vld [tilespmem:s4+$0xE020];
	[tilespmem:s4+$0x10000] =	vst v0;
	v0 =	vadd.f32 v8, v4  }
0xb5: {  	v4 =	vld [tilespmem:s4+$0x10020];
	[tilespmem:s4+$0x12000] =	vst v2;
	v2 =	vadd.f32 v10, v62  }
0xb6: {  	v7 =	vld [tilespmem:s4+$0x12020];
	[tilespmem:s4+$0x14000] =	vst v0;
	v0 =	vadd.f32 v11, v62  }
0xb7: {  	v8 =	vld [tilespmem:s4+$0x14020];
	v1 =	vadd.f32 v1, v62;
	[tilespmem:s4+$0xE010] =	vst v2  }
0xb8: {  	[tilespmem:s4+$0x10010] =	vst v0;
	v0 =	vadd.f32 v3, v62;
	v2 =	vld [tilespmem:s4+$0xE030]  }
0xb9: {  	v3 =	vld [tilespmem:s4+$0x10030];
	[tilespmem:s4+$0x12010] =	vst v1;
	v1 =	vadd.f32 v6, v5  }
0xba: {  	v6 =	vld [tilespmem:s4+$0x12030];
	[tilespmem:s4+$0x14010] =	vst v0;
	v0 =	vadd.f32 v4, v5  }
0xbb: {  	[tilespmem:s4+$0xE020] =	vst v1;
	v1 =	vadd.f32 v7, v5;
	v7 =	vld [tilespmem:s4+$0x14030]  }
0xbc: {  	v4 =	vld [tilespmem:s4+$0xE040];
	v5 =	vadd.f32 v8, v5;
	[tilespmem:s4+$0x10020] =	vst v0  }
0xbd: {  	v0 =	vld [tilespmem:s4+$0x2040];
	[tilespmem:s4+$0x12020] =	vst v1;
	v1 =	vadd.f32 v2, v63  }
0xbe: {  	[tilespmem:s4+$0x14020] =	vst v5;
	v3 =	vadd.f32 v3, v63;
	v2 =	vld [tilespmem:s4+$0x10040]  }
0xbf: {  	v6 =	vadd.f32 v6, v63;
	[tilespmem:s4+$0xE030] =	vst v1;
	v1 =	vld [tilespmem:s4+$0x12040]  }
0xc0: {  	s7 =	simm.s32 $0x400;
	s6 =	simm.s32 $0x0;
	[tilespmem:s4+$0x10030] =	vst v3;
	v3 =	vld [tilespmem:s4+$0x14040];
	v5 =	vadd.f32 v7, v63  }
.LBB2_4:
0xc1: {  	s8 =	sand.u32 $0x1C00, s7;
	[tilespmem:s4+$0x12030] =	vst v6;
	v6 =	vld [tilespmem:s4+$0x2050];
	s5 =	sadd.s32 $0x10, s5  }
0xc2: {  	s6 =	sadd.s32 $0x80, s6;
	s9 =	sor.u32 s8, s5;
	[tilespmem:s4+$0x14030] =	vst v5;
	v4 =	vadd.f32 v4, v0;
	v5 =	vld [tilespmem:s4+$0xE050]  }
0xc3: {  	p0 =	slt.u32 s6, $0x1F80;
	s9 =	sor.u32 $0x70, s9;
	v2 =	vadd.f32 v2, v0;
	v7 =	vld [tilespmem:s4+$0x10050]  }
0xc4: {  	v8 =	vld [tilespmem:s9+$0x2000];
	[tilespmem:s4+$0xE040] =	vst v4;
	v1 =	vadd.f32 v1, v0  }
0xc5: {  	v4 =	vld [tilespmem:s9+$0xE000];
	[tilespmem:s4+$0x10040] =	vst v2;
	v0 =	vadd.f32 v3, v0  }
0xc6: {  	[tilespmem:s4+$0x12040] =	vst v1;
	v1 =	vld [tilespmem:s4+$0x12050]  }
0xc7: {  	[tilespmem:s4+$0x14040] =	vst v0;
	v0 =	vadd.f32 v5, v6;
	v2 =	vld [tilespmem:s4+$0x14050]  }
0xc8: {  	v3 =	vadd.f32 v7, v6;
	v5 =	vld [tilespmem:s4+$0x2060]  }
0xc9: {  	[tilespmem:s4+$0xE050] =	vst v0;
	v0 =	vld [tilespmem:s4+$0xE060]  }
0xca: {  	v4 =	vadd.f32 v4, v8;
	[tilespmem:s4+$0x10050] =	vst v3;
	v3 =	vld [tilespmem:s4+$0x10060]  }
0xcb: {  	s10 =	sand.u32 $0x380, s5;
	v1 =	vadd.f32 v1, v6;
	v7 =	vld [tilespmem:s4+$0x12060]  }
0xcc: {  	s8 =	sor.u32 s10, s8;
	[tilespmem:s9+$0xE000] =	vst v4;
	v2 =	vadd.f32 v2, v6;
	v4 =	vld [tilespmem:s4+$0x14060]  }
0xcd: {  	v6 =	vld [tilespmem:s8+$0x14070];
	[tilespmem:s4+$0x12050] =	vst v1  }
0xce: {  	v1 =	vld [tilespmem:s8+$0x10070];
	[tilespmem:s4+$0x14050] =	vst v2;
	v0 =	vadd.f32 v0, v5  }
0xcf: {  	v2 =	vld [tilespmem:s8+$0x12070];
	v3 =	vadd.f32 v3, v5  }
0xd0: {  	v9 =	vld [tilespmem:s8+$0x2000];
	[tilespmem:s4+$0xE060] =	vst v0;
	v0 =	vadd.f32 v7, v5  }
0xd1: {  	v7 =	vld [tilespmem:s8+$0xE000];
	[tilespmem:s4+$0x10060] =	vst v3;
	v3 =	vadd.f32 v4, v5  }
0xd2: {  	v4 =	vld [tilespmem:s8+$0x10000];
	v5 =	vadd.f32 v6, v8;
	[tilespmem:s4+$0x12060] =	vst v0  }
0xd3: {  	v0 =	vld [tilespmem:s8+$0x12000];
	v1 =	vadd.f32 v1, v8;
	[tilespmem:s4+$0x14060] =	vst v3;
	s4 =	smov.u32 s8  }
0xd4: {  	v3 =	vld [tilespmem:s4+$0x14000];
	v2 =	vadd.f32 v2, v8;
	[tilespmem:s4+$0x14070] =	vst v5  }
0xd5: {  	v5 =	vld [tilespmem:s4+$0x2010];
	[tilespmem:s4+$0x10070] =	vst v1  }
0xd6: {  	v1 =	vadd.f32 v7, v9;
	v6 =	vld [tilespmem:s4+$0xE010];
	[tilespmem:s4+$0x12070] =	vst v2  }
0xd7: {  	v2 =	vadd.f32 v4, v9;
	v4 =	vld [tilespmem:s4+$0x10010]  }
0xd8: {  	[tilespmem:s4+$0xE000] =	vst v1;
	v0 =	vadd.f32 v0, v9;
	v1 =	vld [tilespmem:s4+$0x12010]  }
0xd9: {  	[tilespmem:s4+$0x10000] =	vst v2;
	v2 =	vadd.f32 v3, v9;
	v3 =	vld [tilespmem:s4+$0x14010]  }
0xda: {  	[tilespmem:s4+$0x12000] =	vst v0;
	v0 =	vld [tilespmem:s4+$0x2020]  }
0xdb: {  	[tilespmem:s4+$0x14000] =	vst v2;
	v2 =	vadd.f32 v6, v5;
	v6 =	vld [tilespmem:s4+$0xE020]  }
0xdc: {  	v4 =	vadd.f32 v4, v5;
	v7 =	vld [tilespmem:s4+$0x10020]  }
0xdd: {  	[tilespmem:s4+$0xE010] =	vst v2;
	v1 =	vadd.f32 v1, v5;
	v2 =	vld [tilespmem:s4+$0x12020]  }
0xde: {  	[tilespmem:s4+$0x10010] =	vst v4;
	v3 =	vadd.f32 v3, v5;
	v4 =	vld [tilespmem:s4+$0x14020]  }
0xdf: {  	[tilespmem:s4+$0x12010] =	vst v1;
	v5 =	vld [tilespmem:s4+$0x2030]  }
0xe0: {  	[tilespmem:s4+$0x14010] =	vst v3;
	v1 =	vadd.f32 v6, v0;
	v3 =	vld [tilespmem:s4+$0xE030]  }
0xe1: {  	v6 =	vadd.f32 v7, v0;
	v7 =	vld [tilespmem:s4+$0x10030]  }
0xe2: {  	[tilespmem:s4+$0xE020] =	vst v1;
	v1 =	vadd.f32 v2, v0;
	v8 =	vld [tilespmem:s4+$0x12030]  }
0xe3: {  	[tilespmem:s4+$0x10020] =	vst v6;
	v2 =	vadd.f32 v4, v0;
	v9 =	vld [tilespmem:s4+$0x14030]  }
.Ltmp1:
0xe4: {  	[tilespmem:s4+$0x12020] =	vst v1;
	v0 =	vld [tilespmem:s4+$0x2040];
	(pc) =	sbr.rel @p0 .LBB2_4-.Ltmp1, $4  }
0xe5: {  	[tilespmem:s4+$0x14020] =	vst v2;
	v1 =	vadd.f32 v3, v5;
	v4 =	vld [tilespmem:s4+$0xE040]  }
0xe6: {  	v3 =	vadd.f32 v7, v5;
	v2 =	vld [tilespmem:s4+$0x10040]  }
0xe7: {  	[tilespmem:s4+$0xE030] =	vst v1;
	v6 =	vadd.f32 v8, v5;
	v1 =	vld [tilespmem:s4+$0x12040]  }
0xe8: {  	s7 =	sadd.s32 $0x400, s7;
	[tilespmem:s4+$0x10030] =	vst v3;
	v5 =	vadd.f32 v9, v5;
	v3 =	vld [tilespmem:s4+$0x14040]  }
0xe9: {  	v7 =	vld [tilespmem:s4+$0x2050]  }
0xea: {  	v8 =	vld [tilespmem:s4+$0xE050]  }
0xeb: {  	v9 =	vld [tilespmem:s4+$0x10050]  }
0xec: {  	[tilespmem:s4+$0x12030] =	vst v6;
	v6 =	vld [tilespmem:s4+$0x12050];
	v4 =	vadd.f32 v4, v0  }
0xed: {  	[tilespmem:s4+$0x14030] =	vst v5;
	v5 =	vld [tilespmem:s4+$0x14050];
	v2 =	vadd.f32 v2, v0  }
0xee: {  	[tilespmem:s4+$0xE040] =	vst v4;
	v1 =	vadd.f32 v1, v0;
	v4 =	vld [tilespmem:s4+$0x2060]  }
0xef: {  	[tilespmem:s4+$0x10040] =	vst v2;
	v0 =	vadd.f32 v3, v0;
	v2 =	vld [tilespmem:s4+$0xE060]  }
0xf0: {  	v3 =	vld [tilespmem:s4+$0x10060];
	[tilespmem:s4+$0x12040] =	vst v1;
	v1 =	vadd.f32 v8, v7  }
0xf1: {  	v8 =	vld [tilespmem:s4+$0x12060];
	[tilespmem:s4+$0x14040] =	vst v0;
	v0 =	vadd.f32 v9, v7  }
0xf2: {  	[tilespmem:s4+$0xE050] =	vst v1;
	v1 =	vadd.f32 v6, v7;
	v6 =	vld [tilespmem:s4+$0x14060]  }
0xf3: {  	[tilespmem:s4+$0x10050] =	vst v0;
	v0 =	vadd.f32 v5, v7  }
0xf4: {  	[tilespmem:s4+$0x12050] =	vst v1;
	v1 =	vadd.f32 v2, v4  }
0xf5: {  	[tilespmem:s4+$0x14050] =	vst v0;
	v0 =	vadd.f32 v3, v4  }
0xf6: {  	[tilespmem:s4+$0xE060] =	vst v1;
	v1 =	vadd.f32 v8, v4  }
0xf7: {  	[tilespmem:s4+$0x10060] =	vst v0;
	v0 =	vadd.f32 v6, v4  }
0xf8: {  	[tilespmem:s4+$0x12060] =	vst v1  }
0xf9: {  	[tilespmem:s4+$0x14060] =	vst v0  }
0xfa: {  	s4 =	rddreg [dreg:$0x8]  }
0xfb: {  	[hbm4b:s4+s21] =	stream.strided.scatter [tilespmem:s25], [sflag:$0x5], $0x8000, s22, s21, $0x38;
	[tilespmem:$0x1E000] =	vst v63  }
0xfc: {  	_ =	swait.ge [sflag:s30], $0x2000  }
0xfd: {  	[sflag:s30] =	ssyncset.done $0x0  }
0xfe: {  	[sflag:s30] =	ssyncadd.s32 $0xFFFFE000  }
0xff: {  	_ =	swait.ge [sflag:s30], $0x8000  }
0x100: {  	[sflag:s30] =	ssyncset.done $0x0  }
0x101: {  	[sflag:s30] =	ssyncadd.s32 $0xFFFF8000  }
0x102: {  	s5 =	simm.s32 $0x0;
	_ =	swait.ge [sflag:s31], $0x8000  }
0x103: {  	s10 =	sand.u32 $0x1C00, s5;
	[sflag:s31] =	ssyncset.done $0x0  }
0x104: {  	s6 =	sor.u32 s10, s5;
	s8 =	rddreg [dreg:$0x9];
	[sflag:s31] =	ssyncadd.s32 $0xFFFF8000  }
0x105: {  	[tilespmem:s5], [sflag:$0x1] =	stream.linear.gather [hbm4b:s8+s5], $0x2000, $0x38;
	[tilespmem:$0x1E000] =	vst v63  }
0x106: {  	s6 =	sor.u32 $0x70, s6;
	s9 =	rddreg [dreg:$0xa]  }
0x107: {  	[tilespmem:s23], [sflag:$0x1] =	stream.strided.gather [hbm4b:s9+s21], $0x8000, s22, s21, $0x38;
	[tilespmem:$0x1E000] =	vst v63  }
0x108: {  	v0 =	vld [tilespmem:s6+$0x4000]  }
0x109: {  	v1 =	vld [tilespmem:s6+$0x16000];
	_ =	sdelay $0x1  }
0x10a: {  	s7 =	sand.u32 $0x380, s5  }
0x10b: {  	s4 =	sor.u32 s7, s10  }
0x10c: {  	v4 =	vld [tilespmem:s4+$0x4000]  }
0x10d: {  	v5 =	vld [tilespmem:s4+$0x16000];
	v1 =	vadd.f32 v1, v0  }
0x10e: {  	v6 =	vld [tilespmem:s4+$0x18000]  }
0x10f: {  	v7 =	vld [tilespmem:s4+$0x1A000];
	[tilespmem:s6+$0x16000] =	vst v1  }
0x110: {  	v1 =	vld [tilespmem:s4+$0x1C070]  }
0x111: {  	v2 =	vld [tilespmem:s4+$0x18070]  }
0x112: {  	v3 =	vld [tilespmem:s4+$0x1A070]  }
0x113: {  	v8 =	vld [tilespmem:s4+$0x1C000]  }
0x114: {  	v62 =	vld [tilespmem:s4+$0x4010]  }
0x115: {  	v10 =	vld [tilespmem:s4+$0x16010];
	v1 =	vadd.f32 v1, v0  }
0x116: {  	v11 =	vld [tilespmem:s4+$0x18010];
	v2 =	vadd.f32 v2, v0  }
0x117: {  	v63 =	vld [tilespmem:s4+$0x4030];
	v0 =	vadd.f32 v3, v0;
	[tilespmem:s4+$0x1C070] =	vst v1  }
0x118: {  	v3 =	vld [tilespmem:s4+$0x1C010];
	[tilespmem:s4+$0x18070] =	vst v2;
	v2 =	vadd.f32 v5, v4  }
0x119: {  	v1 =	vld [tilespmem:s4+$0x1A010];
	[tilespmem:s4+$0x1A070] =	vst v0;
	v0 =	vadd.f32 v6, v4  }
0x11a: {  	v5 =	vld [tilespmem:s4+$0x4020];
	[tilespmem:s4+$0x16000] =	vst v2;
	v2 =	vadd.f32 v7, v4  }
0x11b: {  	v6 =	vld [tilespmem:s4+$0x16020];
	[tilespmem:s4+$0x18000] =	vst v0;
	v0 =	vadd.f32 v8, v4  }
0x11c: {  	v4 =	vld [tilespmem:s4+$0x18020];
	[tilespmem:s4+$0x1A000] =	vst v2;
	v2 =	vadd.f32 v10, v62  }
0x11d: {  	v7 =	vld [tilespmem:s4+$0x1A020];
	[tilespmem:s4+$0x1C000] =	vst v0;
	v0 =	vadd.f32 v11, v62  }
0x11e: {  	v8 =	vld [tilespmem:s4+$0x1C020];
	v1 =	vadd.f32 v1, v62;
	[tilespmem:s4+$0x16010] =	vst v2  }
0x11f: {  	[tilespmem:s4+$0x18010] =	vst v0;
	v0 =	vadd.f32 v3, v62;
	v2 =	vld [tilespmem:s4+$0x16030]  }
0x120: {  	v3 =	vld [tilespmem:s4+$0x18030];
	[tilespmem:s4+$0x1A010] =	vst v1;
	v1 =	vadd.f32 v6, v5  }
0x121: {  	v6 =	vld [tilespmem:s4+$0x1A030];
	[tilespmem:s4+$0x1C010] =	vst v0;
	v0 =	vadd.f32 v4, v5  }
0x122: {  	[tilespmem:s4+$0x16020] =	vst v1;
	v1 =	vadd.f32 v7, v5;
	v7 =	vld [tilespmem:s4+$0x1C030]  }
0x123: {  	v4 =	vld [tilespmem:s4+$0x16040];
	v5 =	vadd.f32 v8, v5;
	[tilespmem:s4+$0x18020] =	vst v0  }
0x124: {  	v0 =	vld [tilespmem:s4+$0x4040];
	[tilespmem:s4+$0x1A020] =	vst v1;
	v1 =	vadd.f32 v2, v63  }
0x125: {  	[tilespmem:s4+$0x1C020] =	vst v5;
	v3 =	vadd.f32 v3, v63;
	v2 =	vld [tilespmem:s4+$0x18040]  }
0x126: {  	v6 =	vadd.f32 v6, v63;
	[tilespmem:s4+$0x16030] =	vst v1;
	v1 =	vld [tilespmem:s4+$0x1A040]  }
0x127: {  	s7 =	simm.s32 $0x400;
	s6 =	simm.s32 $0x0;
	[tilespmem:s4+$0x18030] =	vst v3;
	v3 =	vld [tilespmem:s4+$0x1C040];
	v5 =	vadd.f32 v7, v63  }
.LBB2_6:
0x128: {  	s8 =	sand.u32 $0x1C00, s7;
	[tilespmem:s4+$0x1A030] =	vst v6;
	v6 =	vld [tilespmem:s4+$0x4050];
	s5 =	sadd.s32 $0x10, s5  }
0x129: {  	s6 =	sadd.s32 $0x80, s6;
	s9 =	sor.u32 s8, s5;
	[tilespmem:s4+$0x1C030] =	vst v5;
	v4 =	vadd.f32 v4, v0;
	v5 =	vld [tilespmem:s4+$0x16050]  }
0x12a: {  	p0 =	slt.u32 s6, $0x1F80;
	s9 =	sor.u32 $0x70, s9;
	v2 =	vadd.f32 v2, v0;
	v7 =	vld [tilespmem:s4+$0x18050]  }
0x12b: {  	v8 =	vld [tilespmem:s9+$0x4000];
	[tilespmem:s4+$0x16040] =	vst v4;
	v1 =	vadd.f32 v1, v0  }
0x12c: {  	v4 =	vld [tilespmem:s9+$0x16000];
	[tilespmem:s4+$0x18040] =	vst v2;
	v0 =	vadd.f32 v3, v0  }
0x12d: {  	[tilespmem:s4+$0x1A040] =	vst v1;
	v1 =	vld [tilespmem:s4+$0x1A050]  }
0x12e: {  	[tilespmem:s4+$0x1C040] =	vst v0;
	v0 =	vadd.f32 v5, v6;
	v2 =	vld [tilespmem:s4+$0x1C050]  }
0x12f: {  	v3 =	vadd.f32 v7, v6;
	v5 =	vld [tilespmem:s4+$0x4060]  }
0x130: {  	[tilespmem:s4+$0x16050] =	vst v0;
	v0 =	vld [tilespmem:s4+$0x16060]  }
0x131: {  	v4 =	vadd.f32 v4, v8;
	[tilespmem:s4+$0x18050] =	vst v3;
	v3 =	vld [tilespmem:s4+$0x18060]  }
0x132: {  	s10 =	sand.u32 $0x380, s5;
	v1 =	vadd.f32 v1, v6;
	v7 =	vld [tilespmem:s4+$0x1A060]  }
0x133: {  	s8 =	sor.u32 s10, s8;
	[tilespmem:s9+$0x16000] =	vst v4;
	v2 =	vadd.f32 v2, v6;
	v4 =	vld [tilespmem:s4+$0x1C060]  }
0x134: {  	v6 =	vld [tilespmem:s8+$0x1C070];
	[tilespmem:s4+$0x1A050] =	vst v1  }
0x135: {  	v1 =	vld [tilespmem:s8+$0x18070];
	[tilespmem:s4+$0x1C050] =	vst v2;
	v0 =	vadd.f32 v0, v5  }
0x136: {  	v2 =	vld [tilespmem:s8+$0x1A070];
	v3 =	vadd.f32 v3, v5  }
0x137: {  	v9 =	vld [tilespmem:s8+$0x4000];
	[tilespmem:s4+$0x16060] =	vst v0;
	v0 =	vadd.f32 v7, v5  }
0x138: {  	v7 =	vld [tilespmem:s8+$0x16000];
	[tilespmem:s4+$0x18060] =	vst v3;
	v3 =	vadd.f32 v4, v5  }
0x139: {  	v4 =	vld [tilespmem:s8+$0x18000];
	v5 =	vadd.f32 v6, v8;
	[tilespmem:s4+$0x1A060] =	vst v0  }
0x13a: {  	v0 =	vld [tilespmem:s8+$0x1A000];
	v1 =	vadd.f32 v1, v8;
	[tilespmem:s4+$0x1C060] =	vst v3;
	s4 =	smov.u32 s8  }
0x13b: {  	v3 =	vld [tilespmem:s4+$0x1C000];
	v2 =	vadd.f32 v2, v8;
	[tilespmem:s4+$0x1C070] =	vst v5  }
0x13c: {  	v5 =	vld [tilespmem:s4+$0x4010];
	[tilespmem:s4+$0x18070] =	vst v1  }
0x13d: {  	v1 =	vadd.f32 v7, v9;
	v6 =	vld [tilespmem:s4+$0x16010];
	[tilespmem:s4+$0x1A070] =	vst v2  }
0x13e: {  	v2 =	vadd.f32 v4, v9;
	v4 =	vld [tilespmem:s4+$0x18010]  }
0x13f: {  	[tilespmem:s4+$0x16000] =	vst v1;
	v0 =	vadd.f32 v0, v9;
	v1 =	vld [tilespmem:s4+$0x1A010]  }
0x140: {  	[tilespmem:s4+$0x18000] =	vst v2;
	v2 =	vadd.f32 v3, v9;
	v3 =	vld [tilespmem:s4+$0x1C010]  }
0x141: {  	[tilespmem:s4+$0x1A000] =	vst v0;
	v0 =	vld [tilespmem:s4+$0x4020]  }
0x142: {  	[tilespmem:s4+$0x1C000] =	vst v2;
	v2 =	vadd.f32 v6, v5;
	v6 =	vld [tilespmem:s4+$0x16020]  }
0x143: {  	v4 =	vadd.f32 v4, v5;
	v7 =	vld [tilespmem:s4+$0x18020]  }
0x144: {  	[tilespmem:s4+$0x16010] =	vst v2;
	v1 =	vadd.f32 v1, v5;
	v2 =	vld [tilespmem:s4+$0x1A020]  }
0x145: {  	[tilespmem:s4+$0x18010] =	vst v4;
	v3 =	vadd.f32 v3, v5;
	v4 =	vld [tilespmem:s4+$0x1C020]  }
0x146: {  	[tilespmem:s4+$0x1A010] =	vst v1;
	v5 =	vld [tilespmem:s4+$0x4030]  }
0x147: {  	[tilespmem:s4+$0x1C010] =	vst v3;
	v1 =	vadd.f32 v6, v0;
	v3 =	vld [tilespmem:s4+$0x16030]  }
0x148: {  	v6 =	vadd.f32 v7, v0;
	v7 =	vld [tilespmem:s4+$0x18030]  }
0x149: {  	[tilespmem:s4+$0x16020] =	vst v1;
	v1 =	vadd.f32 v2, v0;
	v8 =	vld [tilespmem:s4+$0x1A030]  }
0x14a: {  	[tilespmem:s4+$0x18020] =	vst v6;
	v2 =	vadd.f32 v4, v0;
	v9 =	vld [tilespmem:s4+$0x1C030]  }
.Ltmp2:
0x14b: {  	[tilespmem:s4+$0x1A020] =	vst v1;
	v0 =	vld [tilespmem:s4+$0x4040];
	(pc) =	sbr.rel @p0 .LBB2_6-.Ltmp2, $4  }
0x14c: {  	[tilespmem:s4+$0x1C020] =	vst v2;
	v1 =	vadd.f32 v3, v5;
	v4 =	vld [tilespmem:s4+$0x16040]  }
0x14d: {  	v3 =	vadd.f32 v7, v5;
	v2 =	vld [tilespmem:s4+$0x18040]  }
0x14e: {  	[tilespmem:s4+$0x16030] =	vst v1;
	v6 =	vadd.f32 v8, v5;
	v1 =	vld [tilespmem:s4+$0x1A040]  }
0x14f: {  	s7 =	sadd.s32 $0x400, s7;
	[tilespmem:s4+$0x18030] =	vst v3;
	v5 =	vadd.f32 v9, v5;
	v3 =	vld [tilespmem:s4+$0x1C040]  }
0x150: {  	v7 =	vld [tilespmem:s4+$0x4050]  }
0x151: {  	v8 =	vld [tilespmem:s4+$0x16050]  }
0x152: {  	v9 =	vld [tilespmem:s4+$0x18050]  }
0x153: {  	[tilespmem:s4+$0x1A030] =	vst v6;
	v6 =	vld [tilespmem:s4+$0x1A050];
	v4 =	vadd.f32 v4, v0  }
0x154: {  	[tilespmem:s4+$0x1C030] =	vst v5;
	v5 =	vld [tilespmem:s4+$0x1C050];
	v2 =	vadd.f32 v2, v0  }
0x155: {  	[tilespmem:s4+$0x16040] =	vst v4;
	v1 =	vadd.f32 v1, v0;
	v4 =	vld [tilespmem:s4+$0x4060]  }
0x156: {  	[tilespmem:s4+$0x18040] =	vst v2;
	v0 =	vadd.f32 v3, v0;
	v2 =	vld [tilespmem:s4+$0x16060]  }
0x157: {  	v3 =	vld [tilespmem:s4+$0x18060];
	[tilespmem:s4+$0x1A040] =	vst v1;
	v1 =	vadd.f32 v8, v7  }
0x158: {  	v8 =	vld [tilespmem:s4+$0x1A060];
	[tilespmem:s4+$0x1C040] =	vst v0;
	v0 =	vadd.f32 v9, v7  }
0x159: {  	[tilespmem:s4+$0x16050] =	vst v1;
	v1 =	vadd.f32 v6, v7;
	v6 =	vld [tilespmem:s4+$0x1C060]  }
0x15a: {  	[tilespmem:s4+$0x18050] =	vst v0;
	v0 =	vadd.f32 v5, v7  }
0x15b: {  	[tilespmem:s4+$0x1A050] =	vst v1;
	v1 =	vadd.f32 v2, v4  }
0x15c: {  	[tilespmem:s4+$0x1C050] =	vst v0;
	v0 =	vadd.f32 v3, v4  }
0x15d: {  	[tilespmem:s4+$0x16060] =	vst v1;
	v1 =	vadd.f32 v8, v4  }
0x15e: {  	[tilespmem:s4+$0x18060] =	vst v0;
	v0 =	vadd.f32 v6, v4  }
0x15f: {  	[tilespmem:s4+$0x1A060] =	vst v1  }
0x160: {  	[tilespmem:s4+$0x1C060] =	vst v0  }
0x161: {  	s4 =	rddreg [dreg:$0xb]  }
0x162: {  	[hbm4b:s4+s21] =	stream.strided.scatter [tilespmem:s29], [sflag:$0x6], $0x8000, s22, s21, $0x38;
	[tilespmem:$0x1E000] =	vst v63  }
0x163: {  	_ =	swait.ge [sflag:s24], $0x2000  }
0x164: {  	[sflag:s24] =	ssyncset.done $0x0  }
0x165: {  	[sflag:s24] =	ssyncadd.s32 $0xFFFFE000  }
0x166: {  	_ =	swait.ge [sflag:s24], $0x8000  }
0x167: {  	[sflag:s24] =	ssyncset.done $0x0  }
0x168: {  	[sflag:s24] =	ssyncadd.s32 $0xFFFF8000  }
0x169: {  	s5 =	simm.s32 $0x0;
	_ =	swait.ge [sflag:s0], $0x8000  }
0x16a: {  	s10 =	sand.u32 $0x1C00, s5;
	[sflag:s0] =	ssyncset.done $0x0  }
0x16b: {  	s6 =	sor.u32 s10, s5;
	s8 =	rddreg [dreg:$0xc];
	[sflag:s0] =	ssyncadd.s32 $0xFFFF8000  }
0x16c: {  	[tilespmem:s21], [sflag:$0x2] =	stream.linear.gather [hbm4b:s8+s5], $0x2000, $0x38;
	[tilespmem:$0x1E000] =	vst v63  }
0x16d: {  	s6 =	sor.u32 $0x70, s6;
	s9 =	rddreg [dreg:$0xd]  }
0x16e: {  	[tilespmem:s25], [sflag:$0x2] =	stream.strided.gather [hbm4b:s9+s21], $0x8000, s22, s21, $0x38;
	[tilespmem:$0x1E000] =	vst v63  }
0x16f: {  	v0 =	vld [tilespmem:s6+$0x0]  }
0x170: {  	v1 =	vld [tilespmem:s6+$0x6000];
	_ =	sdelay $0x1  }
0x171: {  	s7 =	sand.u32 $0x380, s5  }
0x172: {  	s4 =	sor.u32 s7, s10  }
0x173: {  	v4 =	vld [tilespmem:s4+$0x0]  }
0x174: {  	v5 =	vld [tilespmem:s4+$0x6000];
	v1 =	vadd.f32 v1, v0  }
0x175: {  	v6 =	vld [tilespmem:s4+$0x8000]  }
0x176: {  	v7 =	vld [tilespmem:s4+$0xA000];
	[tilespmem:s6+$0x6000] =	vst v1  }
0x177: {  	v1 =	vld [tilespmem:s4+$0xC070]  }
0x178: {  	v2 =	vld [tilespmem:s4+$0x8070]  }
0x179: {  	v3 =	vld [tilespmem:s4+$0xA070]  }
0x17a: {  	v8 =	vld [tilespmem:s4+$0xC000]  }
0x17b: {  	v62 =	vld [tilespmem:s4+$0x10]  }
0x17c: {  	v10 =	vld [tilespmem:s4+$0x6010];
	v1 =	vadd.f32 v1, v0  }
0x17d: {  	v11 =	vld [tilespmem:s4+$0x8010];
	v2 =	vadd.f32 v2, v0  }
0x17e: {  	v63 =	vld [tilespmem:s4+$0x30];
	v0 =	vadd.f32 v3, v0;
	[tilespmem:s4+$0xC070] =	vst v1  }
0x17f: {  	v3 =	vld [tilespmem:s4+$0xC010];
	[tilespmem:s4+$0x8070] =	vst v2;
	v2 =	vadd.f32 v5, v4  }
0x180: {  	v1 =	vld [tilespmem:s4+$0xA010];
	[tilespmem:s4+$0xA070] =	vst v0;
	v0 =	vadd.f32 v6, v4  }
0x181: {  	v5 =	vld [tilespmem:s4+$0x20];
	[tilespmem:s4+$0x6000] =	vst v2;
	v2 =	vadd.f32 v7, v4  }
0x182: {  	v6 =	vld [tilespmem:s4+$0x6020];
	[tilespmem:s4+$0x8000] =	vst v0;
	v0 =	vadd.f32 v8, v4  }
0x183: {  	v4 =	vld [tilespmem:s4+$0x8020];
	[tilespmem:s4+$0xA000] =	vst v2;
	v2 =	vadd.f32 v10, v62  }
0x184: {  	v7 =	vld [tilespmem:s4+$0xA020];
	[tilespmem:s4+$0xC000] =	vst v0;
	v0 =	vadd.f32 v11, v62  }
0x185: {  	v8 =	vld [tilespmem:s4+$0xC020];
	v1 =	vadd.f32 v1, v62;
	[tilespmem:s4+$0x6010] =	vst v2  }
0x186: {  	[tilespmem:s4+$0x8010] =	vst v0;
	v0 =	vadd.f32 v3, v62;
	v2 =	vld [tilespmem:s4+$0x6030]  }
0x187: {  	v3 =	vld [tilespmem:s4+$0x8030];
	[tilespmem:s4+$0xA010] =	vst v1;
	v1 =	vadd.f32 v6, v5  }
0x188: {  	v6 =	vld [tilespmem:s4+$0xA030];
	[tilespmem:s4+$0xC010] =	vst v0;
	v0 =	vadd.f32 v4, v5  }
0x189: {  	[tilespmem:s4+$0x6020] =	vst v1;
	v1 =	vadd.f32 v7, v5;
	v7 =	vld [tilespmem:s4+$0xC030]  }
0x18a: {  	v4 =	vld [tilespmem:s4+$0x6040];
	v5 =	vadd.f32 v8, v5;
	[tilespmem:s4+$0x8020] =	vst v0  }
0x18b: {  	v0 =	vld [tilespmem:s4+$0x40];
	[tilespmem:s4+$0xA020] =	vst v1;
	v1 =	vadd.f32 v2, v63  }
0x18c: {  	[tilespmem:s4+$0xC020] =	vst v5;
	v3 =	vadd.f32 v3, v63;
	v2 =	vld [tilespmem:s4+$0x8040]  }
0x18d: {  	v6 =	vadd.f32 v6, v63;
	[tilespmem:s4+$0x6030] =	vst v1;
	v1 =	vld [tilespmem:s4+$0xA040]  }
0x18e: {  	s7 =	simm.s32 $0x400;
	s6 =	simm.s32 $0x0;
	[tilespmem:s4+$0x8030] =	vst v3;
	v3 =	vld [tilespmem:s4+$0xC040];
	v5 =	vadd.f32 v7, v63  }
.LBB2_8:
0x18f: {  	s8 =	sand.u32 $0x1C00, s7;
	[tilespmem:s4+$0xA030] =	vst v6;
	v6 =	vld [tilespmem:s4+$0x50];
	s5 =	sadd.s32 $0x10, s5  }
0x190: {  	s6 =	sadd.s32 $0x80, s6;
	s9 =	sor.u32 s8, s5;
	[tilespmem:s4+$0xC030] =	vst v5;
	v4 =	vadd.f32 v4, v0;
	v5 =	vld [tilespmem:s4+$0x6050]  }
0x191: {  	p0 =	slt.u32 s6, $0x1F80;
	s9 =	sor.u32 $0x70, s9;
	v2 =	vadd.f32 v2, v0;
	v7 =	vld [tilespmem:s4+$0x8050]  }
0x192: {  	v8 =	vld [tilespmem:s9+$0x0];
	[tilespmem:s4+$0x6040] =	vst v4;
	v1 =	vadd.f32 v1, v0  }
0x193: {  	v4 =	vld [tilespmem:s9+$0x6000];
	[tilespmem:s4+$0x8040] =	vst v2;
	v0 =	vadd.f32 v3, v0  }
0x194: {  	[tilespmem:s4+$0xA040] =	vst v1;
	v1 =	vld [tilespmem:s4+$0xA050]  }
0x195: {  	[tilespmem:s4+$0xC040] =	vst v0;
	v0 =	vadd.f32 v5, v6;
	v2 =	vld [tilespmem:s4+$0xC050]  }
0x196: {  	v3 =	vadd.f32 v7, v6;
	v5 =	vld [tilespmem:s4+$0x60]  }
0x197: {  	[tilespmem:s4+$0x6050] =	vst v0;
	v0 =	vld [tilespmem:s4+$0x6060]  }
0x198: {  	v4 =	vadd.f32 v4, v8;
	[tilespmem:s4+$0x8050] =	vst v3;
	v3 =	vld [tilespmem:s4+$0x8060]  }
0x199: {  	s10 =	sand.u32 $0x380, s5;
	v1 =	vadd.f32 v1, v6;
	v7 =	vld [tilespmem:s4+$0xA060]  }
0x19a: {  	s8 =	sor.u32 s10, s8;
	[tilespmem:s9+$0x6000] =	vst v4;
	v2 =	vadd.f32 v2, v6;
	v4 =	vld [tilespmem:s4+$0xC060]  }
0x19b: {  	v6 =	vld [tilespmem:s8+$0xC070];
	[tilespmem:s4+$0xA050] =	vst v1  }
0x19c: {  	v1 =	vld [tilespmem:s8+$0x8070];
	[tilespmem:s4+$0xC050] =	vst v2;
	v0 =	vadd.f32 v0, v5  }
0x19d: {  	v2 =	vld [tilespmem:s8+$0xA070];
	v3 =	vadd.f32 v3, v5  }
0x19e: {  	v9 =	vld [tilespmem:s8+$0x0];
	[tilespmem:s4+$0x6060] =	vst v0;
	v0 =	vadd.f32 v7, v5  }
0x19f: {  	v7 =	vld [tilespmem:s8+$0x6000];
	[tilespmem:s4+$0x8060] =	vst v3;
	v3 =	vadd.f32 v4, v5  }
0x1a0: {  	v4 =	vld [tilespmem:s8+$0x8000];
	v5 =	vadd.f32 v6, v8;
	[tilespmem:s4+$0xA060] =	vst v0  }
0x1a1: {  	v0 =	vld [tilespmem:s8+$0xA000];
	v1 =	vadd.f32 v1, v8;
	[tilespmem:s4+$0xC060] =	vst v3;
	s4 =	smov.u32 s8  }
0x1a2: {  	v3 =	vld [tilespmem:s4+$0xC000];
	v2 =	vadd.f32 v2, v8;
	[tilespmem:s4+$0xC070] =	vst v5  }
0x1a3: {  	v5 =	vld [tilespmem:s4+$0x10];
	[tilespmem:s4+$0x8070] =	vst v1  }
0x1a4: {  	v1 =	vadd.f32 v7, v9;
	v6 =	vld [tilespmem:s4+$0x6010];
	[tilespmem:s4+$0xA070] =	vst v2  }
0x1a5: {  	v2 =	vadd.f32 v4, v9;
	v4 =	vld [tilespmem:s4+$0x8010]  }
0x1a6: {  	[tilespmem:s4+$0x6000] =	vst v1;
	v0 =	vadd.f32 v0, v9;
	v1 =	vld [tilespmem:s4+$0xA010]  }
0x1a7: {  	[tilespmem:s4+$0x8000] =	vst v2;
	v2 =	vadd.f32 v3, v9;
	v3 =	vld [tilespmem:s4+$0xC010]  }
0x1a8: {  	[tilespmem:s4+$0xA000] =	vst v0;
	v0 =	vld [tilespmem:s4+$0x20]  }
0x1a9: {  	[tilespmem:s4+$0xC000] =	vst v2;
	v2 =	vadd.f32 v6, v5;
	v6 =	vld [tilespmem:s4+$0x6020]  }
0x1aa: {  	v4 =	vadd.f32 v4, v5;
	v7 =	vld [tilespmem:s4+$0x8020]  }
0x1ab: {  	[tilespmem:s4+$0x6010] =	vst v2;
	v1 =	vadd.f32 v1, v5;
	v2 =	vld [tilespmem:s4+$0xA020]  }
0x1ac: {  	[tilespmem:s4+$0x8010] =	vst v4;
	v3 =	vadd.f32 v3, v5;
	v4 =	vld [tilespmem:s4+$0xC020]  }
0x1ad: {  	[tilespmem:s4+$0xA010] =	vst v1;
	v5 =	vld [tilespmem:s4+$0x30]  }
0x1ae: {  	[tilespmem:s4+$0xC010] =	vst v3;
	v1 =	vadd.f32 v6, v0;
	v3 =	vld [tilespmem:s4+$0x6030]  }
0x1af: {  	v6 =	vadd.f32 v7, v0;
	v7 =	vld [tilespmem:s4+$0x8030]  }
0x1b0: {  	[tilespmem:s4+$0x6020] =	vst v1;
	v1 =	vadd.f32 v2, v0;
	v8 =	vld [tilespmem:s4+$0xA030]  }
0x1b1: {  	[tilespmem:s4+$0x8020] =	vst v6;
	v2 =	vadd.f32 v4, v0;
	v9 =	vld [tilespmem:s4+$0xC030]  }
.Ltmp3:
0x1b2: {  	[tilespmem:s4+$0xA020] =	vst v1;
	v0 =	vld [tilespmem:s4+$0x40];
	(pc) =	sbr.rel @p0 .LBB2_8-.Ltmp3, $4  }
0x1b3: {  	[tilespmem:s4+$0xC020] =	vst v2;
	v1 =	vadd.f32 v3, v5;
	v4 =	vld [tilespmem:s4+$0x6040]  }
0x1b4: {  	v3 =	vadd.f32 v7, v5;
	v2 =	vld [tilespmem:s4+$0x8040]  }
0x1b5: {  	[tilespmem:s4+$0x6030] =	vst v1;
	v6 =	vadd.f32 v8, v5;
	v1 =	vld [tilespmem:s4+$0xA040]  }
0x1b6: {  	s7 =	sadd.s32 $0x400, s7;
	[tilespmem:s4+$0x8030] =	vst v3;
	v5 =	vadd.f32 v9, v5;
	v3 =	vld [tilespmem:s4+$0xC040]  }
0x1b7: {  	v7 =	vld [tilespmem:s4+$0x50]  }
0x1b8: {  	v8 =	vld [tilespmem:s4+$0x6050]  }
0x1b9: {  	v9 =	vld [tilespmem:s4+$0x8050]  }
0x1ba: {  	[tilespmem:s4+$0xA030] =	vst v6;
	v6 =	vld [tilespmem:s4+$0xA050];
	v4 =	vadd.f32 v4, v0  }
0x1bb: {  	[tilespmem:s4+$0xC030] =	vst v5;
	v5 =	vld [tilespmem:s4+$0xC050];
	v2 =	vadd.f32 v2, v0  }
0x1bc: {  	[tilespmem:s4+$0x6040] =	vst v4;
	v1 =	vadd.f32 v1, v0;
	v4 =	vld [tilespmem:s4+$0x60]  }
0x1bd: {  	[tilespmem:s4+$0x8040] =	vst v2;
	v0 =	vadd.f32 v3, v0;
	v2 =	vld [tilespmem:s4+$0x6060]  }
0x1be: {  	v3 =	vld [tilespmem:s4+$0x8060];
	[tilespmem:s4+$0xA040] =	vst v1;
	v1 =	vadd.f32 v8, v7  }
0x1bf: {  	v8 =	vld [tilespmem:s4+$0xA060];
	[tilespmem:s4+$0xC040] =	vst v0;
	v0 =	vadd.f32 v9, v7  }
0x1c0: {  	[tilespmem:s4+$0x6050] =	vst v1;
	v1 =	vadd.f32 v6, v7;
	v6 =	vld [tilespmem:s4+$0xC060]  }
0x1c1: {  	[tilespmem:s4+$0x8050] =	vst v0;
	v0 =	vadd.f32 v5, v7  }
0x1c2: {  	[tilespmem:s4+$0xA050] =	vst v1;
	v1 =	vadd.f32 v2, v4  }
0x1c3: {  	[tilespmem:s4+$0xC050] =	vst v0;
	v0 =	vadd.f32 v3, v4  }
0x1c4: {  	[tilespmem:s4+$0x6060] =	vst v1;
	v1 =	vadd.f32 v8, v4  }
0x1c5: {  	[tilespmem:s4+$0x8060] =	vst v0;
	v0 =	vadd.f32 v6, v4  }
0x1c6: {  	[tilespmem:s4+$0xA060] =	vst v1  }
0x1c7: {  	[tilespmem:s4+$0xC060] =	vst v0  }
0x1c8: {  	s4 =	rddreg [dreg:$0xe]  }
0x1c9: {  	[hbm4b:s4+s21] =	stream.strided.scatter [tilespmem:s23], [sflag:$0x4], $0x8000, s22, s21, $0x38;
	[tilespmem:$0x1E000] =	vst v63  }
0x1ca: {  	_ =	swait.ge [sflag:s26], $0x2000  }
0x1cb: {  	[sflag:s26] =	ssyncset.done $0x0  }
0x1cc: {  	[sflag:s26] =	ssyncadd.s32 $0xFFFFE000  }
0x1cd: {  	_ =	swait.ge [sflag:s26], $0x8000  }
0x1ce: {  	[sflag:s26] =	ssyncset.done $0x0  }
0x1cf: {  	[sflag:s26] =	ssyncadd.s32 $0xFFFF8000  }
0x1d0: {  	s5 =	simm.s32 $0x0;
	_ =	swait.ge [sflag:s2], $0x8000  }
0x1d1: {  	s10 =	sand.u32 $0x1C00, s5;
	[sflag:s2] =	ssyncset.done $0x0  }
0x1d2: {  	s6 =	sor.u32 s10, s5;
	s8 =	rddreg [dreg:$0xf];
	[sflag:s2] =	ssyncadd.s32 $0xFFFF8000  }
0x1d3: {  	[tilespmem:s28], [sflag:$0x3] =	stream.linear.gather [hbm4b:s8+s5], $0x2000, $0x38;
	[tilespmem:$0x1E000] =	vst v63  }
0x1d4: {  	s6 =	sor.u32 $0x70, s6;
	s9 =	rddreg [dreg:$0x10]  }
0x1d5: {  	[tilespmem:s29], [sflag:$0x3] =	stream.strided.gather [hbm4b:s9+s21], $0x8000, s22, s21, $0x38;
	[tilespmem:$0x1E000] =	vst v63  }
0x1d6: {  	v0 =	vld [tilespmem:s6+$0x2000]  }
0x1d7: {  	v1 =	vld [tilespmem:s6+$0xE000];
	_ =	sdelay $0x1  }
0x1d8: {  	s7 =	sand.u32 $0x380, s5  }
0x1d9: {  	s4 =	sor.u32 s7, s10  }
0x1da: {  	v4 =	vld [tilespmem:s4+$0x2000]  }
0x1db: {  	v5 =	vld [tilespmem:s4+$0xE000];
	v1 =	vadd.f32 v1, v0  }
0x1dc: {  	v6 =	vld [tilespmem:s4+$0x10000]  }
0x1dd: {  	v7 =	vld [tilespmem:s4+$0x12000];
	[tilespmem:s6+$0xE000] =	vst v1  }
0x1de: {  	v1 =	vld [tilespmem:s4+$0x14070]  }
0x1df: {  	v2 =	vld [tilespmem:s4+$0x10070]  }
0x1e0: {  	v3 =	vld [tilespmem:s4+$0x12070]  }
0x1e1: {  	v8 =	vld [tilespmem:s4+$0x14000]  }
0x1e2: {  	v62 =	vld [tilespmem:s4+$0x2010]  }
0x1e3: {  	v10 =	vld [tilespmem:s4+$0xE010];
	v1 =	vadd.f32 v1, v0  }
0x1e4: {  	v11 =	vld [tilespmem:s4+$0x10010];
	v2 =	vadd.f32 v2, v0  }
0x1e5: {  	v63 =	vld [tilespmem:s4+$0x2030];
	v0 =	vadd.f32 v3, v0;
	[tilespmem:s4+$0x14070] =	vst v1  }
0x1e6: {  	v3 =	vld [tilespmem:s4+$0x14010];
	[tilespmem:s4+$0x10070] =	vst v2;
	v2 =	vadd.f32 v5, v4  }
0x1e7: {  	v1 =	vld [tilespmem:s4+$0x12010];
	[tilespmem:s4+$0x12070] =	vst v0;
	v0 =	vadd.f32 v6, v4  }
0x1e8: {  	v5 =	vld [tilespmem:s4+$0x2020];
	[tilespmem:s4+$0xE000] =	vst v2;
	v2 =	vadd.f32 v7, v4  }
0x1e9: {  	v6 =	vld [tilespmem:s4+$0xE020];
	[tilespmem:s4+$0x10000] =	vst v0;
	v0 =	vadd.f32 v8, v4  }
0x1ea: {  	v4 =	vld [tilespmem:s4+$0x10020];
	[tilespmem:s4+$0x12000] =	vst v2;
	v2 =	vadd.f32 v10, v62  }
0x1eb: {  	v7 =	vld [tilespmem:s4+$0x12020];
	[tilespmem:s4+$0x14000] =	vst v0;
	v0 =	vadd.f32 v11, v62  }
0x1ec: {  	v8 =	vld [tilespmem:s4+$0x14020];
	v1 =	vadd.f32 v1, v62;
	[tilespmem:s4+$0xE010] =	vst v2  }
0x1ed: {  	[tilespmem:s4+$0x10010] =	vst v0;
	v0 =	vadd.f32 v3, v62;
	v2 =	vld [tilespmem:s4+$0xE030]  }
0x1ee: {  	v3 =	vld [tilespmem:s4+$0x10030];
	[tilespmem:s4+$0x12010] =	vst v1;
	v1 =	vadd.f32 v6, v5  }
0x1ef: {  	v6 =	vld [tilespmem:s4+$0x12030];
	[tilespmem:s4+$0x14010] =	vst v0;
	v0 =	vadd.f32 v4, v5  }
0x1f0: {  	[tilespmem:s4+$0xE020] =	vst v1;
	v1 =	vadd.f32 v7, v5;
	v7 =	vld [tilespmem:s4+$0x14030]  }
0x1f1: {  	v4 =	vld [tilespmem:s4+$0xE040];
	v5 =	vadd.f32 v8, v5;
	[tilespmem:s4+$0x10020] =	vst v0  }
0x1f2: {  	v0 =	vld [tilespmem:s4+$0x2040];
	[tilespmem:s4+$0x12020] =	vst v1;
	v1 =	vadd.f32 v2, v63  }
0x1f3: {  	[tilespmem:s4+$0x14020] =	vst v5;
	v3 =	vadd.f32 v3, v63;
	v2 =	vld [tilespmem:s4+$0x10040]  }
0x1f4: {  	v6 =	vadd.f32 v6, v63;
	[tilespmem:s4+$0xE030] =	vst v1;
	v1 =	vld [tilespmem:s4+$0x12040]  }
0x1f5: {  	s7 =	simm.s32 $0x400;
	s6 =	simm.s32 $0x0;
	[tilespmem:s4+$0x10030] =	vst v3;
	v3 =	vld [tilespmem:s4+$0x14040];
	v5 =	vadd.f32 v7, v63  }
.LBB2_10:
0x1f6: {  	s8 =	sand.u32 $0x1C00, s7;
	[tilespmem:s4+$0x12030] =	vst v6;
	v6 =	vld [tilespmem:s4+$0x2050];
	s5 =	sadd.s32 $0x10, s5  }
0x1f7: {  	s6 =	sadd.s32 $0x80, s6;
	s9 =	sor.u32 s8, s5;
	[tilespmem:s4+$0x14030] =	vst v5;
	v4 =	vadd.f32 v4, v0;
	v5 =	vld [tilespmem:s4+$0xE050]  }
0x1f8: {  	p0 =	slt.u32 s6, $0x1F80;
	s9 =	sor.u32 $0x70, s9;
	v2 =	vadd.f32 v2, v0;
	v7 =	vld [tilespmem:s4+$0x10050]  }
0x1f9: {  	v8 =	vld [tilespmem:s9+$0x2000];
	[tilespmem:s4+$0xE040] =	vst v4;
	v1 =	vadd.f32 v1, v0  }
0x1fa: {  	v4 =	vld [tilespmem:s9+$0xE000];
	[tilespmem:s4+$0x10040] =	vst v2;
	v0 =	vadd.f32 v3, v0  }
0x1fb: {  	[tilespmem:s4+$0x12040] =	vst v1;
	v1 =	vld [tilespmem:s4+$0x12050]  }
0x1fc: {  	[tilespmem:s4+$0x14040] =	vst v0;
	v0 =	vadd.f32 v5, v6;
	v2 =	vld [tilespmem:s4+$0x14050]  }
0x1fd: {  	v3 =	vadd.f32 v7, v6;
	v5 =	vld [tilespmem:s4+$0x2060]  }
0x1fe: {  	[tilespmem:s4+$0xE050] =	vst v0;
	v0 =	vld [tilespmem:s4+$0xE060]  }
0x1ff: {  	v4 =	vadd.f32 v4, v8;
	[tilespmem:s4+$0x10050] =	vst v3;
	v3 =	vld [tilespmem:s4+$0x10060]  }
0x200: {  	s10 =	sand.u32 $0x380, s5;
	v1 =	vadd.f32 v1, v6;
	v7 =	vld [tilespmem:s4+$0x12060]  }
0x201: {  	s8 =	sor.u32 s10, s8;
	[tilespmem:s9+$0xE000] =	vst v4;
	v2 =	vadd.f32 v2, v6;
	v4 =	vld [tilespmem:s4+$0x14060]  }
0x202: {  	v6 =	vld [tilespmem:s8+$0x14070];
	[tilespmem:s4+$0x12050] =	vst v1  }
0x203: {  	v1 =	vld [tilespmem:s8+$0x10070];
	[tilespmem:s4+$0x14050] =	vst v2;
	v0 =	vadd.f32 v0, v5  }
0x204: {  	v2 =	vld [tilespmem:s8+$0x12070];
	v3 =	vadd.f32 v3, v5  }
0x205: {  	v9 =	vld [tilespmem:s8+$0x2000];
	[tilespmem:s4+$0xE060] =	vst v0;
	v0 =	vadd.f32 v7, v5  }
0x206: {  	v7 =	vld [tilespmem:s8+$0xE000];
	[tilespmem:s4+$0x10060] =	vst v3;
	v3 =	vadd.f32 v4, v5  }
0x207: {  	v4 =	vld [tilespmem:s8+$0x10000];
	v5 =	vadd.f32 v6, v8;
	[tilespmem:s4+$0x12060] =	vst v0  }
0x208: {  	v0 =	vld [tilespmem:s8+$0x12000];
	v1 =	vadd.f32 v1, v8;
	[tilespmem:s4+$0x14060] =	vst v3;
	s4 =	smov.u32 s8  }
0x209: {  	v3 =	vld [tilespmem:s4+$0x14000];
	v2 =	vadd.f32 v2, v8;
	[tilespmem:s4+$0x14070] =	vst v5  }
0x20a: {  	v5 =	vld [tilespmem:s4+$0x2010];
	[tilespmem:s4+$0x10070] =	vst v1  }
0x20b: {  	v1 =	vadd.f32 v7, v9;
	v6 =	vld [tilespmem:s4+$0xE010];
	[tilespmem:s4+$0x12070] =	vst v2  }
0x20c: {  	v2 =	vadd.f32 v4, v9;
	v4 =	vld [tilespmem:s4+$0x10010]  }
0x20d: {  	[tilespmem:s4+$0xE000] =	vst v1;
	v0 =	vadd.f32 v0, v9;
	v1 =	vld [tilespmem:s4+$0x12010]  }
0x20e: {  	[tilespmem:s4+$0x10000] =	vst v2;
	v2 =	vadd.f32 v3, v9;
	v3 =	vld [tilespmem:s4+$0x14010]  }
0x20f: {  	[tilespmem:s4+$0x12000] =	vst v0;
	v0 =	vld [tilespmem:s4+$0x2020]  }
0x210: {  	[tilespmem:s4+$0x14000] =	vst v2;
	v2 =	vadd.f32 v6, v5;
	v6 =	vld [tilespmem:s4+$0xE020]  }
0x211: {  	v4 =	vadd.f32 v4, v5;
	v7 =	vld [tilespmem:s4+$0x10020]  }
0x212: {  	[tilespmem:s4+$0xE010] =	vst v2;
	v1 =	vadd.f32 v1, v5;
	v2 =	vld [tilespmem:s4+$0x12020]  }
0x213: {  	[tilespmem:s4+$0x10010] =	vst v4;
	v3 =	vadd.f32 v3, v5;
	v4 =	vld [tilespmem:s4+$0x14020]  }
0x214: {  	[tilespmem:s4+$0x12010] =	vst v1;
	v5 =	vld [tilespmem:s4+$0x2030]  }
0x215: {  	[tilespmem:s4+$0x14010] =	vst v3;
	v1 =	vadd.f32 v6, v0;
	v3 =	vld [tilespmem:s4+$0xE030]  }
0x216: {  	v6 =	vadd.f32 v7, v0;
	v7 =	vld [tilespmem:s4+$0x10030]  }
0x217: {  	[tilespmem:s4+$0xE020] =	vst v1;
	v1 =	vadd.f32 v2, v0;
	v8 =	vld [tilespmem:s4+$0x12030]  }
0x218: {  	[tilespmem:s4+$0x10020] =	vst v6;
	v2 =	vadd.f32 v4, v0;
	v9 =	vld [tilespmem:s4+$0x14030]  }
.Ltmp4:
0x219: {  	[tilespmem:s4+$0x12020] =	vst v1;
	v0 =	vld [tilespmem:s4+$0x2040];
	(pc) =	sbr.rel @p0 .LBB2_10-.Ltmp4, $4  }
0x21a: {  	[tilespmem:s4+$0x14020] =	vst v2;
	v1 =	vadd.f32 v3, v5;
	v4 =	vld [tilespmem:s4+$0xE040]  }
0x21b: {  	v3 =	vadd.f32 v7, v5;
	v2 =	vld [tilespmem:s4+$0x10040]  }
0x21c: {  	[tilespmem:s4+$0xE030] =	vst v1;
	v6 =	vadd.f32 v8, v5;
	v1 =	vld [tilespmem:s4+$0x12040]  }
0x21d: {  	s7 =	sadd.s32 $0x400, s7;
	[tilespmem:s4+$0x10030] =	vst v3;
	v5 =	vadd.f32 v9, v5;
	v3 =	vld [tilespmem:s4+$0x14040]  }
0x21e: {  	v7 =	vld [tilespmem:s4+$0x2050]  }
0x21f: {  	v8 =	vld [tilespmem:s4+$0xE050]  }
0x220: {  	v9 =	vld [tilespmem:s4+$0x10050]  }
0x221: {  	[tilespmem:s4+$0x12030] =	vst v6;
	v6 =	vld [tilespmem:s4+$0x12050];
	v4 =	vadd.f32 v4, v0  }
0x222: {  	[tilespmem:s4+$0x14030] =	vst v5;
	v5 =	vld [tilespmem:s4+$0x14050];
	v2 =	vadd.f32 v2, v0  }
0x223: {  	[tilespmem:s4+$0xE040] =	vst v4;
	v1 =	vadd.f32 v1, v0;
	v4 =	vld [tilespmem:s4+$0x2060]  }
0x224: {  	[tilespmem:s4+$0x10040] =	vst v2;
	v0 =	vadd.f32 v3, v0;
	v2 =	vld [tilespmem:s4+$0xE060]  }
0x225: {  	v3 =	vld [tilespmem:s4+$0x10060];
	[tilespmem:s4+$0x12040] =	vst v1;
	v1 =	vadd.f32 v8, v7  }
0x226: {  	v8 =	vld [tilespmem:s4+$0x12060];
	[tilespmem:s4+$0x14040] =	vst v0;
	v0 =	vadd.f32 v9, v7  }
0x227: {  	[tilespmem:s4+$0xE050] =	vst v1;
	v1 =	vadd.f32 v6, v7;
	v6 =	vld [tilespmem:s4+$0x14060]  }
0x228: {  	[tilespmem:s4+$0x10050] =	vst v0;
	v0 =	vadd.f32 v5, v7  }
0x229: {  	[tilespmem:s4+$0x12050] =	vst v1;
	v1 =	vadd.f32 v2, v4  }
0x22a: {  	[tilespmem:s4+$0x14050] =	vst v0;
	v0 =	vadd.f32 v3, v4  }
0x22b: {  	[tilespmem:s4+$0xE060] =	vst v1;
	v1 =	vadd.f32 v8, v4  }
0x22c: {  	[tilespmem:s4+$0x10060] =	vst v0;
	v0 =	vadd.f32 v6, v4  }
0x22d: {  	[tilespmem:s4+$0x12060] =	vst v1  }
0x22e: {  	[tilespmem:s4+$0x14060] =	vst v0  }
0x22f: {  	s4 =	rddreg [dreg:$0x11]  }
0x230: {  	[hbm4b:s4+s21] =	stream.strided.scatter [tilespmem:s25], [sflag:$0x5], $0x8000, s22, s21, $0x38;
	[tilespmem:$0x1E000] =	vst v63  }
0x231: {  	_ =	swait.ge [sflag:s30], $0x2000  }
0x232: {  	[sflag:s30] =	ssyncset.done $0x0  }
0x233: {  	[sflag:s30] =	ssyncadd.s32 $0xFFFFE000  }
0x234: {  	_ =	swait.ge [sflag:s30], $0x8000  }
0x235: {  	[sflag:s30] =	ssyncset.done $0x0  }
0x236: {  	[sflag:s30] =	ssyncadd.s32 $0xFFFF8000  }
0x237: {  	s5 =	simm.s32 $0x0;
	_ =	swait.ge [sflag:s31], $0x8000  }
0x238: {  	s10 =	sand.u32 $0x1C00, s5;
	[sflag:s31] =	ssyncset.done $0x0  }
0x239: {  	s6 =	sor.u32 s10, s5;
	s8 =	rddreg [dreg:$0x12];
	[sflag:s31] =	ssyncadd.s32 $0xFFFF8000  }
0x23a: {  	[tilespmem:s5], [sflag:$0x1] =	stream.linear.gather [hbm4b:s8+s5], $0x2000, $0x38;
	[tilespmem:$0x1E000] =	vst v63  }
0x23b: {  	s6 =	sor.u32 $0x70, s6;
	s9 =	rddreg [dreg:$0x13]  }
0x23c: {  	[tilespmem:s23], [sflag:$0x1] =	stream.strided.gather [hbm4b:s9+s21], $0x8000, s22, s21, $0x38;
	[tilespmem:$0x1E000] =	vst v63  }
0x23d: {  	v0 =	vld [tilespmem:s6+$0x4000]  }
0x23e: {  	v1 =	vld [tilespmem:s6+$0x16000];
	_ =	sdelay $0x1  }
0x23f: {  	s7 =	sand.u32 $0x380, s5  }
0x240: {  	s4 =	sor.u32 s7, s10  }
0x241: {  	v4 =	vld [tilespmem:s4+$0x4000]  }
0x242: {  	v5 =	vld [tilespmem:s4+$0x16000];
	v1 =	vadd.f32 v1, v0  }
0x243: {  	v6 =	vld [tilespmem:s4+$0x18000]  }
0x244: {  	v7 =	vld [tilespmem:s4+$0x1A000];
	[tilespmem:s6+$0x16000] =	vst v1  }
0x245: {  	v1 =	vld [tilespmem:s4+$0x1C070]  }
0x246: {  	v2 =	vld [tilespmem:s4+$0x18070]  }
0x247: {  	v3 =	vld [tilespmem:s4+$0x1A070]  }
0x248: {  	v8 =	vld [tilespmem:s4+$0x1C000]  }
0x249: {  	v62 =	vld [tilespmem:s4+$0x4010]  }
0x24a: {  	v10 =	vld [tilespmem:s4+$0x16010];
	v1 =	vadd.f32 v1, v0  }
0x24b: {  	v11 =	vld [tilespmem:s4+$0x18010];
	v2 =	vadd.f32 v2, v0  }
0x24c: {  	v63 =	vld [tilespmem:s4+$0x4030];
	v0 =	vadd.f32 v3, v0;
	[tilespmem:s4+$0x1C070] =	vst v1  }
0x24d: {  	v3 =	vld [tilespmem:s4+$0x1C010];
	[tilespmem:s4+$0x18070] =	vst v2;
	v2 =	vadd.f32 v5, v4  }
0x24e: {  	v1 =	vld [tilespmem:s4+$0x1A010];
	[tilespmem:s4+$0x1A070] =	vst v0;
	v0 =	vadd.f32 v6, v4  }
0x24f: {  	v5 =	vld [tilespmem:s4+$0x4020];
	[tilespmem:s4+$0x16000] =	vst v2;
	v2 =	vadd.f32 v7, v4  }
0x250: {  	v6 =	vld [tilespmem:s4+$0x16020];
	[tilespmem:s4+$0x18000] =	vst v0;
	v0 =	vadd.f32 v8, v4  }
0x251: {  	v4 =	vld [tilespmem:s4+$0x18020];
	[tilespmem:s4+$0x1A000] =	vst v2;
	v2 =	vadd.f32 v10, v62  }
0x252: {  	v7 =	vld [tilespmem:s4+$0x1A020];
	[tilespmem:s4+$0x1C000] =	vst v0;
	v0 =	vadd.f32 v11, v62  }
0x253: {  	v8 =	vld [tilespmem:s4+$0x1C020];
	v1 =	vadd.f32 v1, v62;
	[tilespmem:s4+$0x16010] =	vst v2  }
0x254: {  	[tilespmem:s4+$0x18010] =	vst v0;
	v0 =	vadd.f32 v3, v62;
	v2 =	vld [tilespmem:s4+$0x16030]  }
0x255: {  	v3 =	vld [tilespmem:s4+$0x18030];
	[tilespmem:s4+$0x1A010] =	vst v1;
	v1 =	vadd.f32 v6, v5  }
0x256: {  	v6 =	vld [tilespmem:s4+$0x1A030];
	[tilespmem:s4+$0x1C010] =	vst v0;
	v0 =	vadd.f32 v4, v5  }
0x257: {  	[tilespmem:s4+$0x16020] =	vst v1;
	v1 =	vadd.f32 v7, v5;
	v7 =	vld [tilespmem:s4+$0x1C030]  }
0x258: {  	v4 =	vld [tilespmem:s4+$0x16040];
	v5 =	vadd.f32 v8, v5;
	[tilespmem:s4+$0x18020] =	vst v0  }
0x259: {  	v0 =	vld [tilespmem:s4+$0x4040];
	[tilespmem:s4+$0x1A020] =	vst v1;
	v1 =	vadd.f32 v2, v63  }
0x25a: {  	[tilespmem:s4+$0x1C020] =	vst v5;
	v3 =	vadd.f32 v3, v63;
	v2 =	vld [tilespmem:s4+$0x18040]  }
0x25b: {  	v6 =	vadd.f32 v6, v63;
	[tilespmem:s4+$0x16030] =	vst v1;
	v1 =	vld [tilespmem:s4+$0x1A040]  }
0x25c: {  	s7 =	simm.s32 $0x400;
	s6 =	simm.s32 $0x0;
	[tilespmem:s4+$0x18030] =	vst v3;
	v3 =	vld [tilespmem:s4+$0x1C040];
	v5 =	vadd.f32 v7, v63  }
.LBB2_12:
0x25d: {  	s8 =	sand.u32 $0x1C00, s7;
	[tilespmem:s4+$0x1A030] =	vst v6;
	v6 =	vld [tilespmem:s4+$0x4050];
	s5 =	sadd.s32 $0x10, s5  }
0x25e: {  	s6 =	sadd.s32 $0x80, s6;
	s9 =	sor.u32 s8, s5;
	[tilespmem:s4+$0x1C030] =	vst v5;
	v4 =	vadd.f32 v4, v0;
	v5 =	vld [tilespmem:s4+$0x16050]  }
0x25f: {  	p0 =	slt.u32 s6, $0x1F80;
	s9 =	sor.u32 $0x70, s9;
	v2 =	vadd.f32 v2, v0;
	v7 =	vld [tilespmem:s4+$0x18050]  }
0x260: {  	v8 =	vld [tilespmem:s9+$0x4000];
	[tilespmem:s4+$0x16040] =	vst v4;
	v1 =	vadd.f32 v1, v0  }
0x261: {  	v4 =	vld [tilespmem:s9+$0x16000];
	[tilespmem:s4+$0x18040] =	vst v2;
	v0 =	vadd.f32 v3, v0  }
0x262: {  	[tilespmem:s4+$0x1A040] =	vst v1;
	v1 =	vld [tilespmem:s4+$0x1A050]  }
0x263: {  	[tilespmem:s4+$0x1C040] =	vst v0;
	v0 =	vadd.f32 v5, v6;
	v2 =	vld [tilespmem:s4+$0x1C050]  }
0x264: {  	v3 =	vadd.f32 v7, v6;
	v5 =	vld [tilespmem:s4+$0x4060]  }
0x265: {  	[tilespmem:s4+$0x16050] =	vst v0;
	v0 =	vld [tilespmem:s4+$0x16060]  }
0x266: {  	v4 =	vadd.f32 v4, v8;
	[tilespmem:s4+$0x18050] =	vst v3;
	v3 =	vld [tilespmem:s4+$0x18060]  }
0x267: {  	s10 =	sand.u32 $0x380, s5;
	v1 =	vadd.f32 v1, v6;
	v7 =	vld [tilespmem:s4+$0x1A060]  }
0x268: {  	s8 =	sor.u32 s10, s8;
	[tilespmem:s9+$0x16000] =	vst v4;
	v2 =	vadd.f32 v2, v6;
	v4 =	vld [tilespmem:s4+$0x1C060]  }
0x269: {  	v6 =	vld [tilespmem:s8+$0x1C070];
	[tilespmem:s4+$0x1A050] =	vst v1  }
0x26a: {  	v1 =	vld [tilespmem:s8+$0x18070];
	[tilespmem:s4+$0x1C050] =	vst v2;
	v0 =	vadd.f32 v0, v5  }
0x26b: {  	v2 =	vld [tilespmem:s8+$0x1A070];
	v3 =	vadd.f32 v3, v5  }
0x26c: {  	v9 =	vld [tilespmem:s8+$0x4000];
	[tilespmem:s4+$0x16060] =	vst v0;
	v0 =	vadd.f32 v7, v5  }
0x26d: {  	v7 =	vld [tilespmem:s8+$0x16000];
	[tilespmem:s4+$0x18060] =	vst v3;
	v3 =	vadd.f32 v4, v5  }
0x26e: {  	v4 =	vld [tilespmem:s8+$0x18000];
	v5 =	vadd.f32 v6, v8;
	[tilespmem:s4+$0x1A060] =	vst v0  }
0x26f: {  	v0 =	vld [tilespmem:s8+$0x1A000];
	v1 =	vadd.f32 v1, v8;
	[tilespmem:s4+$0x1C060] =	vst v3;
	s4 =	smov.u32 s8  }
0x270: {  	v3 =	vld [tilespmem:s4+$0x1C000];
	v2 =	vadd.f32 v2, v8;
	[tilespmem:s4+$0x1C070] =	vst v5  }
0x271: {  	v5 =	vld [tilespmem:s4+$0x4010];
	[tilespmem:s4+$0x18070] =	vst v1  }
0x272: {  	v1 =	vadd.f32 v7, v9;
	v6 =	vld [tilespmem:s4+$0x16010];
	[tilespmem:s4+$0x1A070] =	vst v2  }
0x273: {  	v2 =	vadd.f32 v4, v9;
	v4 =	vld [tilespmem:s4+$0x18010]  }
0x274: {  	[tilespmem:s4+$0x16000] =	vst v1;
	v0 =	vadd.f32 v0, v9;
	v1 =	vld [tilespmem:s4+$0x1A010]  }
0x275: {  	[tilespmem:s4+$0x18000] =	vst v2;
	v2 =	vadd.f32 v3, v9;
	v3 =	vld [tilespmem:s4+$0x1C010]  }
0x276: {  	[tilespmem:s4+$0x1A000] =	vst v0;
	v0 =	vld [tilespmem:s4+$0x4020]  }
0x277: {  	[tilespmem:s4+$0x1C000] =	vst v2;
	v2 =	vadd.f32 v6, v5;
	v6 =	vld [tilespmem:s4+$0x16020]  }
0x278: {  	v4 =	vadd.f32 v4, v5;
	v7 =	vld [tilespmem:s4+$0x18020]  }
0x279: {  	[tilespmem:s4+$0x16010] =	vst v2;
	v1 =	vadd.f32 v1, v5;
	v2 =	vld [tilespmem:s4+$0x1A020]  }
0x27a: {  	[tilespmem:s4+$0x18010] =	vst v4;
	v3 =	vadd.f32 v3, v5;
	v4 =	vld [tilespmem:s4+$0x1C020]  }
0x27b: {  	[tilespmem:s4+$0x1A010] =	vst v1;
	v5 =	vld [tilespmem:s4+$0x4030]  }
0x27c: {  	[tilespmem:s4+$0x1C010] =	vst v3;
	v1 =	vadd.f32 v6, v0;
	v3 =	vld [tilespmem:s4+$0x16030]  }
0x27d: {  	v6 =	vadd.f32 v7, v0;
	v7 =	vld [tilespmem:s4+$0x18030]  }
0x27e: {  	[tilespmem:s4+$0x16020] =	vst v1;
	v1 =	vadd.f32 v2, v0;
	v8 =	vld [tilespmem:s4+$0x1A030]  }
0x27f: {  	[tilespmem:s4+$0x18020] =	vst v6;
	v2 =	vadd.f32 v4, v0;
	v9 =	vld [tilespmem:s4+$0x1C030]  }
.Ltmp5:
0x280: {  	[tilespmem:s4+$0x1A020] =	vst v1;
	v0 =	vld [tilespmem:s4+$0x4040];
	(pc) =	sbr.rel @p0 .LBB2_12-.Ltmp5, $4  }
0x281: {  	[tilespmem:s4+$0x1C020] =	vst v2;
	v1 =	vadd.f32 v3, v5;
	v4 =	vld [tilespmem:s4+$0x16040]  }
0x282: {  	v3 =	vadd.f32 v7, v5;
	v2 =	vld [tilespmem:s4+$0x18040]  }
0x283: {  	[tilespmem:s4+$0x16030] =	vst v1;
	v6 =	vadd.f32 v8, v5;
	v1 =	vld [tilespmem:s4+$0x1A040]  }
0x284: {  	s7 =	sadd.s32 $0x400, s7;
	[tilespmem:s4+$0x18030] =	vst v3;
	v5 =	vadd.f32 v9, v5;
	v3 =	vld [tilespmem:s4+$0x1C040]  }
0x285: {  	v7 =	vld [tilespmem:s4+$0x4050]  }
0x286: {  	v8 =	vld [tilespmem:s4+$0x16050]  }
0x287: {  	v9 =	vld [tilespmem:s4+$0x18050]  }
0x288: {  	[tilespmem:s4+$0x1A030] =	vst v6;
	v6 =	vld [tilespmem:s4+$0x1A050];
	v4 =	vadd.f32 v4, v0  }
0x289: {  	[tilespmem:s4+$0x1C030] =	vst v5;
	v5 =	vld [tilespmem:s4+$0x1C050];
	v2 =	vadd.f32 v2, v0  }
0x28a: {  	[tilespmem:s4+$0x16040] =	vst v4;
	v1 =	vadd.f32 v1, v0;
	v4 =	vld [tilespmem:s4+$0x4060]  }
0x28b: {  	[tilespmem:s4+$0x18040] =	vst v2;
	v0 =	vadd.f32 v3, v0;
	v2 =	vld [tilespmem:s4+$0x16060]  }
0x28c: {  	v3 =	vld [tilespmem:s4+$0x18060];
	[tilespmem:s4+$0x1A040] =	vst v1;
	v1 =	vadd.f32 v8, v7  }
0x28d: {  	v8 =	vld [tilespmem:s4+$0x1A060];
	[tilespmem:s4+$0x1C040] =	vst v0;
	v0 =	vadd.f32 v9, v7  }
0x28e: {  	[tilespmem:s4+$0x16050] =	vst v1;
	v1 =	vadd.f32 v6, v7;
	v6 =	vld [tilespmem:s4+$0x1C060]  }
0x28f: {  	[tilespmem:s4+$0x18050] =	vst v0;
	v0 =	vadd.f32 v5, v7  }
0x290: {  	[tilespmem:s4+$0x1A050] =	vst v1;
	v1 =	vadd.f32 v2, v4  }
0x291: {  	[tilespmem:s4+$0x1C050] =	vst v0;
	v0 =	vadd.f32 v3, v4  }
0x292: {  	[tilespmem:s4+$0x16060] =	vst v1;
	v1 =	vadd.f32 v8, v4  }
0x293: {  	[tilespmem:s4+$0x18060] =	vst v0;
	v0 =	vadd.f32 v6, v4  }
0x294: {  	[tilespmem:s4+$0x1A060] =	vst v1  }
0x295: {  	[tilespmem:s4+$0x1C060] =	vst v0  }
0x296: {  	s4 =	rddreg [dreg:$0x14]  }
0x297: {  	[hbm4b:s4+s21] =	stream.strided.scatter [tilespmem:s29], [sflag:$0x6], $0x8000, s22, s21, $0x38;
	[tilespmem:$0x1E000] =	vst v63  }
0x298: {  	_ =	swait.ge [sflag:s24], $0x2000  }
0x299: {  	[sflag:s24] =	ssyncset.done $0x0  }
0x29a: {  	[sflag:s24] =	ssyncadd.s32 $0xFFFFE000  }
0x29b: {  	_ =	swait.ge [sflag:s24], $0x8000  }
0x29c: {  	[sflag:s24] =	ssyncset.done $0x0  }
0x29d: {  	[sflag:s24] =	ssyncadd.s32 $0xFFFF8000  }
0x29e: {  	s5 =	simm.s32 $0x0;
	_ =	swait.ge [sflag:s0], $0x8000  }
0x29f: {  	s10 =	sand.u32 $0x1C00, s5;
	[sflag:s0] =	ssyncset.done $0x0  }
0x2a0: {  	s6 =	sor.u32 s10, s5;
	s8 =	rddreg [dreg:$0x16];
	[sflag:s0] =	ssyncadd.s32 $0xFFFF8000  }
0x2a1: {  	[tilespmem:s21], [sflag:$0x2] =	stream.linear.gather [hbm4b:s8+s5], $0x2000, $0x38;
	[tilespmem:$0x1E000] =	vst v63  }
0x2a2: {  	s6 =	sor.u32 $0x70, s6;
	s9 =	rddreg [dreg:$0x17]  }
0x2a3: {  	[tilespmem:s25], [sflag:$0x2] =	stream.strided.gather [hbm4b:s9+s21], $0x8000, s22, s21, $0x38;
	[tilespmem:$0x1E000] =	vst v63  }
0x2a4: {  	v0 =	vld [tilespmem:s6+$0x0]  }
0x2a5: {  	v1 =	vld [tilespmem:s6+$0x6000];
	_ =	sdelay $0x1  }
0x2a6: {  	s7 =	sand.u32 $0x380, s5  }
0x2a7: {  	s4 =	sor.u32 s7, s10  }
0x2a8: {  	v4 =	vld [tilespmem:s4+$0x0]  }
0x2a9: {  	v5 =	vld [tilespmem:s4+$0x6000];
	v1 =	vadd.f32 v1, v0  }
0x2aa: {  	v6 =	vld [tilespmem:s4+$0x8000]  }
0x2ab: {  	v7 =	vld [tilespmem:s4+$0xA000];
	[tilespmem:s6+$0x6000] =	vst v1  }
0x2ac: {  	v1 =	vld [tilespmem:s4+$0xC070]  }
0x2ad: {  	v2 =	vld [tilespmem:s4+$0x8070]  }
0x2ae: {  	v3 =	vld [tilespmem:s4+$0xA070]  }
0x2af: {  	v8 =	vld [tilespmem:s4+$0xC000]  }
0x2b0: {  	v62 =	vld [tilespmem:s4+$0x10]  }
0x2b1: {  	v10 =	vld [tilespmem:s4+$0x6010];
	v1 =	vadd.f32 v1, v0  }
0x2b2: {  	v11 =	vld [tilespmem:s4+$0x8010];
	v2 =	vadd.f32 v2, v0  }
0x2b3: {  	v63 =	vld [tilespmem:s4+$0x30];
	v0 =	vadd.f32 v3, v0;
	[tilespmem:s4+$0xC070] =	vst v1  }
0x2b4: {  	v3 =	vld [tilespmem:s4+$0xC010];
	[tilespmem:s4+$0x8070] =	vst v2;
	v2 =	vadd.f32 v5, v4  }
0x2b5: {  	v1 =	vld [tilespmem:s4+$0xA010];
	[tilespmem:s4+$0xA070] =	vst v0;
	v0 =	vadd.f32 v6, v4  }
0x2b6: {  	v5 =	vld [tilespmem:s4+$0x20];
	[tilespmem:s4+$0x6000] =	vst v2;
	v2 =	vadd.f32 v7, v4  }
0x2b7: {  	v6 =	vld [tilespmem:s4+$0x6020];
	[tilespmem:s4+$0x8000] =	vst v0;
	v0 =	vadd.f32 v8, v4  }
0x2b8: {  	v4 =	vld [tilespmem:s4+$0x8020];
	[tilespmem:s4+$0xA000] =	vst v2;
	v2 =	vadd.f32 v10, v62  }
0x2b9: {  	v7 =	vld [tilespmem:s4+$0xA020];
	[tilespmem:s4+$0xC000] =	vst v0;
	v0 =	vadd.f32 v11, v62  }
0x2ba: {  	v8 =	vld [tilespmem:s4+$0xC020];
	v1 =	vadd.f32 v1, v62;
	[tilespmem:s4+$0x6010] =	vst v2  }
0x2bb: {  	[tilespmem:s4+$0x8010] =	vst v0;
	v0 =	vadd.f32 v3, v62;
	v2 =	vld [tilespmem:s4+$0x6030]  }
0x2bc: {  	v3 =	vld [tilespmem:s4+$0x8030];
	[tilespmem:s4+$0xA010] =	vst v1;
	v1 =	vadd.f32 v6, v5  }
0x2bd: {  	v6 =	vld [tilespmem:s4+$0xA030];
	[tilespmem:s4+$0xC010] =	vst v0;
	v0 =	vadd.f32 v4, v5  }
0x2be: {  	[tilespmem:s4+$0x6020] =	vst v1;
	v1 =	vadd.f32 v7, v5;
	v7 =	vld [tilespmem:s4+$0xC030]  }
0x2bf: {  	v4 =	vld [tilespmem:s4+$0x6040];
	v5 =	vadd.f32 v8, v5;
	[tilespmem:s4+$0x8020] =	vst v0  }
0x2c0: {  	v0 =	vld [tilespmem:s4+$0x40];
	[tilespmem:s4+$0xA020] =	vst v1;
	v1 =	vadd.f32 v2, v63  }
0x2c1: {  	[tilespmem:s4+$0xC020] =	vst v5;
	v3 =	vadd.f32 v3, v63;
	v2 =	vld [tilespmem:s4+$0x8040]  }
0x2c2: {  	v6 =	vadd.f32 v6, v63;
	[tilespmem:s4+$0x6030] =	vst v1;
	v1 =	vld [tilespmem:s4+$0xA040]  }
0x2c3: {  	s7 =	simm.s32 $0x400;
	s6 =	simm.s32 $0x0;
	[tilespmem:s4+$0x8030] =	vst v3;
	v3 =	vld [tilespmem:s4+$0xC040];
	v5 =	vadd.f32 v7, v63  }
.LBB2_14:
0x2c4: {  	s8 =	sand.u32 $0x1C00, s7;
	[tilespmem:s4+$0xA030] =	vst v6;
	v6 =	vld [tilespmem:s4+$0x50];
	s5 =	sadd.s32 $0x10, s5  }
0x2c5: {  	s6 =	sadd.s32 $0x80, s6;
	s9 =	sor.u32 s8, s5;
	[tilespmem:s4+$0xC030] =	vst v5;
	v4 =	vadd.f32 v4, v0;
	v5 =	vld [tilespmem:s4+$0x6050]  }
0x2c6: {  	p0 =	slt.u32 s6, $0x1F80;
	s9 =	sor.u32 $0x70, s9;
	v2 =	vadd.f32 v2, v0;
	v7 =	vld [tilespmem:s4+$0x8050]  }
0x2c7: {  	v8 =	vld [tilespmem:s9+$0x0];
	[tilespmem:s4+$0x6040] =	vst v4;
	v1 =	vadd.f32 v1, v0  }
0x2c8: {  	v4 =	vld [tilespmem:s9+$0x6000];
	[tilespmem:s4+$0x8040] =	vst v2;
	v0 =	vadd.f32 v3, v0  }
0x2c9: {  	[tilespmem:s4+$0xA040] =	vst v1;
	v1 =	vld [tilespmem:s4+$0xA050]  }
0x2ca: {  	[tilespmem:s4+$0xC040] =	vst v0;
	v0 =	vadd.f32 v5, v6;
	v2 =	vld [tilespmem:s4+$0xC050]  }
0x2cb: {  	v3 =	vadd.f32 v7, v6;
	v5 =	vld [tilespmem:s4+$0x60]  }
0x2cc: {  	[tilespmem:s4+$0x6050] =	vst v0;
	v0 =	vld [tilespmem:s4+$0x6060]  }
0x2cd: {  	v4 =	vadd.f32 v4, v8;
	[tilespmem:s4+$0x8050] =	vst v3;
	v3 =	vld [tilespmem:s4+$0x8060]  }
0x2ce: {  	s10 =	sand.u32 $0x380, s5;
	v1 =	vadd.f32 v1, v6;
	v7 =	vld [tilespmem:s4+$0xA060]  }
0x2cf: {  	s8 =	sor.u32 s10, s8;
	[tilespmem:s9+$0x6000] =	vst v4;
	v2 =	vadd.f32 v2, v6;
	v4 =	vld [tilespmem:s4+$0xC060]  }
0x2d0: {  	v6 =	vld [tilespmem:s8+$0xC070];
	[tilespmem:s4+$0xA050] =	vst v1  }
0x2d1: {  	v1 =	vld [tilespmem:s8+$0x8070];
	[tilespmem:s4+$0xC050] =	vst v2;
	v0 =	vadd.f32 v0, v5  }
0x2d2: {  	v2 =	vld [tilespmem:s8+$0xA070];
	v3 =	vadd.f32 v3, v5  }
0x2d3: {  	v9 =	vld [tilespmem:s8+$0x0];
	[tilespmem:s4+$0x6060] =	vst v0;
	v0 =	vadd.f32 v7, v5  }
0x2d4: {  	v7 =	vld [tilespmem:s8+$0x6000];
	[tilespmem:s4+$0x8060] =	vst v3;
	v3 =	vadd.f32 v4, v5  }
0x2d5: {  	v4 =	vld [tilespmem:s8+$0x8000];
	v5 =	vadd.f32 v6, v8;
	[tilespmem:s4+$0xA060] =	vst v0  }
0x2d6: {  	v0 =	vld [tilespmem:s8+$0xA000];
	v1 =	vadd.f32 v1, v8;
	[tilespmem:s4+$0xC060] =	vst v3;
	s4 =	smov.u32 s8  }
0x2d7: {  	v3 =	vld [tilespmem:s4+$0xC000];
	v2 =	vadd.f32 v2, v8;
	[tilespmem:s4+$0xC070] =	vst v5  }
0x2d8: {  	v5 =	vld [tilespmem:s4+$0x10];
	[tilespmem:s4+$0x8070] =	vst v1  }
0x2d9: {  	v1 =	vadd.f32 v7, v9;
	v6 =	vld [tilespmem:s4+$0x6010];
	[tilespmem:s4+$0xA070] =	vst v2  }
0x2da: {  	v2 =	vadd.f32 v4, v9;
	v4 =	vld [tilespmem:s4+$0x8010]  }
0x2db: {  	[tilespmem:s4+$0x6000] =	vst v1;
	v0 =	vadd.f32 v0, v9;
	v1 =	vld [tilespmem:s4+$0xA010]  }
0x2dc: {  	[tilespmem:s4+$0x8000] =	vst v2;
	v2 =	vadd.f32 v3, v9;
	v3 =	vld [tilespmem:s4+$0xC010]  }
0x2dd: {  	[tilespmem:s4+$0xA000] =	vst v0;
	v0 =	vld [tilespmem:s4+$0x20]  }
0x2de: {  	[tilespmem:s4+$0xC000] =	vst v2;
	v2 =	vadd.f32 v6, v5;
	v6 =	vld [tilespmem:s4+$0x6020]  }
0x2df: {  	v4 =	vadd.f32 v4, v5;
	v7 =	vld [tilespmem:s4+$0x8020]  }
0x2e0: {  	[tilespmem:s4+$0x6010] =	vst v2;
	v1 =	vadd.f32 v1, v5;
	v2 =	vld [tilespmem:s4+$0xA020]  }
0x2e1: {  	[tilespmem:s4+$0x8010] =	vst v4;
	v3 =	vadd.f32 v3, v5;
	v4 =	vld [tilespmem:s4+$0xC020]  }
0x2e2: {  	[tilespmem:s4+$0xA010] =	vst v1;
	v5 =	vld [tilespmem:s4+$0x30]  }
0x2e3: {  	[tilespmem:s4+$0xC010] =	vst v3;
	v1 =	vadd.f32 v6, v0;
	v3 =	vld [tilespmem:s4+$0x6030]  }
0x2e4: {  	v6 =	vadd.f32 v7, v0;
	v7 =	vld [tilespmem:s4+$0x8030]  }
0x2e5: {  	[tilespmem:s4+$0x6020] =	vst v1;
	v1 =	vadd.f32 v2, v0;
	v8 =	vld [tilespmem:s4+$0xA030]  }
0x2e6: {  	[tilespmem:s4+$0x8020] =	vst v6;
	v2 =	vadd.f32 v4, v0;
	v9 =	vld [tilespmem:s4+$0xC030]  }
.Ltmp6:
0x2e7: {  	[tilespmem:s4+$0xA020] =	vst v1;
	v0 =	vld [tilespmem:s4+$0x40];
	(pc) =	sbr.rel @p0 .LBB2_14-.Ltmp6, $4  }
0x2e8: {  	[tilespmem:s4+$0xC020] =	vst v2;
	v1 =	vadd.f32 v3, v5;
	v4 =	vld [tilespmem:s4+$0x6040]  }
0x2e9: {  	v3 =	vadd.f32 v7, v5;
	v2 =	vld [tilespmem:s4+$0x8040]  }
0x2ea: {  	[tilespmem:s4+$0x6030] =	vst v1;
	v6 =	vadd.f32 v8, v5;
	v1 =	vld [tilespmem:s4+$0xA040]  }
0x2eb: {  	s7 =	sadd.s32 $0x400, s7;
	[tilespmem:s4+$0x8030] =	vst v3;
	v5 =	vadd.f32 v9, v5;
	v3 =	vld [tilespmem:s4+$0xC040]  }
0x2ec: {  	v7 =	vld [tilespmem:s4+$0x50]  }
0x2ed: {  	v8 =	vld [tilespmem:s4+$0x6050]  }
0x2ee: {  	v9 =	vld [tilespmem:s4+$0x8050]  }
0x2ef: {  	[tilespmem:s4+$0xA030] =	vst v6;
	v6 =	vld [tilespmem:s4+$0xA050];
	v4 =	vadd.f32 v4, v0  }
0x2f0: {  	[tilespmem:s4+$0xC030] =	vst v5;
	v5 =	vld [tilespmem:s4+$0xC050];
	v2 =	vadd.f32 v2, v0  }
0x2f1: {  	[tilespmem:s4+$0x6040] =	vst v4;
	v1 =	vadd.f32 v1, v0;
	v4 =	vld [tilespmem:s4+$0x60]  }
0x2f2: {  	[tilespmem:s4+$0x8040] =	vst v2;
	v0 =	vadd.f32 v3, v0;
	v2 =	vld [tilespmem:s4+$0x6060]  }
0x2f3: {  	v3 =	vld [tilespmem:s4+$0x8060];
	[tilespmem:s4+$0xA040] =	vst v1;
	v1 =	vadd.f32 v8, v7  }
0x2f4: {  	v8 =	vld [tilespmem:s4+$0xA060];
	[tilespmem:s4+$0xC040] =	vst v0;
	v0 =	vadd.f32 v9, v7  }
0x2f5: {  	[tilespmem:s4+$0x6050] =	vst v1;
	v1 =	vadd.f32 v6, v7;
	v6 =	vld [tilespmem:s4+$0xC060]  }
0x2f6: {  	[tilespmem:s4+$0x8050] =	vst v0;
	v0 =	vadd.f32 v5, v7  }
0x2f7: {  	[tilespmem:s4+$0xA050] =	vst v1;
	v1 =	vadd.f32 v2, v4  }
0x2f8: {  	[tilespmem:s4+$0xC050] =	vst v0;
	v0 =	vadd.f32 v3, v4  }
0x2f9: {  	[tilespmem:s4+$0x6060] =	vst v1;
	v1 =	vadd.f32 v8, v4  }
0x2fa: {  	[tilespmem:s4+$0x8060] =	vst v0;
	v0 =	vadd.f32 v6, v4  }
0x2fb: {  	[tilespmem:s4+$0xA060] =	vst v1  }
0x2fc: {  	[tilespmem:s4+$0xC060] =	vst v0  }
0x2fd: {  	s4 =	rddreg [dreg:$0x15]  }
0x2fe: {  	[hbm4b:s4+s21] =	stream.strided.scatter [tilespmem:s23], [sflag:$0x4], $0x8000, s22, s21, $0x38;
	[tilespmem:$0x1E000] =	vst v63  }
0x2ff: {  	_ =	swait.ge [sflag:s26], $0x2000  }
0x300: {  	[sflag:s26] =	ssyncset.done $0x0  }
0x301: {  	[sflag:s26] =	ssyncadd.s32 $0xFFFFE000  }
0x302: {  	_ =	swait.ge [sflag:s26], $0x8000  }
0x303: {  	[sflag:s26] =	ssyncset.done $0x0  }
0x304: {  	[sflag:s26] =	ssyncadd.s32 $0xFFFF8000  }
0x305: {  	s5 =	simm.s32 $0x0;
	_ =	swait.ge [sflag:s2], $0x8000  }
0x306: {  	s10 =	sand.u32 $0x1C00, s5;
	[sflag:s2] =	ssyncset.done $0x0  }
0x307: {  	s6 =	sor.u32 s10, s5;
	s8 =	rddreg [dreg:$0x19];
	[sflag:s2] =	ssyncadd.s32 $0xFFFF8000  }
0x308: {  	[tilespmem:s28], [sflag:$0x3] =	stream.linear.gather [hbm4b:s8+s5], $0x2000, $0x38;
	[tilespmem:$0x1E000] =	vst v63  }
0x309: {  	s6 =	sor.u32 $0x70, s6;
	s9 =	rddreg [dreg:$0x1a]  }
0x30a: {  	[tilespmem:s29], [sflag:$0x3] =	stream.strided.gather [hbm4b:s9+s21], $0x8000, s22, s21, $0x38;
	[tilespmem:$0x1E000] =	vst v63  }
0x30b: {  	v0 =	vld [tilespmem:s6+$0x2000]  }
0x30c: {  	v1 =	vld [tilespmem:s6+$0xE000];
	_ =	sdelay $0x1  }
0x30d: {  	s7 =	sand.u32 $0x380, s5  }
0x30e: {  	s4 =	sor.u32 s7, s10  }
0x30f: {  	v4 =	vld [tilespmem:s4+$0x2000]  }
0x310: {  	v5 =	vld [tilespmem:s4+$0xE000];
	v1 =	vadd.f32 v1, v0  }
0x311: {  	v6 =	vld [tilespmem:s4+$0x10000]  }
0x312: {  	v7 =	vld [tilespmem:s4+$0x12000];
	[tilespmem:s6+$0xE000] =	vst v1  }
0x313: {  	v1 =	vld [tilespmem:s4+$0x14070]  }
0x314: {  	v2 =	vld [tilespmem:s4+$0x10070]  }
0x315: {  	v3 =	vld [tilespmem:s4+$0x12070]  }
0x316: {  	v8 =	vld [tilespmem:s4+$0x14000]  }
0x317: {  	v62 =	vld [tilespmem:s4+$0x2010]  }
0x318: {  	v10 =	vld [tilespmem:s4+$0xE010];
	v1 =	vadd.f32 v1, v0  }
0x319: {  	v11 =	vld [tilespmem:s4+$0x10010];
	v2 =	vadd.f32 v2, v0  }
0x31a: {  	v63 =	vld [tilespmem:s4+$0x2030];
	v0 =	vadd.f32 v3, v0;
	[tilespmem:s4+$0x14070] =	vst v1  }
0x31b: {  	v3 =	vld [tilespmem:s4+$0x14010];
	[tilespmem:s4+$0x10070] =	vst v2;
	v2 =	vadd.f32 v5, v4  }
0x31c: {  	v1 =	vld [tilespmem:s4+$0x12010];
	[tilespmem:s4+$0x12070] =	vst v0;
	v0 =	vadd.f32 v6, v4  }
0x31d: {  	v5 =	vld [tilespmem:s4+$0x2020];
	[tilespmem:s4+$0xE000] =	vst v2;
	v2 =	vadd.f32 v7, v4  }
0x31e: {  	v6 =	vld [tilespmem:s4+$0xE020];
	[tilespmem:s4+$0x10000] =	vst v0;
	v0 =	vadd.f32 v8, v4  }
0x31f: {  	v4 =	vld [tilespmem:s4+$0x10020];
	[tilespmem:s4+$0x12000] =	vst v2;
	v2 =	vadd.f32 v10, v62  }
0x320: {  	v7 =	vld [tilespmem:s4+$0x12020];
	[tilespmem:s4+$0x14000] =	vst v0;
	v0 =	vadd.f32 v11, v62  }
0x321: {  	v8 =	vld [tilespmem:s4+$0x14020];
	v1 =	vadd.f32 v1, v62;
	[tilespmem:s4+$0xE010] =	vst v2  }
0x322: {  	[tilespmem:s4+$0x10010] =	vst v0;
	v0 =	vadd.f32 v3, v62;
	v2 =	vld [tilespmem:s4+$0xE030]  }
0x323: {  	v3 =	vld [tilespmem:s4+$0x10030];
	[tilespmem:s4+$0x12010] =	vst v1;
	v1 =	vadd.f32 v6, v5  }
0x324: {  	v6 =	vld [tilespmem:s4+$0x12030];
	[tilespmem:s4+$0x14010] =	vst v0;
	v0 =	vadd.f32 v4, v5  }
0x325: {  	[tilespmem:s4+$0xE020] =	vst v1;
	v1 =	vadd.f32 v7, v5;
	v7 =	vld [tilespmem:s4+$0x14030]  }
0x326: {  	v4 =	vld [tilespmem:s4+$0xE040];
	v5 =	vadd.f32 v8, v5;
	[tilespmem:s4+$0x10020] =	vst v0  }
0x327: {  	v0 =	vld [tilespmem:s4+$0x2040];
	[tilespmem:s4+$0x12020] =	vst v1;
	v1 =	vadd.f32 v2, v63  }
0x328: {  	[tilespmem:s4+$0x14020] =	vst v5;
	v3 =	vadd.f32 v3, v63;
	v2 =	vld [tilespmem:s4+$0x10040]  }
0x329: {  	v6 =	vadd.f32 v6, v63;
	[tilespmem:s4+$0xE030] =	vst v1;
	v1 =	vld [tilespmem:s4+$0x12040]  }
0x32a: {  	s7 =	simm.s32 $0x400;
	s6 =	simm.s32 $0x0;
	[tilespmem:s4+$0x10030] =	vst v3;
	v3 =	vld [tilespmem:s4+$0x14040];
	v5 =	vadd.f32 v7, v63  }
.LBB2_16:
0x32b: {  	s8 =	sand.u32 $0x1C00, s7;
	[tilespmem:s4+$0x12030] =	vst v6;
	v6 =	vld [tilespmem:s4+$0x2050];
	s5 =	sadd.s32 $0x10, s5  }
0x32c: {  	s6 =	sadd.s32 $0x80, s6;
	s9 =	sor.u32 s8, s5;
	[tilespmem:s4+$0x14030] =	vst v5;
	v4 =	vadd.f32 v4, v0;
	v5 =	vld [tilespmem:s4+$0xE050]  }
0x32d: {  	p0 =	slt.u32 s6, $0x1F80;
	s9 =	sor.u32 $0x70, s9;
	v2 =	vadd.f32 v2, v0;
	v7 =	vld [tilespmem:s4+$0x10050]  }
0x32e: {  	v8 =	vld [tilespmem:s9+$0x2000];
	[tilespmem:s4+$0xE040] =	vst v4;
	v1 =	vadd.f32 v1, v0  }
0x32f: {  	v4 =	vld [tilespmem:s9+$0xE000];
	[tilespmem:s4+$0x10040] =	vst v2;
	v0 =	vadd.f32 v3, v0  }
0x330: {  	[tilespmem:s4+$0x12040] =	vst v1;
	v1 =	vld [tilespmem:s4+$0x12050]  }
0x331: {  	[tilespmem:s4+$0x14040] =	vst v0;
	v0 =	vadd.f32 v5, v6;
	v2 =	vld [tilespmem:s4+$0x14050]  }
0x332: {  	v3 =	vadd.f32 v7, v6;
	v5 =	vld [tilespmem:s4+$0x2060]  }
0x333: {  	[tilespmem:s4+$0xE050] =	vst v0;
	v0 =	vld [tilespmem:s4+$0xE060]  }
0x334: {  	v4 =	vadd.f32 v4, v8;
	[tilespmem:s4+$0x10050] =	vst v3;
	v3 =	vld [tilespmem:s4+$0x10060]  }
0x335: {  	s10 =	sand.u32 $0x380, s5;
	v1 =	vadd.f32 v1, v6;
	v7 =	vld [tilespmem:s4+$0x12060]  }
0x336: {  	s8 =	sor.u32 s10, s8;
	[tilespmem:s9+$0xE000] =	vst v4;
	v2 =	vadd.f32 v2, v6;
	v4 =	vld [tilespmem:s4+$0x14060]  }
0x337: {  	v6 =	vld [tilespmem:s8+$0x14070];
	[tilespmem:s4+$0x12050] =	vst v1  }
0x338: {  	v1 =	vld [tilespmem:s8+$0x10070];
	[tilespmem:s4+$0x14050] =	vst v2;
	v0 =	vadd.f32 v0, v5  }
0x339: {  	v2 =	vld [tilespmem:s8+$0x12070];
	v3 =	vadd.f32 v3, v5  }
0x33a: {  	v9 =	vld [tilespmem:s8+$0x2000];
	[tilespmem:s4+$0xE060] =	vst v0;
	v0 =	vadd.f32 v7, v5  }
0x33b: {  	v7 =	vld [tilespmem:s8+$0xE000];
	[tilespmem:s4+$0x10060] =	vst v3;
	v3 =	vadd.f32 v4, v5  }
0x33c: {  	v4 =	vld [tilespmem:s8+$0x10000];
	v5 =	vadd.f32 v6, v8;
	[tilespmem:s4+$0x12060] =	vst v0  }
0x33d: {  	v0 =	vld [tilespmem:s8+$0x12000];
	v1 =	vadd.f32 v1, v8;
	[tilespmem:s4+$0x14060] =	vst v3;
	s4 =	smov.u32 s8  }
0x33e: {  	v3 =	vld [tilespmem:s4+$0x14000];
	v2 =	vadd.f32 v2, v8;
	[tilespmem:s4+$0x14070] =	vst v5  }
0x33f: {  	v5 =	vld [tilespmem:s4+$0x2010];
	[tilespmem:s4+$0x10070] =	vst v1  }
0x340: {  	v1 =	vadd.f32 v7, v9;
	v6 =	vld [tilespmem:s4+$0xE010];
	[tilespmem:s4+$0x12070] =	vst v2  }
0x341: {  	v2 =	vadd.f32 v4, v9;
	v4 =	vld [tilespmem:s4+$0x10010]  }
0x342: {  	[tilespmem:s4+$0xE000] =	vst v1;
	v0 =	vadd.f32 v0, v9;
	v1 =	vld [tilespmem:s4+$0x12010]  }
0x343: {  	[tilespmem:s4+$0x10000] =	vst v2;
	v2 =	vadd.f32 v3, v9;
	v3 =	vld [tilespmem:s4+$0x14010]  }
0x344: {  	[tilespmem:s4+$0x12000] =	vst v0;
	v0 =	vld [tilespmem:s4+$0x2020]  }
0x345: {  	[tilespmem:s4+$0x14000] =	vst v2;
	v2 =	vadd.f32 v6, v5;
	v6 =	vld [tilespmem:s4+$0xE020]  }
0x346: {  	v4 =	vadd.f32 v4, v5;
	v7 =	vld [tilespmem:s4+$0x10020]  }
0x347: {  	[tilespmem:s4+$0xE010] =	vst v2;
	v1 =	vadd.f32 v1, v5;
	v2 =	vld [tilespmem:s4+$0x12020]  }
0x348: {  	[tilespmem:s4+$0x10010] =	vst v4;
	v3 =	vadd.f32 v3, v5;
	v4 =	vld [tilespmem:s4+$0x14020]  }
0x349: {  	[tilespmem:s4+$0x12010] =	vst v1;
	v5 =	vld [tilespmem:s4+$0x2030]  }
0x34a: {  	[tilespmem:s4+$0x14010] =	vst v3;
	v1 =	vadd.f32 v6, v0;
	v3 =	vld [tilespmem:s4+$0xE030]  }
0x34b: {  	v6 =	vadd.f32 v7, v0;
	v7 =	vld [tilespmem:s4+$0x10030]  }
0x34c: {  	[tilespmem:s4+$0xE020] =	vst v1;
	v1 =	vadd.f32 v2, v0;
	v8 =	vld [tilespmem:s4+$0x12030]  }
0x34d: {  	[tilespmem:s4+$0x10020] =	vst v6;
	v2 =	vadd.f32 v4, v0;
	v9 =	vld [tilespmem:s4+$0x14030]  }
.Ltmp7:
0x34e: {  	[tilespmem:s4+$0x12020] =	vst v1;
	v0 =	vld [tilespmem:s4+$0x2040];
	(pc) =	sbr.rel @p0 .LBB2_16-.Ltmp7, $4  }
0x34f: {  	[tilespmem:s4+$0x14020] =	vst v2;
	v1 =	vadd.f32 v3, v5;
	v4 =	vld [tilespmem:s4+$0xE040]  }
0x350: {  	v3 =	vadd.f32 v7, v5;
	v2 =	vld [tilespmem:s4+$0x10040]  }
0x351: {  	[tilespmem:s4+$0xE030] =	vst v1;
	v6 =	vadd.f32 v8, v5;
	v1 =	vld [tilespmem:s4+$0x12040]  }
0x352: {  	s7 =	sadd.s32 $0x400, s7;
	[tilespmem:s4+$0x10030] =	vst v3;
	v5 =	vadd.f32 v9, v5;
	v3 =	vld [tilespmem:s4+$0x14040]  }
0x353: {  	v7 =	vld [tilespmem:s4+$0x2050]  }
0x354: {  	v8 =	vld [tilespmem:s4+$0xE050]  }
0x355: {  	v9 =	vld [tilespmem:s4+$0x10050]  }
0x356: {  	[tilespmem:s4+$0x12030] =	vst v6;
	v6 =	vld [tilespmem:s4+$0x12050];
	v4 =	vadd.f32 v4, v0  }
0x357: {  	[tilespmem:s4+$0x14030] =	vst v5;
	v5 =	vld [tilespmem:s4+$0x14050];
	v2 =	vadd.f32 v2, v0  }
0x358: {  	[tilespmem:s4+$0xE040] =	vst v4;
	v1 =	vadd.f32 v1, v0;
	v4 =	vld [tilespmem:s4+$0x2060]  }
0x359: {  	[tilespmem:s4+$0x10040] =	vst v2;
	v0 =	vadd.f32 v3, v0;
	v2 =	vld [tilespmem:s4+$0xE060]  }
0x35a: {  	v3 =	vld [tilespmem:s4+$0x10060];
	[tilespmem:s4+$0x12040] =	vst v1;
	v1 =	vadd.f32 v8, v7  }
0x35b: {  	v8 =	vld [tilespmem:s4+$0x12060];
	[tilespmem:s4+$0x14040] =	vst v0;
	v0 =	vadd.f32 v9, v7  }
0x35c: {  	[tilespmem:s4+$0xE050] =	vst v1;
	v1 =	vadd.f32 v6, v7;
	v6 =	vld [tilespmem:s4+$0x14060]  }
0x35d: {  	[tilespmem:s4+$0x10050] =	vst v0;
	v0 =	vadd.f32 v5, v7  }
0x35e: {  	[tilespmem:s4+$0x12050] =	vst v1;
	v1 =	vadd.f32 v2, v4  }
0x35f: {  	[tilespmem:s4+$0x14050] =	vst v0;
	v0 =	vadd.f32 v3, v4  }
0x360: {  	[tilespmem:s4+$0xE060] =	vst v1;
	v1 =	vadd.f32 v8, v4  }
0x361: {  	[tilespmem:s4+$0x10060] =	vst v0;
	v0 =	vadd.f32 v6, v4  }
0x362: {  	[tilespmem:s4+$0x12060] =	vst v1  }
0x363: {  	[tilespmem:s4+$0x14060] =	vst v0  }
0x364: {  	s4 =	rddreg [dreg:$0x18]  }
0x365: {  	[hbm4b:s4+s21] =	stream.strided.scatter [tilespmem:s25], [sflag:$0x5], $0x8000, s22, s21, $0x38;
	[tilespmem:$0x1E000] =	vst v63  }
0x366: {  	_ =	swait.ge [sflag:s30], $0x2000  }
0x367: {  	[sflag:s30] =	ssyncset.done $0x0  }
0x368: {  	[sflag:s30] =	ssyncadd.s32 $0xFFFFE000  }
0x369: {  	_ =	swait.ge [sflag:s30], $0x8000  }
0x36a: {  	[sflag:s30] =	ssyncset.done $0x0  }
0x36b: {  	[sflag:s30] =	ssyncadd.s32 $0xFFFF8000  }
0x36c: {  	s5 =	simm.s32 $0x0;
	_ =	swait.ge [sflag:s31], $0x8000  }
0x36d: {  	s10 =	sand.u32 $0x1C00, s5;
	[sflag:s31] =	ssyncset.done $0x0  }
0x36e: {  	s6 =	sor.u32 s10, s5;
	s8 =	rddreg [dreg:$0x1c];
	[sflag:s31] =	ssyncadd.s32 $0xFFFF8000  }
0x36f: {  	[tilespmem:s5], [sflag:$0x1] =	stream.linear.gather [hbm4b:s8+s5], $0x2000, $0x38;
	[tilespmem:$0x1E000] =	vst v63  }
0x370: {  	s6 =	sor.u32 $0x70, s6;
	s9 =	rddreg [dreg:$0x1d]  }
0x371: {  	[tilespmem:s23], [sflag:$0x1] =	stream.strided.gather [hbm4b:s9+s21], $0x8000, s22, s21, $0x38;
	[tilespmem:$0x1E000] =	vst v63  }
0x372: {  	v0 =	vld [tilespmem:s6+$0x4000]  }
0x373: {  	v1 =	vld [tilespmem:s6+$0x16000];
	_ =	sdelay $0x1  }
0x374: {  	s7 =	sand.u32 $0x380, s5  }
0x375: {  	s4 =	sor.u32 s7, s10  }
0x376: {  	v4 =	vld [tilespmem:s4+$0x4000]  }
0x377: {  	v5 =	vld [tilespmem:s4+$0x16000];
	v1 =	vadd.f32 v1, v0  }
0x378: {  	v6 =	vld [tilespmem:s4+$0x18000]  }
0x379: {  	v7 =	vld [tilespmem:s4+$0x1A000];
	[tilespmem:s6+$0x16000] =	vst v1  }
0x37a: {  	v1 =	vld [tilespmem:s4+$0x1C070]  }
0x37b: {  	v2 =	vld [tilespmem:s4+$0x18070]  }
0x37c: {  	v3 =	vld [tilespmem:s4+$0x1A070]  }
0x37d: {  	v8 =	vld [tilespmem:s4+$0x1C000]  }
0x37e: {  	v62 =	vld [tilespmem:s4+$0x4010]  }
0x37f: {  	v10 =	vld [tilespmem:s4+$0x16010];
	v1 =	vadd.f32 v1, v0  }
0x380: {  	v11 =	vld [tilespmem:s4+$0x18010];
	v2 =	vadd.f32 v2, v0  }
0x381: {  	v63 =	vld [tilespmem:s4+$0x4030];
	v0 =	vadd.f32 v3, v0;
	[tilespmem:s4+$0x1C070] =	vst v1  }
0x382: {  	v3 =	vld [tilespmem:s4+$0x1C010];
	[tilespmem:s4+$0x18070] =	vst v2;
	v2 =	vadd.f32 v5, v4  }
0x383: {  	v1 =	vld [tilespmem:s4+$0x1A010];
	[tilespmem:s4+$0x1A070] =	vst v0;
	v0 =	vadd.f32 v6, v4  }
0x384: {  	v5 =	vld [tilespmem:s4+$0x4020];
	[tilespmem:s4+$0x16000] =	vst v2;
	v2 =	vadd.f32 v7, v4  }
0x385: {  	v6 =	vld [tilespmem:s4+$0x16020];
	[tilespmem:s4+$0x18000] =	vst v0;
	v0 =	vadd.f32 v8, v4  }
0x386: {  	v4 =	vld [tilespmem:s4+$0x18020];
	[tilespmem:s4+$0x1A000] =	vst v2;
	v2 =	vadd.f32 v10, v62  }
0x387: {  	v7 =	vld [tilespmem:s4+$0x1A020];
	[tilespmem:s4+$0x1C000] =	vst v0;
	v0 =	vadd.f32 v11, v62  }
0x388: {  	v8 =	vld [tilespmem:s4+$0x1C020];
	v1 =	vadd.f32 v1, v62;
	[tilespmem:s4+$0x16010] =	vst v2  }
0x389: {  	[tilespmem:s4+$0x18010] =	vst v0;
	v0 =	vadd.f32 v3, v62;
	v2 =	vld [tilespmem:s4+$0x16030]  }
0x38a: {  	v3 =	vld [tilespmem:s4+$0x18030];
	[tilespmem:s4+$0x1A010] =	vst v1;
	v1 =	vadd.f32 v6, v5  }
0x38b: {  	v6 =	vld [tilespmem:s4+$0x1A030];
	[tilespmem:s4+$0x1C010] =	vst v0;
	v0 =	vadd.f32 v4, v5  }
0x38c: {  	[tilespmem:s4+$0x16020] =	vst v1;
	v1 =	vadd.f32 v7, v5;
	v7 =	vld [tilespmem:s4+$0x1C030]  }
0x38d: {  	v4 =	vld [tilespmem:s4+$0x16040];
	v5 =	vadd.f32 v8, v5;
	[tilespmem:s4+$0x18020] =	vst v0  }
0x38e: {  	v0 =	vld [tilespmem:s4+$0x4040];
	[tilespmem:s4+$0x1A020] =	vst v1;
	v1 =	vadd.f32 v2, v63  }
0x38f: {  	[tilespmem:s4+$0x1C020] =	vst v5;
	v3 =	vadd.f32 v3, v63;
	v2 =	vld [tilespmem:s4+$0x18040]  }
0x390: {  	v6 =	vadd.f32 v6, v63;
	[tilespmem:s4+$0x16030] =	vst v1;
	v1 =	vld [tilespmem:s4+$0x1A040]  }
0x391: {  	s7 =	simm.s32 $0x400;
	s6 =	simm.s32 $0x0;
	[tilespmem:s4+$0x18030] =	vst v3;
	v3 =	vld [tilespmem:s4+$0x1C040];
	v5 =	vadd.f32 v7, v63  }
.LBB2_18:
0x392: {  	s8 =	sand.u32 $0x1C00, s7;
	[tilespmem:s4+$0x1A030] =	vst v6;
	v6 =	vld [tilespmem:s4+$0x4050];
	s5 =	sadd.s32 $0x10, s5  }
0x393: {  	s6 =	sadd.s32 $0x80, s6;
	s9 =	sor.u32 s8, s5;
	[tilespmem:s4+$0x1C030] =	vst v5;
	v4 =	vadd.f32 v4, v0;
	v5 =	vld [tilespmem:s4+$0x16050]  }
0x394: {  	p0 =	slt.u32 s6, $0x1F80;
	s9 =	sor.u32 $0x70, s9;
	v2 =	vadd.f32 v2, v0;
	v7 =	vld [tilespmem:s4+$0x18050]  }
0x395: {  	v8 =	vld [tilespmem:s9+$0x4000];
	[tilespmem:s4+$0x16040] =	vst v4;
	v1 =	vadd.f32 v1, v0  }
0x396: {  	v4 =	vld [tilespmem:s9+$0x16000];
	[tilespmem:s4+$0x18040] =	vst v2;
	v0 =	vadd.f32 v3, v0  }
0x397: {  	[tilespmem:s4+$0x1A040] =	vst v1;
	v1 =	vld [tilespmem:s4+$0x1A050]  }
0x398: {  	[tilespmem:s4+$0x1C040] =	vst v0;
	v0 =	vadd.f32 v5, v6;
	v2 =	vld [tilespmem:s4+$0x1C050]  }
0x399: {  	v3 =	vadd.f32 v7, v6;
	v5 =	vld [tilespmem:s4+$0x4060]  }
0x39a: {  	[tilespmem:s4+$0x16050] =	vst v0;
	v0 =	vld [tilespmem:s4+$0x16060]  }
0x39b: {  	v4 =	vadd.f32 v4, v8;
	[tilespmem:s4+$0x18050] =	vst v3;
	v3 =	vld [tilespmem:s4+$0x18060]  }
0x39c: {  	s10 =	sand.u32 $0x380, s5;
	v1 =	vadd.f32 v1, v6;
	v7 =	vld [tilespmem:s4+$0x1A060]  }
0x39d: {  	s8 =	sor.u32 s10, s8;
	[tilespmem:s9+$0x16000] =	vst v4;
	v2 =	vadd.f32 v2, v6;
	v4 =	vld [tilespmem:s4+$0x1C060]  }
0x39e: {  	v6 =	vld [tilespmem:s8+$0x1C070];
	[tilespmem:s4+$0x1A050] =	vst v1  }
0x39f: {  	v1 =	vld [tilespmem:s8+$0x18070];
	[tilespmem:s4+$0x1C050] =	vst v2;
	v0 =	vadd.f32 v0, v5  }
0x3a0: {  	v2 =	vld [tilespmem:s8+$0x1A070];
	v3 =	vadd.f32 v3, v5  }
0x3a1: {  	v9 =	vld [tilespmem:s8+$0x4000];
	[tilespmem:s4+$0x16060] =	vst v0;
	v0 =	vadd.f32 v7, v5  }
0x3a2: {  	v7 =	vld [tilespmem:s8+$0x16000];
	[tilespmem:s4+$0x18060] =	vst v3;
	v3 =	vadd.f32 v4, v5  }
0x3a3: {  	v4 =	vld [tilespmem:s8+$0x18000];
	v5 =	vadd.f32 v6, v8;
	[tilespmem:s4+$0x1A060] =	vst v0  }
0x3a4: {  	v0 =	vld [tilespmem:s8+$0x1A000];
	v1 =	vadd.f32 v1, v8;
	[tilespmem:s4+$0x1C060] =	vst v3;
	s4 =	smov.u32 s8  }
0x3a5: {  	v3 =	vld [tilespmem:s4+$0x1C000];
	v2 =	vadd.f32 v2, v8;
	[tilespmem:s4+$0x1C070] =	vst v5  }
0x3a6: {  	v5 =	vld [tilespmem:s4+$0x4010];
	[tilespmem:s4+$0x18070] =	vst v1  }
0x3a7: {  	v1 =	vadd.f32 v7, v9;
	v6 =	vld [tilespmem:s4+$0x16010];
	[tilespmem:s4+$0x1A070] =	vst v2  }
0x3a8: {  	v2 =	vadd.f32 v4, v9;
	v4 =	vld [tilespmem:s4+$0x18010]  }
0x3a9: {  	[tilespmem:s4+$0x16000] =	vst v1;
	v0 =	vadd.f32 v0, v9;
	v1 =	vld [tilespmem:s4+$0x1A010]  }
0x3aa: {  	[tilespmem:s4+$0x18000] =	vst v2;
	v2 =	vadd.f32 v3, v9;
	v3 =	vld [tilespmem:s4+$0x1C010]  }
0x3ab: {  	[tilespmem:s4+$0x1A000] =	vst v0;
	v0 =	vld [tilespmem:s4+$0x4020]  }
0x3ac: {  	[tilespmem:s4+$0x1C000] =	vst v2;
	v2 =	vadd.f32 v6, v5;
	v6 =	vld [tilespmem:s4+$0x16020]  }
0x3ad: {  	v4 =	vadd.f32 v4, v5;
	v7 =	vld [tilespmem:s4+$0x18020]  }
0x3ae: {  	[tilespmem:s4+$0x16010] =	vst v2;
	v1 =	vadd.f32 v1, v5;
	v2 =	vld [tilespmem:s4+$0x1A020]  }
0x3af: {  	[tilespmem:s4+$0x18010] =	vst v4;
	v3 =	vadd.f32 v3, v5;
	v4 =	vld [tilespmem:s4+$0x1C020]  }
0x3b0: {  	[tilespmem:s4+$0x1A010] =	vst v1;
	v5 =	vld [tilespmem:s4+$0x4030]  }
0x3b1: {  	[tilespmem:s4+$0x1C010] =	vst v3;
	v1 =	vadd.f32 v6, v0;
	v3 =	vld [tilespmem:s4+$0x16030]  }
0x3b2: {  	v6 =	vadd.f32 v7, v0;
	v7 =	vld [tilespmem:s4+$0x18030]  }
0x3b3: {  	[tilespmem:s4+$0x16020] =	vst v1;
	v1 =	vadd.f32 v2, v0;
	v8 =	vld [tilespmem:s4+$0x1A030]  }
0x3b4: {  	[tilespmem:s4+$0x18020] =	vst v6;
	v2 =	vadd.f32 v4, v0;
	v9 =	vld [tilespmem:s4+$0x1C030]  }
.Ltmp8:
0x3b5: {  	[tilespmem:s4+$0x1A020] =	vst v1;
	v0 =	vld [tilespmem:s4+$0x4040];
	(pc) =	sbr.rel @p0 .LBB2_18-.Ltmp8, $4  }
0x3b6: {  	[tilespmem:s4+$0x1C020] =	vst v2;
	v1 =	vadd.f32 v3, v5;
	v4 =	vld [tilespmem:s4+$0x16040]  }
0x3b7: {  	v3 =	vadd.f32 v7, v5;
	v2 =	vld [tilespmem:s4+$0x18040]  }
0x3b8: {  	[tilespmem:s4+$0x16030] =	vst v1;
	v6 =	vadd.f32 v8, v5;
	v1 =	vld [tilespmem:s4+$0x1A040]  }
0x3b9: {  	s7 =	sadd.s32 $0x400, s7;
	[tilespmem:s4+$0x18030] =	vst v3;
	v5 =	vadd.f32 v9, v5;
	v3 =	vld [tilespmem:s4+$0x1C040]  }
0x3ba: {  	v7 =	vld [tilespmem:s4+$0x4050]  }
0x3bb: {  	v8 =	vld [tilespmem:s4+$0x16050]  }
0x3bc: {  	v9 =	vld [tilespmem:s4+$0x18050]  }
0x3bd: {  	[tilespmem:s4+$0x1A030] =	vst v6;
	v6 =	vld [tilespmem:s4+$0x1A050];
	v4 =	vadd.f32 v4, v0  }
0x3be: {  	[tilespmem:s4+$0x1C030] =	vst v5;
	v5 =	vld [tilespmem:s4+$0x1C050];
	v2 =	vadd.f32 v2, v0  }
0x3bf: {  	[tilespmem:s4+$0x16040] =	vst v4;
	v1 =	vadd.f32 v1, v0;
	v4 =	vld [tilespmem:s4+$0x4060]  }
0x3c0: {  	[tilespmem:s4+$0x18040] =	vst v2;
	v0 =	vadd.f32 v3, v0;
	v2 =	vld [tilespmem:s4+$0x16060]  }
0x3c1: {  	v3 =	vld [tilespmem:s4+$0x18060];
	[tilespmem:s4+$0x1A040] =	vst v1;
	v1 =	vadd.f32 v8, v7  }
0x3c2: {  	v8 =	vld [tilespmem:s4+$0x1A060];
	[tilespmem:s4+$0x1C040] =	vst v0;
	v0 =	vadd.f32 v9, v7  }
0x3c3: {  	[tilespmem:s4+$0x16050] =	vst v1;
	v1 =	vadd.f32 v6, v7;
	v6 =	vld [tilespmem:s4+$0x1C060]  }
0x3c4: {  	[tilespmem:s4+$0x18050] =	vst v0;
	v0 =	vadd.f32 v5, v7  }
0x3c5: {  	[tilespmem:s4+$0x1A050] =	vst v1;
	v1 =	vadd.f32 v2, v4  }
0x3c6: {  	[tilespmem:s4+$0x1C050] =	vst v0;
	v0 =	vadd.f32 v3, v4  }
0x3c7: {  	[tilespmem:s4+$0x16060] =	vst v1;
	v1 =	vadd.f32 v8, v4  }
0x3c8: {  	[tilespmem:s4+$0x18060] =	vst v0;
	v0 =	vadd.f32 v6, v4  }
0x3c9: {  	[tilespmem:s4+$0x1A060] =	vst v1  }
0x3ca: {  	[tilespmem:s4+$0x1C060] =	vst v0  }
0x3cb: {  	s4 =	rddreg [dreg:$0x1b]  }
0x3cc: {  	[hbm4b:s4+s21] =	stream.strided.scatter [tilespmem:s29], [sflag:$0x6], $0x8000, s22, s21, $0x38;
	[tilespmem:$0x1E000] =	vst v63  }
0x3cd: {  	_ =	swait.ge [sflag:s24], $0x2000  }
0x3ce: {  	[sflag:s24] =	ssyncset.done $0x0  }
0x3cf: {  	[sflag:s24] =	ssyncadd.s32 $0xFFFFE000  }
0x3d0: {  	_ =	swait.ge [sflag:s24], $0x8000  }
0x3d1: {  	[sflag:s24] =	ssyncset.done $0x0  }
0x3d2: {  	[sflag:s24] =	ssyncadd.s32 $0xFFFF8000  }
0x3d3: {  	s5 =	simm.s32 $0x0;
	_ =	swait.ge [sflag:s0], $0x8000  }
0x3d4: {  	s10 =	sand.u32 $0x1C00, s5;
	[sflag:s0] =	ssyncset.done $0x0;
	s8 =	rddreg [dreg:$0x1f]  }
0x3d5: {  	s6 =	sor.u32 s10, s5;
	s9 =	sld [smem:$0x7F3];
	[sflag:s0] =	ssyncadd.s32 $0xFFFF8000  }
0x3d6: {  	[tilespmem:s21], [sflag:$0x2] =	stream.linear.gather [hbm4b:s8+s5], $0x2000, $0x38;
	[tilespmem:$0x1E000] =	vst v63  }
0x3d7: {  	s6 =	sor.u32 $0x70, s6  }
0x3d8: {  	[tilespmem:s25], [sflag:$0x2] =	stream.strided.gather [hbm4b:s9+s21], $0x8000, s22, s21, $0x38;
	[tilespmem:$0x1E000] =	vst v63  }
0x3d9: {  	v0 =	vld [tilespmem:s6+$0x0]  }
0x3da: {  	v1 =	vld [tilespmem:s6+$0x6000];
	_ =	sdelay $0x1  }
0x3db: {  	s7 =	sand.u32 $0x380, s5  }
0x3dc: {  	s4 =	sor.u32 s7, s10  }
0x3dd: {  	v4 =	vld [tilespmem:s4+$0x0]  }
0x3de: {  	v5 =	vld [tilespmem:s4+$0x6000];
	v1 =	vadd.f32 v1, v0  }
0x3df: {  	v6 =	vld [tilespmem:s4+$0x8000]  }
0x3e0: {  	v7 =	vld [tilespmem:s4+$0xA000];
	[tilespmem:s6+$0x6000] =	vst v1  }
0x3e1: {  	v1 =	vld [tilespmem:s4+$0xC070]  }
0x3e2: {  	v2 =	vld [tilespmem:s4+$0x8070]  }
0x3e3: {  	v3 =	vld [tilespmem:s4+$0xA070]  }
0x3e4: {  	v8 =	vld [tilespmem:s4+$0xC000]  }
0x3e5: {  	v62 =	vld [tilespmem:s4+$0x10]  }
0x3e6: {  	v10 =	vld [tilespmem:s4+$0x6010];
	v1 =	vadd.f32 v1, v0  }
0x3e7: {  	v11 =	vld [tilespmem:s4+$0x8010];
	v2 =	vadd.f32 v2, v0  }
0x3e8: {  	v63 =	vld [tilespmem:s4+$0x30];
	v0 =	vadd.f32 v3, v0;
	[tilespmem:s4+$0xC070] =	vst v1  }
0x3e9: {  	v3 =	vld [tilespmem:s4+$0xC010];
	[tilespmem:s4+$0x8070] =	vst v2;
	v2 =	vadd.f32 v5, v4  }
0x3ea: {  	v1 =	vld [tilespmem:s4+$0xA010];
	[tilespmem:s4+$0xA070] =	vst v0;
	v0 =	vadd.f32 v6, v4  }
0x3eb: {  	v5 =	vld [tilespmem:s4+$0x20];
	[tilespmem:s4+$0x6000] =	vst v2;
	v2 =	vadd.f32 v7, v4  }
0x3ec: {  	v6 =	vld [tilespmem:s4+$0x6020];
	[tilespmem:s4+$0x8000] =	vst v0;
	v0 =	vadd.f32 v8, v4  }
0x3ed: {  	v4 =	vld [tilespmem:s4+$0x8020];
	[tilespmem:s4+$0xA000] =	vst v2;
	v2 =	vadd.f32 v10, v62  }
0x3ee: {  	v7 =	vld [tilespmem:s4+$0xA020];
	[tilespmem:s4+$0xC000] =	vst v0;
	v0 =	vadd.f32 v11, v62  }
0x3ef: {  	v8 =	vld [tilespmem:s4+$0xC020];
	v1 =	vadd.f32 v1, v62;
	[tilespmem:s4+$0x6010] =	vst v2  }
0x3f0: {  	[tilespmem:s4+$0x8010] =	vst v0;
	v0 =	vadd.f32 v3, v62;
	v2 =	vld [tilespmem:s4+$0x6030]  }
0x3f1: {  	v3 =	vld [tilespmem:s4+$0x8030];
	[tilespmem:s4+$0xA010] =	vst v1;
	v1 =	vadd.f32 v6, v5  }
0x3f2: {  	v6 =	vld [tilespmem:s4+$0xA030];
	[tilespmem:s4+$0xC010] =	vst v0;
	v0 =	vadd.f32 v4, v5  }
0x3f3: {  	[tilespmem:s4+$0x6020] =	vst v1;
	v1 =	vadd.f32 v7, v5;
	v7 =	vld [tilespmem:s4+$0xC030]  }
0x3f4: {  	v4 =	vld [tilespmem:s4+$0x6040];
	v5 =	vadd.f32 v8, v5;
	[tilespmem:s4+$0x8020] =	vst v0  }
0x3f5: {  	v0 =	vld [tilespmem:s4+$0x40];
	[tilespmem:s4+$0xA020] =	vst v1;
	v1 =	vadd.f32 v2, v63  }
0x3f6: {  	[tilespmem:s4+$0xC020] =	vst v5;
	v3 =	vadd.f32 v3, v63;
	v2 =	vld [tilespmem:s4+$0x8040]  }
0x3f7: {  	v6 =	vadd.f32 v6, v63;
	[tilespmem:s4+$0x6030] =	vst v1;
	v1 =	vld [tilespmem:s4+$0xA040]  }
0x3f8: {  	s7 =	simm.s32 $0x400;
	s6 =	simm.s32 $0x0;
	[tilespmem:s4+$0x8030] =	vst v3;
	v3 =	vld [tilespmem:s4+$0xC040];
	v5 =	vadd.f32 v7, v63  }
.LBB2_20:
0x3f9: {  	s8 =	sand.u32 $0x1C00, s7;
	[tilespmem:s4+$0xA030] =	vst v6;
	v6 =	vld [tilespmem:s4+$0x50];
	s5 =	sadd.s32 $0x10, s5  }
0x3fa: {  	s6 =	sadd.s32 $0x80, s6;
	s9 =	sor.u32 s8, s5;
	[tilespmem:s4+$0xC030] =	vst v5;
	v4 =	vadd.f32 v4, v0;
	v5 =	vld [tilespmem:s4+$0x6050]  }
0x3fb: {  	p0 =	slt.u32 s6, $0x1F80;
	s9 =	sor.u32 $0x70, s9;
	v2 =	vadd.f32 v2, v0;
	v7 =	vld [tilespmem:s4+$0x8050]  }
0x3fc: {  	v8 =	vld [tilespmem:s9+$0x0];
	[tilespmem:s4+$0x6040] =	vst v4;
	v1 =	vadd.f32 v1, v0  }
0x3fd: {  	v4 =	vld [tilespmem:s9+$0x6000];
	[tilespmem:s4+$0x8040] =	vst v2;
	v0 =	vadd.f32 v3, v0  }
0x3fe: {  	[tilespmem:s4+$0xA040] =	vst v1;
	v1 =	vld [tilespmem:s4+$0xA050]  }
0x3ff: {  	[tilespmem:s4+$0xC040] =	vst v0;
	v0 =	vadd.f32 v5, v6;
	v2 =	vld [tilespmem:s4+$0xC050]  }
0x400: {  	v3 =	vadd.f32 v7, v6;
	v5 =	vld [tilespmem:s4+$0x60]  }
0x401: {  	[tilespmem:s4+$0x6050] =	vst v0;
	v0 =	vld [tilespmem:s4+$0x6060]  }
0x402: {  	v4 =	vadd.f32 v4, v8;
	[tilespmem:s4+$0x8050] =	vst v3;
	v3 =	vld [tilespmem:s4+$0x8060]  }
0x403: {  	s10 =	sand.u32 $0x380, s5;
	v1 =	vadd.f32 v1, v6;
	v7 =	vld [tilespmem:s4+$0xA060]  }
0x404: {  	s8 =	sor.u32 s10, s8;
	[tilespmem:s9+$0x6000] =	vst v4;
	v2 =	vadd.f32 v2, v6;
	v4 =	vld [tilespmem:s4+$0xC060]  }
0x405: {  	v6 =	vld [tilespmem:s8+$0xC070];
	[tilespmem:s4+$0xA050] =	vst v1  }
0x406: {  	v1 =	vld [tilespmem:s8+$0x8070];
	[tilespmem:s4+$0xC050] =	vst v2;
	v0 =	vadd.f32 v0, v5  }
0x407: {  	v2 =	vld [tilespmem:s8+$0xA070];
	v3 =	vadd.f32 v3, v5  }
0x408: {  	v9 =	vld [tilespmem:s8+$0x0];
	[tilespmem:s4+$0x6060] =	vst v0;
	v0 =	vadd.f32 v7, v5  }
0x409: {  	v7 =	vld [tilespmem:s8+$0x6000];
	[tilespmem:s4+$0x8060] =	vst v3;
	v3 =	vadd.f32 v4, v5  }
0x40a: {  	v4 =	vld [tilespmem:s8+$0x8000];
	v5 =	vadd.f32 v6, v8;
	[tilespmem:s4+$0xA060] =	vst v0  }
0x40b: {  	v0 =	vld [tilespmem:s8+$0xA000];
	v1 =	vadd.f32 v1, v8;
	[tilespmem:s4+$0xC060] =	vst v3;
	s4 =	smov.u32 s8  }
0x40c: {  	v3 =	vld [tilespmem:s4+$0xC000];
	v2 =	vadd.f32 v2, v8;
	[tilespmem:s4+$0xC070] =	vst v5  }
0x40d: {  	v5 =	vld [tilespmem:s4+$0x10];
	[tilespmem:s4+$0x8070] =	vst v1  }
0x40e: {  	v1 =	vadd.f32 v7, v9;
	v6 =	vld [tilespmem:s4+$0x6010];
	[tilespmem:s4+$0xA070] =	vst v2  }
0x40f: {  	v2 =	vadd.f32 v4, v9;
	v4 =	vld [tilespmem:s4+$0x8010]  }
0x410: {  	[tilespmem:s4+$0x6000] =	vst v1;
	v0 =	vadd.f32 v0, v9;
	v1 =	vld [tilespmem:s4+$0xA010]  }
0x411: {  	[tilespmem:s4+$0x8000] =	vst v2;
	v2 =	vadd.f32 v3, v9;
	v3 =	vld [tilespmem:s4+$0xC010]  }
0x412: {  	[tilespmem:s4+$0xA000] =	vst v0;
	v0 =	vld [tilespmem:s4+$0x20]  }
0x413: {  	[tilespmem:s4+$0xC000] =	vst v2;
	v2 =	vadd.f32 v6, v5;
	v6 =	vld [tilespmem:s4+$0x6020]  }
0x414: {  	v4 =	vadd.f32 v4, v5;
	v7 =	vld [tilespmem:s4+$0x8020]  }
0x415: {  	[tilespmem:s4+$0x6010] =	vst v2;
	v1 =	vadd.f32 v1, v5;
	v2 =	vld [tilespmem:s4+$0xA020]  }
0x416: {  	[tilespmem:s4+$0x8010] =	vst v4;
	v3 =	vadd.f32 v3, v5;
	v4 =	vld [tilespmem:s4+$0xC020]  }
0x417: {  	[tilespmem:s4+$0xA010] =	vst v1;
	v5 =	vld [tilespmem:s4+$0x30]  }
0x418: {  	[tilespmem:s4+$0xC010] =	vst v3;
	v1 =	vadd.f32 v6, v0;
	v3 =	vld [tilespmem:s4+$0x6030]  }
0x419: {  	v6 =	vadd.f32 v7, v0;
	v7 =	vld [tilespmem:s4+$0x8030]  }
0x41a: {  	[tilespmem:s4+$0x6020] =	vst v1;
	v1 =	vadd.f32 v2, v0;
	v8 =	vld [tilespmem:s4+$0xA030]  }
0x41b: {  	[tilespmem:s4+$0x8020] =	vst v6;
	v2 =	vadd.f32 v4, v0;
	v9 =	vld [tilespmem:s4+$0xC030]  }
.Ltmp9:
0x41c: {  	[tilespmem:s4+$0xA020] =	vst v1;
	v0 =	vld [tilespmem:s4+$0x40];
	(pc) =	sbr.rel @p0 .LBB2_20-.Ltmp9, $4  }
0x41d: {  	[tilespmem:s4+$0xC020] =	vst v2;
	v1 =	vadd.f32 v3, v5;
	v4 =	vld [tilespmem:s4+$0x6040]  }
0x41e: {  	v3 =	vadd.f32 v7, v5;
	v2 =	vld [tilespmem:s4+$0x8040]  }
0x41f: {  	[tilespmem:s4+$0x6030] =	vst v1;
	v6 =	vadd.f32 v8, v5;
	v1 =	vld [tilespmem:s4+$0xA040]  }
0x420: {  	s7 =	sadd.s32 $0x400, s7;
	[tilespmem:s4+$0x8030] =	vst v3;
	v5 =	vadd.f32 v9, v5;
	v3 =	vld [tilespmem:s4+$0xC040]  }
0x421: {  	v7 =	vld [tilespmem:s4+$0x50]  }
0x422: {  	v8 =	vld [tilespmem:s4+$0x6050]  }
0x423: {  	v9 =	vld [tilespmem:s4+$0x8050]  }
0x424: {  	[tilespmem:s4+$0xA030] =	vst v6;
	v6 =	vld [tilespmem:s4+$0xA050];
	v4 =	vadd.f32 v4, v0  }
0x425: {  	[tilespmem:s4+$0xC030] =	vst v5;
	v5 =	vld [tilespmem:s4+$0xC050];
	v2 =	vadd.f32 v2, v0  }
0x426: {  	[tilespmem:s4+$0x6040] =	vst v4;
	v1 =	vadd.f32 v1, v0;
	v4 =	vld [tilespmem:s4+$0x60]  }
0x427: {  	[tilespmem:s4+$0x8040] =	vst v2;
	v0 =	vadd.f32 v3, v0;
	v2 =	vld [tilespmem:s4+$0x6060]  }
0x428: {  	v3 =	vld [tilespmem:s4+$0x8060];
	[tilespmem:s4+$0xA040] =	vst v1;
	v1 =	vadd.f32 v8, v7  }
0x429: {  	v8 =	vld [tilespmem:s4+$0xA060];
	[tilespmem:s4+$0xC040] =	vst v0;
	v0 =	vadd.f32 v9, v7  }
0x42a: {  	[tilespmem:s4+$0x6050] =	vst v1;
	v1 =	vadd.f32 v6, v7;
	v6 =	vld [tilespmem:s4+$0xC060]  }
0x42b: {  	[tilespmem:s4+$0x8050] =	vst v0;
	v0 =	vadd.f32 v5, v7  }
0x42c: {  	[tilespmem:s4+$0xA050] =	vst v1;
	v1 =	vadd.f32 v2, v4  }
0x42d: {  	[tilespmem:s4+$0xC050] =	vst v0;
	v0 =	vadd.f32 v3, v4  }
0x42e: {  	[tilespmem:s4+$0x6060] =	vst v1;
	v1 =	vadd.f32 v8, v4  }
0x42f: {  	[tilespmem:s4+$0x8060] =	vst v0;
	v0 =	vadd.f32 v6, v4  }
0x430: {  	[tilespmem:s4+$0xA060] =	vst v1  }
0x431: {  	[tilespmem:s4+$0xC060] =	vst v0  }
0x432: {  	s4 =	rddreg [dreg:$0x1e]  }
0x433: {  	[hbm4b:s4+s21] =	stream.strided.scatter [tilespmem:s23], [sflag:$0x4], $0x8000, s22, s21, $0x38;
	[tilespmem:$0x1E000] =	vst v63  }
0x434: {  	_ =	swait.ge [sflag:s26], $0x2000  }
0x435: {  	[sflag:s26] =	ssyncset.done $0x0  }
0x436: {  	[sflag:s26] =	ssyncadd.s32 $0xFFFFE000  }
0x437: {  	_ =	swait.ge [sflag:s26], $0x8000  }
0x438: {  	[sflag:s26] =	ssyncset.done $0x0  }
0x439: {  	[sflag:s26] =	ssyncadd.s32 $0xFFFF8000  }
0x43a: {  	_ =	swait.ge [sflag:s2], $0x8000  }
0x43b: {  	s5 =	simm.s32 $0x0;
	s8 =	sld [smem:$0x7F5]  }
0x43c: {  	s10 =	sand.u32 $0x1C00, s5;
	[sflag:s2] =	ssyncset.done $0x0  }
0x43d: {  	s6 =	sor.u32 s10, s5;
	s9 =	sld [smem:$0x7F6];
	[sflag:s2] =	ssyncadd.s32 $0xFFFF8000  }
0x43e: {  	[tilespmem:s28], [sflag:$0x3] =	stream.linear.gather [hbm4b:s8+s5], $0x2000, $0x38;
	[tilespmem:$0x1E000] =	vst v63  }
0x43f: {  	s6 =	sor.u32 $0x70, s6  }
0x440: {  	[tilespmem:s29], [sflag:$0x3] =	stream.strided.gather [hbm4b:s9+s21], $0x8000, s22, s21, $0x38;
	[tilespmem:$0x1E000] =	vst v63  }
0x441: {  	v0 =	vld [tilespmem:s6+$0x2000]  }
0x442: {  	v1 =	vld [tilespmem:s6+$0xE000];
	_ =	sdelay $0x1  }
0x443: {  	s7 =	sand.u32 $0x380, s5  }
0x444: {  	s4 =	sor.u32 s7, s10  }
0x445: {  	v4 =	vld [tilespmem:s4+$0x2000]  }
0x446: {  	v5 =	vld [tilespmem:s4+$0xE000];
	v1 =	vadd.f32 v1, v0  }
0x447: {  	v6 =	vld [tilespmem:s4+$0x10000]  }
0x448: {  	v7 =	vld [tilespmem:s4+$0x12000];
	[tilespmem:s6+$0xE000] =	vst v1  }
0x449: {  	v1 =	vld [tilespmem:s4+$0x14070]  }
0x44a: {  	v2 =	vld [tilespmem:s4+$0x10070]  }
0x44b: {  	v3 =	vld [tilespmem:s4+$0x12070]  }
0x44c: {  	v8 =	vld [tilespmem:s4+$0x14000]  }
0x44d: {  	v62 =	vld [tilespmem:s4+$0x2010]  }
0x44e: {  	v10 =	vld [tilespmem:s4+$0xE010];
	v1 =	vadd.f32 v1, v0  }
0x44f: {  	v11 =	vld [tilespmem:s4+$0x10010];
	v2 =	vadd.f32 v2, v0  }
0x450: {  	v63 =	vld [tilespmem:s4+$0x2030];
	v0 =	vadd.f32 v3, v0;
	[tilespmem:s4+$0x14070] =	vst v1  }
0x451: {  	v3 =	vld [tilespmem:s4+$0x14010];
	[tilespmem:s4+$0x10070] =	vst v2;
	v2 =	vadd.f32 v5, v4  }
0x452: {  	v1 =	vld [tilespmem:s4+$0x12010];
	[tilespmem:s4+$0x12070] =	vst v0;
	v0 =	vadd.f32 v6, v4  }
0x453: {  	v5 =	vld [tilespmem:s4+$0x2020];
	[tilespmem:s4+$0xE000] =	vst v2;
	v2 =	vadd.f32 v7, v4  }
0x454: {  	v6 =	vld [tilespmem:s4+$0xE020];
	[tilespmem:s4+$0x10000] =	vst v0;
	v0 =	vadd.f32 v8, v4  }
0x455: {  	v4 =	vld [tilespmem:s4+$0x10020];
	[tilespmem:s4+$0x12000] =	vst v2;
	v2 =	vadd.f32 v10, v62  }
0x456: {  	v7 =	vld [tilespmem:s4+$0x12020];
	[tilespmem:s4+$0x14000] =	vst v0;
	v0 =	vadd.f32 v11, v62  }
0x457: {  	v8 =	vld [tilespmem:s4+$0x14020];
	v1 =	vadd.f32 v1, v62;
	[tilespmem:s4+$0xE010] =	vst v2  }
0x458: {  	[tilespmem:s4+$0x10010] =	vst v0;
	v0 =	vadd.f32 v3, v62;
	v2 =	vld [tilespmem:s4+$0xE030]  }
0x459: {  	v3 =	vld [tilespmem:s4+$0x10030];
	[tilespmem:s4+$0x12010] =	vst v1;
	v1 =	vadd.f32 v6, v5  }
0x45a: {  	v6 =	vld [tilespmem:s4+$0x12030];
	[tilespmem:s4+$0x14010] =	vst v0;
	v0 =	vadd.f32 v4, v5  }
0x45b: {  	[tilespmem:s4+$0xE020] =	vst v1;
	v1 =	vadd.f32 v7, v5;
	v7 =	vld [tilespmem:s4+$0x14030]  }
0x45c: {  	v4 =	vld [tilespmem:s4+$0xE040];
	v5 =	vadd.f32 v8, v5;
	[tilespmem:s4+$0x10020] =	vst v0  }
0x45d: {  	v0 =	vld [tilespmem:s4+$0x2040];
	[tilespmem:s4+$0x12020] =	vst v1;
	v1 =	vadd.f32 v2, v63  }
0x45e: {  	[tilespmem:s4+$0x14020] =	vst v5;
	v3 =	vadd.f32 v3, v63;
	v2 =	vld [tilespmem:s4+$0x10040]  }
0x45f: {  	v6 =	vadd.f32 v6, v63;
	[tilespmem:s4+$0xE030] =	vst v1;
	v1 =	vld [tilespmem:s4+$0x12040]  }
0x460: {  	s7 =	simm.s32 $0x400;
	s6 =	simm.s32 $0x0;
	[tilespmem:s4+$0x10030] =	vst v3;
	v3 =	vld [tilespmem:s4+$0x14040];
	v5 =	vadd.f32 v7, v63  }
.LBB2_22:
0x461: {  	s8 =	sand.u32 $0x1C00, s7;
	[tilespmem:s4+$0x12030] =	vst v6;
	v6 =	vld [tilespmem:s4+$0x2050];
	s5 =	sadd.s32 $0x10, s5  }
0x462: {  	s6 =	sadd.s32 $0x80, s6;
	s9 =	sor.u32 s8, s5;
	[tilespmem:s4+$0x14030] =	vst v5;
	v4 =	vadd.f32 v4, v0;
	v5 =	vld [tilespmem:s4+$0xE050]  }
0x463: {  	p0 =	slt.u32 s6, $0x1F80;
	s9 =	sor.u32 $0x70, s9;
	v2 =	vadd.f32 v2, v0;
	v7 =	vld [tilespmem:s4+$0x10050]  }
0x464: {  	v8 =	vld [tilespmem:s9+$0x2000];
	[tilespmem:s4+$0xE040] =	vst v4;
	v1 =	vadd.f32 v1, v0  }
0x465: {  	v4 =	vld [tilespmem:s9+$0xE000];
	[tilespmem:s4+$0x10040] =	vst v2;
	v0 =	vadd.f32 v3, v0  }
0x466: {  	[tilespmem:s4+$0x12040] =	vst v1;
	v1 =	vld [tilespmem:s4+$0x12050]  }
0x467: {  	[tilespmem:s4+$0x14040] =	vst v0;
	v0 =	vadd.f32 v5, v6;
	v2 =	vld [tilespmem:s4+$0x14050]  }
0x468: {  	v3 =	vadd.f32 v7, v6;
	v5 =	vld [tilespmem:s4+$0x2060]  }
0x469: {  	[tilespmem:s4+$0xE050] =	vst v0;
	v0 =	vld [tilespmem:s4+$0xE060]  }
0x46a: {  	v4 =	vadd.f32 v4, v8;
	[tilespmem:s4+$0x10050] =	vst v3;
	v3 =	vld [tilespmem:s4+$0x10060]  }
0x46b: {  	s10 =	sand.u32 $0x380, s5;
	v1 =	vadd.f32 v1, v6;
	v7 =	vld [tilespmem:s4+$0x12060]  }
0x46c: {  	s8 =	sor.u32 s10, s8;
	[tilespmem:s9+$0xE000] =	vst v4;
	v2 =	vadd.f32 v2, v6;
	v4 =	vld [tilespmem:s4+$0x14060]  }
0x46d: {  	v6 =	vld [tilespmem:s8+$0x14070];
	[tilespmem:s4+$0x12050] =	vst v1  }
0x46e: {  	v1 =	vld [tilespmem:s8+$0x10070];
	[tilespmem:s4+$0x14050] =	vst v2;
	v0 =	vadd.f32 v0, v5  }
0x46f: {  	v2 =	vld [tilespmem:s8+$0x12070];
	v3 =	vadd.f32 v3, v5  }
0x470: {  	v9 =	vld [tilespmem:s8+$0x2000];
	[tilespmem:s4+$0xE060] =	vst v0;
	v0 =	vadd.f32 v7, v5  }
0x471: {  	v7 =	vld [tilespmem:s8+$0xE000];
	[tilespmem:s4+$0x10060] =	vst v3;
	v3 =	vadd.f32 v4, v5  }
0x472: {  	v4 =	vld [tilespmem:s8+$0x10000];
	v5 =	vadd.f32 v6, v8;
	[tilespmem:s4+$0x12060] =	vst v0  }
0x473: {  	v0 =	vld [tilespmem:s8+$0x12000];
	v1 =	vadd.f32 v1, v8;
	[tilespmem:s4+$0x14060] =	vst v3;
	s4 =	smov.u32 s8  }
0x474: {  	v3 =	vld [tilespmem:s4+$0x14000];
	v2 =	vadd.f32 v2, v8;
	[tilespmem:s4+$0x14070] =	vst v5  }
0x475: {  	v5 =	vld [tilespmem:s4+$0x2010];
	[tilespmem:s4+$0x10070] =	vst v1  }
0x476: {  	v1 =	vadd.f32 v7, v9;
	v6 =	vld [tilespmem:s4+$0xE010];
	[tilespmem:s4+$0x12070] =	vst v2  }
0x477: {  	v2 =	vadd.f32 v4, v9;
	v4 =	vld [tilespmem:s4+$0x10010]  }
0x478: {  	[tilespmem:s4+$0xE000] =	vst v1;
	v0 =	vadd.f32 v0, v9;
	v1 =	vld [tilespmem:s4+$0x12010]  }
0x479: {  	[tilespmem:s4+$0x10000] =	vst v2;
	v2 =	vadd.f32 v3, v9;
	v3 =	vld [tilespmem:s4+$0x14010]  }
0x47a: {  	[tilespmem:s4+$0x12000] =	vst v0;
	v0 =	vld [tilespmem:s4+$0x2020]  }
0x47b: {  	[tilespmem:s4+$0x14000] =	vst v2;
	v2 =	vadd.f32 v6, v5;
	v6 =	vld [tilespmem:s4+$0xE020]  }
0x47c: {  	v4 =	vadd.f32 v4, v5;
	v7 =	vld [tilespmem:s4+$0x10020]  }
0x47d: {  	[tilespmem:s4+$0xE010] =	vst v2;
	v1 =	vadd.f32 v1, v5;
	v2 =	vld [tilespmem:s4+$0x12020]  }
0x47e: {  	[tilespmem:s4+$0x10010] =	vst v4;
	v3 =	vadd.f32 v3, v5;
	v4 =	vld [tilespmem:s4+$0x14020]  }
0x47f: {  	[tilespmem:s4+$0x12010] =	vst v1;
	v5 =	vld [tilespmem:s4+$0x2030]  }
0x480: {  	[tilespmem:s4+$0x14010] =	vst v3;
	v1 =	vadd.f32 v6, v0;
	v3 =	vld [tilespmem:s4+$0xE030]  }
0x481: {  	v6 =	vadd.f32 v7, v0;
	v7 =	vld [tilespmem:s4+$0x10030]  }
0x482: {  	[tilespmem:s4+$0xE020] =	vst v1;
	v1 =	vadd.f32 v2, v0;
	v8 =	vld [tilespmem:s4+$0x12030]  }
0x483: {  	[tilespmem:s4+$0x10020] =	vst v6;
	v2 =	vadd.f32 v4, v0;
	v9 =	vld [tilespmem:s4+$0x14030]  }
.Ltmp10:
0x484: {  	[tilespmem:s4+$0x12020] =	vst v1;
	v0 =	vld [tilespmem:s4+$0x2040];
	(pc) =	sbr.rel @p0 .LBB2_22-.Ltmp10, $4  }
0x485: {  	[tilespmem:s4+$0x14020] =	vst v2;
	v1 =	vadd.f32 v3, v5;
	v4 =	vld [tilespmem:s4+$0xE040]  }
0x486: {  	v3 =	vadd.f32 v7, v5;
	v2 =	vld [tilespmem:s4+$0x10040]  }
0x487: {  	[tilespmem:s4+$0xE030] =	vst v1;
	v6 =	vadd.f32 v8, v5;
	v1 =	vld [tilespmem:s4+$0x12040]  }
0x488: {  	s7 =	sadd.s32 $0x400, s7;
	[tilespmem:s4+$0x10030] =	vst v3;
	v5 =	vadd.f32 v9, v5;
	v3 =	vld [tilespmem:s4+$0x14040]  }
0x489: {  	v7 =	vld [tilespmem:s4+$0x2050]  }
0x48a: {  	v8 =	vld [tilespmem:s4+$0xE050]  }
0x48b: {  	v9 =	vld [tilespmem:s4+$0x10050]  }
0x48c: {  	[tilespmem:s4+$0x12030] =	vst v6;
	v6 =	vld [tilespmem:s4+$0x12050];
	v4 =	vadd.f32 v4, v0  }
0x48d: {  	[tilespmem:s4+$0x14030] =	vst v5;
	v5 =	vld [tilespmem:s4+$0x14050];
	v2 =	vadd.f32 v2, v0  }
0x48e: {  	[tilespmem:s4+$0xE040] =	vst v4;
	v1 =	vadd.f32 v1, v0;
	v4 =	vld [tilespmem:s4+$0x2060]  }
0x48f: {  	[tilespmem:s4+$0x10040] =	vst v2;
	v0 =	vadd.f32 v3, v0;
	v2 =	vld [tilespmem:s4+$0xE060]  }
0x490: {  	v3 =	vld [tilespmem:s4+$0x10060];
	[tilespmem:s4+$0x12040] =	vst v1;
	v1 =	vadd.f32 v8, v7  }
0x491: {  	v8 =	vld [tilespmem:s4+$0x12060];
	[tilespmem:s4+$0x14040] =	vst v0;
	v0 =	vadd.f32 v9, v7  }
0x492: {  	[tilespmem:s4+$0xE050] =	vst v1;
	v1 =	vadd.f32 v6, v7;
	v6 =	vld [tilespmem:s4+$0x14060]  }
0x493: {  	[tilespmem:s4+$0x10050] =	vst v0;
	v0 =	vadd.f32 v5, v7  }
0x494: {  	[tilespmem:s4+$0x12050] =	vst v1;
	v1 =	vadd.f32 v2, v4  }
0x495: {  	[tilespmem:s4+$0x14050] =	vst v0;
	v0 =	vadd.f32 v3, v4  }
0x496: {  	[tilespmem:s4+$0xE060] =	vst v1;
	v1 =	vadd.f32 v8, v4  }
0x497: {  	[tilespmem:s4+$0x10060] =	vst v0;
	v0 =	vadd.f32 v6, v4  }
0x498: {  	[tilespmem:s4+$0x12060] =	vst v1  }
0x499: {  	[tilespmem:s4+$0x14060] =	vst v0  }
0x49a: {  	s4 =	sld [smem:$0x7F4];
	_ =	sdelay $0x2  }
0x49b: {  	[hbm4b:s4+s21] =	stream.strided.scatter [tilespmem:s25], [sflag:$0x5], $0x8000, s22, s21, $0x38;
	[tilespmem:$0x1E000] =	vst v63  }
0x49c: {  	_ =	swait.ge [sflag:s30], $0x2000  }
0x49d: {  	[sflag:s30] =	ssyncset.done $0x0  }
0x49e: {  	[sflag:s30] =	ssyncadd.s32 $0xFFFFE000  }
0x49f: {  	_ =	swait.ge [sflag:s30], $0x8000  }
0x4a0: {  	[sflag:s30] =	ssyncset.done $0x0  }
0x4a1: {  	[sflag:s30] =	ssyncadd.s32 $0xFFFF8000  }
0x4a2: {  	_ =	swait.ge [sflag:s31], $0x8000  }
0x4a3: {  	s5 =	simm.s32 $0x0;
	s8 =	sld [smem:$0x7F8]  }
0x4a4: {  	s10 =	sand.u32 $0x1C00, s5;
	[sflag:s31] =	ssyncset.done $0x0  }
0x4a5: {  	s6 =	sor.u32 s10, s5;
	s9 =	sld [smem:$0x7F9];
	[sflag:s31] =	ssyncadd.s32 $0xFFFF8000  }
0x4a6: {  	[tilespmem:s5], [sflag:$0x1] =	stream.linear.gather [hbm4b:s8+s5], $0x2000, $0x38;
	[tilespmem:$0x1E000] =	vst v63  }
0x4a7: {  	s6 =	sor.u32 $0x70, s6  }
0x4a8: {  	[tilespmem:s23], [sflag:$0x1] =	stream.strided.gather [hbm4b:s9+s21], $0x8000, s22, s21, $0x38;
	[tilespmem:$0x1E000] =	vst v63  }
0x4a9: {  	v0 =	vld [tilespmem:s6+$0x4000]  }
0x4aa: {  	v1 =	vld [tilespmem:s6+$0x16000];
	_ =	sdelay $0x1  }
0x4ab: {  	s7 =	sand.u32 $0x380, s5  }
0x4ac: {  	s4 =	sor.u32 s7, s10  }
0x4ad: {  	v4 =	vld [tilespmem:s4+$0x4000]  }
0x4ae: {  	v5 =	vld [tilespmem:s4+$0x16000];
	v1 =	vadd.f32 v1, v0  }
0x4af: {  	v6 =	vld [tilespmem:s4+$0x18000]  }
0x4b0: {  	v7 =	vld [tilespmem:s4+$0x1A000];
	[tilespmem:s6+$0x16000] =	vst v1  }
0x4b1: {  	v1 =	vld [tilespmem:s4+$0x1C070]  }
0x4b2: {  	v2 =	vld [tilespmem:s4+$0x18070]  }
0x4b3: {  	v3 =	vld [tilespmem:s4+$0x1A070]  }
0x4b4: {  	v8 =	vld [tilespmem:s4+$0x1C000]  }
0x4b5: {  	v62 =	vld [tilespmem:s4+$0x4010]  }
0x4b6: {  	v10 =	vld [tilespmem:s4+$0x16010];
	v1 =	vadd.f32 v1, v0  }
0x4b7: {  	v11 =	vld [tilespmem:s4+$0x18010];
	v2 =	vadd.f32 v2, v0  }
0x4b8: {  	v63 =	vld [tilespmem:s4+$0x4030];
	v0 =	vadd.f32 v3, v0;
	[tilespmem:s4+$0x1C070] =	vst v1  }
0x4b9: {  	v3 =	vld [tilespmem:s4+$0x1C010];
	[tilespmem:s4+$0x18070] =	vst v2;
	v2 =	vadd.f32 v5, v4  }
0x4ba: {  	v1 =	vld [tilespmem:s4+$0x1A010];
	[tilespmem:s4+$0x1A070] =	vst v0;
	v0 =	vadd.f32 v6, v4  }
0x4bb: {  	v5 =	vld [tilespmem:s4+$0x4020];
	[tilespmem:s4+$0x16000] =	vst v2;
	v2 =	vadd.f32 v7, v4  }
0x4bc: {  	v6 =	vld [tilespmem:s4+$0x16020];
	[tilespmem:s4+$0x18000] =	vst v0;
	v0 =	vadd.f32 v8, v4  }
0x4bd: {  	v4 =	vld [tilespmem:s4+$0x18020];
	[tilespmem:s4+$0x1A000] =	vst v2;
	v2 =	vadd.f32 v10, v62  }
0x4be: {  	v7 =	vld [tilespmem:s4+$0x1A020];
	[tilespmem:s4+$0x1C000] =	vst v0;
	v0 =	vadd.f32 v11, v62  }
0x4bf: {  	v8 =	vld [tilespmem:s4+$0x1C020];
	v1 =	vadd.f32 v1, v62;
	[tilespmem:s4+$0x16010] =	vst v2  }
0x4c0: {  	[tilespmem:s4+$0x18010] =	vst v0;
	v0 =	vadd.f32 v3, v62;
	v2 =	vld [tilespmem:s4+$0x16030]  }
0x4c1: {  	v3 =	vld [tilespmem:s4+$0x18030];
	[tilespmem:s4+$0x1A010] =	vst v1;
	v1 =	vadd.f32 v6, v5  }
0x4c2: {  	v6 =	vld [tilespmem:s4+$0x1A030];
	[tilespmem:s4+$0x1C010] =	vst v0;
	v0 =	vadd.f32 v4, v5  }
0x4c3: {  	[tilespmem:s4+$0x16020] =	vst v1;
	v1 =	vadd.f32 v7, v5;
	v7 =	vld [tilespmem:s4+$0x1C030]  }
0x4c4: {  	v4 =	vld [tilespmem:s4+$0x16040];
	v5 =	vadd.f32 v8, v5;
	[tilespmem:s4+$0x18020] =	vst v0  }
0x4c5: {  	v0 =	vld [tilespmem:s4+$0x4040];
	[tilespmem:s4+$0x1A020] =	vst v1;
	v1 =	vadd.f32 v2, v63  }
0x4c6: {  	[tilespmem:s4+$0x1C020] =	vst v5;
	v3 =	vadd.f32 v3, v63;
	v2 =	vld [tilespmem:s4+$0x18040]  }
0x4c7: {  	v6 =	vadd.f32 v6, v63;
	[tilespmem:s4+$0x16030] =	vst v1;
	v1 =	vld [tilespmem:s4+$0x1A040]  }
0x4c8: {  	s7 =	simm.s32 $0x400;
	s6 =	simm.s32 $0x0;
	[tilespmem:s4+$0x18030] =	vst v3;
	v3 =	vld [tilespmem:s4+$0x1C040];
	v5 =	vadd.f32 v7, v63  }
.LBB2_24:
0x4c9: {  	s8 =	sand.u32 $0x1C00, s7;
	[tilespmem:s4+$0x1A030] =	vst v6;
	v6 =	vld [tilespmem:s4+$0x4050];
	s5 =	sadd.s32 $0x10, s5  }
0x4ca: {  	s6 =	sadd.s32 $0x80, s6;
	s9 =	sor.u32 s8, s5;
	[tilespmem:s4+$0x1C030] =	vst v5;
	v4 =	vadd.f32 v4, v0;
	v5 =	vld [tilespmem:s4+$0x16050]  }
0x4cb: {  	p0 =	slt.u32 s6, $0x1F80;
	s9 =	sor.u32 $0x70, s9;
	v2 =	vadd.f32 v2, v0;
	v7 =	vld [tilespmem:s4+$0x18050]  }
0x4cc: {  	v8 =	vld [tilespmem:s9+$0x4000];
	[tilespmem:s4+$0x16040] =	vst v4;
	v1 =	vadd.f32 v1, v0  }
0x4cd: {  	v4 =	vld [tilespmem:s9+$0x16000];
	[tilespmem:s4+$0x18040] =	vst v2;
	v0 =	vadd.f32 v3, v0  }
0x4ce: {  	[tilespmem:s4+$0x1A040] =	vst v1;
	v1 =	vld [tilespmem:s4+$0x1A050]  }
0x4cf: {  	[tilespmem:s4+$0x1C040] =	vst v0;
	v0 =	vadd.f32 v5, v6;
	v2 =	vld [tilespmem:s4+$0x1C050]  }
0x4d0: {  	v3 =	vadd.f32 v7, v6;
	v5 =	vld [tilespmem:s4+$0x4060]  }
0x4d1: {  	[tilespmem:s4+$0x16050] =	vst v0;
	v0 =	vld [tilespmem:s4+$0x16060]  }
0x4d2: {  	v4 =	vadd.f32 v4, v8;
	[tilespmem:s4+$0x18050] =	vst v3;
	v3 =	vld [tilespmem:s4+$0x18060]  }
0x4d3: {  	s10 =	sand.u32 $0x380, s5;
	v1 =	vadd.f32 v1, v6;
	v7 =	vld [tilespmem:s4+$0x1A060]  }
0x4d4: {  	s8 =	sor.u32 s10, s8;
	[tilespmem:s9+$0x16000] =	vst v4;
	v2 =	vadd.f32 v2, v6;
	v4 =	vld [tilespmem:s4+$0x1C060]  }
0x4d5: {  	v6 =	vld [tilespmem:s8+$0x1C070];
	[tilespmem:s4+$0x1A050] =	vst v1  }
0x4d6: {  	v1 =	vld [tilespmem:s8+$0x18070];
	[tilespmem:s4+$0x1C050] =	vst v2;
	v0 =	vadd.f32 v0, v5  }
0x4d7: {  	v2 =	vld [tilespmem:s8+$0x1A070];
	v3 =	vadd.f32 v3, v5  }
0x4d8: {  	v9 =	vld [tilespmem:s8+$0x4000];
	[tilespmem:s4+$0x16060] =	vst v0;
	v0 =	vadd.f32 v7, v5  }
0x4d9: {  	v7 =	vld [tilespmem:s8+$0x16000];
	[tilespmem:s4+$0x18060] =	vst v3;
	v3 =	vadd.f32 v4, v5  }
0x4da: {  	v4 =	vld [tilespmem:s8+$0x18000];
	v5 =	vadd.f32 v6, v8;
	[tilespmem:s4+$0x1A060] =	vst v0  }
0x4db: {  	v0 =	vld [tilespmem:s8+$0x1A000];
	v1 =	vadd.f32 v1, v8;
	[tilespmem:s4+$0x1C060] =	vst v3;
	s4 =	smov.u32 s8  }
0x4dc: {  	v3 =	vld [tilespmem:s4+$0x1C000];
	v2 =	vadd.f32 v2, v8;
	[tilespmem:s4+$0x1C070] =	vst v5  }
0x4dd: {  	v5 =	vld [tilespmem:s4+$0x4010];
	[tilespmem:s4+$0x18070] =	vst v1  }
0x4de: {  	v1 =	vadd.f32 v7, v9;
	v6 =	vld [tilespmem:s4+$0x16010];
	[tilespmem:s4+$0x1A070] =	vst v2  }
0x4df: {  	v2 =	vadd.f32 v4, v9;
	v4 =	vld [tilespmem:s4+$0x18010]  }
0x4e0: {  	[tilespmem:s4+$0x16000] =	vst v1;
	v0 =	vadd.f32 v0, v9;
	v1 =	vld [tilespmem:s4+$0x1A010]  }
0x4e1: {  	[tilespmem:s4+$0x18000] =	vst v2;
	v2 =	vadd.f32 v3, v9;
	v3 =	vld [tilespmem:s4+$0x1C010]  }
0x4e2: {  	[tilespmem:s4+$0x1A000] =	vst v0;
	v0 =	vld [tilespmem:s4+$0x4020]  }
0x4e3: {  	[tilespmem:s4+$0x1C000] =	vst v2;
	v2 =	vadd.f32 v6, v5;
	v6 =	vld [tilespmem:s4+$0x16020]  }
0x4e4: {  	v4 =	vadd.f32 v4, v5;
	v7 =	vld [tilespmem:s4+$0x18020]  }
0x4e5: {  	[tilespmem:s4+$0x16010] =	vst v2;
	v1 =	vadd.f32 v1, v5;
	v2 =	vld [tilespmem:s4+$0x1A020]  }
0x4e6: {  	[tilespmem:s4+$0x18010] =	vst v4;
	v3 =	vadd.f32 v3, v5;
	v4 =	vld [tilespmem:s4+$0x1C020]  }
0x4e7: {  	[tilespmem:s4+$0x1A010] =	vst v1;
	v5 =	vld [tilespmem:s4+$0x4030]  }
0x4e8: {  	[tilespmem:s4+$0x1C010] =	vst v3;
	v1 =	vadd.f32 v6, v0;
	v3 =	vld [tilespmem:s4+$0x16030]  }
0x4e9: {  	v6 =	vadd.f32 v7, v0;
	v7 =	vld [tilespmem:s4+$0x18030]  }
0x4ea: {  	[tilespmem:s4+$0x16020] =	vst v1;
	v1 =	vadd.f32 v2, v0;
	v8 =	vld [tilespmem:s4+$0x1A030]  }
0x4eb: {  	[tilespmem:s4+$0x18020] =	vst v6;
	v2 =	vadd.f32 v4, v0;
	v9 =	vld [tilespmem:s4+$0x1C030]  }
.Ltmp11:
0x4ec: {  	[tilespmem:s4+$0x1A020] =	vst v1;
	v0 =	vld [tilespmem:s4+$0x4040];
	(pc) =	sbr.rel @p0 .LBB2_24-.Ltmp11, $4  }
0x4ed: {  	[tilespmem:s4+$0x1C020] =	vst v2;
	v1 =	vadd.f32 v3, v5;
	v4 =	vld [tilespmem:s4+$0x16040]  }
0x4ee: {  	v3 =	vadd.f32 v7, v5;
	v2 =	vld [tilespmem:s4+$0x18040]  }
0x4ef: {  	[tilespmem:s4+$0x16030] =	vst v1;
	v6 =	vadd.f32 v8, v5;
	v1 =	vld [tilespmem:s4+$0x1A040]  }
0x4f0: {  	s7 =	sadd.s32 $0x400, s7;
	[tilespmem:s4+$0x18030] =	vst v3;
	v5 =	vadd.f32 v9, v5;
	v3 =	vld [tilespmem:s4+$0x1C040]  }
0x4f1: {  	v7 =	vld [tilespmem:s4+$0x4050]  }
0x4f2: {  	v8 =	vld [tilespmem:s4+$0x16050]  }
0x4f3: {  	v9 =	vld [tilespmem:s4+$0x18050]  }
0x4f4: {  	[tilespmem:s4+$0x1A030] =	vst v6;
	v6 =	vld [tilespmem:s4+$0x1A050];
	v4 =	vadd.f32 v4, v0  }
0x4f5: {  	[tilespmem:s4+$0x1C030] =	vst v5;
	v5 =	vld [tilespmem:s4+$0x1C050];
	v2 =	vadd.f32 v2, v0  }
0x4f6: {  	[tilespmem:s4+$0x16040] =	vst v4;
	v1 =	vadd.f32 v1, v0;
	v4 =	vld [tilespmem:s4+$0x4060]  }
0x4f7: {  	[tilespmem:s4+$0x18040] =	vst v2;
	v0 =	vadd.f32 v3, v0;
	v2 =	vld [tilespmem:s4+$0x16060]  }
0x4f8: {  	v3 =	vld [tilespmem:s4+$0x18060];
	[tilespmem:s4+$0x1A040] =	vst v1;
	v1 =	vadd.f32 v8, v7  }
0x4f9: {  	v8 =	vld [tilespmem:s4+$0x1A060];
	[tilespmem:s4+$0x1C040] =	vst v0;
	v0 =	vadd.f32 v9, v7  }
0x4fa: {  	[tilespmem:s4+$0x16050] =	vst v1;
	v1 =	vadd.f32 v6, v7;
	v6 =	vld [tilespmem:s4+$0x1C060]  }
0x4fb: {  	[tilespmem:s4+$0x18050] =	vst v0;
	v0 =	vadd.f32 v5, v7  }
0x4fc: {  	[tilespmem:s4+$0x1A050] =	vst v1;
	v1 =	vadd.f32 v2, v4  }
0x4fd: {  	[tilespmem:s4+$0x1C050] =	vst v0;
	v0 =	vadd.f32 v3, v4  }
0x4fe: {  	[tilespmem:s4+$0x16060] =	vst v1;
	v1 =	vadd.f32 v8, v4  }
0x4ff: {  	[tilespmem:s4+$0x18060] =	vst v0;
	v0 =	vadd.f32 v6, v4  }
0x500: {  	[tilespmem:s4+$0x1A060] =	vst v1  }
0x501: {  	[tilespmem:s4+$0x1C060] =	vst v0  }
0x502: {  	s4 =	sld [smem:$0x7F7];
	_ =	sdelay $0x2  }
0x503: {  	[hbm4b:s4+s21] =	stream.strided.scatter [tilespmem:s29], [sflag:$0x6], $0x8000, s22, s21, $0x38;
	[tilespmem:$0x1E000] =	vst v63  }
0x504: {  	_ =	swait.ge [sflag:s24], $0x2000  }
0x505: {  	[sflag:s24] =	ssyncset.done $0x0  }
0x506: {  	[sflag:s24] =	ssyncadd.s32 $0xFFFFE000  }
0x507: {  	_ =	swait.ge [sflag:s24], $0x8000  }
0x508: {  	[sflag:s24] =	ssyncset.done $0x0  }
0x509: {  	[sflag:s24] =	ssyncadd.s32 $0xFFFF8000  }
0x50a: {  	_ =	swait.ge [sflag:s0], $0x8000  }
0x50b: {  	s5 =	simm.s32 $0x0;
	s8 =	sld [smem:$0x7FB]  }
0x50c: {  	s10 =	sand.u32 $0x1C00, s5;
	[sflag:s0] =	ssyncset.done $0x0  }
0x50d: {  	s6 =	sor.u32 s10, s5;
	s9 =	sld [smem:$0x7FC];
	[sflag:s0] =	ssyncadd.s32 $0xFFFF8000  }
0x50e: {  	[tilespmem:s21], [sflag:$0x2] =	stream.linear.gather [hbm4b:s8+s5], $0x2000, $0x38;
	[tilespmem:$0x1E000] =	vst v63  }
0x50f: {  	s6 =	sor.u32 $0x70, s6  }
0x510: {  	[tilespmem:s25], [sflag:$0x2] =	stream.strided.gather [hbm4b:s9+s21], $0x8000, s22, s21, $0x38;
	[tilespmem:$0x1E000] =	vst v63  }
0x511: {  	v0 =	vld [tilespmem:s6+$0x0]  }
0x512: {  	v1 =	vld [tilespmem:s6+$0x6000];
	_ =	sdelay $0x1  }
0x513: {  	s7 =	sand.u32 $0x380, s5  }
0x514: {  	s4 =	sor.u32 s7, s10  }
0x515: {  	v4 =	vld [tilespmem:s4+$0x0]  }
0x516: {  	v5 =	vld [tilespmem:s4+$0x6000];
	v1 =	vadd.f32 v1, v0  }
0x517: {  	v6 =	vld [tilespmem:s4+$0x8000]  }
0x518: {  	v7 =	vld [tilespmem:s4+$0xA000];
	[tilespmem:s6+$0x6000] =	vst v1  }
0x519: {  	v1 =	vld [tilespmem:s4+$0xC070]  }
0x51a: {  	v2 =	vld [tilespmem:s4+$0x8070]  }
0x51b: {  	v3 =	vld [tilespmem:s4+$0xA070]  }
0x51c: {  	v8 =	vld [tilespmem:s4+$0xC000]  }
0x51d: {  	v62 =	vld [tilespmem:s4+$0x10]  }
0x51e: {  	v10 =	vld [tilespmem:s4+$0x6010];
	v1 =	vadd.f32 v1, v0  }
0x51f: {  	v11 =	vld [tilespmem:s4+$0x8010];
	v2 =	vadd.f32 v2, v0  }
0x520: {  	v63 =	vld [tilespmem:s4+$0x30];
	v0 =	vadd.f32 v3, v0;
	[tilespmem:s4+$0xC070] =	vst v1  }
0x521: {  	v3 =	vld [tilespmem:s4+$0xC010];
	[tilespmem:s4+$0x8070] =	vst v2;
	v2 =	vadd.f32 v5, v4  }
0x522: {  	v1 =	vld [tilespmem:s4+$0xA010];
	[tilespmem:s4+$0xA070] =	vst v0;
	v0 =	vadd.f32 v6, v4  }
0x523: {  	v5 =	vld [tilespmem:s4+$0x20];
	[tilespmem:s4+$0x6000] =	vst v2;
	v2 =	vadd.f32 v7, v4  }
0x524: {  	v6 =	vld [tilespmem:s4+$0x6020];
	[tilespmem:s4+$0x8000] =	vst v0;
	v0 =	vadd.f32 v8, v4  }
0x525: {  	v4 =	vld [tilespmem:s4+$0x8020];
	[tilespmem:s4+$0xA000] =	vst v2;
	v2 =	vadd.f32 v10, v62  }
0x526: {  	v7 =	vld [tilespmem:s4+$0xA020];
	[tilespmem:s4+$0xC000] =	vst v0;
	v0 =	vadd.f32 v11, v62  }
0x527: {  	v8 =	vld [tilespmem:s4+$0xC020];
	v1 =	vadd.f32 v1, v62;
	[tilespmem:s4+$0x6010] =	vst v2  }
0x528: {  	[tilespmem:s4+$0x8010] =	vst v0;
	v0 =	vadd.f32 v3, v62;
	v2 =	vld [tilespmem:s4+$0x6030]  }
0x529: {  	v3 =	vld [tilespmem:s4+$0x8030];
	[tilespmem:s4+$0xA010] =	vst v1;
	v1 =	vadd.f32 v6, v5  }
0x52a: {  	v6 =	vld [tilespmem:s4+$0xA030];
	[tilespmem:s4+$0xC010] =	vst v0;
	v0 =	vadd.f32 v4, v5  }
0x52b: {  	[tilespmem:s4+$0x6020] =	vst v1;
	v1 =	vadd.f32 v7, v5;
	v7 =	vld [tilespmem:s4+$0xC030]  }
0x52c: {  	v4 =	vld [tilespmem:s4+$0x6040];
	v5 =	vadd.f32 v8, v5;
	[tilespmem:s4+$0x8020] =	vst v0  }
0x52d: {  	v0 =	vld [tilespmem:s4+$0x40];
	[tilespmem:s4+$0xA020] =	vst v1;
	v1 =	vadd.f32 v2, v63  }
0x52e: {  	[tilespmem:s4+$0xC020] =	vst v5;
	v3 =	vadd.f32 v3, v63;
	v2 =	vld [tilespmem:s4+$0x8040]  }
0x52f: {  	v6 =	vadd.f32 v6, v63;
	[tilespmem:s4+$0x6030] =	vst v1;
	v1 =	vld [tilespmem:s4+$0xA040]  }
0x530: {  	s7 =	simm.s32 $0x400;
	s6 =	simm.s32 $0x0;
	[tilespmem:s4+$0x8030] =	vst v3;
	v3 =	vld [tilespmem:s4+$0xC040];
	v5 =	vadd.f32 v7, v63  }
.LBB2_26:
0x531: {  	s8 =	sand.u32 $0x1C00, s7;
	[tilespmem:s4+$0xA030] =	vst v6;
	v6 =	vld [tilespmem:s4+$0x50];
	s5 =	sadd.s32 $0x10, s5  }
0x532: {  	s6 =	sadd.s32 $0x80, s6;
	s9 =	sor.u32 s8, s5;
	[tilespmem:s4+$0xC030] =	vst v5;
	v4 =	vadd.f32 v4, v0;
	v5 =	vld [tilespmem:s4+$0x6050]  }
0x533: {  	p0 =	slt.u32 s6, $0x1F80;
	s9 =	sor.u32 $0x70, s9;
	v2 =	vadd.f32 v2, v0;
	v7 =	vld [tilespmem:s4+$0x8050]  }
0x534: {  	v8 =	vld [tilespmem:s9+$0x0];
	[tilespmem:s4+$0x6040] =	vst v4;
	v1 =	vadd.f32 v1, v0  }
0x535: {  	v4 =	vld [tilespmem:s9+$0x6000];
	[tilespmem:s4+$0x8040] =	vst v2;
	v0 =	vadd.f32 v3, v0  }
0x536: {  	[tilespmem:s4+$0xA040] =	vst v1;
	v1 =	vld [tilespmem:s4+$0xA050]  }
0x537: {  	[tilespmem:s4+$0xC040] =	vst v0;
	v0 =	vadd.f32 v5, v6;
	v2 =	vld [tilespmem:s4+$0xC050]  }
0x538: {  	v3 =	vadd.f32 v7, v6;
	v5 =	vld [tilespmem:s4+$0x60]  }
0x539: {  	[tilespmem:s4+$0x6050] =	vst v0;
	v0 =	vld [tilespmem:s4+$0x6060]  }
0x53a: {  	v4 =	vadd.f32 v4, v8;
	[tilespmem:s4+$0x8050] =	vst v3;
	v3 =	vld [tilespmem:s4+$0x8060]  }
0x53b: {  	s10 =	sand.u32 $0x380, s5;
	v1 =	vadd.f32 v1, v6;
	v7 =	vld [tilespmem:s4+$0xA060]  }
0x53c: {  	s8 =	sor.u32 s10, s8;
	[tilespmem:s9+$0x6000] =	vst v4;
	v2 =	vadd.f32 v2, v6;
	v4 =	vld [tilespmem:s4+$0xC060]  }
0x53d: {  	v6 =	vld [tilespmem:s8+$0xC070];
	[tilespmem:s4+$0xA050] =	vst v1  }
0x53e: {  	v1 =	vld [tilespmem:s8+$0x8070];
	[tilespmem:s4+$0xC050] =	vst v2;
	v0 =	vadd.f32 v0, v5  }
0x53f: {  	v2 =	vld [tilespmem:s8+$0xA070];
	v3 =	vadd.f32 v3, v5  }
0x540: {  	v9 =	vld [tilespmem:s8+$0x0];
	[tilespmem:s4+$0x6060] =	vst v0;
	v0 =	vadd.f32 v7, v5  }
0x541: {  	v7 =	vld [tilespmem:s8+$0x6000];
	[tilespmem:s4+$0x8060] =	vst v3;
	v3 =	vadd.f32 v4, v5  }
0x542: {  	v4 =	vld [tilespmem:s8+$0x8000];
	v5 =	vadd.f32 v6, v8;
	[tilespmem:s4+$0xA060] =	vst v0  }
0x543: {  	v0 =	vld [tilespmem:s8+$0xA000];
	v1 =	vadd.f32 v1, v8;
	[tilespmem:s4+$0xC060] =	vst v3;
	s4 =	smov.u32 s8  }
0x544: {  	v3 =	vld [tilespmem:s4+$0xC000];
	v2 =	vadd.f32 v2, v8;
	[tilespmem:s4+$0xC070] =	vst v5  }
0x545: {  	v5 =	vld [tilespmem:s4+$0x10];
	[tilespmem:s4+$0x8070] =	vst v1  }
0x546: {  	v1 =	vadd.f32 v7, v9;
	v6 =	vld [tilespmem:s4+$0x6010];
	[tilespmem:s4+$0xA070] =	vst v2  }
0x547: {  	v2 =	vadd.f32 v4, v9;
	v4 =	vld [tilespmem:s4+$0x8010]  }
0x548: {  	[tilespmem:s4+$0x6000] =	vst v1;
	v0 =	vadd.f32 v0, v9;
	v1 =	vld [tilespmem:s4+$0xA010]  }
0x549: {  	[tilespmem:s4+$0x8000] =	vst v2;
	v2 =	vadd.f32 v3, v9;
	v3 =	vld [tilespmem:s4+$0xC010]  }
0x54a: {  	[tilespmem:s4+$0xA000] =	vst v0;
	v0 =	vld [tilespmem:s4+$0x20]  }
0x54b: {  	[tilespmem:s4+$0xC000] =	vst v2;
	v2 =	vadd.f32 v6, v5;
	v6 =	vld [tilespmem:s4+$0x6020]  }
0x54c: {  	v4 =	vadd.f32 v4, v5;
	v7 =	vld [tilespmem:s4+$0x8020]  }
0x54d: {  	[tilespmem:s4+$0x6010] =	vst v2;
	v1 =	vadd.f32 v1, v5;
	v2 =	vld [tilespmem:s4+$0xA020]  }
0x54e: {  	[tilespmem:s4+$0x8010] =	vst v4;
	v3 =	vadd.f32 v3, v5;
	v4 =	vld [tilespmem:s4+$0xC020]  }
0x54f: {  	[tilespmem:s4+$0xA010] =	vst v1;
	v5 =	vld [tilespmem:s4+$0x30]  }
0x550: {  	[tilespmem:s4+$0xC010] =	vst v3;
	v1 =	vadd.f32 v6, v0;
	v3 =	vld [tilespmem:s4+$0x6030]  }
0x551: {  	v6 =	vadd.f32 v7, v0;
	v7 =	vld [tilespmem:s4+$0x8030]  }
0x552: {  	[tilespmem:s4+$0x6020] =	vst v1;
	v1 =	vadd.f32 v2, v0;
	v8 =	vld [tilespmem:s4+$0xA030]  }
0x553: {  	[tilespmem:s4+$0x8020] =	vst v6;
	v2 =	vadd.f32 v4, v0;
	v9 =	vld [tilespmem:s4+$0xC030]  }
.Ltmp12:
0x554: {  	[tilespmem:s4+$0xA020] =	vst v1;
	v0 =	vld [tilespmem:s4+$0x40];
	(pc) =	sbr.rel @p0 .LBB2_26-.Ltmp12, $4  }
0x555: {  	[tilespmem:s4+$0xC020] =	vst v2;
	v1 =	vadd.f32 v3, v5;
	v4 =	vld [tilespmem:s4+$0x6040]  }
0x556: {  	v3 =	vadd.f32 v7, v5;
	v2 =	vld [tilespmem:s4+$0x8040]  }
0x557: {  	[tilespmem:s4+$0x6030] =	vst v1;
	v6 =	vadd.f32 v8, v5;
	v1 =	vld [tilespmem:s4+$0xA040]  }
0x558: {  	s7 =	sadd.s32 $0x400, s7;
	[tilespmem:s4+$0x8030] =	vst v3;
	v5 =	vadd.f32 v9, v5;
	v3 =	vld [tilespmem:s4+$0xC040]  }
0x559: {  	v7 =	vld [tilespmem:s4+$0x50]  }
0x55a: {  	v8 =	vld [tilespmem:s4+$0x6050]  }
0x55b: {  	v9 =	vld [tilespmem:s4+$0x8050]  }
0x55c: {  	[tilespmem:s4+$0xA030] =	vst v6;
	v6 =	vld [tilespmem:s4+$0xA050];
	v4 =	vadd.f32 v4, v0  }
0x55d: {  	[tilespmem:s4+$0xC030] =	vst v5;
	v5 =	vld [tilespmem:s4+$0xC050];
	v2 =	vadd.f32 v2, v0  }
0x55e: {  	[tilespmem:s4+$0x6040] =	vst v4;
	v1 =	vadd.f32 v1, v0;
	v4 =	vld [tilespmem:s4+$0x60]  }
0x55f: {  	[tilespmem:s4+$0x8040] =	vst v2;
	v0 =	vadd.f32 v3, v0;
	v2 =	vld [tilespmem:s4+$0x6060]  }
0x560: {  	v3 =	vld [tilespmem:s4+$0x8060];
	[tilespmem:s4+$0xA040] =	vst v1;
	v1 =	vadd.f32 v8, v7  }
0x561: {  	v8 =	vld [tilespmem:s4+$0xA060];
	[tilespmem:s4+$0xC040] =	vst v0;
	v0 =	vadd.f32 v9, v7  }
0x562: {  	[tilespmem:s4+$0x6050] =	vst v1;
	v1 =	vadd.f32 v6, v7;
	v6 =	vld [tilespmem:s4+$0xC060]  }
0x563: {  	[tilespmem:s4+$0x8050] =	vst v0;
	v0 =	vadd.f32 v5, v7  }
0x564: {  	[tilespmem:s4+$0xA050] =	vst v1;
	v1 =	vadd.f32 v2, v4  }
0x565: {  	[tilespmem:s4+$0xC050] =	vst v0;
	v0 =	vadd.f32 v3, v4  }
0x566: {  	[tilespmem:s4+$0x6060] =	vst v1;
	v1 =	vadd.f32 v8, v4  }
0x567: {  	[tilespmem:s4+$0x8060] =	vst v0;
	v0 =	vadd.f32 v6, v4  }
0x568: {  	[tilespmem:s4+$0xA060] =	vst v1  }
0x569: {  	[tilespmem:s4+$0xC060] =	vst v0  }
0x56a: {  	s4 =	sld [smem:$0x7FA];
	_ =	sdelay $0x2  }
0x56b: {  	[hbm4b:s4+s21] =	stream.strided.scatter [tilespmem:s23], [sflag:$0x4], $0x8000, s22, s21, $0x38;
	[tilespmem:$0x1E000] =	vst v63  }
0x56c: {  	_ =	swait.ge [sflag:s26], $0x2000  }
0x56d: {  	[sflag:s26] =	ssyncset.done $0x0  }
0x56e: {  	[sflag:s26] =	ssyncadd.s32 $0xFFFFE000  }
0x56f: {  	_ =	swait.ge [sflag:s26], $0x8000  }
0x570: {  	[sflag:s26] =	ssyncset.done $0x0  }
0x571: {  	[sflag:s26] =	ssyncadd.s32 $0xFFFF8000  }
0x572: {  	s5 =	simm.s32 $0x0;
	_ =	swait.ge [sflag:s2], $0x8000  }
0x573: {  	s10 =	sand.u32 $0x1C00, s5;
	[sflag:s2] =	ssyncset.done $0x0  }
0x574: {  	s6 =	sor.u32 s10, s5;
	[sflag:s2] =	ssyncadd.s32 $0xFFFF8000  }
0x575: {  	[tilespmem:s28], [sflag:$0x3] =	stream.linear.gather [hbm4b:s14+s5], $0x2000, $0x38;
	[tilespmem:$0x1E000] =	vst v63  }
0x576: {  	s6 =	sor.u32 $0x70, s6  }
0x577: {  	[tilespmem:s29], [sflag:$0x3] =	stream.strided.gather [hbm4b:s16+s21], $0x8000, s22, s21, $0x38;
	[tilespmem:$0x1E000] =	vst v63  }
0x578: {  	v0 =	vld [tilespmem:s6+$0x2000]  }
0x579: {  	v1 =	vld [tilespmem:s6+$0xE000];
	_ =	sdelay $0x1  }
0x57a: {  	s7 =	sand.u32 $0x380, s5  }
0x57b: {  	s4 =	sor.u32 s7, s10  }
0x57c: {  	v4 =	vld [tilespmem:s4+$0x2000]  }
0x57d: {  	v5 =	vld [tilespmem:s4+$0xE000];
	v1 =	vadd.f32 v1, v0  }
0x57e: {  	v6 =	vld [tilespmem:s4+$0x10000]  }
0x57f: {  	v7 =	vld [tilespmem:s4+$0x12000];
	[tilespmem:s6+$0xE000] =	vst v1  }
0x580: {  	v1 =	vld [tilespmem:s4+$0x14070]  }
0x581: {  	v2 =	vld [tilespmem:s4+$0x10070]  }
0x582: {  	v3 =	vld [tilespmem:s4+$0x12070]  }
0x583: {  	v8 =	vld [tilespmem:s4+$0x14000]  }
0x584: {  	v62 =	vld [tilespmem:s4+$0x2010]  }
0x585: {  	v10 =	vld [tilespmem:s4+$0xE010];
	v1 =	vadd.f32 v1, v0  }
0x586: {  	v11 =	vld [tilespmem:s4+$0x10010];
	v2 =	vadd.f32 v2, v0  }
0x587: {  	v63 =	vld [tilespmem:s4+$0x2030];
	v0 =	vadd.f32 v3, v0;
	[tilespmem:s4+$0x14070] =	vst v1  }
0x588: {  	v3 =	vld [tilespmem:s4+$0x14010];
	[tilespmem:s4+$0x10070] =	vst v2;
	v2 =	vadd.f32 v5, v4  }
0x589: {  	v1 =	vld [tilespmem:s4+$0x12010];
	[tilespmem:s4+$0x12070] =	vst v0;
	v0 =	vadd.f32 v6, v4  }
0x58a: {  	v5 =	vld [tilespmem:s4+$0x2020];
	[tilespmem:s4+$0xE000] =	vst v2;
	v2 =	vadd.f32 v7, v4  }
0x58b: {  	v6 =	vld [tilespmem:s4+$0xE020];
	[tilespmem:s4+$0x10000] =	vst v0;
	v0 =	vadd.f32 v8, v4  }
0x58c: {  	v4 =	vld [tilespmem:s4+$0x10020];
	[tilespmem:s4+$0x12000] =	vst v2;
	v2 =	vadd.f32 v10, v62  }
0x58d: {  	v7 =	vld [tilespmem:s4+$0x12020];
	[tilespmem:s4+$0x14000] =	vst v0;
	v0 =	vadd.f32 v11, v62  }
0x58e: {  	v8 =	vld [tilespmem:s4+$0x14020];
	v1 =	vadd.f32 v1, v62;
	[tilespmem:s4+$0xE010] =	vst v2  }
0x58f: {  	[tilespmem:s4+$0x10010] =	vst v0;
	v0 =	vadd.f32 v3, v62;
	v2 =	vld [tilespmem:s4+$0xE030]  }
0x590: {  	v3 =	vld [tilespmem:s4+$0x10030];
	[tilespmem:s4+$0x12010] =	vst v1;
	v1 =	vadd.f32 v6, v5  }
0x591: {  	v6 =	vld [tilespmem:s4+$0x12030];
	[tilespmem:s4+$0x14010] =	vst v0;
	v0 =	vadd.f32 v4, v5  }
0x592: {  	[tilespmem:s4+$0xE020] =	vst v1;
	v1 =	vadd.f32 v7, v5;
	v7 =	vld [tilespmem:s4+$0x14030]  }
0x593: {  	v4 =	vld [tilespmem:s4+$0xE040];
	v5 =	vadd.f32 v8, v5;
	[tilespmem:s4+$0x10020] =	vst v0  }
0x594: {  	v0 =	vld [tilespmem:s4+$0x2040];
	[tilespmem:s4+$0x12020] =	vst v1;
	v1 =	vadd.f32 v2, v63  }
0x595: {  	[tilespmem:s4+$0x14020] =	vst v5;
	v3 =	vadd.f32 v3, v63;
	v2 =	vld [tilespmem:s4+$0x10040]  }
0x596: {  	v6 =	vadd.f32 v6, v63;
	[tilespmem:s4+$0xE030] =	vst v1;
	v1 =	vld [tilespmem:s4+$0x12040]  }
0x597: {  	s7 =	simm.s32 $0x400;
	s6 =	simm.s32 $0x0;
	[tilespmem:s4+$0x10030] =	vst v3;
	v3 =	vld [tilespmem:s4+$0x14040];
	v5 =	vadd.f32 v7, v63  }
.LBB2_28:
0x598: {  	s8 =	sand.u32 $0x1C00, s7;
	[tilespmem:s4+$0x12030] =	vst v6;
	v6 =	vld [tilespmem:s4+$0x2050];
	s5 =	sadd.s32 $0x10, s5  }
0x599: {  	s6 =	sadd.s32 $0x80, s6;
	s9 =	sor.u32 s8, s5;
	[tilespmem:s4+$0x14030] =	vst v5;
	v4 =	vadd.f32 v4, v0;
	v5 =	vld [tilespmem:s4+$0xE050]  }
0x59a: {  	p0 =	slt.u32 s6, $0x1F80;
	s9 =	sor.u32 $0x70, s9;
	v2 =	vadd.f32 v2, v0;
	v7 =	vld [tilespmem:s4+$0x10050]  }
0x59b: {  	v8 =	vld [tilespmem:s9+$0x2000];
	[tilespmem:s4+$0xE040] =	vst v4;
	v1 =	vadd.f32 v1, v0  }
0x59c: {  	v4 =	vld [tilespmem:s9+$0xE000];
	[tilespmem:s4+$0x10040] =	vst v2;
	v0 =	vadd.f32 v3, v0  }
0x59d: {  	[tilespmem:s4+$0x12040] =	vst v1;
	v1 =	vld [tilespmem:s4+$0x12050]  }
0x59e: {  	[tilespmem:s4+$0x14040] =	vst v0;
	v0 =	vadd.f32 v5, v6;
	v2 =	vld [tilespmem:s4+$0x14050]  }
0x59f: {  	v3 =	vadd.f32 v7, v6;
	v5 =	vld [tilespmem:s4+$0x2060]  }
0x5a0: {  	[tilespmem:s4+$0xE050] =	vst v0;
	v0 =	vld [tilespmem:s4+$0xE060]  }
0x5a1: {  	v4 =	vadd.f32 v4, v8;
	[tilespmem:s4+$0x10050] =	vst v3;
	v3 =	vld [tilespmem:s4+$0x10060]  }
0x5a2: {  	s10 =	sand.u32 $0x380, s5;
	v1 =	vadd.f32 v1, v6;
	v7 =	vld [tilespmem:s4+$0x12060]  }
0x5a3: {  	s8 =	sor.u32 s10, s8;
	[tilespmem:s9+$0xE000] =	vst v4;
	v2 =	vadd.f32 v2, v6;
	v4 =	vld [tilespmem:s4+$0x14060]  }
0x5a4: {  	v6 =	vld [tilespmem:s8+$0x14070];
	[tilespmem:s4+$0x12050] =	vst v1  }
0x5a5: {  	v1 =	vld [tilespmem:s8+$0x10070];
	[tilespmem:s4+$0x14050] =	vst v2;
	v0 =	vadd.f32 v0, v5  }
0x5a6: {  	v2 =	vld [tilespmem:s8+$0x12070];
	v3 =	vadd.f32 v3, v5  }
0x5a7: {  	v9 =	vld [tilespmem:s8+$0x2000];
	[tilespmem:s4+$0xE060] =	vst v0;
	v0 =	vadd.f32 v7, v5  }
0x5a8: {  	v7 =	vld [tilespmem:s8+$0xE000];
	[tilespmem:s4+$0x10060] =	vst v3;
	v3 =	vadd.f32 v4, v5  }
0x5a9: {  	v4 =	vld [tilespmem:s8+$0x10000];
	v5 =	vadd.f32 v6, v8;
	[tilespmem:s4+$0x12060] =	vst v0  }
0x5aa: {  	v0 =	vld [tilespmem:s8+$0x12000];
	v1 =	vadd.f32 v1, v8;
	[tilespmem:s4+$0x14060] =	vst v3;
	s4 =	smov.u32 s8  }
0x5ab: {  	v3 =	vld [tilespmem:s4+$0x14000];
	v2 =	vadd.f32 v2, v8;
	[tilespmem:s4+$0x14070] =	vst v5  }
0x5ac: {  	v5 =	vld [tilespmem:s4+$0x2010];
	[tilespmem:s4+$0x10070] =	vst v1  }
0x5ad: {  	v1 =	vadd.f32 v7, v9;
	v6 =	vld [tilespmem:s4+$0xE010];
	[tilespmem:s4+$0x12070] =	vst v2  }
0x5ae: {  	v2 =	vadd.f32 v4, v9;
	v4 =	vld [tilespmem:s4+$0x10010]  }
0x5af: {  	[tilespmem:s4+$0xE000] =	vst v1;
	v0 =	vadd.f32 v0, v9;
	v1 =	vld [tilespmem:s4+$0x12010]  }
0x5b0: {  	[tilespmem:s4+$0x10000] =	vst v2;
	v2 =	vadd.f32 v3, v9;
	v3 =	vld [tilespmem:s4+$0x14010]  }
0x5b1: {  	[tilespmem:s4+$0x12000] =	vst v0;
	v0 =	vld [tilespmem:s4+$0x2020]  }
0x5b2: {  	[tilespmem:s4+$0x14000] =	vst v2;
	v2 =	vadd.f32 v6, v5;
	v6 =	vld [tilespmem:s4+$0xE020]  }
0x5b3: {  	v4 =	vadd.f32 v4, v5;
	v7 =	vld [tilespmem:s4+$0x10020]  }
0x5b4: {  	[tilespmem:s4+$0xE010] =	vst v2;
	v1 =	vadd.f32 v1, v5;
	v2 =	vld [tilespmem:s4+$0x12020]  }
0x5b5: {  	[tilespmem:s4+$0x10010] =	vst v4;
	v3 =	vadd.f32 v3, v5;
	v4 =	vld [tilespmem:s4+$0x14020]  }
0x5b6: {  	[tilespmem:s4+$0x12010] =	vst v1;
	v5 =	vld [tilespmem:s4+$0x2030]  }
0x5b7: {  	[tilespmem:s4+$0x14010] =	vst v3;
	v1 =	vadd.f32 v6, v0;
	v3 =	vld [tilespmem:s4+$0xE030]  }
0x5b8: {  	v6 =	vadd.f32 v7, v0;
	v7 =	vld [tilespmem:s4+$0x10030]  }
0x5b9: {  	[tilespmem:s4+$0xE020] =	vst v1;
	v1 =	vadd.f32 v2, v0;
	v8 =	vld [tilespmem:s4+$0x12030]  }
0x5ba: {  	[tilespmem:s4+$0x10020] =	vst v6;
	v2 =	vadd.f32 v4, v0;
	v9 =	vld [tilespmem:s4+$0x14030]  }
.Ltmp13:
0x5bb: {  	[tilespmem:s4+$0x12020] =	vst v1;
	v0 =	vld [tilespmem:s4+$0x2040];
	(pc) =	sbr.rel @p0 .LBB2_28-.Ltmp13, $4  }
0x5bc: {  	[tilespmem:s4+$0x14020] =	vst v2;
	v1 =	vadd.f32 v3, v5;
	v4 =	vld [tilespmem:s4+$0xE040]  }
0x5bd: {  	v3 =	vadd.f32 v7, v5;
	v2 =	vld [tilespmem:s4+$0x10040]  }
0x5be: {  	[tilespmem:s4+$0xE030] =	vst v1;
	v6 =	vadd.f32 v8, v5;
	v1 =	vld [tilespmem:s4+$0x12040]  }
0x5bf: {  	s7 =	sadd.s32 $0x400, s7;
	[tilespmem:s4+$0x10030] =	vst v3;
	v5 =	vadd.f32 v9, v5;
	v3 =	vld [tilespmem:s4+$0x14040]  }
0x5c0: {  	v7 =	vld [tilespmem:s4+$0x2050]  }
0x5c1: {  	v8 =	vld [tilespmem:s4+$0xE050]  }
0x5c2: {  	v9 =	vld [tilespmem:s4+$0x10050]  }
0x5c3: {  	[tilespmem:s4+$0x12030] =	vst v6;
	v6 =	vld [tilespmem:s4+$0x12050];
	v4 =	vadd.f32 v4, v0  }
0x5c4: {  	[tilespmem:s4+$0x14030] =	vst v5;
	v5 =	vld [tilespmem:s4+$0x14050];
	v2 =	vadd.f32 v2, v0  }
0x5c5: {  	[tilespmem:s4+$0xE040] =	vst v4;
	v1 =	vadd.f32 v1, v0;
	v4 =	vld [tilespmem:s4+$0x2060]  }
0x5c6: {  	[tilespmem:s4+$0x10040] =	vst v2;
	v0 =	vadd.f32 v3, v0;
	v2 =	vld [tilespmem:s4+$0xE060]  }
0x5c7: {  	v3 =	vld [tilespmem:s4+$0x10060];
	[tilespmem:s4+$0x12040] =	vst v1;
	v1 =	vadd.f32 v8, v7  }
0x5c8: {  	v8 =	vld [tilespmem:s4+$0x12060];
	[tilespmem:s4+$0x14040] =	vst v0;
	v0 =	vadd.f32 v9, v7  }
0x5c9: {  	[tilespmem:s4+$0xE050] =	vst v1;
	v1 =	vadd.f32 v6, v7;
	v6 =	vld [tilespmem:s4+$0x14060]  }
0x5ca: {  	[tilespmem:s4+$0x10050] =	vst v0;
	v0 =	vadd.f32 v5, v7  }
0x5cb: {  	[tilespmem:s4+$0x12050] =	vst v1;
	v1 =	vadd.f32 v2, v4  }
0x5cc: {  	[tilespmem:s4+$0x14050] =	vst v0;
	v0 =	vadd.f32 v3, v4  }
0x5cd: {  	[tilespmem:s4+$0xE060] =	vst v1;
	v1 =	vadd.f32 v8, v4  }
0x5ce: {  	[tilespmem:s4+$0x10060] =	vst v0;
	v0 =	vadd.f32 v6, v4  }
0x5cf: {  	[tilespmem:s4+$0x12060] =	vst v1  }
0x5d0: {  	[tilespmem:s4+$0x14060] =	vst v0  }
0x5d1: {  	s4 =	sld [smem:$0x7FD];
	_ =	sdelay $0x2  }
0x5d2: {  	[hbm4b:s4+s21] =	stream.strided.scatter [tilespmem:s25], [sflag:$0x5], $0x8000, s22, s21, $0x38;
	[tilespmem:$0x1E000] =	vst v63  }
0x5d3: {  	_ =	swait.ge [sflag:s30], $0x2000  }
0x5d4: {  	[sflag:s30] =	ssyncset.done $0x0  }
0x5d5: {  	[sflag:s30] =	ssyncadd.s32 $0xFFFFE000  }
0x5d6: {  	_ =	swait.ge [sflag:s30], $0x8000  }
0x5d7: {  	[sflag:s30] =	ssyncset.done $0x0  }
0x5d8: {  	[sflag:s30] =	ssyncadd.s32 $0xFFFF8000  }
0x5d9: {  	s5 =	simm.s32 $0x0;
	_ =	swait.ge [sflag:s31], $0x8000  }
0x5da: {  	s10 =	sand.u32 $0x1C00, s5;
	[sflag:s31] =	ssyncset.done $0x0  }
0x5db: {  	s6 =	sor.u32 s10, s5;
	[sflag:s31] =	ssyncadd.s32 $0xFFFF8000  }
0x5dc: {  	[tilespmem:s5], [sflag:$0x1] =	stream.linear.gather [hbm4b:s15+s5], $0x2000, $0x38;
	[tilespmem:$0x1E000] =	vst v63  }
0x5dd: {  	s6 =	sor.u32 $0x70, s6  }
0x5de: {  	[tilespmem:s23], [sflag:$0x1] =	stream.strided.gather [hbm4b:s17+s21], $0x8000, s22, s21, $0x38;
	[tilespmem:$0x1E000] =	vst v63  }
0x5df: {  	v0 =	vld [tilespmem:s6+$0x4000]  }
0x5e0: {  	v1 =	vld [tilespmem:s6+$0x16000];
	_ =	sdelay $0x1  }
0x5e1: {  	s7 =	sand.u32 $0x380, s5  }
0x5e2: {  	s4 =	sor.u32 s7, s10  }
0x5e3: {  	v4 =	vld [tilespmem:s4+$0x4000]  }
0x5e4: {  	v5 =	vld [tilespmem:s4+$0x16000];
	v1 =	vadd.f32 v1, v0  }
0x5e5: {  	v6 =	vld [tilespmem:s4+$0x18000]  }
0x5e6: {  	v7 =	vld [tilespmem:s4+$0x1A000];
	[tilespmem:s6+$0x16000] =	vst v1  }
0x5e7: {  	v1 =	vld [tilespmem:s4+$0x1C070]  }
0x5e8: {  	v2 =	vld [tilespmem:s4+$0x18070]  }
0x5e9: {  	v3 =	vld [tilespmem:s4+$0x1A070]  }
0x5ea: {  	v8 =	vld [tilespmem:s4+$0x1C000]  }
0x5eb: {  	v62 =	vld [tilespmem:s4+$0x4010]  }
0x5ec: {  	v10 =	vld [tilespmem:s4+$0x16010];
	v1 =	vadd.f32 v1, v0  }
0x5ed: {  	v11 =	vld [tilespmem:s4+$0x18010];
	v2 =	vadd.f32 v2, v0  }
0x5ee: {  	v63 =	vld [tilespmem:s4+$0x4030];
	v0 =	vadd.f32 v3, v0;
	[tilespmem:s4+$0x1C070] =	vst v1  }
0x5ef: {  	v3 =	vld [tilespmem:s4+$0x1C010];
	[tilespmem:s4+$0x18070] =	vst v2;
	v2 =	vadd.f32 v5, v4  }
0x5f0: {  	v1 =	vld [tilespmem:s4+$0x1A010];
	[tilespmem:s4+$0x1A070] =	vst v0;
	v0 =	vadd.f32 v6, v4  }
0x5f1: {  	v5 =	vld [tilespmem:s4+$0x4020];
	[tilespmem:s4+$0x16000] =	vst v2;
	v2 =	vadd.f32 v7, v4  }
0x5f2: {  	v6 =	vld [tilespmem:s4+$0x16020];
	[tilespmem:s4+$0x18000] =	vst v0;
	v0 =	vadd.f32 v8, v4  }
0x5f3: {  	v4 =	vld [tilespmem:s4+$0x18020];
	[tilespmem:s4+$0x1A000] =	vst v2;
	v2 =	vadd.f32 v10, v62  }
0x5f4: {  	v7 =	vld [tilespmem:s4+$0x1A020];
	[tilespmem:s4+$0x1C000] =	vst v0;
	v0 =	vadd.f32 v11, v62  }
0x5f5: {  	v8 =	vld [tilespmem:s4+$0x1C020];
	v1 =	vadd.f32 v1, v62;
	[tilespmem:s4+$0x16010] =	vst v2  }
0x5f6: {  	[tilespmem:s4+$0x18010] =	vst v0;
	v0 =	vadd.f32 v3, v62;
	v2 =	vld [tilespmem:s4+$0x16030]  }
0x5f7: {  	v3 =	vld [tilespmem:s4+$0x18030];
	[tilespmem:s4+$0x1A010] =	vst v1;
	v1 =	vadd.f32 v6, v5  }
0x5f8: {  	v6 =	vld [tilespmem:s4+$0x1A030];
	[tilespmem:s4+$0x1C010] =	vst v0;
	v0 =	vadd.f32 v4, v5  }
0x5f9: {  	[tilespmem:s4+$0x16020] =	vst v1;
	v1 =	vadd.f32 v7, v5;
	v7 =	vld [tilespmem:s4+$0x1C030]  }
0x5fa: {  	v4 =	vld [tilespmem:s4+$0x16040];
	v5 =	vadd.f32 v8, v5;
	[tilespmem:s4+$0x18020] =	vst v0  }
0x5fb: {  	v0 =	vld [tilespmem:s4+$0x4040];
	[tilespmem:s4+$0x1A020] =	vst v1;
	v1 =	vadd.f32 v2, v63  }
0x5fc: {  	[tilespmem:s4+$0x1C020] =	vst v5;
	v3 =	vadd.f32 v3, v63;
	v2 =	vld [tilespmem:s4+$0x18040]  }
0x5fd: {  	v6 =	vadd.f32 v6, v63;
	[tilespmem:s4+$0x16030] =	vst v1;
	v1 =	vld [tilespmem:s4+$0x1A040]  }
0x5fe: {  	s7 =	simm.s32 $0x400;
	s6 =	simm.s32 $0x0;
	[tilespmem:s4+$0x18030] =	vst v3;
	v3 =	vld [tilespmem:s4+$0x1C040];
	v5 =	vadd.f32 v7, v63  }
.LBB2_30:
0x5ff: {  	s8 =	sand.u32 $0x1C00, s7;
	[tilespmem:s4+$0x1A030] =	vst v6;
	v6 =	vld [tilespmem:s4+$0x4050];
	s5 =	sadd.s32 $0x10, s5  }
0x600: {  	s6 =	sadd.s32 $0x80, s6;
	s9 =	sor.u32 s8, s5;
	[tilespmem:s4+$0x1C030] =	vst v5;
	v4 =	vadd.f32 v4, v0;
	v5 =	vld [tilespmem:s4+$0x16050]  }
0x601: {  	p0 =	slt.u32 s6, $0x1F80;
	s9 =	sor.u32 $0x70, s9;
	v2 =	vadd.f32 v2, v0;
	v7 =	vld [tilespmem:s4+$0x18050]  }
0x602: {  	v8 =	vld [tilespmem:s9+$0x4000];
	[tilespmem:s4+$0x16040] =	vst v4;
	v1 =	vadd.f32 v1, v0  }
0x603: {  	v4 =	vld [tilespmem:s9+$0x16000];
	[tilespmem:s4+$0x18040] =	vst v2;
	v0 =	vadd.f32 v3, v0  }
0x604: {  	[tilespmem:s4+$0x1A040] =	vst v1;
	v1 =	vld [tilespmem:s4+$0x1A050]  }
0x605: {  	[tilespmem:s4+$0x1C040] =	vst v0;
	v0 =	vadd.f32 v5, v6;
	v2 =	vld [tilespmem:s4+$0x1C050]  }
0x606: {  	v3 =	vadd.f32 v7, v6;
	v5 =	vld [tilespmem:s4+$0x4060]  }
0x607: {  	[tilespmem:s4+$0x16050] =	vst v0;
	v0 =	vld [tilespmem:s4+$0x16060]  }
0x608: {  	v4 =	vadd.f32 v4, v8;
	[tilespmem:s4+$0x18050] =	vst v3;
	v3 =	vld [tilespmem:s4+$0x18060]  }
0x609: {  	s10 =	sand.u32 $0x380, s5;
	v1 =	vadd.f32 v1, v6;
	v7 =	vld [tilespmem:s4+$0x1A060]  }
0x60a: {  	s8 =	sor.u32 s10, s8;
	[tilespmem:s9+$0x16000] =	vst v4;
	v2 =	vadd.f32 v2, v6;
	v4 =	vld [tilespmem:s4+$0x1C060]  }
0x60b: {  	v6 =	vld [tilespmem:s8+$0x1C070];
	[tilespmem:s4+$0x1A050] =	vst v1  }
0x60c: {  	v1 =	vld [tilespmem:s8+$0x18070];
	[tilespmem:s4+$0x1C050] =	vst v2;
	v0 =	vadd.f32 v0, v5  }
0x60d: {  	v2 =	vld [tilespmem:s8+$0x1A070];
	v3 =	vadd.f32 v3, v5  }
0x60e: {  	v9 =	vld [tilespmem:s8+$0x4000];
	[tilespmem:s4+$0x16060] =	vst v0;
	v0 =	vadd.f32 v7, v5  }
0x60f: {  	v7 =	vld [tilespmem:s8+$0x16000];
	[tilespmem:s4+$0x18060] =	vst v3;
	v3 =	vadd.f32 v4, v5  }
0x610: {  	v4 =	vld [tilespmem:s8+$0x18000];
	v5 =	vadd.f32 v6, v8;
	[tilespmem:s4+$0x1A060] =	vst v0  }
0x611: {  	v0 =	vld [tilespmem:s8+$0x1A000];
	v1 =	vadd.f32 v1, v8;
	[tilespmem:s4+$0x1C060] =	vst v3;
	s4 =	smov.u32 s8  }
0x612: {  	v3 =	vld [tilespmem:s4+$0x1C000];
	v2 =	vadd.f32 v2, v8;
	[tilespmem:s4+$0x1C070] =	vst v5  }
0x613: {  	v5 =	vld [tilespmem:s4+$0x4010];
	[tilespmem:s4+$0x18070] =	vst v1  }
0x614: {  	v1 =	vadd.f32 v7, v9;
	v6 =	vld [tilespmem:s4+$0x16010];
	[tilespmem:s4+$0x1A070] =	vst v2  }
0x615: {  	v2 =	vadd.f32 v4, v9;
	v4 =	vld [tilespmem:s4+$0x18010]  }
0x616: {  	[tilespmem:s4+$0x16000] =	vst v1;
	v0 =	vadd.f32 v0, v9;
	v1 =	vld [tilespmem:s4+$0x1A010]  }
0x617: {  	[tilespmem:s4+$0x18000] =	vst v2;
	v2 =	vadd.f32 v3, v9;
	v3 =	vld [tilespmem:s4+$0x1C010]  }
0x618: {  	[tilespmem:s4+$0x1A000] =	vst v0;
	v0 =	vld [tilespmem:s4+$0x4020]  }
0x619: {  	[tilespmem:s4+$0x1C000] =	vst v2;
	v2 =	vadd.f32 v6, v5;
	v6 =	vld [tilespmem:s4+$0x16020]  }
0x61a: {  	v4 =	vadd.f32 v4, v5;
	v7 =	vld [tilespmem:s4+$0x18020]  }
0x61b: {  	[tilespmem:s4+$0x16010] =	vst v2;
	v1 =	vadd.f32 v1, v5;
	v2 =	vld [tilespmem:s4+$0x1A020]  }
0x61c: {  	[tilespmem:s4+$0x18010] =	vst v4;
	v3 =	vadd.f32 v3, v5;
	v4 =	vld [tilespmem:s4+$0x1C020]  }
0x61d: {  	[tilespmem:s4+$0x1A010] =	vst v1;
	v5 =	vld [tilespmem:s4+$0x4030]  }
0x61e: {  	[tilespmem:s4+$0x1C010] =	vst v3;
	v1 =	vadd.f32 v6, v0;
	v3 =	vld [tilespmem:s4+$0x16030]  }
0x61f: {  	v6 =	vadd.f32 v7, v0;
	v7 =	vld [tilespmem:s4+$0x18030]  }
0x620: {  	[tilespmem:s4+$0x16020] =	vst v1;
	v1 =	vadd.f32 v2, v0;
	v8 =	vld [tilespmem:s4+$0x1A030]  }
0x621: {  	[tilespmem:s4+$0x18020] =	vst v6;
	v2 =	vadd.f32 v4, v0;
	v9 =	vld [tilespmem:s4+$0x1C030]  }
.Ltmp14:
0x622: {  	[tilespmem:s4+$0x1A020] =	vst v1;
	v0 =	vld [tilespmem:s4+$0x4040];
	(pc) =	sbr.rel @p0 .LBB2_30-.Ltmp14, $4  }
0x623: {  	[tilespmem:s4+$0x1C020] =	vst v2;
	v1 =	vadd.f32 v3, v5;
	v4 =	vld [tilespmem:s4+$0x16040]  }
0x624: {  	v3 =	vadd.f32 v7, v5;
	v2 =	vld [tilespmem:s4+$0x18040]  }
0x625: {  	[tilespmem:s4+$0x16030] =	vst v1;
	v6 =	vadd.f32 v8, v5;
	v1 =	vld [tilespmem:s4+$0x1A040]  }
0x626: {  	s7 =	sadd.s32 $0x400, s7;
	[tilespmem:s4+$0x18030] =	vst v3;
	v5 =	vadd.f32 v9, v5;
	v3 =	vld [tilespmem:s4+$0x1C040]  }
0x627: {  	v7 =	vld [tilespmem:s4+$0x4050]  }
0x628: {  	v8 =	vld [tilespmem:s4+$0x16050]  }
0x629: {  	v9 =	vld [tilespmem:s4+$0x18050]  }
0x62a: {  	[tilespmem:s4+$0x1A030] =	vst v6;
	v6 =	vld [tilespmem:s4+$0x1A050];
	v4 =	vadd.f32 v4, v0  }
0x62b: {  	[tilespmem:s4+$0x1C030] =	vst v5;
	v5 =	vld [tilespmem:s4+$0x1C050];
	v2 =	vadd.f32 v2, v0  }
0x62c: {  	[tilespmem:s4+$0x16040] =	vst v4;
	v1 =	vadd.f32 v1, v0;
	v4 =	vld [tilespmem:s4+$0x4060]  }
0x62d: {  	[tilespmem:s4+$0x18040] =	vst v2;
	v0 =	vadd.f32 v3, v0;
	v2 =	vld [tilespmem:s4+$0x16060]  }
0x62e: {  	v3 =	vld [tilespmem:s4+$0x18060];
	[tilespmem:s4+$0x1A040] =	vst v1;
	v1 =	vadd.f32 v8, v7  }
0x62f: {  	v8 =	vld [tilespmem:s4+$0x1A060];
	[tilespmem:s4+$0x1C040] =	vst v0;
	v0 =	vadd.f32 v9, v7  }
0x630: {  	[tilespmem:s4+$0x16050] =	vst v1;
	v1 =	vadd.f32 v6, v7;
	v6 =	vld [tilespmem:s4+$0x1C060]  }
0x631: {  	[tilespmem:s4+$0x18050] =	vst v0;
	v0 =	vadd.f32 v5, v7  }
0x632: {  	[tilespmem:s4+$0x1A050] =	vst v1;
	v1 =	vadd.f32 v2, v4  }
0x633: {  	[tilespmem:s4+$0x1C050] =	vst v0;
	v0 =	vadd.f32 v3, v4  }
0x634: {  	[tilespmem:s4+$0x16060] =	vst v1;
	v1 =	vadd.f32 v8, v4  }
0x635: {  	[tilespmem:s4+$0x18060] =	vst v0;
	v0 =	vadd.f32 v6, v4  }
0x636: {  	[tilespmem:s4+$0x1A060] =	vst v1  }
0x637: {  	[tilespmem:s4+$0x1C060] =	vst v0  }
0x638: {  	[hbm4b:s18+s21] =	stream.strided.scatter [tilespmem:s29], [sflag:$0x6], $0x8000, s22, s21, $0x38;
	[tilespmem:$0x1E000] =	vst v63  }
0x639: {  	_ =	swait.ge [sflag:s24], $0x2000  }
0x63a: {  	[sflag:s24] =	ssyncset.done $0x0  }
0x63b: {  	s5 =	simm.s32 $0x0;
	[sflag:s24] =	ssyncadd.s32 $0xFFFFE000  }
0x63c: {  	s10 =	sand.u32 $0x1C00, s5;
	_ =	swait.ge [sflag:s24], $0x8000  }
0x63d: {  	s6 =	sor.u32 s10, s5;
	[sflag:s24] =	ssyncset.done $0x0  }
0x63e: {  	s6 =	sor.u32 $0x70, s6;
	[sflag:s24] =	ssyncadd.s32 $0xFFFF8000  }
0x63f: {  	v0 =	vld [tilespmem:s6+$0x0]  }
0x640: {  	v1 =	vld [tilespmem:s6+$0x6000];
	_ =	sdelay $0x1  }
0x641: {  	s7 =	sand.u32 $0x380, s5  }
0x642: {  	s4 =	sor.u32 s7, s10  }
0x643: {  	v4 =	vld [tilespmem:s4+$0x0]  }
0x644: {  	v5 =	vld [tilespmem:s4+$0x6000];
	v1 =	vadd.f32 v1, v0  }
0x645: {  	v6 =	vld [tilespmem:s4+$0x8000]  }
0x646: {  	v7 =	vld [tilespmem:s4+$0xA000];
	[tilespmem:s6+$0x6000] =	vst v1  }
0x647: {  	v1 =	vld [tilespmem:s4+$0xC070]  }
0x648: {  	v2 =	vld [tilespmem:s4+$0x8070]  }
0x649: {  	v3 =	vld [tilespmem:s4+$0xA070]  }
0x64a: {  	v8 =	vld [tilespmem:s4+$0xC000]  }
0x64b: {  	v62 =	vld [tilespmem:s4+$0x10]  }
0x64c: {  	v10 =	vld [tilespmem:s4+$0x6010];
	v1 =	vadd.f32 v1, v0  }
0x64d: {  	v11 =	vld [tilespmem:s4+$0x8010];
	v2 =	vadd.f32 v2, v0  }
0x64e: {  	v63 =	vld [tilespmem:s4+$0x30];
	v0 =	vadd.f32 v3, v0;
	[tilespmem:s4+$0xC070] =	vst v1  }
0x64f: {  	v3 =	vld [tilespmem:s4+$0xC010];
	[tilespmem:s4+$0x8070] =	vst v2;
	v2 =	vadd.f32 v5, v4  }
0x650: {  	v1 =	vld [tilespmem:s4+$0xA010];
	[tilespmem:s4+$0xA070] =	vst v0;
	v0 =	vadd.f32 v6, v4  }
0x651: {  	v5 =	vld [tilespmem:s4+$0x20];
	[tilespmem:s4+$0x6000] =	vst v2;
	v2 =	vadd.f32 v7, v4  }
0x652: {  	v6 =	vld [tilespmem:s4+$0x6020];
	[tilespmem:s4+$0x8000] =	vst v0;
	v0 =	vadd.f32 v8, v4  }
0x653: {  	v4 =	vld [tilespmem:s4+$0x8020];
	[tilespmem:s4+$0xA000] =	vst v2;
	v2 =	vadd.f32 v10, v62  }
0x654: {  	v7 =	vld [tilespmem:s4+$0xA020];
	[tilespmem:s4+$0xC000] =	vst v0;
	v0 =	vadd.f32 v11, v62  }
0x655: {  	v8 =	vld [tilespmem:s4+$0xC020];
	v1 =	vadd.f32 v1, v62;
	[tilespmem:s4+$0x6010] =	vst v2  }
0x656: {  	[tilespmem:s4+$0x8010] =	vst v0;
	v0 =	vadd.f32 v3, v62;
	v2 =	vld [tilespmem:s4+$0x6030]  }
0x657: {  	v3 =	vld [tilespmem:s4+$0x8030];
	[tilespmem:s4+$0xA010] =	vst v1;
	v1 =	vadd.f32 v6, v5  }
0x658: {  	v6 =	vld [tilespmem:s4+$0xA030];
	[tilespmem:s4+$0xC010] =	vst v0;
	v0 =	vadd.f32 v4, v5  }
0x659: {  	[tilespmem:s4+$0x6020] =	vst v1;
	v1 =	vadd.f32 v7, v5;
	v7 =	vld [tilespmem:s4+$0xC030]  }
0x65a: {  	v4 =	vld [tilespmem:s4+$0x6040];
	v5 =	vadd.f32 v8, v5;
	[tilespmem:s4+$0x8020] =	vst v0  }
0x65b: {  	v0 =	vld [tilespmem:s4+$0x40];
	[tilespmem:s4+$0xA020] =	vst v1;
	v1 =	vadd.f32 v2, v63  }
0x65c: {  	[tilespmem:s4+$0xC020] =	vst v5;
	v3 =	vadd.f32 v3, v63;
	v2 =	vld [tilespmem:s4+$0x8040]  }
0x65d: {  	v6 =	vadd.f32 v6, v63;
	[tilespmem:s4+$0x6030] =	vst v1;
	v1 =	vld [tilespmem:s4+$0xA040]  }
0x65e: {  	s7 =	simm.s32 $0x400;
	s6 =	simm.s32 $0x0;
	[tilespmem:s4+$0x8030] =	vst v3;
	v3 =	vld [tilespmem:s4+$0xC040];
	v5 =	vadd.f32 v7, v63  }
.LBB2_32:
0x65f: {  	s8 =	sand.u32 $0x1C00, s7;
	[tilespmem:s4+$0xA030] =	vst v6;
	v6 =	vld [tilespmem:s4+$0x50];
	s5 =	sadd.s32 $0x10, s5  }
0x660: {  	s6 =	sadd.s32 $0x80, s6;
	s9 =	sor.u32 s8, s5;
	[tilespmem:s4+$0xC030] =	vst v5;
	v4 =	vadd.f32 v4, v0;
	v5 =	vld [tilespmem:s4+$0x6050]  }
0x661: {  	p0 =	slt.u32 s6, $0x1F80;
	s9 =	sor.u32 $0x70, s9;
	v2 =	vadd.f32 v2, v0;
	v7 =	vld [tilespmem:s4+$0x8050]  }
0x662: {  	v8 =	vld [tilespmem:s9+$0x0];
	[tilespmem:s4+$0x6040] =	vst v4;
	v1 =	vadd.f32 v1, v0  }
0x663: {  	v4 =	vld [tilespmem:s9+$0x6000];
	[tilespmem:s4+$0x8040] =	vst v2;
	v0 =	vadd.f32 v3, v0  }
0x664: {  	[tilespmem:s4+$0xA040] =	vst v1;
	v1 =	vld [tilespmem:s4+$0xA050]  }
0x665: {  	[tilespmem:s4+$0xC040] =	vst v0;
	v0 =	vadd.f32 v5, v6;
	v2 =	vld [tilespmem:s4+$0xC050]  }
0x666: {  	v3 =	vadd.f32 v7, v6;
	v5 =	vld [tilespmem:s4+$0x60]  }
0x667: {  	[tilespmem:s4+$0x6050] =	vst v0;
	v0 =	vld [tilespmem:s4+$0x6060]  }
0x668: {  	v4 =	vadd.f32 v4, v8;
	[tilespmem:s4+$0x8050] =	vst v3;
	v3 =	vld [tilespmem:s4+$0x8060]  }
0x669: {  	s10 =	sand.u32 $0x380, s5;
	v1 =	vadd.f32 v1, v6;
	v7 =	vld [tilespmem:s4+$0xA060]  }
0x66a: {  	s8 =	sor.u32 s10, s8;
	[tilespmem:s9+$0x6000] =	vst v4;
	v2 =	vadd.f32 v2, v6;
	v4 =	vld [tilespmem:s4+$0xC060]  }
0x66b: {  	v6 =	vld [tilespmem:s8+$0xC070];
	[tilespmem:s4+$0xA050] =	vst v1  }
0x66c: {  	v1 =	vld [tilespmem:s8+$0x8070];
	[tilespmem:s4+$0xC050] =	vst v2;
	v0 =	vadd.f32 v0, v5  }
0x66d: {  	v2 =	vld [tilespmem:s8+$0xA070];
	v3 =	vadd.f32 v3, v5  }
0x66e: {  	v9 =	vld [tilespmem:s8+$0x0];
	[tilespmem:s4+$0x6060] =	vst v0;
	v0 =	vadd.f32 v7, v5  }
0x66f: {  	v7 =	vld [tilespmem:s8+$0x6000];
	[tilespmem:s4+$0x8060] =	vst v3;
	v3 =	vadd.f32 v4, v5  }
0x670: {  	v4 =	vld [tilespmem:s8+$0x8000];
	v5 =	vadd.f32 v6, v8;
	[tilespmem:s4+$0xA060] =	vst v0  }
0x671: {  	v0 =	vld [tilespmem:s8+$0xA000];
	v1 =	vadd.f32 v1, v8;
	[tilespmem:s4+$0xC060] =	vst v3;
	s4 =	smov.u32 s8  }
0x672: {  	v3 =	vld [tilespmem:s4+$0xC000];
	v2 =	vadd.f32 v2, v8;
	[tilespmem:s4+$0xC070] =	vst v5  }
0x673: {  	v5 =	vld [tilespmem:s4+$0x10];
	[tilespmem:s4+$0x8070] =	vst v1  }
0x674: {  	v1 =	vadd.f32 v7, v9;
	v6 =	vld [tilespmem:s4+$0x6010];
	[tilespmem:s4+$0xA070] =	vst v2  }
0x675: {  	v2 =	vadd.f32 v4, v9;
	v4 =	vld [tilespmem:s4+$0x8010]  }
0x676: {  	[tilespmem:s4+$0x6000] =	vst v1;
	v0 =	vadd.f32 v0, v9;
	v1 =	vld [tilespmem:s4+$0xA010]  }
0x677: {  	[tilespmem:s4+$0x8000] =	vst v2;
	v2 =	vadd.f32 v3, v9;
	v3 =	vld [tilespmem:s4+$0xC010]  }
0x678: {  	[tilespmem:s4+$0xA000] =	vst v0;
	v0 =	vld [tilespmem:s4+$0x20]  }
0x679: {  	[tilespmem:s4+$0xC000] =	vst v2;
	v2 =	vadd.f32 v6, v5;
	v6 =	vld [tilespmem:s4+$0x6020]  }
0x67a: {  	v4 =	vadd.f32 v4, v5;
	v7 =	vld [tilespmem:s4+$0x8020]  }
0x67b: {  	[tilespmem:s4+$0x6010] =	vst v2;
	v1 =	vadd.f32 v1, v5;
	v2 =	vld [tilespmem:s4+$0xA020]  }
0x67c: {  	[tilespmem:s4+$0x8010] =	vst v4;
	v3 =	vadd.f32 v3, v5;
	v4 =	vld [tilespmem:s4+$0xC020]  }
0x67d: {  	[tilespmem:s4+$0xA010] =	vst v1;
	v5 =	vld [tilespmem:s4+$0x30]  }
0x67e: {  	[tilespmem:s4+$0xC010] =	vst v3;
	v1 =	vadd.f32 v6, v0;
	v3 =	vld [tilespmem:s4+$0x6030]  }
0x67f: {  	v6 =	vadd.f32 v7, v0;
	v7 =	vld [tilespmem:s4+$0x8030]  }
0x680: {  	[tilespmem:s4+$0x6020] =	vst v1;
	v1 =	vadd.f32 v2, v0;
	v8 =	vld [tilespmem:s4+$0xA030]  }
0x681: {  	[tilespmem:s4+$0x8020] =	vst v6;
	v2 =	vadd.f32 v4, v0;
	v9 =	vld [tilespmem:s4+$0xC030]  }
.Ltmp15:
0x682: {  	[tilespmem:s4+$0xA020] =	vst v1;
	v0 =	vld [tilespmem:s4+$0x40];
	(pc) =	sbr.rel @p0 .LBB2_32-.Ltmp15, $4  }
0x683: {  	[tilespmem:s4+$0xC020] =	vst v2;
	v1 =	vadd.f32 v3, v5;
	v4 =	vld [tilespmem:s4+$0x6040]  }
0x684: {  	v3 =	vadd.f32 v7, v5;
	v2 =	vld [tilespmem:s4+$0x8040]  }
0x685: {  	[tilespmem:s4+$0x6030] =	vst v1;
	v6 =	vadd.f32 v8, v5;
	v1 =	vld [tilespmem:s4+$0xA040]  }
0x686: {  	s7 =	sadd.s32 $0x400, s7;
	[tilespmem:s4+$0x8030] =	vst v3;
	v5 =	vadd.f32 v9, v5;
	v3 =	vld [tilespmem:s4+$0xC040]  }
0x687: {  	v7 =	vld [tilespmem:s4+$0x50]  }
0x688: {  	v8 =	vld [tilespmem:s4+$0x6050]  }
0x689: {  	v9 =	vld [tilespmem:s4+$0x8050]  }
0x68a: {  	[tilespmem:s4+$0xA030] =	vst v6;
	v48 =	vld [tilespmem:s4+$0xA050];
	v4 =	vadd.f32 v4, v0  }
0x68b: {  	v49 =	vld [tilespmem:s4+$0xC050];
	[tilespmem:s4+$0xC030] =	vst v5;
	v2 =	vadd.f32 v2, v0  }
0x68c: {  	v50 =	vld [tilespmem:s4+$0x60];
	[tilespmem:s4+$0x6040] =	vst v4;
	v1 =	vadd.f32 v1, v0  }
0x68d: {  	v52 =	vld [tilespmem:s4+$0x6060];
	[tilespmem:s4+$0x8040] =	vst v2;
	v51 =	vadd.f32 v3, v0  }
0x68e: {  	v54 =	vld [tilespmem:s4+$0x8060];
	[tilespmem:s4+$0xA040] =	vst v1;
	v53 =	vadd.f32 v8, v7  }
0x68f: {  	v56 =	vld [tilespmem:s4+$0xA060];
	v55 =	vadd.f32 v9, v7;
	[tilespmem:s4+$0xC040] =	vst v51  }
0x690: {  	v58 =	vld [tilespmem:s4+$0xC060];
	v57 =	vadd.f32 v48, v7;
	[tilespmem:s4+$0x6050] =	vst v53  }
0x691: {  	v59 =	vadd.f32 v49, v7;
	[tilespmem:s4+$0x8050] =	vst v55  }
0x692: {  	v60 =	vadd.f32 v52, v50;
	[tilespmem:s4+$0xA050] =	vst v57  }
0x693: {  	v61 =	vadd.f32 v54, v50;
	[tilespmem:s4+$0xC050] =	vst v59  }
0x694: {  	v62 =	vadd.f32 v56, v50;
	[tilespmem:s4+$0x6060] =	vst v60  }
0x695: {  	v63 =	vadd.f32 v58, v50;
	[tilespmem:s4+$0x8060] =	vst v61  }
0x696: {  	[tilespmem:s4+$0xA060] =	vst v62  }
0x697: {  	[tilespmem:s4+$0xC060] =	vst v63  }
0x698: {  	[hbm4b:s19+s21] =	stream.strided.scatter [tilespmem:s23], [sflag:$0x4], $0x8000, s22, s21, $0x38;
	[tilespmem:$0x1E000] =	vst v63  }
0x699: {  	_ =	swait.ge [sflag:s0], $0x8000  }
0x69a: {  	[sflag:s0] =	ssyncset.done $0x0  }
0x69b: {  	s3 =	sadd.s32 $0x1, s3;
	[sflag:s0] =	ssyncadd.s32 $0xFFFF8000  }
0x69c: {  	p0 =	sne.s32 s3, s20;
	_ =	swait.ge [sflag:s2], $0x8000  }
.Ltmp16:
0x69d: {  	[sflag:s2] =	ssyncset.done $0x0;
	(pc) =	sbr.rel @p0 .LBB2_1-.Ltmp16, $4  }
0x69e: {  	[sflag:s2] =	ssyncadd.s32 $0xFFFF8000  }
0x69f: {  	_ =	swait.ge [sflag:s31], $0x8000  }
0x6a0: {  	[sflag:s31] =	ssyncset.done $0x0  }
0x6a1: {  	[sflag:s31] =	ssyncadd.s32 $0xFFFF8000  }
0x6a2: {  	_ =	sfence.sel $0x180000  }
0x6a3: {  	[bflag:$0x0] =	sbarrier.arrive $0xFFFF  }
0x6a4: {  	_ =	strace $0x90000047  }
0x6a5: {  	s0 =	stileid.u32;
	[bflag:$0x2] =	sbarrier.arrive $0xFFFF  }
0x6a6: {  	p0 =	sne.s32 s0, $0x0;
	s0 =	rddreg [dreg:$0x3]  }
0x6a7: {  	s0 =	sadd.s32 @!p0 $0x100000, s0  }
0x6a8: {  	[sflag:s0] =	ssyncadd.tile.s32 @!p0 $0x1;
	_ =	shalt  }
.Lfunc_end2:
_tile_overlayer_lowered:
.L_overlay_start_2:
0x6a9: {  	(tag) =	ssettag $0x2  }
0x6aa: {  	s0 =	rddreg [dreg:$0x0];
	s2 =	stileid.u32  }
0x6ab: {  	s1 =	rddreg [dreg:$0x1];
	p0 =	sne.s32 s2, $0x0  }
0x6ac: {  	s3 =	rddreg [dreg:$0x2];
	[bflag:$0x3] =	sbarrier.arrive $0xFFFF;
	s2 =	simm.s32 @!p0 $0x1C07  }
0x6ad: {  	[timem:s3], [sflag:s2] =	dma.local @!p0 [hbm:s0], s1  }
0x6ae: {  	s0 =	simm.s32 @!p0 $0x7  }
0x6af: {  	_ =	swait.ge @!p0 [sflag:s0], s1  }
0x6b0: {  	s1 =	ssub.s32 @!p0 $0x0, s1;
	[sflag:s0] =	ssyncset.done @!p0 $0x0  }
0x6b1: {  	[sflag:s0] =	ssyncadd.s32 @!p0 s1  }
0x6b2: {  	[bflag:$0x3] =	sbarrier.arrive $0xFFFF  }
0x6b3: {  	_ =	shalt  }

</sc_bundles>
